<compile_context>
chip_gen: v7x
topology: tpu7x:2x2x1
jax: 0.10.2.dev20260603
libtpu: 0.0.44.dev20260713+nightly
codegen_flags: <defaults>
</compile_context>

<pallas_src>
import jax
import jax.numpy as jnp
from jax import lax
from jax.experimental import pallas as pl
from jax.experimental.pallas import tpu as pltpu
from jax.experimental.pallas import tpu_sc as plsc

N = 10000
E = 320000
D_IN = 128
H = 128
OUT = 40
L = 4

NC = 2
NS = 16
NW = NC * NS

CH = 128
Np = 10240
Ep = NW * 80 * CH
EPT = Ep // NW
CHUNKS = EPT // CH
RPT = Np // NS
DW = 16
NBUF = 4

f32 = jnp.float32

_mesh = plsc.VectorSubcoreMesh(core_axis_name="c", subcore_axis_name="s")



def _sc_deg_body(dst_hbm, ones_hbm, zrow_hbm, out_hbm, ones_v,
                 idx0, idx1, idx2, idx3, acc,
                 isem0, isem1, isem2, isem3):
    c = lax.axis_index("c")
    s = lax.axis_index("s")
    wid = c * NS + s
    idx = (idx0, idx1, idx2, idx3)
    isem = (isem0, isem1, isem2, isem3)

    pltpu.sync_copy(ones_hbm, ones_v)

    def istart(j, b):
        base = pl.multiple_of(wid * EPT + j * CH, 8)
        pltpu.async_copy(dst_hbm.at[pl.ds(base, CH)], idx[b], isem[b])

    def iwait(j, b):
        base = pl.multiple_of(wid * EPT + j * CH, 8)
        pltpu.make_async_copy(dst_hbm.at[pl.ds(base, CH)], idx[b],
                              isem[b]).wait()

    r0 = pl.multiple_of(s * RPT, 8)
    pltpu.sync_copy(zrow_hbm, acc.at[pl.ds(r0, RPT)])
    plsc.subcore_barrier()

    for b in range(NBUF - 1):
        istart(b, b)

    def chunk(t, _):
        for u in range(NBUF):
            j = NBUF * t + u
            b = u
            bn = (u + NBUF - 1) % NBUF
            jn = j + NBUF - 1

            @pl.when(jn < CHUNKS)
            def _():
                istart(jn, bn)

            iwait(j, b)
            pltpu.sync_copy(ones_v, acc.at[idx[b]], add=True)

        return 0

    lax.fori_loop(0, CHUNKS // NBUF, chunk, 0)
    plsc.subcore_barrier()

    r = pl.multiple_of(s * RPT, 8)
    pltpu.sync_copy(acc.at[pl.ds(r, RPT)], out_hbm.at[c, pl.ds(r, RPT)])


_sc_deg = pl.kernel(
    _sc_deg_body,
    out_type=jax.ShapeDtypeStruct((NC, Np, DW), f32),
    mesh=_mesh,
    scratch_types=(
        [pltpu.VMEM((CH, DW), f32)]
        + [pltpu.VMEM((CH,), jnp.int32) for _ in range(NBUF)]
        + [pltpu.VMEM_SHARED((Np, DW), f32)]
        + [pltpu.SemaphoreType.DMA for _ in range(NBUF)]
    ),
)



def _sc_prop_body(g_hbm, src_hbm, dst_hbm, zrow_hbm, out_hbm,
                  sidx0, sidx1, sidx2, sidx3,
                  didx0, didx1, didx2, didx3,
                  rows0, rows1, acc,
                  isem0, isem1, isem2, isem3,
                  gsem0, gsem1):
    c = lax.axis_index("c")
    s = lax.axis_index("s")
    wid = c * NS + s
    sidx = (sidx0, sidx1, sidx2, sidx3)
    didx = (didx0, didx1, didx2, didx3)
    rows = (rows0, rows1)
    isem = (isem0, isem1, isem2, isem3)
    gsem = (gsem0, gsem1)

    rz = pl.multiple_of(s * RPT, 8)
    pltpu.sync_copy(zrow_hbm, acc.at[pl.ds(rz, RPT)])
    plsc.subcore_barrier()

    def istart(j, b):
        base = pl.multiple_of(wid * EPT + j * CH, 8)
        pltpu.async_copy(src_hbm.at[pl.ds(base, CH)], sidx[b], isem[b])
        pltpu.async_copy(dst_hbm.at[pl.ds(base, CH)], didx[b], isem[b])

    def iwait(j, b):
        base = pl.multiple_of(wid * EPT + j * CH, 8)
        pltpu.make_async_copy(src_hbm.at[pl.ds(base, CH)], sidx[b],
                              isem[b]).wait()
        pltpu.make_async_copy(dst_hbm.at[pl.ds(base, CH)], didx[b],
                              isem[b]).wait()

    def gstart(ib, rb):
        pltpu.async_copy(g_hbm.at[sidx[ib]], rows[rb], gsem[rb])

    def gwait(ib, rb):
        pltpu.make_async_copy(g_hbm.at[sidx[ib]], rows[rb], gsem[rb]).wait()

    for b in range(NBUF - 1):
        istart(b, b)
    iwait(0, 0)
    gstart(0, 0)

    def body(t, _):
        for u in range(NBUF):
            j = NBUF * t + u
            b = u
            rb = u % 2
            rb1 = (u + 1) % 2
            b1 = (u + 1) % NBUF
            b3 = (u + NBUF - 1) % NBUF
            jn = j + NBUF - 1

            @pl.when(jn < CHUNKS)
            def _():
                istart(jn, b3)

            @pl.when(j + 1 < CHUNKS)
            def _():
                iwait(j + 1, b1)
                gstart(b1, rb1)

            gwait(b, rb)
            pltpu.sync_copy(rows[rb], acc.at[didx[b]], add=True)

        return 0

    lax.fori_loop(0, CHUNKS // NBUF, body, 0)
    plsc.subcore_barrier()

    r = pl.multiple_of(s * RPT, 8)
    pltpu.sync_copy(acc.at[pl.ds(r, RPT)], out_hbm.at[c, pl.ds(r, RPT)])


_sc_prop = pl.kernel(
    _sc_prop_body,
    out_type=jax.ShapeDtypeStruct((NC, Np, H), f32),
    mesh=_mesh,
    scratch_types=(
        [pltpu.VMEM((CH,), jnp.int32) for _ in range(2 * NBUF)]
        + [pltpu.VMEM((CH, H), f32) for _ in range(2)]
        + [pltpu.VMEM_SHARED((Np, H), f32)]
        + [pltpu.SemaphoreType.DMA for _ in range(NBUF + 2)]
    ),
)



BR = 2048
_PREC = lax.Precision.HIGHEST


def _tca_body(x_ref, Win_ref, bin_ref, h_ref):
    h_ref[...] = jnp.dot(x_ref[...], Win_ref[...], precision=_PREC,
                         preferred_element_type=f32) + bin_ref[...]


_tca = pl.pallas_call(
    _tca_body,
    grid=(Np // BR,),
    in_specs=[
        pl.BlockSpec((BR, D_IN), lambda i: (i, 0)),
        pl.BlockSpec((D_IN, H), lambda i: (0, 0)),
        pl.BlockSpec((1, H), lambda i: (0, 0)),
    ],
    out_specs=pl.BlockSpec((BR, H), lambda i: (i, 0)),
    out_shape=jax.ShapeDtypeStruct((Np, H), f32),
)


def _tcb_body(sdeg_ref, h_ref, W0_ref, dinv_ref, g_ref):
    deg = 1.0 + sdeg_ref[0, :, 0:1] + sdeg_ref[1, :, 0:1]
    dinv = lax.rsqrt(deg)
    dinv_ref[...] = dinv
    g_ref[...] = dinv * jnp.dot(h_ref[...], W0_ref[...], precision=_PREC,
                                preferred_element_type=f32)


_tcb = pl.pallas_call(
    _tcb_body,
    grid=(Np // BR,),
    in_specs=[
        pl.BlockSpec((NC, BR, DW), lambda i: (0, i, 0)),
        pl.BlockSpec((BR, H), lambda i: (i, 0)),
        pl.BlockSpec((H, H), lambda i: (0, 0)),
    ],
    out_specs=[
        pl.BlockSpec((BR, 1), lambda i: (i, 0)),
        pl.BlockSpec((BR, H), lambda i: (i, 0)),
    ],
    out_shape=[
        jax.ShapeDtypeStruct((Np, 1), f32),
        jax.ShapeDtypeStruct((Np, H), f32),
    ],
)


def _tcmid_body(s_ref, g_ref, h_ref, dinv_ref, cb_ref, ab_ref, Wn_ref,
                ho_ref, go_ref):
    dinv = dinv_ref[...]
    u = jnp.tanh(dinv * (s_ref[0] + s_ref[1] + g_ref[...]) + cb_ref[...])
    hn = ab_ref[0, 1] * h_ref[...] + ab_ref[0, 0] * u
    ho_ref[...] = hn
    go_ref[...] = dinv * jnp.dot(hn, Wn_ref[...], precision=_PREC,
                                 preferred_element_type=f32)


_tcmid = pl.pallas_call(
    _tcmid_body,
    grid=(Np // BR,),
    in_specs=[
        pl.BlockSpec((NC, BR, H), lambda i: (0, i, 0)),
        pl.BlockSpec((BR, H), lambda i: (i, 0)),
        pl.BlockSpec((BR, H), lambda i: (i, 0)),
        pl.BlockSpec((BR, 1), lambda i: (i, 0)),
        pl.BlockSpec((1, H), lambda i: (0, 0)),
        pl.BlockSpec((1, 2), lambda i: (0, 0)),
        pl.BlockSpec((H, H), lambda i: (0, 0)),
    ],
    out_specs=[
        pl.BlockSpec((BR, H), lambda i: (i, 0)),
        pl.BlockSpec((BR, H), lambda i: (i, 0)),
    ],
    out_shape=[
        jax.ShapeDtypeStruct((Np, H), f32),
        jax.ShapeDtypeStruct((Np, H), f32),
    ],
)


def _tcfin_body(s_ref, g_ref, h_ref, dinv_ref, cb_ref, ab_ref, Wout_ref,
                bout_ref, o_ref):
    dinv = dinv_ref[...]
    u = jnp.tanh(dinv * (s_ref[0] + s_ref[1] + g_ref[...]) + cb_ref[...])
    hn = ab_ref[0, 1] * h_ref[...] + ab_ref[0, 0] * u
    logits = jnp.dot(hn, Wout_ref[...], precision=_PREC,
                     preferred_element_type=f32) + bout_ref[...]
    m = jnp.max(logits, axis=1, keepdims=True)
    lse = m + jnp.log(jnp.sum(jnp.exp(logits - m), axis=1, keepdims=True))
    o_ref[...] = logits - lse


_tcfin = pl.pallas_call(
    _tcfin_body,
    grid=(Np // BR,),
    in_specs=[
        pl.BlockSpec((NC, BR, H), lambda i: (0, i, 0)),
        pl.BlockSpec((BR, H), lambda i: (i, 0)),
        pl.BlockSpec((BR, H), lambda i: (i, 0)),
        pl.BlockSpec((BR, 1), lambda i: (i, 0)),
        pl.BlockSpec((1, H), lambda i: (0, 0)),
        pl.BlockSpec((1, 2), lambda i: (0, 0)),
        pl.BlockSpec((H, OUT), lambda i: (0, 0)),
        pl.BlockSpec((1, OUT), lambda i: (0, 0)),
    ],
    out_specs=pl.BlockSpec((BR, OUT), lambda i: (i, 0)),
    out_shape=jax.ShapeDtypeStruct((Np, OUT), f32),
)



@jax.jit
def kernel(x, edge_index, W_in, b_in, convW, convb, alpha, beta, W_out,
           b_out):
    xp = jnp.pad(x, ((0, Np - N), (0, 0)))
    pad_idx = jnp.full((Ep - E,), N, jnp.int32)
    srcp = jnp.concatenate([edge_index[0], pad_idx])
    dstp = jnp.concatenate([edge_index[1], pad_idx])

    ones_blk = jnp.ones((CH, DW), f32)
    zrow_d = jnp.zeros((RPT, DW), f32)
    zrow_p = jnp.zeros((RPT, H), f32)

    sdeg = _sc_deg(dstp, ones_blk, zrow_d)
    h = _tca(xp, W_in, b_in.reshape(1, H))
    dinv, g = _tcb(sdeg, h, convW[0])

    ab = jnp.stack([alpha, beta], axis=1)
    for i in range(L):
        sacc = _sc_prop(g, srcp, dstp, zrow_p)
        cb = convb[i].reshape(1, H)
        abi = ab[i].reshape(1, 2)
        if i < L - 1:
            h, g = _tcmid(sacc, g, h, dinv, cb, abi, convW[i + 1])
        else:
            o = _tcfin(sacc, g, h, dinv, cb, abi, W_out,
                       b_out.reshape(1, OUT))
    return o[:N]

# --- scband reference (transcript-rebuilt; emitter-appended) ---
"""Pipeline reference for scband-rezero-gcn-27247272526303 (READ-ONLY COPY).

The authoritative reference and input builder live on the scoring server;
editing this copy changes nothing except your own understanding.
"""

import jax, jax.numpy as jnp
import numpy as np

N = 10000
E = 320000
D_IN = 128
H = 128
OUT = 40
L = 4


def setup_inputs(seed: int = 0) -> dict:
    key = jax.random.key(seed)
    ks = jax.random.split(key, 8)
    x = jax.random.normal(ks[0], (N, D_IN), dtype=jnp.float32)
    edge_index = jax.random.randint(ks[1], (2, E), 0, N, dtype=jnp.int32)
    W_in = jax.random.normal(ks[2], (D_IN, H), dtype=jnp.float32) * (1.0 / np.sqrt(D_IN))
    b_in = jnp.zeros((H,), dtype=jnp.float32)
    convW = jax.random.normal(ks[3], (L, H, H), dtype=jnp.float32) * (1.0 / np.sqrt(H))
    convb = jnp.zeros((L, H), dtype=jnp.float32)
    # rezero params: alpha initialized to zeros in the module; use small nonzero so the
    # conv path contributes measurably. beta initialized to ones.
    alpha = 0.1 * jnp.ones((L,), dtype=jnp.float32)
    beta = jnp.ones((L,), dtype=jnp.float32)
    W_out = jax.random.normal(ks[4], (H, OUT), dtype=jnp.float32) * (1.0 / np.sqrt(H))
    b_out = jnp.zeros((OUT,), dtype=jnp.float32)
    return {"x": x, "edge_index": edge_index, "W_in": W_in, "b_in": b_in,
            "convW": convW, "convb": convb, "alpha": alpha, "beta": beta,
            "W_out": W_out, "b_out": b_out}


def _gcn_prop(h, src, dst):
    # GCNConv normalization with self-loops: D^-1/2 (A+I) D^-1/2
    loop = jnp.arange(N, dtype=src.dtype)
    s = jnp.concatenate([src, loop])
    d = jnp.concatenate([dst, loop])
    deg = jnp.zeros((N,), dtype=jnp.float32).at[d].add(1.0)
    dinv = jnp.where(deg > 0, 1.0 / jnp.sqrt(deg), 0.0)
    norm = dinv[s] * dinv[d]
    msg = h[s] * norm[:, None]
    return jnp.zeros_like(h).at[d].add(msg)


def reference(x, edge_index, W_in, b_in, convW, convb, alpha, beta, W_out, b_out):
    src = edge_index[0]
    dst = edge_index[1]
    h = x @ W_in + b_in
    inp = h
    for i in range(L):
        hw = h @ convW[i]
        h = _gcn_prop(hw, src, dst) + convb[i]
        h = jnp.tanh(h)
        # dropout is identity in eval mode
        h = beta[i] * inp + alpha[i] * h
        inp = h
    out = h @ W_out + b_out
    return jax.nn.log_softmax(out, axis=1)

if __name__ == "__main__":
    import jax
    _d = setup_inputs()
    print(jax.jit(kernel)(*tuple(_d.values())))

</pallas_src>

<mosaic_0001>
#map = affine_map<(d0, d1) -> (0)>
#map1 = affine_map<(d0, d1) -> (0, 0)>
#map2 = affine_map<(d0, d1) -> (0, 0, 0)>
module attributes {stable_mosaic.version = 14 : i64} {
  func.func @_sc_deg_body(%arg0: i32, %arg1: i32, %arg2: memref<327680xi32, #tpu.memory_space<hbm>>, %arg3: memref<128x16xf32, #tpu.memory_space<hbm>>, %arg4: memref<640x16xf32, #tpu.memory_space<hbm>>, %arg5: memref<2x10240x16xf32, #tpu.memory_space<hbm>>, %arg6: memref<128x16xf32, #tpu.memory_space<vmem>>, %arg7: memref<128xi32, #tpu.memory_space<vmem>>, %arg8: memref<128xi32, #tpu.memory_space<vmem>>, %arg9: memref<128xi32, #tpu.memory_space<vmem>>, %arg10: memref<128xi32, #tpu.memory_space<vmem>>, %arg11: memref<10240x16xf32, #tpu.memory_space<vmem_shared>>, %arg12: memref<!tpu.dma_semaphore, #tpu.memory_space<semaphore_mem>>, %arg13: memref<!tpu.dma_semaphore, #tpu.memory_space<semaphore_mem>>, %arg14: memref<!tpu.dma_semaphore, #tpu.memory_space<semaphore_mem>>, %arg15: memref<!tpu.dma_semaphore, #tpu.memory_space<semaphore_mem>>) attributes {dimension_semantics = [#tpu.dimension_semantics<core_parallel>, #tpu.dimension_semantics<subcore_parallel>], iteration_bounds = array<i64: 2, 16>, scalar_prefetch = 0 : i64, scratch_operands = 10 : i64, tpu.core_type = #tpu.core_type<sc_vector_subcore>, window_params = [{transform_indices = #map}, {transform_indices = #map1}, {transform_indices = #map1}, {transform_indices = #map2}]} {
    %mul3A = arith.constant 16 : i32
    %mul3A_0 = arith.muli %arg0, %mul3A : i32
    %add3A = arith.addi %mul3A_0, %arg1 : i32
    "tpu.region"() ({
      %run_scoped3A = tpu.sem_alloc : memref<!tpu.dma_semaphore, #tpu.memory_space<semaphore_mem>>
      tpu.enqueue_dma source(%arg3 : memref<128x16xf32, #tpu.memory_space<hbm>>) target(%arg6 : memref<128x16xf32, #tpu.memory_space<vmem>>) target_semaphore(%run_scoped3A : memref<!tpu.dma_semaphore, #tpu.memory_space<semaphore_mem>>)
      tpu.wait_dma2 semaphore(%run_scoped3A : memref<!tpu.dma_semaphore, #tpu.memory_space<semaphore_mem>>) src(%arg3 : memref<128x16xf32, #tpu.memory_space<hbm>>) dst(%arg6 : memref<128x16xf32, #tpu.memory_space<vmem>>)
      tpu.yield
    }) : () -> ()
    %mul3A_1 = arith.constant 640 : i32
    %mul3A_2 = arith.muli %arg1, %mul3A_1 : i32
    %multiple_of3A = tpu.assume_multiple %mul3A_2, 8 : i32
    "tpu.region"() ({
      %run_scoped3A = tpu.sem_alloc : memref<!tpu.dma_semaphore, #tpu.memory_space<semaphore_mem>>
      %dma_start3A_33 = arith.constant 0 : i32
      %dma_start3A_34 = tpu.memref_slice %arg11[%multiple_of3A, %dma_start3A_33] : memref<10240x16xf32, #tpu.memory_space<vmem_shared>> -> memref<640x16xf32, #tpu.memory_space<vmem_shared>>
      tpu.enqueue_dma source(%arg4 : memref<640x16xf32, #tpu.memory_space<hbm>>) target(%dma_start3A_34 : memref<640x16xf32, #tpu.memory_space<vmem_shared>>) target_semaphore(%run_scoped3A : memref<!tpu.dma_semaphore, #tpu.memory_space<semaphore_mem>>)
      %dma_wait3A = arith.constant 0 : i32
      %dma_wait3A_35 = tpu.memref_slice %arg11[%multiple_of3A, %dma_wait3A] : memref<10240x16xf32, #tpu.memory_space<vmem_shared>> -> memref<640x16xf32, #tpu.memory_space<vmem_shared>>
      tpu.wait_dma2 semaphore(%run_scoped3A : memref<!tpu.dma_semaphore, #tpu.memory_space<semaphore_mem>>) src(%arg4 : memref<640x16xf32, #tpu.memory_space<hbm>>) dst(%dma_wait3A_35 : memref<640x16xf32, #tpu.memory_space<vmem_shared>>)
      tpu.yield
    }) : () -> ()
    %barrier3A = arith.constant 0 : index
    tpu.barrier barrier_id(%barrier3A)
    %mul3A_3 = arith.constant 10240 : i32
    %mul3A_4 = arith.muli %add3A, %mul3A_3 : i32
    %add3A_5 = arith.constant 0 : i32
    %add3A_6 = arith.addi %mul3A_4, %add3A_5 : i32
    %multiple_of3A_7 = tpu.assume_multiple %add3A_6, 8 : i32
    %dma_start3A = tpu.memref_slice %arg2[%multiple_of3A_7] : memref<327680xi32, #tpu.memory_space<hbm>> -> memref<128xi32, #tpu.memory_space<hbm>>
    %dma_start3A_8 = tpu.memref_slice %arg2[%multiple_of3A_7] : memref<327680xi32, #tpu.memory_space<hbm>> -> memref<128xi32, #tpu.memory_space<hbm>>
    tpu.enqueue_dma source(%dma_start3A_8 : memref<128xi32, #tpu.memory_space<hbm>>) target(%arg7 : memref<128xi32, #tpu.memory_space<vmem>>) target_semaphore(%arg12 : memref<!tpu.dma_semaphore, #tpu.memory_space<semaphore_mem>>)
    %mul3A_9 = arith.constant 10240 : i32
    %mul3A_10 = arith.muli %add3A, %mul3A_9 : i32
    %add3A_11 = arith.constant 128 : i32
    %add3A_12 = arith.addi %mul3A_10, %add3A_11 : i32
    %multiple_of3A_13 = tpu.assume_multiple %add3A_12, 8 : i32
    %dma_start3A_14 = tpu.memref_slice %arg2[%multiple_of3A_13] : memref<327680xi32, #tpu.memory_space<hbm>> -> memref<128xi32, #tpu.memory_space<hbm>>
    %dma_start3A_15 = tpu.memref_slice %arg2[%multiple_of3A_13] : memref<327680xi32, #tpu.memory_space<hbm>> -> memref<128xi32, #tpu.memory_space<hbm>>
    tpu.enqueue_dma source(%dma_start3A_15 : memref<128xi32, #tpu.memory_space<hbm>>) target(%arg8 : memref<128xi32, #tpu.memory_space<vmem>>) target_semaphore(%arg13 : memref<!tpu.dma_semaphore, #tpu.memory_space<semaphore_mem>>)
    %mul3A_16 = arith.constant 10240 : i32
    %mul3A_17 = arith.muli %add3A, %mul3A_16 : i32
    %add3A_18 = arith.constant 256 : i32
    %add3A_19 = arith.addi %mul3A_17, %add3A_18 : i32
    %multiple_of3A_20 = tpu.assume_multiple %add3A_19, 8 : i32
    %dma_start3A_21 = tpu.memref_slice %arg2[%multiple_of3A_20] : memref<327680xi32, #tpu.memory_space<hbm>> -> memref<128xi32, #tpu.memory_space<hbm>>
    %dma_start3A_22 = tpu.memref_slice %arg2[%multiple_of3A_20] : memref<327680xi32, #tpu.memory_space<hbm>> -> memref<128xi32, #tpu.memory_space<hbm>>
    tpu.enqueue_dma source(%dma_start3A_22 : memref<128xi32, #tpu.memory_space<hbm>>) target(%arg9 : memref<128xi32, #tpu.memory_space<vmem>>) target_semaphore(%arg14 : memref<!tpu.dma_semaphore, #tpu.memory_space<semaphore_mem>>)
    %scan3A = arith.constant 0 : i32
    %scan3A_23 = arith.constant 0 : i32
    %scan3A_24 = arith.constant 20 : i32
    %scan3A_25 = arith.addi %scan3A_23, %scan3A_24 : i32
    %scan3A_26 = arith.constant 1 : i32
    %scan3A_27 = scf.for %scan3A_33 = %scan3A_23 to %scan3A_25 step %scan3A_26 iter_args(%scan3A_34 = %scan3A) -> (i32)  : i32 {
      %mul3A_35 = arith.constant 4 : i32
      %mul3A_36 = arith.muli %mul3A_35, %scan3A_33 : i32
      %add3A_37 = arith.constant 0 : i32
      %add3A_38 = arith.addi %mul3A_36, %add3A_37 : i32
      %add3A_39 = arith.constant 4 : i32
      %add3A_40 = arith.addi %add3A_38, %add3A_39 : i32
      %sub3A = arith.constant 1 : i32
      %sub3A_41 = arith.subi %add3A_40, %sub3A : i32
      %lt3A = arith.constant 80 : i32
      %lt3A_42 = arith.cmpi slt, %sub3A_41, %lt3A : i32
      %convert_element_type3A = arith.extui %lt3A_42 : i1 to i32
      %cond3A = arith.constant 0 : i32
      %cond3A_43 = arith.cmpi ne, %convert_element_type3A, %cond3A : i32
      scf.if %cond3A_43 {
        %mul3A_115 = arith.constant 10240 : i32
        %mul3A_116 = arith.muli %add3A, %mul3A_115 : i32
        %mul3A_117 = arith.constant 128 : i32
        %mul3A_118 = arith.muli %sub3A_41, %mul3A_117 : i32
        %add3A_119 = arith.addi %mul3A_116, %mul3A_118 : i32
        %multiple_of3A_120 = tpu.assume_multiple %add3A_119, 8 : i32
        %dma_start3A_121 = tpu.memref_slice %arg2[%multiple_of3A_120] : memref<327680xi32, #tpu.memory_space<hbm>> -> memref<128xi32, #tpu.memory_space<hbm>>
        %dma_start3A_122 = tpu.memref_slice %arg2[%multiple_of3A_120] : memref<327680xi32, #tpu.memory_space<hbm>> -> memref<128xi32, #tpu.memory_space<hbm>>
        tpu.enqueue_dma source(%dma_start3A_122 : memref<128xi32, #tpu.memory_space<hbm>>) target(%arg10 : memref<128xi32, #tpu.memory_space<vmem>>) target_semaphore(%arg15 : memref<!tpu.dma_semaphore, #tpu.memory_space<semaphore_mem>>)
      } else {
      }
      %mul3A_44 = arith.constant 10240 : i32
      %mul3A_45 = arith.muli %add3A, %mul3A_44 : i32
      %mul3A_46 = arith.constant 128 : i32
      %mul3A_47 = arith.muli %add3A_38, %mul3A_46 : i32
      %add3A_48 = arith.addi %mul3A_45, %mul3A_47 : i32
      %multiple_of3A_49 = tpu.assume_multiple %add3A_48, 8 : i32
      %dma_wait3A = tpu.memref_slice %arg2[%multiple_of3A_49] : memref<327680xi32, #tpu.memory_space<hbm>> -> memref<128xi32, #tpu.memory_space<hbm>>
      %dma_wait3A_50 = tpu.memref_slice %arg2[%multiple_of3A_49] : memref<327680xi32, #tpu.memory_space<hbm>> -> memref<128xi32, #tpu.memory_space<hbm>>
      tpu.wait_dma2 semaphore(%arg12 : memref<!tpu.dma_semaphore, #tpu.memory_space<semaphore_mem>>) src(%dma_wait3A_50 : memref<128xi32, #tpu.memory_space<hbm>>) dst(%arg7 : memref<128xi32, #tpu.memory_space<vmem>>)
      "tpu.region"() ({
        %run_scoped3A = tpu.sem_alloc : memref<!tpu.dma_semaphore, #tpu.memory_space<semaphore_mem>>
        %dma_start3A_115 = arith.constant 0 : i32
        %dma_start3A_116 = arith.constant 0 : i32
        %dma_start3A_117 = tpu.memref_slice %arg11[%dma_start3A_115, %dma_start3A_116] : memref<10240x16xf32, #tpu.memory_space<vmem_shared>> -> memref<10240x16xf32, #tpu.memory_space<vmem_shared>>
        tpu.enqueue_indirect_dma source(%arg6 : memref<128x16xf32, #tpu.memory_space<vmem>>) target(%dma_start3A_117 : memref<10240x16xf32, #tpu.memory_space<vmem_shared>>) offsets(%arg7 : memref<128xi32, #tpu.memory_space<vmem>>) semaphore(%run_scoped3A : memref<!tpu.dma_semaphore, #tpu.memory_space<semaphore_mem>>) {add = true}
        %dma_wait3A_118 = arith.constant 0 : i32
        %dma_wait3A_119 = arith.constant 0 : i32
        %dma_wait3A_120 = tpu.memref_slice %arg11[%dma_wait3A_118, %dma_wait3A_119] : memref<10240x16xf32, #tpu.memory_space<vmem_shared>> -> memref<10240x16xf32, #tpu.memory_space<vmem_shared>>
        tpu.wait_indirect_dma semaphore(%run_scoped3A : memref<!tpu.dma_semaphore, #tpu.memory_space<semaphore_mem>>) src(%arg6 : memref<128x16xf32, #tpu.memory_space<vmem>>) dst(%dma_wait3A_120 : memref<10240x16xf32, #tpu.memory_space<vmem_shared>>)
        tpu.yield
      }) : () -> ()
      %mul3A_51 = arith.constant 4 : i32
      %mul3A_52 = arith.muli %mul3A_51, %scan3A_33 : i32
      %add3A_53 = arith.constant 1 : i32
      %add3A_54 = arith.addi %mul3A_52, %add3A_53 : i32
      %add3A_55 = arith.constant 4 : i32
      %add3A_56 = arith.addi %add3A_54, %add3A_55 : i32
      %sub3A_57 = arith.constant 1 : i32
      %sub3A_58 = arith.subi %add3A_56, %sub3A_57 : i32
      %lt3A_59 = arith.constant 80 : i32
      %lt3A_60 = arith.cmpi slt, %sub3A_58, %lt3A_59 : i32
      %convert_element_type3A_61 = arith.extui %lt3A_60 : i1 to i32
      %cond3A_62 = arith.constant 0 : i32
      %cond3A_63 = arith.cmpi ne, %convert_element_type3A_61, %cond3A_62 : i32
      scf.if %cond3A_63 {
        %mul3A_115 = arith.constant 10240 : i32
        %mul3A_116 = arith.muli %add3A, %mul3A_115 : i32
        %mul3A_117 = arith.constant 128 : i32
        %mul3A_118 = arith.muli %sub3A_58, %mul3A_117 : i32
        %add3A_119 = arith.addi %mul3A_116, %mul3A_118 : i32
        %multiple_of3A_120 = tpu.assume_multiple %add3A_119, 8 : i32
        %dma_start3A_121 = tpu.memref_slice %arg2[%multiple_of3A_120] : memref<327680xi32, #tpu.memory_space<hbm>> -> memref<128xi32, #tpu.memory_space<hbm>>
        %dma_start3A_122 = tpu.memref_slice %arg2[%multiple_of3A_120] : memref<327680xi32, #tpu.memory_space<hbm>> -> memref<128xi32, #tpu.memory_space<hbm>>
        tpu.enqueue_dma source(%dma_start3A_122 : memref<128xi32, #tpu.memory_space<hbm>>) target(%arg7 : memref<128xi32, #tpu.memory_space<vmem>>) target_semaphore(%arg12 : memref<!tpu.dma_semaphore, #tpu.memory_space<semaphore_mem>>)
      } else {
      }
      %mul3A_64 = arith.constant 10240 : i32
      %mul3A_65 = arith.muli %add3A, %mul3A_64 : i32
      %mul3A_66 = arith.constant 128 : i32
      %mul3A_67 = arith.muli %add3A_54, %mul3A_66 : i32
      %add3A_68 = arith.addi %mul3A_65, %mul3A_67 : i32
      %multiple_of3A_69 = tpu.assume_multiple %add3A_68, 8 : i32
      %dma_wait3A_70 = tpu.memref_slice %arg2[%multiple_of3A_69] : memref<327680xi32, #tpu.memory_space<hbm>> -> memref<128xi32, #tpu.memory_space<hbm>>
      %dma_wait3A_71 = tpu.memref_slice %arg2[%multiple_of3A_69] : memref<327680xi32, #tpu.memory_space<hbm>> -> memref<128xi32, #tpu.memory_space<hbm>>
      tpu.wait_dma2 semaphore(%arg13 : memref<!tpu.dma_semaphore, #tpu.memory_space<semaphore_mem>>) src(%dma_wait3A_71 : memref<128xi32, #tpu.memory_space<hbm>>) dst(%arg8 : memref<128xi32, #tpu.memory_space<vmem>>)
      "tpu.region"() ({
        %run_scoped3A = tpu.sem_alloc : memref<!tpu.dma_semaphore, #tpu.memory_space<semaphore_mem>>
        %dma_start3A_115 = arith.constant 0 : i32
        %dma_start3A_116 = arith.constant 0 : i32
        %dma_start3A_117 = tpu.memref_slice %arg11[%dma_start3A_115, %dma_start3A_116] : memref<10240x16xf32, #tpu.memory_space<vmem_shared>> -> memref<10240x16xf32, #tpu.memory_space<vmem_shared>>
        tpu.enqueue_indirect_dma source(%arg6 : memref<128x16xf32, #tpu.memory_space<vmem>>) target(%dma_start3A_117 : memref<10240x16xf32, #tpu.memory_space<vmem_shared>>) offsets(%arg8 : memref<128xi32, #tpu.memory_space<vmem>>) semaphore(%run_scoped3A : memref<!tpu.dma_semaphore, #tpu.memory_space<semaphore_mem>>) {add = true}
        %dma_wait3A_118 = arith.constant 0 : i32
        %dma_wait3A_119 = arith.constant 0 : i32
        %dma_wait3A_120 = tpu.memref_slice %arg11[%dma_wait3A_118, %dma_wait3A_119] : memref<10240x16xf32, #tpu.memory_space<vmem_shared>> -> memref<10240x16xf32, #tpu.memory_space<vmem_shared>>
        tpu.wait_indirect_dma semaphore(%run_scoped3A : memref<!tpu.dma_semaphore, #tpu.memory_space<semaphore_mem>>) src(%arg6 : memref<128x16xf32, #tpu.memory_space<vmem>>) dst(%dma_wait3A_120 : memref<10240x16xf32, #tpu.memory_space<vmem_shared>>)
        tpu.yield
      }) : () -> ()
      %mul3A_72 = arith.constant 4 : i32
      %mul3A_73 = arith.muli %mul3A_72, %scan3A_33 : i32
      %add3A_74 = arith.constant 2 : i32
      %add3A_75 = arith.addi %mul3A_73, %add3A_74 : i32
      %add3A_76 = arith.constant 4 : i32
      %add3A_77 = arith.addi %add3A_75, %add3A_76 : i32
      %sub3A_78 = arith.constant 1 : i32
      %sub3A_79 = arith.subi %add3A_77, %sub3A_78 : i32
      %lt3A_80 = arith.constant 80 : i32
      %lt3A_81 = arith.cmpi slt, %sub3A_79, %lt3A_80 : i32
      %convert_element_type3A_82 = arith.extui %lt3A_81 : i1 to i32
      %cond3A_83 = arith.constant 0 : i32
      %cond3A_84 = arith.cmpi ne, %convert_element_type3A_82, %cond3A_83 : i32
      scf.if %cond3A_84 {
        %mul3A_115 = arith.constant 10240 : i32
        %mul3A_116 = arith.muli %add3A, %mul3A_115 : i32
        %mul3A_117 = arith.constant 128 : i32
        %mul3A_118 = arith.muli %sub3A_79, %mul3A_117 : i32
        %add3A_119 = arith.addi %mul3A_116, %mul3A_118 : i32
        %multiple_of3A_120 = tpu.assume_multiple %add3A_119, 8 : i32
        %dma_start3A_121 = tpu.memref_slice %arg2[%multiple_of3A_120] : memref<327680xi32, #tpu.memory_space<hbm>> -> memref<128xi32, #tpu.memory_space<hbm>>
        %dma_start3A_122 = tpu.memref_slice %arg2[%multiple_of3A_120] : memref<327680xi32, #tpu.memory_space<hbm>> -> memref<128xi32, #tpu.memory_space<hbm>>
        tpu.enqueue_dma source(%dma_start3A_122 : memref<128xi32, #tpu.memory_space<hbm>>) target(%arg8 : memref<128xi32, #tpu.memory_space<vmem>>) target_semaphore(%arg13 : memref<!tpu.dma_semaphore, #tpu.memory_space<semaphore_mem>>)
      } else {
      }
      %mul3A_85 = arith.constant 10240 : i32
      %mul3A_86 = arith.muli %add3A, %mul3A_85 : i32
      %mul3A_87 = arith.constant 128 : i32
      %mul3A_88 = arith.muli %add3A_75, %mul3A_87 : i32
      %add3A_89 = arith.addi %mul3A_86, %mul3A_88 : i32
      %multiple_of3A_90 = tpu.assume_multiple %add3A_89, 8 : i32
      %dma_wait3A_91 = tpu.memref_slice %arg2[%multiple_of3A_90] : memref<327680xi32, #tpu.memory_space<hbm>> -> memref<128xi32, #tpu.memory_space<hbm>>
      %dma_wait3A_92 = tpu.memref_slice %arg2[%multiple_of3A_90] : memref<327680xi32, #tpu.memory_space<hbm>> -> memref<128xi32, #tpu.memory_space<hbm>>
      tpu.wait_dma2 semaphore(%arg14 : memref<!tpu.dma_semaphore, #tpu.memory_space<semaphore_mem>>) src(%dma_wait3A_92 : memref<128xi32, #tpu.memory_space<hbm>>) dst(%arg9 : memref<128xi32, #tpu.memory_space<vmem>>)
      "tpu.region"() ({
        %run_scoped3A = tpu.sem_alloc : memref<!tpu.dma_semaphore, #tpu.memory_space<semaphore_mem>>
        %dma_start3A_115 = arith.constant 0 : i32
        %dma_start3A_116 = arith.constant 0 : i32
        %dma_start3A_117 = tpu.memref_slice %arg11[%dma_start3A_115, %dma_start3A_116] : memref<10240x16xf32, #tpu.memory_space<vmem_shared>> -> memref<10240x16xf32, #tpu.memory_space<vmem_shared>>
        tpu.enqueue_indirect_dma source(%arg6 : memref<128x16xf32, #tpu.memory_space<vmem>>) target(%dma_start3A_117 : memref<10240x16xf32, #tpu.memory_space<vmem_shared>>) offsets(%arg9 : memref<128xi32, #tpu.memory_space<vmem>>) semaphore(%run_scoped3A : memref<!tpu.dma_semaphore, #tpu.memory_space<semaphore_mem>>) {add = true}
        %dma_wait3A_118 = arith.constant 0 : i32
        %dma_wait3A_119 = arith.constant 0 : i32
        %dma_wait3A_120 = tpu.memref_slice %arg11[%dma_wait3A_118, %dma_wait3A_119] : memref<10240x16xf32, #tpu.memory_space<vmem_shared>> -> memref<10240x16xf32, #tpu.memory_space<vmem_shared>>
        tpu.wait_indirect_dma semaphore(%run_scoped3A : memref<!tpu.dma_semaphore, #tpu.memory_space<semaphore_mem>>) src(%arg6 : memref<128x16xf32, #tpu.memory_space<vmem>>) dst(%dma_wait3A_120 : memref<10240x16xf32, #tpu.memory_space<vmem_shared>>)
        tpu.yield
      }) : () -> ()
      %mul3A_93 = arith.constant 4 : i32
      %mul3A_94 = arith.muli %mul3A_93, %scan3A_33 : i32
      %add3A_95 = arith.constant 3 : i32
      %add3A_96 = arith.addi %mul3A_94, %add3A_95 : i32
      %add3A_97 = arith.constant 4 : i32
      %add3A_98 = arith.addi %add3A_96, %add3A_97 : i32
      %sub3A_99 = arith.constant 1 : i32
      %sub3A_100 = arith.subi %add3A_98, %sub3A_99 : i32
      %lt3A_101 = arith.constant 80 : i32
      %lt3A_102 = arith.cmpi slt, %sub3A_100, %lt3A_101 : i32
      %convert_element_type3A_103 = arith.extui %lt3A_102 : i1 to i32
      %cond3A_104 = arith.constant 0 : i32
      %cond3A_105 = arith.cmpi ne, %convert_element_type3A_103, %cond3A_104 : i32
      scf.if %cond3A_105 {
        %mul3A_115 = arith.constant 10240 : i32
        %mul3A_116 = arith.muli %add3A, %mul3A_115 : i32
        %mul3A_117 = arith.constant 128 : i32
        %mul3A_118 = arith.muli %sub3A_100, %mul3A_117 : i32
        %add3A_119 = arith.addi %mul3A_116, %mul3A_118 : i32
        %multiple_of3A_120 = tpu.assume_multiple %add3A_119, 8 : i32
        %dma_start3A_121 = tpu.memref_slice %arg2[%multiple_of3A_120] : memref<327680xi32, #tpu.memory_space<hbm>> -> memref<128xi32, #tpu.memory_space<hbm>>
        %dma_start3A_122 = tpu.memref_slice %arg2[%multiple_of3A_120] : memref<327680xi32, #tpu.memory_space<hbm>> -> memref<128xi32, #tpu.memory_space<hbm>>
        tpu.enqueue_dma source(%dma_start3A_122 : memref<128xi32, #tpu.memory_space<hbm>>) target(%arg9 : memref<128xi32, #tpu.memory_space<vmem>>) target_semaphore(%arg14 : memref<!tpu.dma_semaphore, #tpu.memory_space<semaphore_mem>>)
      } else {
      }
      %mul3A_106 = arith.constant 10240 : i32
      %mul3A_107 = arith.muli %add3A, %mul3A_106 : i32
      %mul3A_108 = arith.constant 128 : i32
      %mul3A_109 = arith.muli %add3A_96, %mul3A_108 : i32
      %add3A_110 = arith.addi %mul3A_107, %mul3A_109 : i32
      %multiple_of3A_111 = tpu.assume_multiple %add3A_110, 8 : i32
      %dma_wait3A_112 = tpu.memref_slice %arg2[%multiple_of3A_111] : memref<327680xi32, #tpu.memory_space<hbm>> -> memref<128xi32, #tpu.memory_space<hbm>>
      %dma_wait3A_113 = tpu.memref_slice %arg2[%multiple_of3A_111] : memref<327680xi32, #tpu.memory_space<hbm>> -> memref<128xi32, #tpu.memory_space<hbm>>
      tpu.wait_dma2 semaphore(%arg15 : memref<!tpu.dma_semaphore, #tpu.memory_space<semaphore_mem>>) src(%dma_wait3A_113 : memref<128xi32, #tpu.memory_space<hbm>>) dst(%arg10 : memref<128xi32, #tpu.memory_space<vmem>>)
      "tpu.region"() ({
        %run_scoped3A = tpu.sem_alloc : memref<!tpu.dma_semaphore, #tpu.memory_space<semaphore_mem>>
        %dma_start3A_115 = arith.constant 0 : i32
        %dma_start3A_116 = arith.constant 0 : i32
        %dma_start3A_117 = tpu.memref_slice %arg11[%dma_start3A_115, %dma_start3A_116] : memref<10240x16xf32, #tpu.memory_space<vmem_shared>> -> memref<10240x16xf32, #tpu.memory_space<vmem_shared>>
        tpu.enqueue_indirect_dma source(%arg6 : memref<128x16xf32, #tpu.memory_space<vmem>>) target(%dma_start3A_117 : memref<10240x16xf32, #tpu.memory_space<vmem_shared>>) offsets(%arg10 : memref<128xi32, #tpu.memory_space<vmem>>) semaphore(%run_scoped3A : memref<!tpu.dma_semaphore, #tpu.memory_space<semaphore_mem>>) {add = true}
        %dma_wait3A_118 = arith.constant 0 : i32
        %dma_wait3A_119 = arith.constant 0 : i32
        %dma_wait3A_120 = tpu.memref_slice %arg11[%dma_wait3A_118, %dma_wait3A_119] : memref<10240x16xf32, #tpu.memory_space<vmem_shared>> -> memref<10240x16xf32, #tpu.memory_space<vmem_shared>>
        tpu.wait_indirect_dma semaphore(%run_scoped3A : memref<!tpu.dma_semaphore, #tpu.memory_space<semaphore_mem>>) src(%arg6 : memref<128x16xf32, #tpu.memory_space<vmem>>) dst(%dma_wait3A_120 : memref<10240x16xf32, #tpu.memory_space<vmem_shared>>)
        tpu.yield
      }) : () -> ()
      %scan3A_114 = arith.constant 0 : i32
      scf.yield %scan3A_114 : i32
    }
    %scan3A_28 = arith.constant 20 : i32
    %barrier3A_29 = arith.constant 0 : index
    tpu.barrier barrier_id(%barrier3A_29)
    %mul3A_30 = arith.constant 640 : i32
    %mul3A_31 = arith.muli %arg1, %mul3A_30 : i32
    %multiple_of3A_32 = tpu.assume_multiple %mul3A_31, 8 : i32
    "tpu.region"() ({
      %run_scoped3A = tpu.sem_alloc : memref<!tpu.dma_semaphore, #tpu.memory_space<semaphore_mem>>
      %dma_start3A_33 = arith.constant 0 : i32
      %dma_start3A_34 = tpu.memref_slice %arg5[%arg0, %multiple_of3A_32, %dma_start3A_33] : memref<2x10240x16xf32, #tpu.memory_space<hbm>> -> memref<1x640x16xf32, #tpu.memory_space<hbm>>
      %dma_start3A_35 = tpu.memref_squeeze %dma_start3A_34 : memref<1x640x16xf32, #tpu.memory_space<hbm>> -> memref<640x16xf32, #tpu.memory_space<hbm>>
      %dma_start3A_36 = arith.constant 0 : i32
      %dma_start3A_37 = tpu.memref_slice %arg11[%multiple_of3A_32, %dma_start3A_36] : memref<10240x16xf32, #tpu.memory_space<vmem_shared>> -> memref<640x16xf32, #tpu.memory_space<vmem_shared>>
      tpu.enqueue_dma source(%dma_start3A_37 : memref<640x16xf32, #tpu.memory_space<vmem_shared>>) target(%dma_start3A_35 : memref<640x16xf32, #tpu.memory_space<hbm>>) target_semaphore(%run_scoped3A : memref<!tpu.dma_semaphore, #tpu.memory_space<semaphore_mem>>)
      %dma_wait3A = arith.constant 0 : i32
      %dma_wait3A_38 = tpu.memref_slice %arg5[%arg0, %multiple_of3A_32, %dma_wait3A] : memref<2x10240x16xf32, #tpu.memory_space<hbm>> -> memref<1x640x16xf32, #tpu.memory_space<hbm>>
      %dma_wait3A_39 = tpu.memref_squeeze %dma_wait3A_38 : memref<1x640x16xf32, #tpu.memory_space<hbm>> -> memref<640x16xf32, #tpu.memory_space<hbm>>
      %dma_wait3A_40 = arith.constant 0 : i32
      %dma_wait3A_41 = tpu.memref_slice %arg11[%multiple_of3A_32, %dma_wait3A_40] : memref<10240x16xf32, #tpu.memory_space<vmem_shared>> -> memref<640x16xf32, #tpu.memory_space<vmem_shared>>
      tpu.wait_dma2 semaphore(%run_scoped3A : memref<!tpu.dma_semaphore, #tpu.memory_space<semaphore_mem>>) src(%dma_wait3A_41 : memref<640x16xf32, #tpu.memory_space<vmem_shared>>) dst(%dma_wait3A_39 : memref<640x16xf32, #tpu.memory_space<hbm>>)
      tpu.yield
    }) : () -> ()
    return
  }
}

#map = affine_map<(d0, d1) -> (0, 0)>
#map1 = affine_map<(d0, d1) -> (0)>
#map2 = affine_map<(d0, d1) -> (0, 0, 0)>
module attributes {stable_mosaic.version = 14 : i64} {
  func.func @_sc_prop_body(%arg0: i32, %arg1: i32, %arg2: memref<10240x128xf32, #tpu.memory_space<hbm>>, %arg3: memref<327680xi32, #tpu.memory_space<hbm>>, %arg4: memref<327680xi32, #tpu.memory_space<hbm>>, %arg5: memref<640x128xf32, #tpu.memory_space<hbm>>, %arg6: memref<2x10240x128xf32, #tpu.memory_space<hbm>>, %arg7: memref<128xi32, #tpu.memory_space<vmem>>, %arg8: memref<128xi32, #tpu.memory_space<vmem>>, %arg9: memref<128xi32, #tpu.memory_space<vmem>>, %arg10: memref<128xi32, #tpu.memory_space<vmem>>, %arg11: memref<128xi32, #tpu.memory_space<vmem>>, %arg12: memref<128xi32, #tpu.memory_space<vmem>>, %arg13: memref<128xi32, #tpu.memory_space<vmem>>, %arg14: memref<128xi32, #tpu.memory_space<vmem>>, %arg15: memref<128x128xf32, #tpu.memory_space<vmem>>, %arg16: memref<128x128xf32, #tpu.memory_space<vmem>>, %arg17: memref<10240x128xf32, #tpu.memory_space<vmem_shared>>, %arg18: memref<!tpu.dma_semaphore, #tpu.memory_space<semaphore_mem>>, %arg19: memref<!tpu.dma_semaphore, #tpu.memory_space<semaphore_mem>>, %arg20: memref<!tpu.dma_semaphore, #tpu.memory_space<semaphore_mem>>, %arg21: memref<!tpu.dma_semaphore, #tpu.memory_space<semaphore_mem>>, %arg22: memref<!tpu.dma_semaphore, #tpu.memory_space<semaphore_mem>>, %arg23: memref<!tpu.dma_semaphore, #tpu.memory_space<semaphore_mem>>) attributes {dimension_semantics = [#tpu.dimension_semantics<core_parallel>, #tpu.dimension_semantics<subcore_parallel>], iteration_bounds = array<i64: 2, 16>, scalar_prefetch = 0 : i64, scratch_operands = 17 : i64, tpu.core_type = #tpu.core_type<sc_vector_subcore>, window_params = [{transform_indices = #map}, {transform_indices = #map1}, {transform_indices = #map1}, {transform_indices = #map}, {transform_indices = #map2}]} {
    %mul3A = arith.constant 16 : i32
    %mul3A_0 = arith.muli %arg0, %mul3A : i32
    %add3A = arith.addi %mul3A_0, %arg1 : i32
    %mul3A_1 = arith.constant 640 : i32
    %mul3A_2 = arith.muli %arg1, %mul3A_1 : i32
    %multiple_of3A = tpu.assume_multiple %mul3A_2, 8 : i32
    "tpu.region"() ({
      %run_scoped3A = tpu.sem_alloc : memref<!tpu.dma_semaphore, #tpu.memory_space<semaphore_mem>>
      %dma_start3A_50 = arith.constant 0 : i32
      %dma_start3A_51 = tpu.memref_slice %arg17[%multiple_of3A, %dma_start3A_50] : memref<10240x128xf32, #tpu.memory_space<vmem_shared>> -> memref<640x128xf32, #tpu.memory_space<vmem_shared>>
      tpu.enqueue_dma source(%arg5 : memref<640x128xf32, #tpu.memory_space<hbm>>) target(%dma_start3A_51 : memref<640x128xf32, #tpu.memory_space<vmem_shared>>) target_semaphore(%run_scoped3A : memref<!tpu.dma_semaphore, #tpu.memory_space<semaphore_mem>>)
      %dma_wait3A_52 = arith.constant 0 : i32
      %dma_wait3A_53 = tpu.memref_slice %arg17[%multiple_of3A, %dma_wait3A_52] : memref<10240x128xf32, #tpu.memory_space<vmem_shared>> -> memref<640x128xf32, #tpu.memory_space<vmem_shared>>
      tpu.wait_dma2 semaphore(%run_scoped3A : memref<!tpu.dma_semaphore, #tpu.memory_space<semaphore_mem>>) src(%arg5 : memref<640x128xf32, #tpu.memory_space<hbm>>) dst(%dma_wait3A_53 : memref<640x128xf32, #tpu.memory_space<vmem_shared>>)
      tpu.yield
    }) : () -> ()
    %barrier3A = arith.constant 0 : index
    tpu.barrier barrier_id(%barrier3A)
    %mul3A_3 = arith.constant 10240 : i32
    %mul3A_4 = arith.muli %add3A, %mul3A_3 : i32
    %add3A_5 = arith.constant 0 : i32
    %add3A_6 = arith.addi %mul3A_4, %add3A_5 : i32
    %multiple_of3A_7 = tpu.assume_multiple %add3A_6, 8 : i32
    %dma_start3A = tpu.memref_slice %arg3[%multiple_of3A_7] : memref<327680xi32, #tpu.memory_space<hbm>> -> memref<128xi32, #tpu.memory_space<hbm>>
    %dma_start3A_8 = tpu.memref_slice %arg3[%multiple_of3A_7] : memref<327680xi32, #tpu.memory_space<hbm>> -> memref<128xi32, #tpu.memory_space<hbm>>
    tpu.enqueue_dma source(%dma_start3A_8 : memref<128xi32, #tpu.memory_space<hbm>>) target(%arg7 : memref<128xi32, #tpu.memory_space<vmem>>) target_semaphore(%arg18 : memref<!tpu.dma_semaphore, #tpu.memory_space<semaphore_mem>>)
    %dma_start3A_9 = tpu.memref_slice %arg4[%multiple_of3A_7] : memref<327680xi32, #tpu.memory_space<hbm>> -> memref<128xi32, #tpu.memory_space<hbm>>
    %dma_start3A_10 = tpu.memref_slice %arg4[%multiple_of3A_7] : memref<327680xi32, #tpu.memory_space<hbm>> -> memref<128xi32, #tpu.memory_space<hbm>>
    tpu.enqueue_dma source(%dma_start3A_10 : memref<128xi32, #tpu.memory_space<hbm>>) target(%arg11 : memref<128xi32, #tpu.memory_space<vmem>>) target_semaphore(%arg18 : memref<!tpu.dma_semaphore, #tpu.memory_space<semaphore_mem>>)
    %mul3A_11 = arith.constant 10240 : i32
    %mul3A_12 = arith.muli %add3A, %mul3A_11 : i32
    %add3A_13 = arith.constant 128 : i32
    %add3A_14 = arith.addi %mul3A_12, %add3A_13 : i32
    %multiple_of3A_15 = tpu.assume_multiple %add3A_14, 8 : i32
    %dma_start3A_16 = tpu.memref_slice %arg3[%multiple_of3A_15] : memref<327680xi32, #tpu.memory_space<hbm>> -> memref<128xi32, #tpu.memory_space<hbm>>
    %dma_start3A_17 = tpu.memref_slice %arg3[%multiple_of3A_15] : memref<327680xi32, #tpu.memory_space<hbm>> -> memref<128xi32, #tpu.memory_space<hbm>>
    tpu.enqueue_dma source(%dma_start3A_17 : memref<128xi32, #tpu.memory_space<hbm>>) target(%arg8 : memref<128xi32, #tpu.memory_space<vmem>>) target_semaphore(%arg19 : memref<!tpu.dma_semaphore, #tpu.memory_space<semaphore_mem>>)
    %dma_start3A_18 = tpu.memref_slice %arg4[%multiple_of3A_15] : memref<327680xi32, #tpu.memory_space<hbm>> -> memref<128xi32, #tpu.memory_space<hbm>>
    %dma_start3A_19 = tpu.memref_slice %arg4[%multiple_of3A_15] : memref<327680xi32, #tpu.memory_space<hbm>> -> memref<128xi32, #tpu.memory_space<hbm>>
    tpu.enqueue_dma source(%dma_start3A_19 : memref<128xi32, #tpu.memory_space<hbm>>) target(%arg12 : memref<128xi32, #tpu.memory_space<vmem>>) target_semaphore(%arg19 : memref<!tpu.dma_semaphore, #tpu.memory_space<semaphore_mem>>)
    %mul3A_20 = arith.constant 10240 : i32
    %mul3A_21 = arith.muli %add3A, %mul3A_20 : i32
    %add3A_22 = arith.constant 256 : i32
    %add3A_23 = arith.addi %mul3A_21, %add3A_22 : i32
    %multiple_of3A_24 = tpu.assume_multiple %add3A_23, 8 : i32
    %dma_start3A_25 = tpu.memref_slice %arg3[%multiple_of3A_24] : memref<327680xi32, #tpu.memory_space<hbm>> -> memref<128xi32, #tpu.memory_space<hbm>>
    %dma_start3A_26 = tpu.memref_slice %arg3[%multiple_of3A_24] : memref<327680xi32, #tpu.memory_space<hbm>> -> memref<128xi32, #tpu.memory_space<hbm>>
    tpu.enqueue_dma source(%dma_start3A_26 : memref<128xi32, #tpu.memory_space<hbm>>) target(%arg9 : memref<128xi32, #tpu.memory_space<vmem>>) target_semaphore(%arg20 : memref<!tpu.dma_semaphore, #tpu.memory_space<semaphore_mem>>)
    %dma_start3A_27 = tpu.memref_slice %arg4[%multiple_of3A_24] : memref<327680xi32, #tpu.memory_space<hbm>> -> memref<128xi32, #tpu.memory_space<hbm>>
    %dma_start3A_28 = tpu.memref_slice %arg4[%multiple_of3A_24] : memref<327680xi32, #tpu.memory_space<hbm>> -> memref<128xi32, #tpu.memory_space<hbm>>
    tpu.enqueue_dma source(%dma_start3A_28 : memref<128xi32, #tpu.memory_space<hbm>>) target(%arg13 : memref<128xi32, #tpu.memory_space<vmem>>) target_semaphore(%arg20 : memref<!tpu.dma_semaphore, #tpu.memory_space<semaphore_mem>>)
    %mul3A_29 = arith.constant 10240 : i32
    %mul3A_30 = arith.muli %add3A, %mul3A_29 : i32
    %add3A_31 = arith.constant 0 : i32
    %add3A_32 = arith.addi %mul3A_30, %add3A_31 : i32
    %multiple_of3A_33 = tpu.assume_multiple %add3A_32, 8 : i32
    %dma_wait3A = tpu.memref_slice %arg3[%multiple_of3A_33] : memref<327680xi32, #tpu.memory_space<hbm>> -> memref<128xi32, #tpu.memory_space<hbm>>
    %dma_wait3A_34 = tpu.memref_slice %arg3[%multiple_of3A_33] : memref<327680xi32, #tpu.memory_space<hbm>> -> memref<128xi32, #tpu.memory_space<hbm>>
    tpu.wait_dma2 semaphore(%arg18 : memref<!tpu.dma_semaphore, #tpu.memory_space<semaphore_mem>>) src(%dma_wait3A_34 : memref<128xi32, #tpu.memory_space<hbm>>) dst(%arg7 : memref<128xi32, #tpu.memory_space<vmem>>)
    %dma_wait3A_35 = tpu.memref_slice %arg4[%multiple_of3A_33] : memref<327680xi32, #tpu.memory_space<hbm>> -> memref<128xi32, #tpu.memory_space<hbm>>
    %dma_wait3A_36 = tpu.memref_slice %arg4[%multiple_of3A_33] : memref<327680xi32, #tpu.memory_space<hbm>> -> memref<128xi32, #tpu.memory_space<hbm>>
    tpu.wait_dma2 semaphore(%arg18 : memref<!tpu.dma_semaphore, #tpu.memory_space<semaphore_mem>>) src(%dma_wait3A_36 : memref<128xi32, #tpu.memory_space<hbm>>) dst(%arg11 : memref<128xi32, #tpu.memory_space<vmem>>)
    %dma_start3A_37 = arith.constant 0 : i32
    %dma_start3A_38 = arith.constant 0 : i32
    %dma_start3A_39 = tpu.memref_slice %arg2[%dma_start3A_37, %dma_start3A_38] : memref<10240x128xf32, #tpu.memory_space<hbm>> -> memref<10240x128xf32, #tpu.memory_space<hbm>>
    tpu.enqueue_indirect_dma source(%dma_start3A_39 : memref<10240x128xf32, #tpu.memory_space<hbm>>) target(%arg15 : memref<128x128xf32, #tpu.memory_space<vmem>>) offsets(%arg7 : memref<128xi32, #tpu.memory_space<vmem>>) semaphore(%arg22 : memref<!tpu.dma_semaphore, #tpu.memory_space<semaphore_mem>>)
    %scan3A = arith.constant 0 : i32
    %scan3A_40 = arith.constant 0 : i32
    %scan3A_41 = arith.constant 20 : i32
    %scan3A_42 = arith.addi %scan3A_40, %scan3A_41 : i32
    %scan3A_43 = arith.constant 1 : i32
    %scan3A_44 = scf.for %scan3A_50 = %scan3A_40 to %scan3A_42 step %scan3A_43 iter_args(%scan3A_51 = %scan3A) -> (i32)  : i32 {
      %mul3A_52 = arith.constant 4 : i32
      %mul3A_53 = arith.muli %mul3A_52, %scan3A_50 : i32
      %add3A_54 = arith.constant 0 : i32
      %add3A_55 = arith.addi %mul3A_53, %add3A_54 : i32
      %add3A_56 = arith.constant 4 : i32
      %add3A_57 = arith.addi %add3A_55, %add3A_56 : i32
      %sub3A = arith.constant 1 : i32
      %sub3A_58 = arith.subi %add3A_57, %sub3A : i32
      %lt3A = arith.constant 80 : i32
      %lt3A_59 = arith.cmpi slt, %sub3A_58, %lt3A : i32
      %convert_element_type3A = arith.extui %lt3A_59 : i1 to i32
      %cond3A = arith.constant 0 : i32
      %cond3A_60 = arith.cmpi ne, %convert_element_type3A, %cond3A : i32
      scf.if %cond3A_60 {
        %mul3A_141 = arith.constant 10240 : i32
        %mul3A_142 = arith.muli %add3A, %mul3A_141 : i32
        %mul3A_143 = arith.constant 128 : i32
        %mul3A_144 = arith.muli %sub3A_58, %mul3A_143 : i32
        %add3A_145 = arith.addi %mul3A_142, %mul3A_144 : i32
        %multiple_of3A_146 = tpu.assume_multiple %add3A_145, 8 : i32
        %dma_start3A_147 = tpu.memref_slice %arg3[%multiple_of3A_146] : memref<327680xi32, #tpu.memory_space<hbm>> -> memref<128xi32, #tpu.memory_space<hbm>>
        %dma_start3A_148 = tpu.memref_slice %arg3[%multiple_of3A_146] : memref<327680xi32, #tpu.memory_space<hbm>> -> memref<128xi32, #tpu.memory_space<hbm>>
        tpu.enqueue_dma source(%dma_start3A_148 : memref<128xi32, #tpu.memory_space<hbm>>) target(%arg10 : memref<128xi32, #tpu.memory_space<vmem>>) target_semaphore(%arg21 : memref<!tpu.dma_semaphore, #tpu.memory_space<semaphore_mem>>)
        %dma_start3A_149 = tpu.memref_slice %arg4[%multiple_of3A_146] : memref<327680xi32, #tpu.memory_space<hbm>> -> memref<128xi32, #tpu.memory_space<hbm>>
        %dma_start3A_150 = tpu.memref_slice %arg4[%multiple_of3A_146] : memref<327680xi32, #tpu.memory_space<hbm>> -> memref<128xi32, #tpu.memory_space<hbm>>
        tpu.enqueue_dma source(%dma_start3A_150 : memref<128xi32, #tpu.memory_space<hbm>>) target(%arg14 : memref<128xi32, #tpu.memory_space<vmem>>) target_semaphore(%arg21 : memref<!tpu.dma_semaphore, #tpu.memory_space<semaphore_mem>>)
      } else {
      }
      %add3A_61 = arith.constant 1 : i32
      %add3A_62 = arith.addi %add3A_55, %add3A_61 : i32
      %lt3A_63 = arith.constant 80 : i32
      %lt3A_64 = arith.cmpi slt, %add3A_62, %lt3A_63 : i32
      %convert_element_type3A_65 = arith.extui %lt3A_64 : i1 to i32
      %cond3A_66 = arith.constant 0 : i32
      %cond3A_67 = arith.cmpi ne, %convert_element_type3A_65, %cond3A_66 : i32
      scf.if %cond3A_67 {
        %add3A_141 = arith.constant 1 : i32
        %add3A_142 = arith.addi %add3A_55, %add3A_141 : i32
        %mul3A_143 = arith.constant 10240 : i32
        %mul3A_144 = arith.muli %add3A, %mul3A_143 : i32
        %mul3A_145 = arith.constant 128 : i32
        %mul3A_146 = arith.muli %add3A_142, %mul3A_145 : i32
        %add3A_147 = arith.addi %mul3A_144, %mul3A_146 : i32
        %multiple_of3A_148 = tpu.assume_multiple %add3A_147, 8 : i32
        %dma_wait3A_149 = tpu.memref_slice %arg3[%multiple_of3A_148] : memref<327680xi32, #tpu.memory_space<hbm>> -> memref<128xi32, #tpu.memory_space<hbm>>
        %dma_wait3A_150 = tpu.memref_slice %arg3[%multiple_of3A_148] : memref<327680xi32, #tpu.memory_space<hbm>> -> memref<128xi32, #tpu.memory_space<hbm>>
        tpu.wait_dma2 semaphore(%arg19 : memref<!tpu.dma_semaphore, #tpu.memory_space<semaphore_mem>>) src(%dma_wait3A_150 : memref<128xi32, #tpu.memory_space<hbm>>) dst(%arg8 : memref<128xi32, #tpu.memory_space<vmem>>)
        %dma_wait3A_151 = tpu.memref_slice %arg4[%multiple_of3A_148] : memref<327680xi32, #tpu.memory_space<hbm>> -> memref<128xi32, #tpu.memory_space<hbm>>
        %dma_wait3A_152 = tpu.memref_slice %arg4[%multiple_of3A_148] : memref<327680xi32, #tpu.memory_space<hbm>> -> memref<128xi32, #tpu.memory_space<hbm>>
        tpu.wait_dma2 semaphore(%arg19 : memref<!tpu.dma_semaphore, #tpu.memory_space<semaphore_mem>>) src(%dma_wait3A_152 : memref<128xi32, #tpu.memory_space<hbm>>) dst(%arg12 : memref<128xi32, #tpu.memory_space<vmem>>)
        %dma_start3A_153 = arith.constant 0 : i32
        %dma_start3A_154 = arith.constant 0 : i32
        %dma_start3A_155 = tpu.memref_slice %arg2[%dma_start3A_153, %dma_start3A_154] : memref<10240x128xf32, #tpu.memory_space<hbm>> -> memref<10240x128xf32, #tpu.memory_space<hbm>>
        tpu.enqueue_indirect_dma source(%dma_start3A_155 : memref<10240x128xf32, #tpu.memory_space<hbm>>) target(%arg16 : memref<128x128xf32, #tpu.memory_space<vmem>>) offsets(%arg8 : memref<128xi32, #tpu.memory_space<vmem>>) semaphore(%arg23 : memref<!tpu.dma_semaphore, #tpu.memory_space<semaphore_mem>>)
      } else {
      }
      %dma_wait3A_68 = arith.constant 0 : i32
      %dma_wait3A_69 = arith.constant 0 : i32
      %dma_wait3A_70 = tpu.memref_slice %arg2[%dma_wait3A_68, %dma_wait3A_69] : memref<10240x128xf32, #tpu.memory_space<hbm>> -> memref<10240x128xf32, #tpu.memory_space<hbm>>
      tpu.wait_indirect_dma semaphore(%arg22 : memref<!tpu.dma_semaphore, #tpu.memory_space<semaphore_mem>>) src(%dma_wait3A_70 : memref<10240x128xf32, #tpu.memory_space<hbm>>) dst(%arg15 : memref<128x128xf32, #tpu.memory_space<vmem>>)
      "tpu.region"() ({
        %run_scoped3A = tpu.sem_alloc : memref<!tpu.dma_semaphore, #tpu.memory_space<semaphore_mem>>
        %dma_start3A_141 = arith.constant 0 : i32
        %dma_start3A_142 = arith.constant 0 : i32
        %dma_start3A_143 = tpu.memref_slice %arg17[%dma_start3A_141, %dma_start3A_142] : memref<10240x128xf32, #tpu.memory_space<vmem_shared>> -> memref<10240x128xf32, #tpu.memory_space<vmem_shared>>
        tpu.enqueue_indirect_dma source(%arg15 : memref<128x128xf32, #tpu.memory_space<vmem>>) target(%dma_start3A_143 : memref<10240x128xf32, #tpu.memory_space<vmem_shared>>) offsets(%arg11 : memref<128xi32, #tpu.memory_space<vmem>>) semaphore(%run_scoped3A : memref<!tpu.dma_semaphore, #tpu.memory_space<semaphore_mem>>) {add = true}
        %dma_wait3A_144 = arith.constant 0 : i32
        %dma_wait3A_145 = arith.constant 0 : i32
        %dma_wait3A_146 = tpu.memref_slice %arg17[%dma_wait3A_144, %dma_wait3A_145] : memref<10240x128xf32, #tpu.memory_space<vmem_shared>> -> memref<10240x128xf32, #tpu.memory_space<vmem_shared>>
        tpu.wait_indirect_dma semaphore(%run_scoped3A : memref<!tpu.dma_semaphore, #tpu.memory_space<semaphore_mem>>) src(%arg15 : memref<128x128xf32, #tpu.memory_space<vmem>>) dst(%dma_wait3A_146 : memref<10240x128xf32, #tpu.memory_space<vmem_shared>>)
        tpu.yield
      }) : () -> ()
      %mul3A_71 = arith.constant 4 : i32
      %mul3A_72 = arith.muli %mul3A_71, %scan3A_50 : i32
      %add3A_73 = arith.constant 1 : i32
      %add3A_74 = arith.addi %mul3A_72, %add3A_73 : i32
      %add3A_75 = arith.constant 4 : i32
      %add3A_76 = arith.addi %add3A_74, %add3A_75 : i32
      %sub3A_77 = arith.constant 1 : i32
      %sub3A_78 = arith.subi %add3A_76, %sub3A_77 : i32
      %lt3A_79 = arith.constant 80 : i32
      %lt3A_80 = arith.cmpi slt, %sub3A_78, %lt3A_79 : i32
      %convert_element_type3A_81 = arith.extui %lt3A_80 : i1 to i32
      %cond3A_82 = arith.constant 0 : i32
      %cond3A_83 = arith.cmpi ne, %convert_element_type3A_81, %cond3A_82 : i32
      scf.if %cond3A_83 {
        %mul3A_141 = arith.constant 10240 : i32
        %mul3A_142 = arith.muli %add3A, %mul3A_141 : i32
        %mul3A_143 = arith.constant 128 : i32
        %mul3A_144 = arith.muli %sub3A_78, %mul3A_143 : i32
        %add3A_145 = arith.addi %mul3A_142, %mul3A_144 : i32
        %multiple_of3A_146 = tpu.assume_multiple %add3A_145, 8 : i32
        %dma_start3A_147 = tpu.memref_slice %arg3[%multiple_of3A_146] : memref<327680xi32, #tpu.memory_space<hbm>> -> memref<128xi32, #tpu.memory_space<hbm>>
        %dma_start3A_148 = tpu.memref_slice %arg3[%multiple_of3A_146] : memref<327680xi32, #tpu.memory_space<hbm>> -> memref<128xi32, #tpu.memory_space<hbm>>
        tpu.enqueue_dma source(%dma_start3A_148 : memref<128xi32, #tpu.memory_space<hbm>>) target(%arg7 : memref<128xi32, #tpu.memory_space<vmem>>) target_semaphore(%arg18 : memref<!tpu.dma_semaphore, #tpu.memory_space<semaphore_mem>>)
        %dma_start3A_149 = tpu.memref_slice %arg4[%multiple_of3A_146] : memref<327680xi32, #tpu.memory_space<hbm>> -> memref<128xi32, #tpu.memory_space<hbm>>
        %dma_start3A_150 = tpu.memref_slice %arg4[%multiple_of3A_146] : memref<327680xi32, #tpu.memory_space<hbm>> -> memref<128xi32, #tpu.memory_space<hbm>>
        tpu.enqueue_dma source(%dma_start3A_150 : memref<128xi32, #tpu.memory_space<hbm>>) target(%arg11 : memref<128xi32, #tpu.memory_space<vmem>>) target_semaphore(%arg18 : memref<!tpu.dma_semaphore, #tpu.memory_space<semaphore_mem>>)
      } else {
      }
      %add3A_84 = arith.constant 1 : i32
      %add3A_85 = arith.addi %add3A_74, %add3A_84 : i32
      %lt3A_86 = arith.constant 80 : i32
      %lt3A_87 = arith.cmpi slt, %add3A_85, %lt3A_86 : i32
      %convert_element_type3A_88 = arith.extui %lt3A_87 : i1 to i32
      %cond3A_89 = arith.constant 0 : i32
      %cond3A_90 = arith.cmpi ne, %convert_element_type3A_88, %cond3A_89 : i32
      scf.if %cond3A_90 {
        %add3A_141 = arith.constant 1 : i32
        %add3A_142 = arith.addi %add3A_74, %add3A_141 : i32
        %mul3A_143 = arith.constant 10240 : i32
        %mul3A_144 = arith.muli %add3A, %mul3A_143 : i32
        %mul3A_145 = arith.constant 128 : i32
        %mul3A_146 = arith.muli %add3A_142, %mul3A_145 : i32
        %add3A_147 = arith.addi %mul3A_144, %mul3A_146 : i32
        %multiple_of3A_148 = tpu.assume_multiple %add3A_147, 8 : i32
        %dma_wait3A_149 = tpu.memref_slice %arg3[%multiple_of3A_148] : memref<327680xi32, #tpu.memory_space<hbm>> -> memref<128xi32, #tpu.memory_space<hbm>>
        %dma_wait3A_150 = tpu.memref_slice %arg3[%multiple_of3A_148] : memref<327680xi32, #tpu.memory_space<hbm>> -> memref<128xi32, #tpu.memory_space<hbm>>
        tpu.wait_dma2 semaphore(%arg20 : memref<!tpu.dma_semaphore, #tpu.memory_space<semaphore_mem>>) src(%dma_wait3A_150 : memref<128xi32, #tpu.memory_space<hbm>>) dst(%arg9 : memref<128xi32, #tpu.memory_space<vmem>>)
        %dma_wait3A_151 = tpu.memref_slice %arg4[%multiple_of3A_148] : memref<327680xi32, #tpu.memory_space<hbm>> -> memref<128xi32, #tpu.memory_space<hbm>>
        %dma_wait3A_152 = tpu.memref_slice %arg4[%multiple_of3A_148] : memref<327680xi32, #tpu.memory_space<hbm>> -> memref<128xi32, #tpu.memory_space<hbm>>
        tpu.wait_dma2 semaphore(%arg20 : memref<!tpu.dma_semaphore, #tpu.memory_space<semaphore_mem>>) src(%dma_wait3A_152 : memref<128xi32, #tpu.memory_space<hbm>>) dst(%arg13 : memref<128xi32, #tpu.memory_space<vmem>>)
        %dma_start3A_153 = arith.constant 0 : i32
        %dma_start3A_154 = arith.constant 0 : i32
        %dma_start3A_155 = tpu.memref_slice %arg2[%dma_start3A_153, %dma_start3A_154] : memref<10240x128xf32, #tpu.memory_space<hbm>> -> memref<10240x128xf32, #tpu.memory_space<hbm>>
        tpu.enqueue_indirect_dma source(%dma_start3A_155 : memref<10240x128xf32, #tpu.memory_space<hbm>>) target(%arg15 : memref<128x128xf32, #tpu.memory_space<vmem>>) offsets(%arg9 : memref<128xi32, #tpu.memory_space<vmem>>) semaphore(%arg22 : memref<!tpu.dma_semaphore, #tpu.memory_space<semaphore_mem>>)
      } else {
      }
      %dma_wait3A_91 = arith.constant 0 : i32
      %dma_wait3A_92 = arith.constant 0 : i32
      %dma_wait3A_93 = tpu.memref_slice %arg2[%dma_wait3A_91, %dma_wait3A_92] : memref<10240x128xf32, #tpu.memory_space<hbm>> -> memref<10240x128xf32, #tpu.memory_space<hbm>>
      tpu.wait_indirect_dma semaphore(%arg23 : memref<!tpu.dma_semaphore, #tpu.memory_space<semaphore_mem>>) src(%dma_wait3A_93 : memref<10240x128xf32, #tpu.memory_space<hbm>>) dst(%arg16 : memref<128x128xf32, #tpu.memory_space<vmem>>)
      "tpu.region"() ({
        %run_scoped3A = tpu.sem_alloc : memref<!tpu.dma_semaphore, #tpu.memory_space<semaphore_mem>>
        %dma_start3A_141 = arith.constant 0 : i32
        %dma_start3A_142 = arith.constant 0 : i32
        %dma_start3A_143 = tpu.memref_slice %arg17[%dma_start3A_141, %dma_start3A_142] : memref<10240x128xf32, #tpu.memory_space<vmem_shared>> -> memref<10240x128xf32, #tpu.memory_space<vmem_shared>>
        tpu.enqueue_indirect_dma source(%arg16 : memref<128x128xf32, #tpu.memory_space<vmem>>) target(%dma_start3A_143 : memref<10240x128xf32, #tpu.memory_space<vmem_shared>>) offsets(%arg12 : memref<128xi32, #tpu.memory_space<vmem>>) semaphore(%run_scoped3A : memref<!tpu.dma_semaphore, #tpu.memory_space<semaphore_mem>>) {add = true}
        %dma_wait3A_144 = arith.constant 0 : i32
        %dma_wait3A_145 = arith.constant 0 : i32
        %dma_wait3A_146 = tpu.memref_slice %arg17[%dma_wait3A_144, %dma_wait3A_145] : memref<10240x128xf32, #tpu.memory_space<vmem_shared>> -> memref<10240x128xf32, #tpu.memory_space<vmem_shared>>
        tpu.wait_indirect_dma semaphore(%run_scoped3A : memref<!tpu.dma_semaphore, #tpu.memory_space<semaphore_mem>>) src(%arg16 : memref<128x128xf32, #tpu.memory_space<vmem>>) dst(%dma_wait3A_146 : memref<10240x128xf32, #tpu.memory_space<vmem_shared>>)
        tpu.yield
      }) : () -> ()
      %mul3A_94 = arith.constant 4 : i32
      %mul3A_95 = arith.muli %mul3A_94, %scan3A_50 : i32
      %add3A_96 = arith.constant 2 : i32
      %add3A_97 = arith.addi %mul3A_95, %add3A_96 : i32
      %add3A_98 = arith.constant 4 : i32
      %add3A_99 = arith.addi %add3A_97, %add3A_98 : i32
      %sub3A_100 = arith.constant 1 : i32
      %sub3A_101 = arith.subi %add3A_99, %sub3A_100 : i32
      %lt3A_102 = arith.constant 80 : i32
      %lt3A_103 = arith.cmpi slt, %sub3A_101, %lt3A_102 : i32
      %convert_element_type3A_104 = arith.extui %lt3A_103 : i1 to i32
      %cond3A_105 = arith.constant 0 : i32
      %cond3A_106 = arith.cmpi ne, %convert_element_type3A_104, %cond3A_105 : i32
      scf.if %cond3A_106 {
        %mul3A_141 = arith.constant 10240 : i32
        %mul3A_142 = arith.muli %add3A, %mul3A_141 : i32
        %mul3A_143 = arith.constant 128 : i32
        %mul3A_144 = arith.muli %sub3A_101, %mul3A_143 : i32
        %add3A_145 = arith.addi %mul3A_142, %mul3A_144 : i32
        %multiple_of3A_146 = tpu.assume_multiple %add3A_145, 8 : i32
        %dma_start3A_147 = tpu.memref_slice %arg3[%multiple_of3A_146] : memref<327680xi32, #tpu.memory_space<hbm>> -> memref<128xi32, #tpu.memory_space<hbm>>
        %dma_start3A_148 = tpu.memref_slice %arg3[%multiple_of3A_146] : memref<327680xi32, #tpu.memory_space<hbm>> -> memref<128xi32, #tpu.memory_space<hbm>>
        tpu.enqueue_dma source(%dma_start3A_148 : memref<128xi32, #tpu.memory_space<hbm>>) target(%arg8 : memref<128xi32, #tpu.memory_space<vmem>>) target_semaphore(%arg19 : memref<!tpu.dma_semaphore, #tpu.memory_space<semaphore_mem>>)
        %dma_start3A_149 = tpu.memref_slice %arg4[%multiple_of3A_146] : memref<327680xi32, #tpu.memory_space<hbm>> -> memref<128xi32, #tpu.memory_space<hbm>>
        %dma_start3A_150 = tpu.memref_slice %arg4[%multiple_of3A_146] : memref<327680xi32, #tpu.memory_space<hbm>> -> memref<128xi32, #tpu.memory_space<hbm>>
        tpu.enqueue_dma source(%dma_start3A_150 : memref<128xi32, #tpu.memory_space<hbm>>) target(%arg12 : memref<128xi32, #tpu.memory_space<vmem>>) target_semaphore(%arg19 : memref<!tpu.dma_semaphore, #tpu.memory_space<semaphore_mem>>)
      } else {
      }
      %add3A_107 = arith.constant 1 : i32
      %add3A_108 = arith.addi %add3A_97, %add3A_107 : i32
      %lt3A_109 = arith.constant 80 : i32
      %lt3A_110 = arith.cmpi slt, %add3A_108, %lt3A_109 : i32
      %convert_element_type3A_111 = arith.extui %lt3A_110 : i1 to i32
      %cond3A_112 = arith.constant 0 : i32
      %cond3A_113 = arith.cmpi ne, %convert_element_type3A_111, %cond3A_112 : i32
      scf.if %cond3A_113 {
        %add3A_141 = arith.constant 1 : i32
        %add3A_142 = arith.addi %add3A_97, %add3A_141 : i32
        %mul3A_143 = arith.constant 10240 : i32
        %mul3A_144 = arith.muli %add3A, %mul3A_143 : i32
        %mul3A_145 = arith.constant 128 : i32
        %mul3A_146 = arith.muli %add3A_142, %mul3A_145 : i32
        %add3A_147 = arith.addi %mul3A_144, %mul3A_146 : i32
        %multiple_of3A_148 = tpu.assume_multiple %add3A_147, 8 : i32
        %dma_wait3A_149 = tpu.memref_slice %arg3[%multiple_of3A_148] : memref<327680xi32, #tpu.memory_space<hbm>> -> memref<128xi32, #tpu.memory_space<hbm>>
        %dma_wait3A_150 = tpu.memref_slice %arg3[%multiple_of3A_148] : memref<327680xi32, #tpu.memory_space<hbm>> -> memref<128xi32, #tpu.memory_space<hbm>>
        tpu.wait_dma2 semaphore(%arg21 : memref<!tpu.dma_semaphore, #tpu.memory_space<semaphore_mem>>) src(%dma_wait3A_150 : memref<128xi32, #tpu.memory_space<hbm>>) dst(%arg10 : memref<128xi32, #tpu.memory_space<vmem>>)
        %dma_wait3A_151 = tpu.memref_slice %arg4[%multiple_of3A_148] : memref<327680xi32, #tpu.memory_space<hbm>> -> memref<128xi32, #tpu.memory_space<hbm>>
        %dma_wait3A_152 = tpu.memref_slice %arg4[%multiple_of3A_148] : memref<327680xi32, #tpu.memory_space<hbm>> -> memref<128xi32, #tpu.memory_space<hbm>>
        tpu.wait_dma2 semaphore(%arg21 : memref<!tpu.dma_semaphore, #tpu.memory_space<semaphore_mem>>) src(%dma_wait3A_152 : memref<128xi32, #tpu.memory_space<hbm>>) dst(%arg14 : memref<128xi32, #tpu.memory_space<vmem>>)
        %dma_start3A_153 = arith.constant 0 : i32
        %dma_start3A_154 = arith.constant 0 : i32
        %dma_start3A_155 = tpu.memref_slice %arg2[%dma_start3A_153, %dma_start3A_154] : memref<10240x128xf32, #tpu.memory_space<hbm>> -> memref<10240x128xf32, #tpu.memory_space<hbm>>
        tpu.enqueue_indirect_dma source(%dma_start3A_155 : memref<10240x128xf32, #tpu.memory_space<hbm>>) target(%arg16 : memref<128x128xf32, #tpu.memory_space<vmem>>) offsets(%arg10 : memref<128xi32, #tpu.memory_space<vmem>>) semaphore(%arg23 : memref<!tpu.dma_semaphore, #tpu.memory_space<semaphore_mem>>)
      } else {
      }
      %dma_wait3A_114 = arith.constant 0 : i32
      %dma_wait3A_115 = arith.constant 0 : i32
      %dma_wait3A_116 = tpu.memref_slice %arg2[%dma_wait3A_114, %dma_wait3A_115] : memref<10240x128xf32, #tpu.memory_space<hbm>> -> memref<10240x128xf32, #tpu.memory_space<hbm>>
      tpu.wait_indirect_dma semaphore(%arg22 : memref<!tpu.dma_semaphore, #tpu.memory_space<semaphore_mem>>) src(%dma_wait3A_116 : memref<10240x128xf32, #tpu.memory_space<hbm>>) dst(%arg15 : memref<128x128xf32, #tpu.memory_space<vmem>>)
      "tpu.region"() ({
        %run_scoped3A = tpu.sem_alloc : memref<!tpu.dma_semaphore, #tpu.memory_space<semaphore_mem>>
        %dma_start3A_141 = arith.constant 0 : i32
        %dma_start3A_142 = arith.constant 0 : i32
        %dma_start3A_143 = tpu.memref_slice %arg17[%dma_start3A_141, %dma_start3A_142] : memref<10240x128xf32, #tpu.memory_space<vmem_shared>> -> memref<10240x128xf32, #tpu.memory_space<vmem_shared>>
        tpu.enqueue_indirect_dma source(%arg15 : memref<128x128xf32, #tpu.memory_space<vmem>>) target(%dma_start3A_143 : memref<10240x128xf32, #tpu.memory_space<vmem_shared>>) offsets(%arg13 : memref<128xi32, #tpu.memory_space<vmem>>) semaphore(%run_scoped3A : memref<!tpu.dma_semaphore, #tpu.memory_space<semaphore_mem>>) {add = true}
        %dma_wait3A_144 = arith.constant 0 : i32
        %dma_wait3A_145 = arith.constant 0 : i32
        %dma_wait3A_146 = tpu.memref_slice %arg17[%dma_wait3A_144, %dma_wait3A_145] : memref<10240x128xf32, #tpu.memory_space<vmem_shared>> -> memref<10240x128xf32, #tpu.memory_space<vmem_shared>>
        tpu.wait_indirect_dma semaphore(%run_scoped3A : memref<!tpu.dma_semaphore, #tpu.memory_space<semaphore_mem>>) src(%arg15 : memref<128x128xf32, #tpu.memory_space<vmem>>) dst(%dma_wait3A_146 : memref<10240x128xf32, #tpu.memory_space<vmem_shared>>)
        tpu.yield
      }) : () -> ()
      %mul3A_117 = arith.constant 4 : i32
      %mul3A_118 = arith.muli %mul3A_117, %scan3A_50 : i32
      %add3A_119 = arith.constant 3 : i32
      %add3A_120 = arith.addi %mul3A_118, %add3A_119 : i32
      %add3A_121 = arith.constant 4 : i32
      %add3A_122 = arith.addi %add3A_120, %add3A_121 : i32
      %sub3A_123 = arith.constant 1 : i32
      %sub3A_124 = arith.subi %add3A_122, %sub3A_123 : i32
      %lt3A_125 = arith.constant 80 : i32
      %lt3A_126 = arith.cmpi slt, %sub3A_124, %lt3A_125 : i32
      %convert_element_type3A_127 = arith.extui %lt3A_126 : i1 to i32
      %cond3A_128 = arith.constant 0 : i32
      %cond3A_129 = arith.cmpi ne, %convert_element_type3A_127, %cond3A_128 : i32
      scf.if %cond3A_129 {
        %mul3A_141 = arith.constant 10240 : i32
        %mul3A_142 = arith.muli %add3A, %mul3A_141 : i32
        %mul3A_143 = arith.constant 128 : i32
        %mul3A_144 = arith.muli %sub3A_124, %mul3A_143 : i32
        %add3A_145 = arith.addi %mul3A_142, %mul3A_144 : i32
        %multiple_of3A_146 = tpu.assume_multiple %add3A_145, 8 : i32
        %dma_start3A_147 = tpu.memref_slice %arg3[%multiple_of3A_146] : memref<327680xi32, #tpu.memory_space<hbm>> -> memref<128xi32, #tpu.memory_space<hbm>>
        %dma_start3A_148 = tpu.memref_slice %arg3[%multiple_of3A_146] : memref<327680xi32, #tpu.memory_space<hbm>> -> memref<128xi32, #tpu.memory_space<hbm>>
        tpu.enqueue_dma source(%dma_start3A_148 : memref<128xi32, #tpu.memory_space<hbm>>) target(%arg9 : memref<128xi32, #tpu.memory_space<vmem>>) target_semaphore(%arg20 : memref<!tpu.dma_semaphore, #tpu.memory_space<semaphore_mem>>)
        %dma_start3A_149 = tpu.memref_slice %arg4[%multiple_of3A_146] : memref<327680xi32, #tpu.memory_space<hbm>> -> memref<128xi32, #tpu.memory_space<hbm>>
        %dma_start3A_150 = tpu.memref_slice %arg4[%multiple_of3A_146] : memref<327680xi32, #tpu.memory_space<hbm>> -> memref<128xi32, #tpu.memory_space<hbm>>
        tpu.enqueue_dma source(%dma_start3A_150 : memref<128xi32, #tpu.memory_space<hbm>>) target(%arg13 : memref<128xi32, #tpu.memory_space<vmem>>) target_semaphore(%arg20 : memref<!tpu.dma_semaphore, #tpu.memory_space<semaphore_mem>>)
      } else {
      }
      %add3A_130 = arith.constant 1 : i32
      %add3A_131 = arith.addi %add3A_120, %add3A_130 : i32
      %lt3A_132 = arith.constant 80 : i32
      %lt3A_133 = arith.cmpi slt, %add3A_131, %lt3A_132 : i32
      %convert_element_type3A_134 = arith.extui %lt3A_133 : i1 to i32
      %cond3A_135 = arith.constant 0 : i32
      %cond3A_136 = arith.cmpi ne, %convert_element_type3A_134, %cond3A_135 : i32
      scf.if %cond3A_136 {
        %add3A_141 = arith.constant 1 : i32
        %add3A_142 = arith.addi %add3A_120, %add3A_141 : i32
        %mul3A_143 = arith.constant 10240 : i32
        %mul3A_144 = arith.muli %add3A, %mul3A_143 : i32
        %mul3A_145 = arith.constant 128 : i32
        %mul3A_146 = arith.muli %add3A_142, %mul3A_145 : i32
        %add3A_147 = arith.addi %mul3A_144, %mul3A_146 : i32
        %multiple_of3A_148 = tpu.assume_multiple %add3A_147, 8 : i32
        %dma_wait3A_149 = tpu.memref_slice %arg3[%multiple_of3A_148] : memref<327680xi32, #tpu.memory_space<hbm>> -> memref<128xi32, #tpu.memory_space<hbm>>
        %dma_wait3A_150 = tpu.memref_slice %arg3[%multiple_of3A_148] : memref<327680xi32, #tpu.memory_space<hbm>> -> memref<128xi32, #tpu.memory_space<hbm>>
        tpu.wait_dma2 semaphore(%arg18 : memref<!tpu.dma_semaphore, #tpu.memory_space<semaphore_mem>>) src(%dma_wait3A_150 : memref<128xi32, #tpu.memory_space<hbm>>) dst(%arg7 : memref<128xi32, #tpu.memory_space<vmem>>)
        %dma_wait3A_151 = tpu.memref_slice %arg4[%multiple_of3A_148] : memref<327680xi32, #tpu.memory_space<hbm>> -> memref<128xi32, #tpu.memory_space<hbm>>
        %dma_wait3A_152 = tpu.memref_slice %arg4[%multiple_of3A_148] : memref<327680xi32, #tpu.memory_space<hbm>> -> memref<128xi32, #tpu.memory_space<hbm>>
        tpu.wait_dma2 semaphore(%arg18 : memref<!tpu.dma_semaphore, #tpu.memory_space<semaphore_mem>>) src(%dma_wait3A_152 : memref<128xi32, #tpu.memory_space<hbm>>) dst(%arg11 : memref<128xi32, #tpu.memory_space<vmem>>)
        %dma_start3A_153 = arith.constant 0 : i32
        %dma_start3A_154 = arith.constant 0 : i32
        %dma_start3A_155 = tpu.memref_slice %arg2[%dma_start3A_153, %dma_start3A_154] : memref<10240x128xf32, #tpu.memory_space<hbm>> -> memref<10240x128xf32, #tpu.memory_space<hbm>>
        tpu.enqueue_indirect_dma source(%dma_start3A_155 : memref<10240x128xf32, #tpu.memory_space<hbm>>) target(%arg15 : memref<128x128xf32, #tpu.memory_space<vmem>>) offsets(%arg7 : memref<128xi32, #tpu.memory_space<vmem>>) semaphore(%arg22 : memref<!tpu.dma_semaphore, #tpu.memory_space<semaphore_mem>>)
      } else {
      }
      %dma_wait3A_137 = arith.constant 0 : i32
      %dma_wait3A_138 = arith.constant 0 : i32
      %dma_wait3A_139 = tpu.memref_slice %arg2[%dma_wait3A_137, %dma_wait3A_138] : memref<10240x128xf32, #tpu.memory_space<hbm>> -> memref<10240x128xf32, #tpu.memory_space<hbm>>
      tpu.wait_indirect_dma semaphore(%arg23 : memref<!tpu.dma_semaphore, #tpu.memory_space<semaphore_mem>>) src(%dma_wait3A_139 : memref<10240x128xf32, #tpu.memory_space<hbm>>) dst(%arg16 : memref<128x128xf32, #tpu.memory_space<vmem>>)
      "tpu.region"() ({
        %run_scoped3A = tpu.sem_alloc : memref<!tpu.dma_semaphore, #tpu.memory_space<semaphore_mem>>
        %dma_start3A_141 = arith.constant 0 : i32
        %dma_start3A_142 = arith.constant 0 : i32
        %dma_start3A_143 = tpu.memref_slice %arg17[%dma_start3A_141, %dma_start3A_142] : memref<10240x128xf32, #tpu.memory_space<vmem_shared>> -> memref<10240x128xf32, #tpu.memory_space<vmem_shared>>
        tpu.enqueue_indirect_dma source(%arg16 : memref<128x128xf32, #tpu.memory_space<vmem>>) target(%dma_start3A_143 : memref<10240x128xf32, #tpu.memory_space<vmem_shared>>) offsets(%arg14 : memref<128xi32, #tpu.memory_space<vmem>>) semaphore(%run_scoped3A : memref<!tpu.dma_semaphore, #tpu.memory_space<semaphore_mem>>) {add = true}
        %dma_wait3A_144 = arith.constant 0 : i32
        %dma_wait3A_145 = arith.constant 0 : i32
        %dma_wait3A_146 = tpu.memref_slice %arg17[%dma_wait3A_144, %dma_wait3A_145] : memref<10240x128xf32, #tpu.memory_space<vmem_shared>> -> memref<10240x128xf32, #tpu.memory_space<vmem_shared>>
        tpu.wait_indirect_dma semaphore(%run_scoped3A : memref<!tpu.dma_semaphore, #tpu.memory_space<semaphore_mem>>) src(%arg16 : memref<128x128xf32, #tpu.memory_space<vmem>>) dst(%dma_wait3A_146 : memref<10240x128xf32, #tpu.memory_space<vmem_shared>>)
        tpu.yield
      }) : () -> ()
      %scan3A_140 = arith.constant 0 : i32
      scf.yield %scan3A_140 : i32
    }
    %scan3A_45 = arith.constant 20 : i32
    %barrier3A_46 = arith.constant 0 : index
    tpu.barrier barrier_id(%barrier3A_46)
    %mul3A_47 = arith.constant 640 : i32
    %mul3A_48 = arith.muli %arg1, %mul3A_47 : i32
    %multiple_of3A_49 = tpu.assume_multiple %mul3A_48, 8 : i32
    "tpu.region"() ({
      %run_scoped3A = tpu.sem_alloc : memref<!tpu.dma_semaphore, #tpu.memory_space<semaphore_mem>>
      %dma_start3A_50 = arith.constant 0 : i32
      %dma_start3A_51 = tpu.memref_slice %arg6[%arg0, %multiple_of3A_49, %dma_start3A_50] : memref<2x10240x128xf32, #tpu.memory_space<hbm>> -> memref<1x640x128xf32, #tpu.memory_space<hbm>>
      %dma_start3A_52 = tpu.memref_squeeze %dma_start3A_51 : memref<1x640x128xf32, #tpu.memory_space<hbm>> -> memref<640x128xf32, #tpu.memory_space<hbm>>
      %dma_start3A_53 = arith.constant 0 : i32
      %dma_start3A_54 = tpu.memref_slice %arg17[%multiple_of3A_49, %dma_start3A_53] : memref<10240x128xf32, #tpu.memory_space<vmem_shared>> -> memref<640x128xf32, #tpu.memory_space<vmem_shared>>
      tpu.enqueue_dma source(%dma_start3A_54 : memref<640x128xf32, #tpu.memory_space<vmem_shared>>) target(%dma_start3A_52 : memref<640x128xf32, #tpu.memory_space<hbm>>) target_semaphore(%run_scoped3A : memref<!tpu.dma_semaphore, #tpu.memory_space<semaphore_mem>>)
      %dma_wait3A_55 = arith.constant 0 : i32
      %dma_wait3A_56 = tpu.memref_slice %arg6[%arg0, %multiple_of3A_49, %dma_wait3A_55] : memref<2x10240x128xf32, #tpu.memory_space<hbm>> -> memref<1x640x128xf32, #tpu.memory_space<hbm>>
      %dma_wait3A_57 = tpu.memref_squeeze %dma_wait3A_56 : memref<1x640x128xf32, #tpu.memory_space<hbm>> -> memref<640x128xf32, #tpu.memory_space<hbm>>
      %dma_wait3A_58 = arith.constant 0 : i32
      %dma_wait3A_59 = tpu.memref_slice %arg17[%multiple_of3A_49, %dma_wait3A_58] : memref<10240x128xf32, #tpu.memory_space<vmem_shared>> -> memref<640x128xf32, #tpu.memory_space<vmem_shared>>
      tpu.wait_dma2 semaphore(%run_scoped3A : memref<!tpu.dma_semaphore, #tpu.memory_space<semaphore_mem>>) src(%dma_wait3A_59 : memref<640x128xf32, #tpu.memory_space<vmem_shared>>) dst(%dma_wait3A_57 : memref<640x128xf32, #tpu.memory_space<hbm>>)
      tpu.yield
    }) : () -> ()
    return
  }
}

#map = affine_map<(d0, d1) -> (0, 0)>
#map1 = affine_map<(d0, d1) -> (0)>
#map2 = affine_map<(d0, d1) -> (0, 0, 0)>
module attributes {stable_mosaic.version = 14 : i64} {
  func.func @_sc_prop_body(%arg0: i32, %arg1: i32, %arg2: memref<10240x128xf32, #tpu.memory_space<hbm>>, %arg3: memref<327680xi32, #tpu.memory_space<hbm>>, %arg4: memref<327680xi32, #tpu.memory_space<hbm>>, %arg5: memref<640x128xf32, #tpu.memory_space<hbm>>, %arg6: memref<2x10240x128xf32, #tpu.memory_space<hbm>>, %arg7: memref<128xi32, #tpu.memory_space<vmem>>, %arg8: memref<128xi32, #tpu.memory_space<vmem>>, %arg9: memref<128xi32, #tpu.memory_space<vmem>>, %arg10: memref<128xi32, #tpu.memory_space<vmem>>, %arg11: memref<128xi32, #tpu.memory_space<vmem>>, %arg12: memref<128xi32, #tpu.memory_space<vmem>>, %arg13: memref<128xi32, #tpu.memory_space<vmem>>, %arg14: memref<128xi32, #tpu.memory_space<vmem>>, %arg15: memref<128x128xf32, #tpu.memory_space<vmem>>, %arg16: memref<128x128xf32, #tpu.memory_space<vmem>>, %arg17: memref<10240x128xf32, #tpu.memory_space<vmem_shared>>, %arg18: memref<!tpu.dma_semaphore, #tpu.memory_space<semaphore_mem>>, %arg19: memref<!tpu.dma_semaphore, #tpu.memory_space<semaphore_mem>>, %arg20: memref<!tpu.dma_semaphore, #tpu.memory_space<semaphore_mem>>, %arg21: memref<!tpu.dma_semaphore, #tpu.memory_space<semaphore_mem>>, %arg22: memref<!tpu.dma_semaphore, #tpu.memory_space<semaphore_mem>>, %arg23: memref<!tpu.dma_semaphore, #tpu.memory_space<semaphore_mem>>) attributes {dimension_semantics = [#tpu.dimension_semantics<core_parallel>, #tpu.dimension_semantics<subcore_parallel>], iteration_bounds = array<i64: 2, 16>, scalar_prefetch = 0 : i64, scratch_operands = 17 : i64, tpu.core_type = #tpu.core_type<sc_vector_subcore>, window_params = [{transform_indices = #map}, {transform_indices = #map1}, {transform_indices = #map1}, {transform_indices = #map}, {transform_indices = #map2}]} {
    %mul3A = arith.constant 16 : i32
    %mul3A_0 = arith.muli %arg0, %mul3A : i32
    %add3A = arith.addi %mul3A_0, %arg1 : i32
    %mul3A_1 = arith.constant 640 : i32
    %mul3A_2 = arith.muli %arg1, %mul3A_1 : i32
    %multiple_of3A = tpu.assume_multiple %mul3A_2, 8 : i32
    "tpu.region"() ({
      %run_scoped3A = tpu.sem_alloc : memref<!tpu.dma_semaphore, #tpu.memory_space<semaphore_mem>>
      %dma_start3A_50 = arith.constant 0 : i32
      %dma_start3A_51 = tpu.memref_slice %arg17[%multiple_of3A, %dma_start3A_50] : memref<10240x128xf32, #tpu.memory_space<vmem_shared>> -> memref<640x128xf32, #tpu.memory_space<vmem_shared>>
      tpu.enqueue_dma source(%arg5 : memref<640x128xf32, #tpu.memory_space<hbm>>) target(%dma_start3A_51 : memref<640x128xf32, #tpu.memory_space<vmem_shared>>) target_semaphore(%run_scoped3A : memref<!tpu.dma_semaphore, #tpu.memory_space<semaphore_mem>>)
      %dma_wait3A_52 = arith.constant 0 : i32
      %dma_wait3A_53 = tpu.memref_slice %arg17[%multiple_of3A, %dma_wait3A_52] : memref<10240x128xf32, #tpu.memory_space<vmem_shared>> -> memref<640x128xf32, #tpu.memory_space<vmem_shared>>
      tpu.wait_dma2 semaphore(%run_scoped3A : memref<!tpu.dma_semaphore, #tpu.memory_space<semaphore_mem>>) src(%arg5 : memref<640x128xf32, #tpu.memory_space<hbm>>) dst(%dma_wait3A_53 : memref<640x128xf32, #tpu.memory_space<vmem_shared>>)
      tpu.yield
    }) : () -> ()
    %barrier3A = arith.constant 0 : index
    tpu.barrier barrier_id(%barrier3A)
    %mul3A_3 = arith.constant 10240 : i32
    %mul3A_4 = arith.muli %add3A, %mul3A_3 : i32
    %add3A_5 = arith.constant 0 : i32
    %add3A_6 = arith.addi %mul3A_4, %add3A_5 : i32
    %multiple_of3A_7 = tpu.assume_multiple %add3A_6, 8 : i32
    %dma_start3A = tpu.memref_slice %arg3[%multiple_of3A_7] : memref<327680xi32, #tpu.memory_space<hbm>> -> memref<128xi32, #tpu.memory_space<hbm>>
    %dma_start3A_8 = tpu.memref_slice %arg3[%multiple_of3A_7] : memref<327680xi32, #tpu.memory_space<hbm>> -> memref<128xi32, #tpu.memory_space<hbm>>
    tpu.enqueue_dma source(%dma_start3A_8 : memref<128xi32, #tpu.memory_space<hbm>>) target(%arg7 : memref<128xi32, #tpu.memory_space<vmem>>) target_semaphore(%arg18 : memref<!tpu.dma_semaphore, #tpu.memory_space<semaphore_mem>>)
    %dma_start3A_9 = tpu.memref_slice %arg4[%multiple_of3A_7] : memref<327680xi32, #tpu.memory_space<hbm>> -> memref<128xi32, #tpu.memory_space<hbm>>
    %dma_start3A_10 = tpu.memref_slice %arg4[%multiple_of3A_7] : memref<327680xi32, #tpu.memory_space<hbm>> -> memref<128xi32, #tpu.memory_space<hbm>>
    tpu.enqueue_dma source(%dma_start3A_10 : memref<128xi32, #tpu.memory_space<hbm>>) target(%arg11 : memref<128xi32, #tpu.memory_space<vmem>>) target_semaphore(%arg18 : memref<!tpu.dma_semaphore, #tpu.memory_space<semaphore_mem>>)
    %mul3A_11 = arith.constant 10240 : i32
    %mul3A_12 = arith.muli %add3A, %mul3A_11 : i32
    %add3A_13 = arith.constant 128 : i32
    %add3A_14 = arith.addi %mul3A_12, %add3A_13 : i32
    %multiple_of3A_15 = tpu.assume_multiple %add3A_14, 8 : i32
    %dma_start3A_16 = tpu.memref_slice %arg3[%multiple_of3A_15] : memref<327680xi32, #tpu.memory_space<hbm>> -> memref<128xi32, #tpu.memory_space<hbm>>
    %dma_start3A_17 = tpu.memref_slice %arg3[%multiple_of3A_15] : memref<327680xi32, #tpu.memory_space<hbm>> -> memref<128xi32, #tpu.memory_space<hbm>>
    tpu.enqueue_dma source(%dma_start3A_17 : memref<128xi32, #tpu.memory_space<hbm>>) target(%arg8 : memref<128xi32, #tpu.memory_space<vmem>>) target_semaphore(%arg19 : memref<!tpu.dma_semaphore, #tpu.memory_space<semaphore_mem>>)
    %dma_start3A_18 = tpu.memref_slice %arg4[%multiple_of3A_15] : memref<327680xi32, #tpu.memory_space<hbm>> -> memref<128xi32, #tpu.memory_space<hbm>>
    %dma_start3A_19 = tpu.memref_slice %arg4[%multiple_of3A_15] : memref<327680xi32, #tpu.memory_space<hbm>> -> memref<128xi32, #tpu.memory_space<hbm>>
    tpu.enqueue_dma source(%dma_start3A_19 : memref<128xi32, #tpu.memory_space<hbm>>) target(%arg12 : memref<128xi32, #tpu.memory_space<vmem>>) target_semaphore(%arg19 : memref<!tpu.dma_semaphore, #tpu.memory_space<semaphore_mem>>)
    %mul3A_20 = arith.constant 10240 : i32
    %mul3A_21 = arith.muli %add3A, %mul3A_20 : i32
    %add3A_22 = arith.constant 256 : i32
    %add3A_23 = arith.addi %mul3A_21, %add3A_22 : i32
    %multiple_of3A_24 = tpu.assume_multiple %add3A_23, 8 : i32
    %dma_start3A_25 = tpu.memref_slice %arg3[%multiple_of3A_24] : memref<327680xi32, #tpu.memory_space<hbm>> -> memref<128xi32, #tpu.memory_space<hbm>>
    %dma_start3A_26 = tpu.memref_slice %arg3[%multiple_of3A_24] : memref<327680xi32, #tpu.memory_space<hbm>> -> memref<128xi32, #tpu.memory_space<hbm>>
    tpu.enqueue_dma source(%dma_start3A_26 : memref<128xi32, #tpu.memory_space<hbm>>) target(%arg9 : memref<128xi32, #tpu.memory_space<vmem>>) target_semaphore(%arg20 : memref<!tpu.dma_semaphore, #tpu.memory_space<semaphore_mem>>)
    %dma_start3A_27 = tpu.memref_slice %arg4[%multiple_of3A_24] : memref<327680xi32, #tpu.memory_space<hbm>> -> memref<128xi32, #tpu.memory_space<hbm>>
    %dma_start3A_28 = tpu.memref_slice %arg4[%multiple_of3A_24] : memref<327680xi32, #tpu.memory_space<hbm>> -> memref<128xi32, #tpu.memory_space<hbm>>
    tpu.enqueue_dma source(%dma_start3A_28 : memref<128xi32, #tpu.memory_space<hbm>>) target(%arg13 : memref<128xi32, #tpu.memory_space<vmem>>) target_semaphore(%arg20 : memref<!tpu.dma_semaphore, #tpu.memory_space<semaphore_mem>>)
    %mul3A_29 = arith.constant 10240 : i32
    %mul3A_30 = arith.muli %add3A, %mul3A_29 : i32
    %add3A_31 = arith.constant 0 : i32
    %add3A_32 = arith.addi %mul3A_30, %add3A_31 : i32
    %multiple_of3A_33 = tpu.assume_multiple %add3A_32, 8 : i32
    %dma_wait3A = tpu.memref_slice %arg3[%multiple_of3A_33] : memref<327680xi32, #tpu.memory_space<hbm>> -> memref<128xi32, #tpu.memory_space<hbm>>
    %dma_wait3A_34 = tpu.memref_slice %arg3[%multiple_of3A_33] : memref<327680xi32, #tpu.memory_space<hbm>> -> memref<128xi32, #tpu.memory_space<hbm>>
    tpu.wait_dma2 semaphore(%arg18 : memref<!tpu.dma_semaphore, #tpu.memory_space<semaphore_mem>>) src(%dma_wait3A_34 : memref<128xi32, #tpu.memory_space<hbm>>) dst(%arg7 : memref<128xi32, #tpu.memory_space<vmem>>)
    %dma_wait3A_35 = tpu.memref_slice %arg4[%multiple_of3A_33] : memref<327680xi32, #tpu.memory_space<hbm>> -> memref<128xi32, #tpu.memory_space<hbm>>
    %dma_wait3A_36 = tpu.memref_slice %arg4[%multiple_of3A_33] : memref<327680xi32, #tpu.memory_space<hbm>> -> memref<128xi32, #tpu.memory_space<hbm>>
    tpu.wait_dma2 semaphore(%arg18 : memref<!tpu.dma_semaphore, #tpu.memory_space<semaphore_mem>>) src(%dma_wait3A_36 : memref<128xi32, #tpu.memory_space<hbm>>) dst(%arg11 : memref<128xi32, #tpu.memory_space<vmem>>)
    %dma_start3A_37 = arith.constant 0 : i32
    %dma_start3A_38 = arith.constant 0 : i32
    %dma_start3A_39 = tpu.memref_slice %arg2[%dma_start3A_37, %dma_start3A_38] : memref<10240x128xf32, #tpu.memory_space<hbm>> -> memref<10240x128xf32, #tpu.memory_space<hbm>>
    tpu.enqueue_indirect_dma source(%dma_start3A_39 : memref<10240x128xf32, #tpu.memory_space<hbm>>) target(%arg15 : memref<128x128xf32, #tpu.memory_space<vmem>>) offsets(%arg7 : memref<128xi32, #tpu.memory_space<vmem>>) semaphore(%arg22 : memref<!tpu.dma_semaphore, #tpu.memory_space<semaphore_mem>>)
    %scan3A = arith.constant 0 : i32
    %scan3A_40 = arith.constant 0 : i32
    %scan3A_41 = arith.constant 20 : i32
    %scan3A_42 = arith.addi %scan3A_40, %scan3A_41 : i32
    %scan3A_43 = arith.constant 1 : i32
    %scan3A_44 = scf.for %scan3A_50 = %scan3A_40 to %scan3A_42 step %scan3A_43 iter_args(%scan3A_51 = %scan3A) -> (i32)  : i32 {
      %mul3A_52 = arith.constant 4 : i32
      %mul3A_53 = arith.muli %mul3A_52, %scan3A_50 : i32
      %add3A_54 = arith.constant 0 : i32
      %add3A_55 = arith.addi %mul3A_53, %add3A_54 : i32
      %add3A_56 = arith.constant 4 : i32
      %add3A_57 = arith.addi %add3A_55, %add3A_56 : i32
      %sub3A = arith.constant 1 : i32
      %sub3A_58 = arith.subi %add3A_57, %sub3A : i32
      %lt3A = arith.constant 80 : i32
      %lt3A_59 = arith.cmpi slt, %sub3A_58, %lt3A : i32
      %convert_element_type3A = arith.extui %lt3A_59 : i1 to i32
      %cond3A = arith.constant 0 : i32
      %cond3A_60 = arith.cmpi ne, %convert_element_type3A, %cond3A : i32
      scf.if %cond3A_60 {
        %mul3A_141 = arith.constant 10240 : i32
        %mul3A_142 = arith.muli %add3A, %mul3A_141 : i32
        %mul3A_143 = arith.constant 128 : i32
        %mul3A_144 = arith.muli %sub3A_58, %mul3A_143 : i32
        %add3A_145 = arith.addi %mul3A_142, %mul3A_144 : i32
        %multiple_of3A_146 = tpu.assume_multiple %add3A_145, 8 : i32
        %dma_start3A_147 = tpu.memref_slice %arg3[%multiple_of3A_146] : memref<327680xi32, #tpu.memory_space<hbm>> -> memref<128xi32, #tpu.memory_space<hbm>>
        %dma_start3A_148 = tpu.memref_slice %arg3[%multiple_of3A_146] : memref<327680xi32, #tpu.memory_space<hbm>> -> memref<128xi32, #tpu.memory_space<hbm>>
        tpu.enqueue_dma source(%dma_start3A_148 : memref<128xi32, #tpu.memory_space<hbm>>) target(%arg10 : memref<128xi32, #tpu.memory_space<vmem>>) target_semaphore(%arg21 : memref<!tpu.dma_semaphore, #tpu.memory_space<semaphore_mem>>)
        %dma_start3A_149 = tpu.memref_slice %arg4[%multiple_of3A_146] : memref<327680xi32, #tpu.memory_space<hbm>> -> memref<128xi32, #tpu.memory_space<hbm>>
        %dma_start3A_150 = tpu.memref_slice %arg4[%multiple_of3A_146] : memref<327680xi32, #tpu.memory_space<hbm>> -> memref<128xi32, #tpu.memory_space<hbm>>
        tpu.enqueue_dma source(%dma_start3A_150 : memref<128xi32, #tpu.memory_space<hbm>>) target(%arg14 : memref<128xi32, #tpu.memory_space<vmem>>) target_semaphore(%arg21 : memref<!tpu.dma_semaphore, #tpu.memory_space<semaphore_mem>>)
      } else {
      }
      %add3A_61 = arith.constant 1 : i32
      %add3A_62 = arith.addi %add3A_55, %add3A_61 : i32
      %lt3A_63 = arith.constant 80 : i32
      %lt3A_64 = arith.cmpi slt, %add3A_62, %lt3A_63 : i32
      %convert_element_type3A_65 = arith.extui %lt3A_64 : i1 to i32
      %cond3A_66 = arith.constant 0 : i32
      %cond3A_67 = arith.cmpi ne, %convert_element_type3A_65, %cond3A_66 : i32
      scf.if %cond3A_67 {
        %add3A_141 = arith.constant 1 : i32
        %add3A_142 = arith.addi %add3A_55, %add3A_141 : i32
        %mul3A_143 = arith.constant 10240 : i32
        %mul3A_144 = arith.muli %add3A, %mul3A_143 : i32
        %mul3A_145 = arith.constant 128 : i32
        %mul3A_146 = arith.muli %add3A_142, %mul3A_145 : i32
        %add3A_147 = arith.addi %mul3A_144, %mul3A_146 : i32
        %multiple_of3A_148 = tpu.assume_multiple %add3A_147, 8 : i32
        %dma_wait3A_149 = tpu.memref_slice %arg3[%multiple_of3A_148] : memref<327680xi32, #tpu.memory_space<hbm>> -> memref<128xi32, #tpu.memory_space<hbm>>
        %dma_wait3A_150 = tpu.memref_slice %arg3[%multiple_of3A_148] : memref<327680xi32, #tpu.memory_space<hbm>> -> memref<128xi32, #tpu.memory_space<hbm>>
        tpu.wait_dma2 semaphore(%arg19 : memref<!tpu.dma_semaphore, #tpu.memory_space<semaphore_mem>>) src(%dma_wait3A_150 : memref<128xi32, #tpu.memory_space<hbm>>) dst(%arg8 : memref<128xi32, #tpu.memory_space<vmem>>)
        %dma_wait3A_151 = tpu.memref_slice %arg4[%multiple_of3A_148] : memref<327680xi32, #tpu.memory_space<hbm>> -> memref<128xi32, #tpu.memory_space<hbm>>
        %dma_wait3A_152 = tpu.memref_slice %arg4[%multiple_of3A_148] : memref<327680xi32, #tpu.memory_space<hbm>> -> memref<128xi32, #tpu.memory_space<hbm>>
        tpu.wait_dma2 semaphore(%arg19 : memref<!tpu.dma_semaphore, #tpu.memory_space<semaphore_mem>>) src(%dma_wait3A_152 : memref<128xi32, #tpu.memory_space<hbm>>) dst(%arg12 : memref<128xi32, #tpu.memory_space<vmem>>)
        %dma_start3A_153 = arith.constant 0 : i32
        %dma_start3A_154 = arith.constant 0 : i32
        %dma_start3A_155 = tpu.memref_slice %arg2[%dma_start3A_153, %dma_start3A_154] : memref<10240x128xf32, #tpu.memory_space<hbm>> -> memref<10240x128xf32, #tpu.memory_space<hbm>>
        tpu.enqueue_indirect_dma source(%dma_start3A_155 : memref<10240x128xf32, #tpu.memory_space<hbm>>) target(%arg16 : memref<128x128xf32, #tpu.memory_space<vmem>>) offsets(%arg8 : memref<128xi32, #tpu.memory_space<vmem>>) semaphore(%arg23 : memref<!tpu.dma_semaphore, #tpu.memory_space<semaphore_mem>>)
      } else {
      }
      %dma_wait3A_68 = arith.constant 0 : i32
      %dma_wait3A_69 = arith.constant 0 : i32
      %dma_wait3A_70 = tpu.memref_slice %arg2[%dma_wait3A_68, %dma_wait3A_69] : memref<10240x128xf32, #tpu.memory_space<hbm>> -> memref<10240x128xf32, #tpu.memory_space<hbm>>
      tpu.wait_indirect_dma semaphore(%arg22 : memref<!tpu.dma_semaphore, #tpu.memory_space<semaphore_mem>>) src(%dma_wait3A_70 : memref<10240x128xf32, #tpu.memory_space<hbm>>) dst(%arg15 : memref<128x128xf32, #tpu.memory_space<vmem>>)
      "tpu.region"() ({
        %run_scoped3A = tpu.sem_alloc : memref<!tpu.dma_semaphore, #tpu.memory_space<semaphore_mem>>
        %dma_start3A_141 = arith.constant 0 : i32
        %dma_start3A_142 = arith.constant 0 : i32
        %dma_start3A_143 = tpu.memref_slice %arg17[%dma_start3A_141, %dma_start3A_142] : memref<10240x128xf32, #tpu.memory_space<vmem_shared>> -> memref<10240x128xf32, #tpu.memory_space<vmem_shared>>
        tpu.enqueue_indirect_dma source(%arg15 : memref<128x128xf32, #tpu.memory_space<vmem>>) target(%dma_start3A_143 : memref<10240x128xf32, #tpu.memory_space<vmem_shared>>) offsets(%arg11 : memref<128xi32, #tpu.memory_space<vmem>>) semaphore(%run_scoped3A : memref<!tpu.dma_semaphore, #tpu.memory_space<semaphore_mem>>) {add = true}
        %dma_wait3A_144 = arith.constant 0 : i32
        %dma_wait3A_145 = arith.constant 0 : i32
        %dma_wait3A_146 = tpu.memref_slice %arg17[%dma_wait3A_144, %dma_wait3A_145] : memref<10240x128xf32, #tpu.memory_space<vmem_shared>> -> memref<10240x128xf32, #tpu.memory_space<vmem_shared>>
        tpu.wait_indirect_dma semaphore(%run_scoped3A : memref<!tpu.dma_semaphore, #tpu.memory_space<semaphore_mem>>) src(%arg15 : memref<128x128xf32, #tpu.memory_space<vmem>>) dst(%dma_wait3A_146 : memref<10240x128xf32, #tpu.memory_space<vmem_shared>>)
        tpu.yield
      }) : () -> ()
      %mul3A_71 = arith.constant 4 : i32
      %mul3A_72 = arith.muli %mul3A_71, %scan3A_50 : i32
      %add3A_73 = arith.constant 1 : i32
      %add3A_74 = arith.addi %mul3A_72, %add3A_73 : i32
      %add3A_75 = arith.constant 4 : i32
      %add3A_76 = arith.addi %add3A_74, %add3A_75 : i32
      %sub3A_77 = arith.constant 1 : i32
      %sub3A_78 = arith.subi %add3A_76, %sub3A_77 : i32
      %lt3A_79 = arith.constant 80 : i32
      %lt3A_80 = arith.cmpi slt, %sub3A_78, %lt3A_79 : i32
      %convert_element_type3A_81 = arith.extui %lt3A_80 : i1 to i32
      %cond3A_82 = arith.constant 0 : i32
      %cond3A_83 = arith.cmpi ne, %convert_element_type3A_81, %cond3A_82 : i32
      scf.if %cond3A_83 {
        %mul3A_141 = arith.constant 10240 : i32
        %mul3A_142 = arith.muli %add3A, %mul3A_141 : i32
        %mul3A_143 = arith.constant 128 : i32
        %mul3A_144 = arith.muli %sub3A_78, %mul3A_143 : i32
        %add3A_145 = arith.addi %mul3A_142, %mul3A_144 : i32
        %multiple_of3A_146 = tpu.assume_multiple %add3A_145, 8 : i32
        %dma_start3A_147 = tpu.memref_slice %arg3[%multiple_of3A_146] : memref<327680xi32, #tpu.memory_space<hbm>> -> memref<128xi32, #tpu.memory_space<hbm>>
        %dma_start3A_148 = tpu.memref_slice %arg3[%multiple_of3A_146] : memref<327680xi32, #tpu.memory_space<hbm>> -> memref<128xi32, #tpu.memory_space<hbm>>
        tpu.enqueue_dma source(%dma_start3A_148 : memref<128xi32, #tpu.memory_space<hbm>>) target(%arg7 : memref<128xi32, #tpu.memory_space<vmem>>) target_semaphore(%arg18 : memref<!tpu.dma_semaphore, #tpu.memory_space<semaphore_mem>>)
        %dma_start3A_149 = tpu.memref_slice %arg4[%multiple_of3A_146] : memref<327680xi32, #tpu.memory_space<hbm>> -> memref<128xi32, #tpu.memory_space<hbm>>
        %dma_start3A_150 = tpu.memref_slice %arg4[%multiple_of3A_146] : memref<327680xi32, #tpu.memory_space<hbm>> -> memref<128xi32, #tpu.memory_space<hbm>>
        tpu.enqueue_dma source(%dma_start3A_150 : memref<128xi32, #tpu.memory_space<hbm>>) target(%arg11 : memref<128xi32, #tpu.memory_space<vmem>>) target_semaphore(%arg18 : memref<!tpu.dma_semaphore, #tpu.memory_space<semaphore_mem>>)
      } else {
      }
      %add3A_84 = arith.constant 1 : i32
      %add3A_85 = arith.addi %add3A_74, %add3A_84 : i32
      %lt3A_86 = arith.constant 80 : i32
      %lt3A_87 = arith.cmpi slt, %add3A_85, %lt3A_86 : i32
      %convert_element_type3A_88 = arith.extui %lt3A_87 : i1 to i32
      %cond3A_89 = arith.constant 0 : i32
      %cond3A_90 = arith.cmpi ne, %convert_element_type3A_88, %cond3A_89 : i32
      scf.if %cond3A_90 {
        %add3A_141 = arith.constant 1 : i32
        %add3A_142 = arith.addi %add3A_74, %add3A_141 : i32
        %mul3A_143 = arith.constant 10240 : i32
        %mul3A_144 = arith.muli %add3A, %mul3A_143 : i32
        %mul3A_145 = arith.constant 128 : i32
        %mul3A_146 = arith.muli %add3A_142, %mul3A_145 : i32
        %add3A_147 = arith.addi %mul3A_144, %mul3A_146 : i32
        %multiple_of3A_148 = tpu.assume_multiple %add3A_147, 8 : i32
        %dma_wait3A_149 = tpu.memref_slice %arg3[%multiple_of3A_148] : memref<327680xi32, #tpu.memory_space<hbm>> -> memref<128xi32, #tpu.memory_space<hbm>>
        %dma_wait3A_150 = tpu.memref_slice %arg3[%multiple_of3A_148] : memref<327680xi32, #tpu.memory_space<hbm>> -> memref<128xi32, #tpu.memory_space<hbm>>
        tpu.wait_dma2 semaphore(%arg20 : memref<!tpu.dma_semaphore, #tpu.memory_space<semaphore_mem>>) src(%dma_wait3A_150 : memref<128xi32, #tpu.memory_space<hbm>>) dst(%arg9 : memref<128xi32, #tpu.memory_space<vmem>>)
        %dma_wait3A_151 = tpu.memref_slice %arg4[%multiple_of3A_148] : memref<327680xi32, #tpu.memory_space<hbm>> -> memref<128xi32, #tpu.memory_space<hbm>>
        %dma_wait3A_152 = tpu.memref_slice %arg4[%multiple_of3A_148] : memref<327680xi32, #tpu.memory_space<hbm>> -> memref<128xi32, #tpu.memory_space<hbm>>
        tpu.wait_dma2 semaphore(%arg20 : memref<!tpu.dma_semaphore, #tpu.memory_space<semaphore_mem>>) src(%dma_wait3A_152 : memref<128xi32, #tpu.memory_space<hbm>>) dst(%arg13 : memref<128xi32, #tpu.memory_space<vmem>>)
        %dma_start3A_153 = arith.constant 0 : i32
        %dma_start3A_154 = arith.constant 0 : i32
        %dma_start3A_155 = tpu.memref_slice %arg2[%dma_start3A_153, %dma_start3A_154] : memref<10240x128xf32, #tpu.memory_space<hbm>> -> memref<10240x128xf32, #tpu.memory_space<hbm>>
        tpu.enqueue_indirect_dma source(%dma_start3A_155 : memref<10240x128xf32, #tpu.memory_space<hbm>>) target(%arg15 : memref<128x128xf32, #tpu.memory_space<vmem>>) offsets(%arg9 : memref<128xi32, #tpu.memory_space<vmem>>) semaphore(%arg22 : memref<!tpu.dma_semaphore, #tpu.memory_space<semaphore_mem>>)
      } else {
      }
      %dma_wait3A_91 = arith.constant 0 : i32
      %dma_wait3A_92 = arith.constant 0 : i32
      %dma_wait3A_93 = tpu.memref_slice %arg2[%dma_wait3A_91, %dma_wait3A_92] : memref<10240x128xf32, #tpu.memory_space<hbm>> -> memref<10240x128xf32, #tpu.memory_space<hbm>>
      tpu.wait_indirect_dma semaphore(%arg23 : memref<!tpu.dma_semaphore, #tpu.memory_space<semaphore_mem>>) src(%dma_wait3A_93 : memref<10240x128xf32, #tpu.memory_space<hbm>>) dst(%arg16 : memref<128x128xf32, #tpu.memory_space<vmem>>)
      "tpu.region"() ({
        %run_scoped3A = tpu.sem_alloc : memref<!tpu.dma_semaphore, #tpu.memory_space<semaphore_mem>>
        %dma_start3A_141 = arith.constant 0 : i32
        %dma_start3A_142 = arith.constant 0 : i32
        %dma_start3A_143 = tpu.memref_slice %arg17[%dma_start3A_141, %dma_start3A_142] : memref<10240x128xf32, #tpu.memory_space<vmem_shared>> -> memref<10240x128xf32, #tpu.memory_space<vmem_shared>>
        tpu.enqueue_indirect_dma source(%arg16 : memref<128x128xf32, #tpu.memory_space<vmem>>) target(%dma_start3A_143 : memref<10240x128xf32, #tpu.memory_space<vmem_shared>>) offsets(%arg12 : memref<128xi32, #tpu.memory_space<vmem>>) semaphore(%run_scoped3A : memref<!tpu.dma_semaphore, #tpu.memory_space<semaphore_mem>>) {add = true}
        %dma_wait3A_144 = arith.constant 0 : i32
        %dma_wait3A_145 = arith.constant 0 : i32
        %dma_wait3A_146 = tpu.memref_slice %arg17[%dma_wait3A_144, %dma_wait3A_145] : memref<10240x128xf32, #tpu.memory_space<vmem_shared>> -> memref<10240x128xf32, #tpu.memory_space<vmem_shared>>
        tpu.wait_indirect_dma semaphore(%run_scoped3A : memref<!tpu.dma_semaphore, #tpu.memory_space<semaphore_mem>>) src(%arg16 : memref<128x128xf32, #tpu.memory_space<vmem>>) dst(%dma_wait3A_146 : memref<10240x128xf32, #tpu.memory_space<vmem_shared>>)
        tpu.yield
      }) : () -> ()
      %mul3A_94 = arith.constant 4 : i32
      %mul3A_95 = arith.muli %mul3A_94, %scan3A_50 : i32
      %add3A_96 = arith.constant 2 : i32
      %add3A_97 = arith.addi %mul3A_95, %add3A_96 : i32
      %add3A_98 = arith.constant 4 : i32
      %add3A_99 = arith.addi %add3A_97, %add3A_98 : i32
      %sub3A_100 = arith.constant 1 : i32
      %sub3A_101 = arith.subi %add3A_99, %sub3A_100 : i32
      %lt3A_102 = arith.constant 80 : i32
      %lt3A_103 = arith.cmpi slt, %sub3A_101, %lt3A_102 : i32
      %convert_element_type3A_104 = arith.extui %lt3A_103 : i1 to i32
      %cond3A_105 = arith.constant 0 : i32
      %cond3A_106 = arith.cmpi ne, %convert_element_type3A_104, %cond3A_105 : i32
      scf.if %cond3A_106 {
        %mul3A_141 = arith.constant 10240 : i32
        %mul3A_142 = arith.muli %add3A, %mul3A_141 : i32
        %mul3A_143 = arith.constant 128 : i32
        %mul3A_144 = arith.muli %sub3A_101, %mul3A_143 : i32
        %add3A_145 = arith.addi %mul3A_142, %mul3A_144 : i32
        %multiple_of3A_146 = tpu.assume_multiple %add3A_145, 8 : i32
        %dma_start3A_147 = tpu.memref_slice %arg3[%multiple_of3A_146] : memref<327680xi32, #tpu.memory_space<hbm>> -> memref<128xi32, #tpu.memory_space<hbm>>
        %dma_start3A_148 = tpu.memref_slice %arg3[%multiple_of3A_146] : memref<327680xi32, #tpu.memory_space<hbm>> -> memref<128xi32, #tpu.memory_space<hbm>>
        tpu.enqueue_dma source(%dma_start3A_148 : memref<128xi32, #tpu.memory_space<hbm>>) target(%arg8 : memref<128xi32, #tpu.memory_space<vmem>>) target_semaphore(%arg19 : memref<!tpu.dma_semaphore, #tpu.memory_space<semaphore_mem>>)
        %dma_start3A_149 = tpu.memref_slice %arg4[%multiple_of3A_146] : memref<327680xi32, #tpu.memory_space<hbm>> -> memref<128xi32, #tpu.memory_space<hbm>>
        %dma_start3A_150 = tpu.memref_slice %arg4[%multiple_of3A_146] : memref<327680xi32, #tpu.memory_space<hbm>> -> memref<128xi32, #tpu.memory_space<hbm>>
        tpu.enqueue_dma source(%dma_start3A_150 : memref<128xi32, #tpu.memory_space<hbm>>) target(%arg12 : memref<128xi32, #tpu.memory_space<vmem>>) target_semaphore(%arg19 : memref<!tpu.dma_semaphore, #tpu.memory_space<semaphore_mem>>)
      } else {
      }
      %add3A_107 = arith.constant 1 : i32
      %add3A_108 = arith.addi %add3A_97, %add3A_107 : i32
      %lt3A_109 = arith.constant 80 : i32
      %lt3A_110 = arith.cmpi slt, %add3A_108, %lt3A_109 : i32
      %convert_element_type3A_111 = arith.extui %lt3A_110 : i1 to i32
      %cond3A_112 = arith.constant 0 : i32
      %cond3A_113 = arith.cmpi ne, %convert_element_type3A_111, %cond3A_112 : i32
      scf.if %cond3A_113 {
        %add3A_141 = arith.constant 1 : i32
        %add3A_142 = arith.addi %add3A_97, %add3A_141 : i32
        %mul3A_143 = arith.constant 10240 : i32
        %mul3A_144 = arith.muli %add3A, %mul3A_143 : i32
        %mul3A_145 = arith.constant 128 : i32
        %mul3A_146 = arith.muli %add3A_142, %mul3A_145 : i32
        %add3A_147 = arith.addi %mul3A_144, %mul3A_146 : i32
        %multiple_of3A_148 = tpu.assume_multiple %add3A_147, 8 : i32
        %dma_wait3A_149 = tpu.memref_slice %arg3[%multiple_of3A_148] : memref<327680xi32, #tpu.memory_space<hbm>> -> memref<128xi32, #tpu.memory_space<hbm>>
        %dma_wait3A_150 = tpu.memref_slice %arg3[%multiple_of3A_148] : memref<327680xi32, #tpu.memory_space<hbm>> -> memref<128xi32, #tpu.memory_space<hbm>>
        tpu.wait_dma2 semaphore(%arg21 : memref<!tpu.dma_semaphore, #tpu.memory_space<semaphore_mem>>) src(%dma_wait3A_150 : memref<128xi32, #tpu.memory_space<hbm>>) dst(%arg10 : memref<128xi32, #tpu.memory_space<vmem>>)
        %dma_wait3A_151 = tpu.memref_slice %arg4[%multiple_of3A_148] : memref<327680xi32, #tpu.memory_space<hbm>> -> memref<128xi32, #tpu.memory_space<hbm>>
        %dma_wait3A_152 = tpu.memref_slice %arg4[%multiple_of3A_148] : memref<327680xi32, #tpu.memory_space<hbm>> -> memref<128xi32, #tpu.memory_space<hbm>>
        tpu.wait_dma2 semaphore(%arg21 : memref<!tpu.dma_semaphore, #tpu.memory_space<semaphore_mem>>) src(%dma_wait3A_152 : memref<128xi32, #tpu.memory_space<hbm>>) dst(%arg14 : memref<128xi32, #tpu.memory_space<vmem>>)
        %dma_start3A_153 = arith.constant 0 : i32
        %dma_start3A_154 = arith.constant 0 : i32
        %dma_start3A_155 = tpu.memref_slice %arg2[%dma_start3A_153, %dma_start3A_154] : memref<10240x128xf32, #tpu.memory_space<hbm>> -> memref<10240x128xf32, #tpu.memory_space<hbm>>
        tpu.enqueue_indirect_dma source(%dma_start3A_155 : memref<10240x128xf32, #tpu.memory_space<hbm>>) target(%arg16 : memref<128x128xf32, #tpu.memory_space<vmem>>) offsets(%arg10 : memref<128xi32, #tpu.memory_space<vmem>>) semaphore(%arg23 : memref<!tpu.dma_semaphore, #tpu.memory_space<semaphore_mem>>)
      } else {
      }
      %dma_wait3A_114 = arith.constant 0 : i32
      %dma_wait3A_115 = arith.constant 0 : i32
      %dma_wait3A_116 = tpu.memref_slice %arg2[%dma_wait3A_114, %dma_wait3A_115] : memref<10240x128xf32, #tpu.memory_space<hbm>> -> memref<10240x128xf32, #tpu.memory_space<hbm>>
      tpu.wait_indirect_dma semaphore(%arg22 : memref<!tpu.dma_semaphore, #tpu.memory_space<semaphore_mem>>) src(%dma_wait3A_116 : memref<10240x128xf32, #tpu.memory_space<hbm>>) dst(%arg15 : memref<128x128xf32, #tpu.memory_space<vmem>>)
      "tpu.region"() ({
        %run_scoped3A = tpu.sem_alloc : memref<!tpu.dma_semaphore, #tpu.memory_space<semaphore_mem>>
        %dma_start3A_141 = arith.constant 0 : i32
        %dma_start3A_142 = arith.constant 0 : i32
        %dma_start3A_143 = tpu.memref_slice %arg17[%dma_start3A_141, %dma_start3A_142] : memref<10240x128xf32, #tpu.memory_space<vmem_shared>> -> memref<10240x128xf32, #tpu.memory_space<vmem_shared>>
        tpu.enqueue_indirect_dma source(%arg15 : memref<128x128xf32, #tpu.memory_space<vmem>>) target(%dma_start3A_143 : memref<10240x128xf32, #tpu.memory_space<vmem_shared>>) offsets(%arg13 : memref<128xi32, #tpu.memory_space<vmem>>) semaphore(%run_scoped3A : memref<!tpu.dma_semaphore, #tpu.memory_space<semaphore_mem>>) {add = true}
        %dma_wait3A_144 = arith.constant 0 : i32
        %dma_wait3A_145 = arith.constant 0 : i32
        %dma_wait3A_146 = tpu.memref_slice %arg17[%dma_wait3A_144, %dma_wait3A_145] : memref<10240x128xf32, #tpu.memory_space<vmem_shared>> -> memref<10240x128xf32, #tpu.memory_space<vmem_shared>>
        tpu.wait_indirect_dma semaphore(%run_scoped3A : memref<!tpu.dma_semaphore, #tpu.memory_space<semaphore_mem>>) src(%arg15 : memref<128x128xf32, #tpu.memory_space<vmem>>) dst(%dma_wait3A_146 : memref<10240x128xf32, #tpu.memory_space<vmem_shared>>)
        tpu.yield
      }) : () -> ()
      %mul3A_117 = arith.constant 4 : i32
      %mul3A_118 = arith.muli %mul3A_117, %scan3A_50 : i32
      %add3A_119 = arith.constant 3 : i32
      %add3A_120 = arith.addi %mul3A_118, %add3A_119 : i32
      %add3A_121 = arith.constant 4 : i32
      %add3A_122 = arith.addi %add3A_120, %add3A_121 : i32
      %sub3A_123 = arith.constant 1 : i32
      %sub3A_124 = arith.subi %add3A_122, %sub3A_123 : i32
      %lt3A_125 = arith.constant 80 : i32
      %lt3A_126 = arith.cmpi slt, %sub3A_124, %lt3A_125 : i32
      %convert_element_type3A_127 = arith.extui %lt3A_126 : i1 to i32
      %cond3A_128 = arith.constant 0 : i32
      %cond3A_129 = arith.cmpi ne, %convert_element_type3A_127, %cond3A_128 : i32
      scf.if %cond3A_129 {
        %mul3A_141 = arith.constant 10240 : i32
        %mul3A_142 = arith.muli %add3A, %mul3A_141 : i32
        %mul3A_143 = arith.constant 128 : i32
        %mul3A_144 = arith.muli %sub3A_124, %mul3A_143 : i32
        %add3A_145 = arith.addi %mul3A_142, %mul3A_144 : i32
        %multiple_of3A_146 = tpu.assume_multiple %add3A_145, 8 : i32
        %dma_start3A_147 = tpu.memref_slice %arg3[%multiple_of3A_146] : memref<327680xi32, #tpu.memory_space<hbm>> -> memref<128xi32, #tpu.memory_space<hbm>>
        %dma_start3A_148 = tpu.memref_slice %arg3[%multiple_of3A_146] : memref<327680xi32, #tpu.memory_space<hbm>> -> memref<128xi32, #tpu.memory_space<hbm>>
        tpu.enqueue_dma source(%dma_start3A_148 : memref<128xi32, #tpu.memory_space<hbm>>) target(%arg9 : memref<128xi32, #tpu.memory_space<vmem>>) target_semaphore(%arg20 : memref<!tpu.dma_semaphore, #tpu.memory_space<semaphore_mem>>)
        %dma_start3A_149 = tpu.memref_slice %arg4[%multiple_of3A_146] : memref<327680xi32, #tpu.memory_space<hbm>> -> memref<128xi32, #tpu.memory_space<hbm>>
        %dma_start3A_150 = tpu.memref_slice %arg4[%multiple_of3A_146] : memref<327680xi32, #tpu.memory_space<hbm>> -> memref<128xi32, #tpu.memory_space<hbm>>
        tpu.enqueue_dma source(%dma_start3A_150 : memref<128xi32, #tpu.memory_space<hbm>>) target(%arg13 : memref<128xi32, #tpu.memory_space<vmem>>) target_semaphore(%arg20 : memref<!tpu.dma_semaphore, #tpu.memory_space<semaphore_mem>>)
      } else {
      }
      %add3A_130 = arith.constant 1 : i32
      %add3A_131 = arith.addi %add3A_120, %add3A_130 : i32
      %lt3A_132 = arith.constant 80 : i32
      %lt3A_133 = arith.cmpi slt, %add3A_131, %lt3A_132 : i32
      %convert_element_type3A_134 = arith.extui %lt3A_133 : i1 to i32
      %cond3A_135 = arith.constant 0 : i32
      %cond3A_136 = arith.cmpi ne, %convert_element_type3A_134, %cond3A_135 : i32
      scf.if %cond3A_136 {
        %add3A_141 = arith.constant 1 : i32
        %add3A_142 = arith.addi %add3A_120, %add3A_141 : i32
        %mul3A_143 = arith.constant 10240 : i32
        %mul3A_144 = arith.muli %add3A, %mul3A_143 : i32
        %mul3A_145 = arith.constant 128 : i32
        %mul3A_146 = arith.muli %add3A_142, %mul3A_145 : i32
        %add3A_147 = arith.addi %mul3A_144, %mul3A_146 : i32
        %multiple_of3A_148 = tpu.assume_multiple %add3A_147, 8 : i32
        %dma_wait3A_149 = tpu.memref_slice %arg3[%multiple_of3A_148] : memref<327680xi32, #tpu.memory_space<hbm>> -> memref<128xi32, #tpu.memory_space<hbm>>
        %dma_wait3A_150 = tpu.memref_slice %arg3[%multiple_of3A_148] : memref<327680xi32, #tpu.memory_space<hbm>> -> memref<128xi32, #tpu.memory_space<hbm>>
        tpu.wait_dma2 semaphore(%arg18 : memref<!tpu.dma_semaphore, #tpu.memory_space<semaphore_mem>>) src(%dma_wait3A_150 : memref<128xi32, #tpu.memory_space<hbm>>) dst(%arg7 : memref<128xi32, #tpu.memory_space<vmem>>)
        %dma_wait3A_151 = tpu.memref_slice %arg4[%multiple_of3A_148] : memref<327680xi32, #tpu.memory_space<hbm>> -> memref<128xi32, #tpu.memory_space<hbm>>
        %dma_wait3A_152 = tpu.memref_slice %arg4[%multiple_of3A_148] : memref<327680xi32, #tpu.memory_space<hbm>> -> memref<128xi32, #tpu.memory_space<hbm>>
        tpu.wait_dma2 semaphore(%arg18 : memref<!tpu.dma_semaphore, #tpu.memory_space<semaphore_mem>>) src(%dma_wait3A_152 : memref<128xi32, #tpu.memory_space<hbm>>) dst(%arg11 : memref<128xi32, #tpu.memory_space<vmem>>)
        %dma_start3A_153 = arith.constant 0 : i32
        %dma_start3A_154 = arith.constant 0 : i32
        %dma_start3A_155 = tpu.memref_slice %arg2[%dma_start3A_153, %dma_start3A_154] : memref<10240x128xf32, #tpu.memory_space<hbm>> -> memref<10240x128xf32, #tpu.memory_space<hbm>>
        tpu.enqueue_indirect_dma source(%dma_start3A_155 : memref<10240x128xf32, #tpu.memory_space<hbm>>) target(%arg15 : memref<128x128xf32, #tpu.memory_space<vmem>>) offsets(%arg7 : memref<128xi32, #tpu.memory_space<vmem>>) semaphore(%arg22 : memref<!tpu.dma_semaphore, #tpu.memory_space<semaphore_mem>>)
      } else {
      }
      %dma_wait3A_137 = arith.constant 0 : i32
      %dma_wait3A_138 = arith.constant 0 : i32
      %dma_wait3A_139 = tpu.memref_slice %arg2[%dma_wait3A_137, %dma_wait3A_138] : memref<10240x128xf32, #tpu.memory_space<hbm>> -> memref<10240x128xf32, #tpu.memory_space<hbm>>
      tpu.wait_indirect_dma semaphore(%arg23 : memref<!tpu.dma_semaphore, #tpu.memory_space<semaphore_mem>>) src(%dma_wait3A_139 : memref<10240x128xf32, #tpu.memory_space<hbm>>) dst(%arg16 : memref<128x128xf32, #tpu.memory_space<vmem>>)
      "tpu.region"() ({
        %run_scoped3A = tpu.sem_alloc : memref<!tpu.dma_semaphore, #tpu.memory_space<semaphore_mem>>
        %dma_start3A_141 = arith.constant 0 : i32
        %dma_start3A_142 = arith.constant 0 : i32
        %dma_start3A_143 = tpu.memref_slice %arg17[%dma_start3A_141, %dma_start3A_142] : memref<10240x128xf32, #tpu.memory_space<vmem_shared>> -> memref<10240x128xf32, #tpu.memory_space<vmem_shared>>
        tpu.enqueue_indirect_dma source(%arg16 : memref<128x128xf32, #tpu.memory_space<vmem>>) target(%dma_start3A_143 : memref<10240x128xf32, #tpu.memory_space<vmem_shared>>) offsets(%arg14 : memref<128xi32, #tpu.memory_space<vmem>>) semaphore(%run_scoped3A : memref<!tpu.dma_semaphore, #tpu.memory_space<semaphore_mem>>) {add = true}
        %dma_wait3A_144 = arith.constant 0 : i32
        %dma_wait3A_145 = arith.constant 0 : i32
        %dma_wait3A_146 = tpu.memref_slice %arg17[%dma_wait3A_144, %dma_wait3A_145] : memref<10240x128xf32, #tpu.memory_space<vmem_shared>> -> memref<10240x128xf32, #tpu.memory_space<vmem_shared>>
        tpu.wait_indirect_dma semaphore(%run_scoped3A : memref<!tpu.dma_semaphore, #tpu.memory_space<semaphore_mem>>) src(%arg16 : memref<128x128xf32, #tpu.memory_space<vmem>>) dst(%dma_wait3A_146 : memref<10240x128xf32, #tpu.memory_space<vmem_shared>>)
        tpu.yield
      }) : () -> ()
      %scan3A_140 = arith.constant 0 : i32
      scf.yield %scan3A_140 : i32
    }
    %scan3A_45 = arith.constant 20 : i32
    %barrier3A_46 = arith.constant 0 : index
    tpu.barrier barrier_id(%barrier3A_46)
    %mul3A_47 = arith.constant 640 : i32
    %mul3A_48 = arith.muli %arg1, %mul3A_47 : i32
    %multiple_of3A_49 = tpu.assume_multiple %mul3A_48, 8 : i32
    "tpu.region"() ({
      %run_scoped3A = tpu.sem_alloc : memref<!tpu.dma_semaphore, #tpu.memory_space<semaphore_mem>>
      %dma_start3A_50 = arith.constant 0 : i32
      %dma_start3A_51 = tpu.memref_slice %arg6[%arg0, %multiple_of3A_49, %dma_start3A_50] : memref<2x10240x128xf32, #tpu.memory_space<hbm>> -> memref<1x640x128xf32, #tpu.memory_space<hbm>>
      %dma_start3A_52 = tpu.memref_squeeze %dma_start3A_51 : memref<1x640x128xf32, #tpu.memory_space<hbm>> -> memref<640x128xf32, #tpu.memory_space<hbm>>
      %dma_start3A_53 = arith.constant 0 : i32
      %dma_start3A_54 = tpu.memref_slice %arg17[%multiple_of3A_49, %dma_start3A_53] : memref<10240x128xf32, #tpu.memory_space<vmem_shared>> -> memref<640x128xf32, #tpu.memory_space<vmem_shared>>
      tpu.enqueue_dma source(%dma_start3A_54 : memref<640x128xf32, #tpu.memory_space<vmem_shared>>) target(%dma_start3A_52 : memref<640x128xf32, #tpu.memory_space<hbm>>) target_semaphore(%run_scoped3A : memref<!tpu.dma_semaphore, #tpu.memory_space<semaphore_mem>>)
      %dma_wait3A_55 = arith.constant 0 : i32
      %dma_wait3A_56 = tpu.memref_slice %arg6[%arg0, %multiple_of3A_49, %dma_wait3A_55] : memref<2x10240x128xf32, #tpu.memory_space<hbm>> -> memref<1x640x128xf32, #tpu.memory_space<hbm>>
      %dma_wait3A_57 = tpu.memref_squeeze %dma_wait3A_56 : memref<1x640x128xf32, #tpu.memory_space<hbm>> -> memref<640x128xf32, #tpu.memory_space<hbm>>
      %dma_wait3A_58 = arith.constant 0 : i32
      %dma_wait3A_59 = tpu.memref_slice %arg17[%multiple_of3A_49, %dma_wait3A_58] : memref<10240x128xf32, #tpu.memory_space<vmem_shared>> -> memref<640x128xf32, #tpu.memory_space<vmem_shared>>
      tpu.wait_dma2 semaphore(%run_scoped3A : memref<!tpu.dma_semaphore, #tpu.memory_space<semaphore_mem>>) src(%dma_wait3A_59 : memref<640x128xf32, #tpu.memory_space<vmem_shared>>) dst(%dma_wait3A_57 : memref<640x128xf32, #tpu.memory_space<hbm>>)
      tpu.yield
    }) : () -> ()
    return
  }
}

#map = affine_map<(d0, d1) -> (0, 0)>
#map1 = affine_map<(d0, d1) -> (0)>
#map2 = affine_map<(d0, d1) -> (0, 0, 0)>
module attributes {stable_mosaic.version = 14 : i64} {
  func.func @_sc_prop_body(%arg0: i32, %arg1: i32, %arg2: memref<10240x128xf32, #tpu.memory_space<hbm>>, %arg3: memref<327680xi32, #tpu.memory_space<hbm>>, %arg4: memref<327680xi32, #tpu.memory_space<hbm>>, %arg5: memref<640x128xf32, #tpu.memory_space<hbm>>, %arg6: memref<2x10240x128xf32, #tpu.memory_space<hbm>>, %arg7: memref<128xi32, #tpu.memory_space<vmem>>, %arg8: memref<128xi32, #tpu.memory_space<vmem>>, %arg9: memref<128xi32, #tpu.memory_space<vmem>>, %arg10: memref<128xi32, #tpu.memory_space<vmem>>, %arg11: memref<128xi32, #tpu.memory_space<vmem>>, %arg12: memref<128xi32, #tpu.memory_space<vmem>>, %arg13: memref<128xi32, #tpu.memory_space<vmem>>, %arg14: memref<128xi32, #tpu.memory_space<vmem>>, %arg15: memref<128x128xf32, #tpu.memory_space<vmem>>, %arg16: memref<128x128xf32, #tpu.memory_space<vmem>>, %arg17: memref<10240x128xf32, #tpu.memory_space<vmem_shared>>, %arg18: memref<!tpu.dma_semaphore, #tpu.memory_space<semaphore_mem>>, %arg19: memref<!tpu.dma_semaphore, #tpu.memory_space<semaphore_mem>>, %arg20: memref<!tpu.dma_semaphore, #tpu.memory_space<semaphore_mem>>, %arg21: memref<!tpu.dma_semaphore, #tpu.memory_space<semaphore_mem>>, %arg22: memref<!tpu.dma_semaphore, #tpu.memory_space<semaphore_mem>>, %arg23: memref<!tpu.dma_semaphore, #tpu.memory_space<semaphore_mem>>) attributes {dimension_semantics = [#tpu.dimension_semantics<core_parallel>, #tpu.dimension_semantics<subcore_parallel>], iteration_bounds = array<i64: 2, 16>, scalar_prefetch = 0 : i64, scratch_operands = 17 : i64, tpu.core_type = #tpu.core_type<sc_vector_subcore>, window_params = [{transform_indices = #map}, {transform_indices = #map1}, {transform_indices = #map1}, {transform_indices = #map}, {transform_indices = #map2}]} {
    %mul3A = arith.constant 16 : i32
    %mul3A_0 = arith.muli %arg0, %mul3A : i32
    %add3A = arith.addi %mul3A_0, %arg1 : i32
    %mul3A_1 = arith.constant 640 : i32
    %mul3A_2 = arith.muli %arg1, %mul3A_1 : i32
    %multiple_of3A = tpu.assume_multiple %mul3A_2, 8 : i32
    "tpu.region"() ({
      %run_scoped3A = tpu.sem_alloc : memref<!tpu.dma_semaphore, #tpu.memory_space<semaphore_mem>>
      %dma_start3A_50 = arith.constant 0 : i32
      %dma_start3A_51 = tpu.memref_slice %arg17[%multiple_of3A, %dma_start3A_50] : memref<10240x128xf32, #tpu.memory_space<vmem_shared>> -> memref<640x128xf32, #tpu.memory_space<vmem_shared>>
      tpu.enqueue_dma source(%arg5 : memref<640x128xf32, #tpu.memory_space<hbm>>) target(%dma_start3A_51 : memref<640x128xf32, #tpu.memory_space<vmem_shared>>) target_semaphore(%run_scoped3A : memref<!tpu.dma_semaphore, #tpu.memory_space<semaphore_mem>>)
      %dma_wait3A_52 = arith.constant 0 : i32
      %dma_wait3A_53 = tpu.memref_slice %arg17[%multiple_of3A, %dma_wait3A_52] : memref<10240x128xf32, #tpu.memory_space<vmem_shared>> -> memref<640x128xf32, #tpu.memory_space<vmem_shared>>
      tpu.wait_dma2 semaphore(%run_scoped3A : memref<!tpu.dma_semaphore, #tpu.memory_space<semaphore_mem>>) src(%arg5 : memref<640x128xf32, #tpu.memory_space<hbm>>) dst(%dma_wait3A_53 : memref<640x128xf32, #tpu.memory_space<vmem_shared>>)
      tpu.yield
    }) : () -> ()
    %barrier3A = arith.constant 0 : index
    tpu.barrier barrier_id(%barrier3A)
    %mul3A_3 = arith.constant 10240 : i32
    %mul3A_4 = arith.muli %add3A, %mul3A_3 : i32
    %add3A_5 = arith.constant 0 : i32
    %add3A_6 = arith.addi %mul3A_4, %add3A_5 : i32
    %multiple_of3A_7 = tpu.assume_multiple %add3A_6, 8 : i32
    %dma_start3A = tpu.memref_slice %arg3[%multiple_of3A_7] : memref<327680xi32, #tpu.memory_space<hbm>> -> memref<128xi32, #tpu.memory_space<hbm>>
    %dma_start3A_8 = tpu.memref_slice %arg3[%multiple_of3A_7] : memref<327680xi32, #tpu.memory_space<hbm>> -> memref<128xi32, #tpu.memory_space<hbm>>
    tpu.enqueue_dma source(%dma_start3A_8 : memref<128xi32, #tpu.memory_space<hbm>>) target(%arg7 : memref<128xi32, #tpu.memory_space<vmem>>) target_semaphore(%arg18 : memref<!tpu.dma_semaphore, #tpu.memory_space<semaphore_mem>>)
    %dma_start3A_9 = tpu.memref_slice %arg4[%multiple_of3A_7] : memref<327680xi32, #tpu.memory_space<hbm>> -> memref<128xi32, #tpu.memory_space<hbm>>
    %dma_start3A_10 = tpu.memref_slice %arg4[%multiple_of3A_7] : memref<327680xi32, #tpu.memory_space<hbm>> -> memref<128xi32, #tpu.memory_space<hbm>>
    tpu.enqueue_dma source(%dma_start3A_10 : memref<128xi32, #tpu.memory_space<hbm>>) target(%arg11 : memref<128xi32, #tpu.memory_space<vmem>>) target_semaphore(%arg18 : memref<!tpu.dma_semaphore, #tpu.memory_space<semaphore_mem>>)
    %mul3A_11 = arith.constant 10240 : i32
    %mul3A_12 = arith.muli %add3A, %mul3A_11 : i32
    %add3A_13 = arith.constant 128 : i32
    %add3A_14 = arith.addi %mul3A_12, %add3A_13 : i32
    %multiple_of3A_15 = tpu.assume_multiple %add3A_14, 8 : i32
    %dma_start3A_16 = tpu.memref_slice %arg3[%multiple_of3A_15] : memref<327680xi32, #tpu.memory_space<hbm>> -> memref<128xi32, #tpu.memory_space<hbm>>
    %dma_start3A_17 = tpu.memref_slice %arg3[%multiple_of3A_15] : memref<327680xi32, #tpu.memory_space<hbm>> -> memref<128xi32, #tpu.memory_space<hbm>>
    tpu.enqueue_dma source(%dma_start3A_17 : memref<128xi32, #tpu.memory_space<hbm>>) target(%arg8 : memref<128xi32, #tpu.memory_space<vmem>>) target_semaphore(%arg19 : memref<!tpu.dma_semaphore, #tpu.memory_space<semaphore_mem>>)
    %dma_start3A_18 = tpu.memref_slice %arg4[%multiple_of3A_15] : memref<327680xi32, #tpu.memory_space<hbm>> -> memref<128xi32, #tpu.memory_space<hbm>>
    %dma_start3A_19 = tpu.memref_slice %arg4[%multiple_of3A_15] : memref<327680xi32, #tpu.memory_space<hbm>> -> memref<128xi32, #tpu.memory_space<hbm>>
    tpu.enqueue_dma source(%dma_start3A_19 : memref<128xi32, #tpu.memory_space<hbm>>) target(%arg12 : memref<128xi32, #tpu.memory_space<vmem>>) target_semaphore(%arg19 : memref<!tpu.dma_semaphore, #tpu.memory_space<semaphore_mem>>)
    %mul3A_20 = arith.constant 10240 : i32
    %mul3A_21 = arith.muli %add3A, %mul3A_20 : i32
    %add3A_22 = arith.constant 256 : i32
    %add3A_23 = arith.addi %mul3A_21, %add3A_22 : i32
    %multiple_of3A_24 = tpu.assume_multiple %add3A_23, 8 : i32
    %dma_start3A_25 = tpu.memref_slice %arg3[%multiple_of3A_24] : memref<327680xi32, #tpu.memory_space<hbm>> -> memref<128xi32, #tpu.memory_space<hbm>>
    %dma_start3A_26 = tpu.memref_slice %arg3[%multiple_of3A_24] : memref<327680xi32, #tpu.memory_space<hbm>> -> memref<128xi32, #tpu.memory_space<hbm>>
    tpu.enqueue_dma source(%dma_start3A_26 : memref<128xi32, #tpu.memory_space<hbm>>) target(%arg9 : memref<128xi32, #tpu.memory_space<vmem>>) target_semaphore(%arg20 : memref<!tpu.dma_semaphore, #tpu.memory_space<semaphore_mem>>)
    %dma_start3A_27 = tpu.memref_slice %arg4[%multiple_of3A_24] : memref<327680xi32, #tpu.memory_space<hbm>> -> memref<128xi32, #tpu.memory_space<hbm>>
    %dma_start3A_28 = tpu.memref_slice %arg4[%multiple_of3A_24] : memref<327680xi32, #tpu.memory_space<hbm>> -> memref<128xi32, #tpu.memory_space<hbm>>
    tpu.enqueue_dma source(%dma_start3A_28 : memref<128xi32, #tpu.memory_space<hbm>>) target(%arg13 : memref<128xi32, #tpu.memory_space<vmem>>) target_semaphore(%arg20 : memref<!tpu.dma_semaphore, #tpu.memory_space<semaphore_mem>>)
    %mul3A_29 = arith.constant 10240 : i32
    %mul3A_30 = arith.muli %add3A, %mul3A_29 : i32
    %add3A_31 = arith.constant 0 : i32
    %add3A_32 = arith.addi %mul3A_30, %add3A_31 : i32
    %multiple_of3A_33 = tpu.assume_multiple %add3A_32, 8 : i32
    %dma_wait3A = tpu.memref_slice %arg3[%multiple_of3A_33] : memref<327680xi32, #tpu.memory_space<hbm>> -> memref<128xi32, #tpu.memory_space<hbm>>
    %dma_wait3A_34 = tpu.memref_slice %arg3[%multiple_of3A_33] : memref<327680xi32, #tpu.memory_space<hbm>> -> memref<128xi32, #tpu.memory_space<hbm>>
    tpu.wait_dma2 semaphore(%arg18 : memref<!tpu.dma_semaphore, #tpu.memory_space<semaphore_mem>>) src(%dma_wait3A_34 : memref<128xi32, #tpu.memory_space<hbm>>) dst(%arg7 : memref<128xi32, #tpu.memory_space<vmem>>)
    %dma_wait3A_35 = tpu.memref_slice %arg4[%multiple_of3A_33] : memref<327680xi32, #tpu.memory_space<hbm>> -> memref<128xi32, #tpu.memory_space<hbm>>
    %dma_wait3A_36 = tpu.memref_slice %arg4[%multiple_of3A_33] : memref<327680xi32, #tpu.memory_space<hbm>> -> memref<128xi32, #tpu.memory_space<hbm>>
    tpu.wait_dma2 semaphore(%arg18 : memref<!tpu.dma_semaphore, #tpu.memory_space<semaphore_mem>>) src(%dma_wait3A_36 : memref<128xi32, #tpu.memory_space<hbm>>) dst(%arg11 : memref<128xi32, #tpu.memory_space<vmem>>)
    %dma_start3A_37 = arith.constant 0 : i32
    %dma_start3A_38 = arith.constant 0 : i32
    %dma_start3A_39 = tpu.memref_slice %arg2[%dma_start3A_37, %dma_start3A_38] : memref<10240x128xf32, #tpu.memory_space<hbm>> -> memref<10240x128xf32, #tpu.memory_space<hbm>>
    tpu.enqueue_indirect_dma source(%dma_start3A_39 : memref<10240x128xf32, #tpu.memory_space<hbm>>) target(%arg15 : memref<128x128xf32, #tpu.memory_space<vmem>>) offsets(%arg7 : memref<128xi32, #tpu.memory_space<vmem>>) semaphore(%arg22 : memref<!tpu.dma_semaphore, #tpu.memory_space<semaphore_mem>>)
    %scan3A = arith.constant 0 : i32
    %scan3A_40 = arith.constant 0 : i32
    %scan3A_41 = arith.constant 20 : i32
    %scan3A_42 = arith.addi %scan3A_40, %scan3A_41 : i32
    %scan3A_43 = arith.constant 1 : i32
    %scan3A_44 = scf.for %scan3A_50 = %scan3A_40 to %scan3A_42 step %scan3A_43 iter_args(%scan3A_51 = %scan3A) -> (i32)  : i32 {
      %mul3A_52 = arith.constant 4 : i32
      %mul3A_53 = arith.muli %mul3A_52, %scan3A_50 : i32
      %add3A_54 = arith.constant 0 : i32
      %add3A_55 = arith.addi %mul3A_53, %add3A_54 : i32
      %add3A_56 = arith.constant 4 : i32
      %add3A_57 = arith.addi %add3A_55, %add3A_56 : i32
      %sub3A = arith.constant 1 : i32
      %sub3A_58 = arith.subi %add3A_57, %sub3A : i32
      %lt3A = arith.constant 80 : i32
      %lt3A_59 = arith.cmpi slt, %sub3A_58, %lt3A : i32
      %convert_element_type3A = arith.extui %lt3A_59 : i1 to i32
      %cond3A = arith.constant 0 : i32
      %cond3A_60 = arith.cmpi ne, %convert_element_type3A, %cond3A : i32
      scf.if %cond3A_60 {
        %mul3A_141 = arith.constant 10240 : i32
        %mul3A_142 = arith.muli %add3A, %mul3A_141 : i32
        %mul3A_143 = arith.constant 128 : i32
        %mul3A_144 = arith.muli %sub3A_58, %mul3A_143 : i32
        %add3A_145 = arith.addi %mul3A_142, %mul3A_144 : i32
        %multiple_of3A_146 = tpu.assume_multiple %add3A_145, 8 : i32
        %dma_start3A_147 = tpu.memref_slice %arg3[%multiple_of3A_146] : memref<327680xi32, #tpu.memory_space<hbm>> -> memref<128xi32, #tpu.memory_space<hbm>>
        %dma_start3A_148 = tpu.memref_slice %arg3[%multiple_of3A_146] : memref<327680xi32, #tpu.memory_space<hbm>> -> memref<128xi32, #tpu.memory_space<hbm>>
        tpu.enqueue_dma source(%dma_start3A_148 : memref<128xi32, #tpu.memory_space<hbm>>) target(%arg10 : memref<128xi32, #tpu.memory_space<vmem>>) target_semaphore(%arg21 : memref<!tpu.dma_semaphore, #tpu.memory_space<semaphore_mem>>)
        %dma_start3A_149 = tpu.memref_slice %arg4[%multiple_of3A_146] : memref<327680xi32, #tpu.memory_space<hbm>> -> memref<128xi32, #tpu.memory_space<hbm>>
        %dma_start3A_150 = tpu.memref_slice %arg4[%multiple_of3A_146] : memref<327680xi32, #tpu.memory_space<hbm>> -> memref<128xi32, #tpu.memory_space<hbm>>
        tpu.enqueue_dma source(%dma_start3A_150 : memref<128xi32, #tpu.memory_space<hbm>>) target(%arg14 : memref<128xi32, #tpu.memory_space<vmem>>) target_semaphore(%arg21 : memref<!tpu.dma_semaphore, #tpu.memory_space<semaphore_mem>>)
      } else {
      }
      %add3A_61 = arith.constant 1 : i32
      %add3A_62 = arith.addi %add3A_55, %add3A_61 : i32
      %lt3A_63 = arith.constant 80 : i32
      %lt3A_64 = arith.cmpi slt, %add3A_62, %lt3A_63 : i32
      %convert_element_type3A_65 = arith.extui %lt3A_64 : i1 to i32
      %cond3A_66 = arith.constant 0 : i32
      %cond3A_67 = arith.cmpi ne, %convert_element_type3A_65, %cond3A_66 : i32
      scf.if %cond3A_67 {
        %add3A_141 = arith.constant 1 : i32
        %add3A_142 = arith.addi %add3A_55, %add3A_141 : i32
        %mul3A_143 = arith.constant 10240 : i32
        %mul3A_144 = arith.muli %add3A, %mul3A_143 : i32
        %mul3A_145 = arith.constant 128 : i32
        %mul3A_146 = arith.muli %add3A_142, %mul3A_145 : i32
        %add3A_147 = arith.addi %mul3A_144, %mul3A_146 : i32
        %multiple_of3A_148 = tpu.assume_multiple %add3A_147, 8 : i32
        %dma_wait3A_149 = tpu.memref_slice %arg3[%multiple_of3A_148] : memref<327680xi32, #tpu.memory_space<hbm>> -> memref<128xi32, #tpu.memory_space<hbm>>
        %dma_wait3A_150 = tpu.memref_slice %arg3[%multiple_of3A_148] : memref<327680xi32, #tpu.memory_space<hbm>> -> memref<128xi32, #tpu.memory_space<hbm>>
        tpu.wait_dma2 semaphore(%arg19 : memref<!tpu.dma_semaphore, #tpu.memory_space<semaphore_mem>>) src(%dma_wait3A_150 : memref<128xi32, #tpu.memory_space<hbm>>) dst(%arg8 : memref<128xi32, #tpu.memory_space<vmem>>)
        %dma_wait3A_151 = tpu.memref_slice %arg4[%multiple_of3A_148] : memref<327680xi32, #tpu.memory_space<hbm>> -> memref<128xi32, #tpu.memory_space<hbm>>
        %dma_wait3A_152 = tpu.memref_slice %arg4[%multiple_of3A_148] : memref<327680xi32, #tpu.memory_space<hbm>> -> memref<128xi32, #tpu.memory_space<hbm>>
        tpu.wait_dma2 semaphore(%arg19 : memref<!tpu.dma_semaphore, #tpu.memory_space<semaphore_mem>>) src(%dma_wait3A_152 : memref<128xi32, #tpu.memory_space<hbm>>) dst(%arg12 : memref<128xi32, #tpu.memory_space<vmem>>)
        %dma_start3A_153 = arith.constant 0 : i32
        %dma_start3A_154 = arith.constant 0 : i32
        %dma_start3A_155 = tpu.memref_slice %arg2[%dma_start3A_153, %dma_start3A_154] : memref<10240x128xf32, #tpu.memory_space<hbm>> -> memref<10240x128xf32, #tpu.memory_space<hbm>>
        tpu.enqueue_indirect_dma source(%dma_start3A_155 : memref<10240x128xf32, #tpu.memory_space<hbm>>) target(%arg16 : memref<128x128xf32, #tpu.memory_space<vmem>>) offsets(%arg8 : memref<128xi32, #tpu.memory_space<vmem>>) semaphore(%arg23 : memref<!tpu.dma_semaphore, #tpu.memory_space<semaphore_mem>>)
      } else {
      }
      %dma_wait3A_68 = arith.constant 0 : i32
      %dma_wait3A_69 = arith.constant 0 : i32
      %dma_wait3A_70 = tpu.memref_slice %arg2[%dma_wait3A_68, %dma_wait3A_69] : memref<10240x128xf32, #tpu.memory_space<hbm>> -> memref<10240x128xf32, #tpu.memory_space<hbm>>
      tpu.wait_indirect_dma semaphore(%arg22 : memref<!tpu.dma_semaphore, #tpu.memory_space<semaphore_mem>>) src(%dma_wait3A_70 : memref<10240x128xf32, #tpu.memory_space<hbm>>) dst(%arg15 : memref<128x128xf32, #tpu.memory_space<vmem>>)
      "tpu.region"() ({
        %run_scoped3A = tpu.sem_alloc : memref<!tpu.dma_semaphore, #tpu.memory_space<semaphore_mem>>
        %dma_start3A_141 = arith.constant 0 : i32
        %dma_start3A_142 = arith.constant 0 : i32
        %dma_start3A_143 = tpu.memref_slice %arg17[%dma_start3A_141, %dma_start3A_142] : memref<10240x128xf32, #tpu.memory_space<vmem_shared>> -> memref<10240x128xf32, #tpu.memory_space<vmem_shared>>
        tpu.enqueue_indirect_dma source(%arg15 : memref<128x128xf32, #tpu.memory_space<vmem>>) target(%dma_start3A_143 : memref<10240x128xf32, #tpu.memory_space<vmem_shared>>) offsets(%arg11 : memref<128xi32, #tpu.memory_space<vmem>>) semaphore(%run_scoped3A : memref<!tpu.dma_semaphore, #tpu.memory_space<semaphore_mem>>) {add = true}
        %dma_wait3A_144 = arith.constant 0 : i32
        %dma_wait3A_145 = arith.constant 0 : i32
        %dma_wait3A_146 = tpu.memref_slice %arg17[%dma_wait3A_144, %dma_wait3A_145] : memref<10240x128xf32, #tpu.memory_space<vmem_shared>> -> memref<10240x128xf32, #tpu.memory_space<vmem_shared>>
        tpu.wait_indirect_dma semaphore(%run_scoped3A : memref<!tpu.dma_semaphore, #tpu.memory_space<semaphore_mem>>) src(%arg15 : memref<128x128xf32, #tpu.memory_space<vmem>>) dst(%dma_wait3A_146 : memref<10240x128xf32, #tpu.memory_space<vmem_shared>>)
        tpu.yield
      }) : () -> ()
      %mul3A_71 = arith.constant 4 : i32
      %mul3A_72 = arith.muli %mul3A_71, %scan3A_50 : i32
      %add3A_73 = arith.constant 1 : i32
      %add3A_74 = arith.addi %mul3A_72, %add3A_73 : i32
      %add3A_75 = arith.constant 4 : i32
      %add3A_76 = arith.addi %add3A_74, %add3A_75 : i32
      %sub3A_77 = arith.constant 1 : i32
      %sub3A_78 = arith.subi %add3A_76, %sub3A_77 : i32
      %lt3A_79 = arith.constant 80 : i32
      %lt3A_80 = arith.cmpi slt, %sub3A_78, %lt3A_79 : i32
      %convert_element_type3A_81 = arith.extui %lt3A_80 : i1 to i32
      %cond3A_82 = arith.constant 0 : i32
      %cond3A_83 = arith.cmpi ne, %convert_element_type3A_81, %cond3A_82 : i32
      scf.if %cond3A_83 {
        %mul3A_141 = arith.constant 10240 : i32
        %mul3A_142 = arith.muli %add3A, %mul3A_141 : i32
        %mul3A_143 = arith.constant 128 : i32
        %mul3A_144 = arith.muli %sub3A_78, %mul3A_143 : i32
        %add3A_145 = arith.addi %mul3A_142, %mul3A_144 : i32
        %multiple_of3A_146 = tpu.assume_multiple %add3A_145, 8 : i32
        %dma_start3A_147 = tpu.memref_slice %arg3[%multiple_of3A_146] : memref<327680xi32, #tpu.memory_space<hbm>> -> memref<128xi32, #tpu.memory_space<hbm>>
        %dma_start3A_148 = tpu.memref_slice %arg3[%multiple_of3A_146] : memref<327680xi32, #tpu.memory_space<hbm>> -> memref<128xi32, #tpu.memory_space<hbm>>
        tpu.enqueue_dma source(%dma_start3A_148 : memref<128xi32, #tpu.memory_space<hbm>>) target(%arg7 : memref<128xi32, #tpu.memory_space<vmem>>) target_semaphore(%arg18 : memref<!tpu.dma_semaphore, #tpu.memory_space<semaphore_mem>>)
        %dma_start3A_149 = tpu.memref_slice %arg4[%multiple_of3A_146] : memref<327680xi32, #tpu.memory_space<hbm>> -> memref<128xi32, #tpu.memory_space<hbm>>
        %dma_start3A_150 = tpu.memref_slice %arg4[%multiple_of3A_146] : memref<327680xi32, #tpu.memory_space<hbm>> -> memref<128xi32, #tpu.memory_space<hbm>>
        tpu.enqueue_dma source(%dma_start3A_150 : memref<128xi32, #tpu.memory_space<hbm>>) target(%arg11 : memref<128xi32, #tpu.memory_space<vmem>>) target_semaphore(%arg18 : memref<!tpu.dma_semaphore, #tpu.memory_space<semaphore_mem>>)
      } else {
      }
      %add3A_84 = arith.constant 1 : i32
      %add3A_85 = arith.addi %add3A_74, %add3A_84 : i32
      %lt3A_86 = arith.constant 80 : i32
      %lt3A_87 = arith.cmpi slt, %add3A_85, %lt3A_86 : i32
      %convert_element_type3A_88 = arith.extui %lt3A_87 : i1 to i32
      %cond3A_89 = arith.constant 0 : i32
      %cond3A_90 = arith.cmpi ne, %convert_element_type3A_88, %cond3A_89 : i32
      scf.if %cond3A_90 {
        %add3A_141 = arith.constant 1 : i32
        %add3A_142 = arith.addi %add3A_74, %add3A_141 : i32
        %mul3A_143 = arith.constant 10240 : i32
        %mul3A_144 = arith.muli %add3A, %mul3A_143 : i32
        %mul3A_145 = arith.constant 128 : i32
        %mul3A_146 = arith.muli %add3A_142, %mul3A_145 : i32
        %add3A_147 = arith.addi %mul3A_144, %mul3A_146 : i32
        %multiple_of3A_148 = tpu.assume_multiple %add3A_147, 8 : i32
        %dma_wait3A_149 = tpu.memref_slice %arg3[%multiple_of3A_148] : memref<327680xi32, #tpu.memory_space<hbm>> -> memref<128xi32, #tpu.memory_space<hbm>>
        %dma_wait3A_150 = tpu.memref_slice %arg3[%multiple_of3A_148] : memref<327680xi32, #tpu.memory_space<hbm>> -> memref<128xi32, #tpu.memory_space<hbm>>
        tpu.wait_dma2 semaphore(%arg20 : memref<!tpu.dma_semaphore, #tpu.memory_space<semaphore_mem>>) src(%dma_wait3A_150 : memref<128xi32, #tpu.memory_space<hbm>>) dst(%arg9 : memref<128xi32, #tpu.memory_space<vmem>>)
        %dma_wait3A_151 = tpu.memref_slice %arg4[%multiple_of3A_148] : memref<327680xi32, #tpu.memory_space<hbm>> -> memref<128xi32, #tpu.memory_space<hbm>>
        %dma_wait3A_152 = tpu.memref_slice %arg4[%multiple_of3A_148] : memref<327680xi32, #tpu.memory_space<hbm>> -> memref<128xi32, #tpu.memory_space<hbm>>
        tpu.wait_dma2 semaphore(%arg20 : memref<!tpu.dma_semaphore, #tpu.memory_space<semaphore_mem>>) src(%dma_wait3A_152 : memref<128xi32, #tpu.memory_space<hbm>>) dst(%arg13 : memref<128xi32, #tpu.memory_space<vmem>>)
        %dma_start3A_153 = arith.constant 0 : i32
        %dma_start3A_154 = arith.constant 0 : i32
        %dma_start3A_155 = tpu.memref_slice %arg2[%dma_start3A_153, %dma_start3A_154] : memref<10240x128xf32, #tpu.memory_space<hbm>> -> memref<10240x128xf32, #tpu.memory_space<hbm>>
        tpu.enqueue_indirect_dma source(%dma_start3A_155 : memref<10240x128xf32, #tpu.memory_space<hbm>>) target(%arg15 : memref<128x128xf32, #tpu.memory_space<vmem>>) offsets(%arg9 : memref<128xi32, #tpu.memory_space<vmem>>) semaphore(%arg22 : memref<!tpu.dma_semaphore, #tpu.memory_space<semaphore_mem>>)
      } else {
      }
      %dma_wait3A_91 = arith.constant 0 : i32
      %dma_wait3A_92 = arith.constant 0 : i32
      %dma_wait3A_93 = tpu.memref_slice %arg2[%dma_wait3A_91, %dma_wait3A_92] : memref<10240x128xf32, #tpu.memory_space<hbm>> -> memref<10240x128xf32, #tpu.memory_space<hbm>>
      tpu.wait_indirect_dma semaphore(%arg23 : memref<!tpu.dma_semaphore, #tpu.memory_space<semaphore_mem>>) src(%dma_wait3A_93 : memref<10240x128xf32, #tpu.memory_space<hbm>>) dst(%arg16 : memref<128x128xf32, #tpu.memory_space<vmem>>)
      "tpu.region"() ({
        %run_scoped3A = tpu.sem_alloc : memref<!tpu.dma_semaphore, #tpu.memory_space<semaphore_mem>>
        %dma_start3A_141 = arith.constant 0 : i32
        %dma_start3A_142 = arith.constant 0 : i32
        %dma_start3A_143 = tpu.memref_slice %arg17[%dma_start3A_141, %dma_start3A_142] : memref<10240x128xf32, #tpu.memory_space<vmem_shared>> -> memref<10240x128xf32, #tpu.memory_space<vmem_shared>>
        tpu.enqueue_indirect_dma source(%arg16 : memref<128x128xf32, #tpu.memory_space<vmem>>) target(%dma_start3A_143 : memref<10240x128xf32, #tpu.memory_space<vmem_shared>>) offsets(%arg12 : memref<128xi32, #tpu.memory_space<vmem>>) semaphore(%run_scoped3A : memref<!tpu.dma_semaphore, #tpu.memory_space<semaphore_mem>>) {add = true}
        %dma_wait3A_144 = arith.constant 0 : i32
        %dma_wait3A_145 = arith.constant 0 : i32
        %dma_wait3A_146 = tpu.memref_slice %arg17[%dma_wait3A_144, %dma_wait3A_145] : memref<10240x128xf32, #tpu.memory_space<vmem_shared>> -> memref<10240x128xf32, #tpu.memory_space<vmem_shared>>
        tpu.wait_indirect_dma semaphore(%run_scoped3A : memref<!tpu.dma_semaphore, #tpu.memory_space<semaphore_mem>>) src(%arg16 : memref<128x128xf32, #tpu.memory_space<vmem>>) dst(%dma_wait3A_146 : memref<10240x128xf32, #tpu.memory_space<vmem_shared>>)
        tpu.yield
      }) : () -> ()
      %mul3A_94 = arith.constant 4 : i32
      %mul3A_95 = arith.muli %mul3A_94, %scan3A_50 : i32
      %add3A_96 = arith.constant 2 : i32
      %add3A_97 = arith.addi %mul3A_95, %add3A_96 : i32
      %add3A_98 = arith.constant 4 : i32
      %add3A_99 = arith.addi %add3A_97, %add3A_98 : i32
      %sub3A_100 = arith.constant 1 : i32
      %sub3A_101 = arith.subi %add3A_99, %sub3A_100 : i32
      %lt3A_102 = arith.constant 80 : i32
      %lt3A_103 = arith.cmpi slt, %sub3A_101, %lt3A_102 : i32
      %convert_element_type3A_104 = arith.extui %lt3A_103 : i1 to i32
      %cond3A_105 = arith.constant 0 : i32
      %cond3A_106 = arith.cmpi ne, %convert_element_type3A_104, %cond3A_105 : i32
      scf.if %cond3A_106 {
        %mul3A_141 = arith.constant 10240 : i32
        %mul3A_142 = arith.muli %add3A, %mul3A_141 : i32
        %mul3A_143 = arith.constant 128 : i32
        %mul3A_144 = arith.muli %sub3A_101, %mul3A_143 : i32
        %add3A_145 = arith.addi %mul3A_142, %mul3A_144 : i32
        %multiple_of3A_146 = tpu.assume_multiple %add3A_145, 8 : i32
        %dma_start3A_147 = tpu.memref_slice %arg3[%multiple_of3A_146] : memref<327680xi32, #tpu.memory_space<hbm>> -> memref<128xi32, #tpu.memory_space<hbm>>
        %dma_start3A_148 = tpu.memref_slice %arg3[%multiple_of3A_146] : memref<327680xi32, #tpu.memory_space<hbm>> -> memref<128xi32, #tpu.memory_space<hbm>>
        tpu.enqueue_dma source(%dma_start3A_148 : memref<128xi32, #tpu.memory_space<hbm>>) target(%arg8 : memref<128xi32, #tpu.memory_space<vmem>>) target_semaphore(%arg19 : memref<!tpu.dma_semaphore, #tpu.memory_space<semaphore_mem>>)
        %dma_start3A_149 = tpu.memref_slice %arg4[%multiple_of3A_146] : memref<327680xi32, #tpu.memory_space<hbm>> -> memref<128xi32, #tpu.memory_space<hbm>>
        %dma_start3A_150 = tpu.memref_slice %arg4[%multiple_of3A_146] : memref<327680xi32, #tpu.memory_space<hbm>> -> memref<128xi32, #tpu.memory_space<hbm>>
        tpu.enqueue_dma source(%dma_start3A_150 : memref<128xi32, #tpu.memory_space<hbm>>) target(%arg12 : memref<128xi32, #tpu.memory_space<vmem>>) target_semaphore(%arg19 : memref<!tpu.dma_semaphore, #tpu.memory_space<semaphore_mem>>)
      } else {
      }
      %add3A_107 = arith.constant 1 : i32
      %add3A_108 = arith.addi %add3A_97, %add3A_107 : i32
      %lt3A_109 = arith.constant 80 : i32
      %lt3A_110 = arith.cmpi slt, %add3A_108, %lt3A_109 : i32
      %convert_element_type3A_111 = arith.extui %lt3A_110 : i1 to i32
      %cond3A_112 = arith.constant 0 : i32
      %cond3A_113 = arith.cmpi ne, %convert_element_type3A_111, %cond3A_112 : i32
      scf.if %cond3A_113 {
        %add3A_141 = arith.constant 1 : i32
        %add3A_142 = arith.addi %add3A_97, %add3A_141 : i32
        %mul3A_143 = arith.constant 10240 : i32
        %mul3A_144 = arith.muli %add3A, %mul3A_143 : i32
        %mul3A_145 = arith.constant 128 : i32
        %mul3A_146 = arith.muli %add3A_142, %mul3A_145 : i32
        %add3A_147 = arith.addi %mul3A_144, %mul3A_146 : i32
        %multiple_of3A_148 = tpu.assume_multiple %add3A_147, 8 : i32
        %dma_wait3A_149 = tpu.memref_slice %arg3[%multiple_of3A_148] : memref<327680xi32, #tpu.memory_space<hbm>> -> memref<128xi32, #tpu.memory_space<hbm>>
        %dma_wait3A_150 = tpu.memref_slice %arg3[%multiple_of3A_148] : memref<327680xi32, #tpu.memory_space<hbm>> -> memref<128xi32, #tpu.memory_space<hbm>>
        tpu.wait_dma2 semaphore(%arg21 : memref<!tpu.dma_semaphore, #tpu.memory_space<semaphore_mem>>) src(%dma_wait3A_150 : memref<128xi32, #tpu.memory_space<hbm>>) dst(%arg10 : memref<128xi32, #tpu.memory_space<vmem>>)
        %dma_wait3A_151 = tpu.memref_slice %arg4[%multiple_of3A_148] : memref<327680xi32, #tpu.memory_space<hbm>> -> memref<128xi32, #tpu.memory_space<hbm>>
        %dma_wait3A_152 = tpu.memref_slice %arg4[%multiple_of3A_148] : memref<327680xi32, #tpu.memory_space<hbm>> -> memref<128xi32, #tpu.memory_space<hbm>>
        tpu.wait_dma2 semaphore(%arg21 : memref<!tpu.dma_semaphore, #tpu.memory_space<semaphore_mem>>) src(%dma_wait3A_152 : memref<128xi32, #tpu.memory_space<hbm>>) dst(%arg14 : memref<128xi32, #tpu.memory_space<vmem>>)
        %dma_start3A_153 = arith.constant 0 : i32
        %dma_start3A_154 = arith.constant 0 : i32
        %dma_start3A_155 = tpu.memref_slice %arg2[%dma_start3A_153, %dma_start3A_154] : memref<10240x128xf32, #tpu.memory_space<hbm>> -> memref<10240x128xf32, #tpu.memory_space<hbm>>
        tpu.enqueue_indirect_dma source(%dma_start3A_155 : memref<10240x128xf32, #tpu.memory_space<hbm>>) target(%arg16 : memref<128x128xf32, #tpu.memory_space<vmem>>) offsets(%arg10 : memref<128xi32, #tpu.memory_space<vmem>>) semaphore(%arg23 : memref<!tpu.dma_semaphore, #tpu.memory_space<semaphore_mem>>)
      } else {
      }
      %dma_wait3A_114 = arith.constant 0 : i32
      %dma_wait3A_115 = arith.constant 0 : i32
      %dma_wait3A_116 = tpu.memref_slice %arg2[%dma_wait3A_114, %dma_wait3A_115] : memref<10240x128xf32, #tpu.memory_space<hbm>> -> memref<10240x128xf32, #tpu.memory_space<hbm>>
      tpu.wait_indirect_dma semaphore(%arg22 : memref<!tpu.dma_semaphore, #tpu.memory_space<semaphore_mem>>) src(%dma_wait3A_116 : memref<10240x128xf32, #tpu.memory_space<hbm>>) dst(%arg15 : memref<128x128xf32, #tpu.memory_space<vmem>>)
      "tpu.region"() ({
        %run_scoped3A = tpu.sem_alloc : memref<!tpu.dma_semaphore, #tpu.memory_space<semaphore_mem>>
        %dma_start3A_141 = arith.constant 0 : i32
        %dma_start3A_142 = arith.constant 0 : i32
        %dma_start3A_143 = tpu.memref_slice %arg17[%dma_start3A_141, %dma_start3A_142] : memref<10240x128xf32, #tpu.memory_space<vmem_shared>> -> memref<10240x128xf32, #tpu.memory_space<vmem_shared>>
        tpu.enqueue_indirect_dma source(%arg15 : memref<128x128xf32, #tpu.memory_space<vmem>>) target(%dma_start3A_143 : memref<10240x128xf32, #tpu.memory_space<vmem_shared>>) offsets(%arg13 : memref<128xi32, #tpu.memory_space<vmem>>) semaphore(%run_scoped3A : memref<!tpu.dma_semaphore, #tpu.memory_space<semaphore_mem>>) {add = true}
        %dma_wait3A_144 = arith.constant 0 : i32
        %dma_wait3A_145 = arith.constant 0 : i32
        %dma_wait3A_146 = tpu.memref_slice %arg17[%dma_wait3A_144, %dma_wait3A_145] : memref<10240x128xf32, #tpu.memory_space<vmem_shared>> -> memref<10240x128xf32, #tpu.memory_space<vmem_shared>>
        tpu.wait_indirect_dma semaphore(%run_scoped3A : memref<!tpu.dma_semaphore, #tpu.memory_space<semaphore_mem>>) src(%arg15 : memref<128x128xf32, #tpu.memory_space<vmem>>) dst(%dma_wait3A_146 : memref<10240x128xf32, #tpu.memory_space<vmem_shared>>)
        tpu.yield
      }) : () -> ()
      %mul3A_117 = arith.constant 4 : i32
      %mul3A_118 = arith.muli %mul3A_117, %scan3A_50 : i32
      %add3A_119 = arith.constant 3 : i32
      %add3A_120 = arith.addi %mul3A_118, %add3A_119 : i32
      %add3A_121 = arith.constant 4 : i32
      %add3A_122 = arith.addi %add3A_120, %add3A_121 : i32
      %sub3A_123 = arith.constant 1 : i32
      %sub3A_124 = arith.subi %add3A_122, %sub3A_123 : i32
      %lt3A_125 = arith.constant 80 : i32
      %lt3A_126 = arith.cmpi slt, %sub3A_124, %lt3A_125 : i32
      %convert_element_type3A_127 = arith.extui %lt3A_126 : i1 to i32
      %cond3A_128 = arith.constant 0 : i32
      %cond3A_129 = arith.cmpi ne, %convert_element_type3A_127, %cond3A_128 : i32
      scf.if %cond3A_129 {
        %mul3A_141 = arith.constant 10240 : i32
        %mul3A_142 = arith.muli %add3A, %mul3A_141 : i32
        %mul3A_143 = arith.constant 128 : i32
        %mul3A_144 = arith.muli %sub3A_124, %mul3A_143 : i32
        %add3A_145 = arith.addi %mul3A_142, %mul3A_144 : i32
        %multiple_of3A_146 = tpu.assume_multiple %add3A_145, 8 : i32
        %dma_start3A_147 = tpu.memref_slice %arg3[%multiple_of3A_146] : memref<327680xi32, #tpu.memory_space<hbm>> -> memref<128xi32, #tpu.memory_space<hbm>>
        %dma_start3A_148 = tpu.memref_slice %arg3[%multiple_of3A_146] : memref<327680xi32, #tpu.memory_space<hbm>> -> memref<128xi32, #tpu.memory_space<hbm>>
        tpu.enqueue_dma source(%dma_start3A_148 : memref<128xi32, #tpu.memory_space<hbm>>) target(%arg9 : memref<128xi32, #tpu.memory_space<vmem>>) target_semaphore(%arg20 : memref<!tpu.dma_semaphore, #tpu.memory_space<semaphore_mem>>)
        %dma_start3A_149 = tpu.memref_slice %arg4[%multiple_of3A_146] : memref<327680xi32, #tpu.memory_space<hbm>> -> memref<128xi32, #tpu.memory_space<hbm>>
        %dma_start3A_150 = tpu.memref_slice %arg4[%multiple_of3A_146] : memref<327680xi32, #tpu.memory_space<hbm>> -> memref<128xi32, #tpu.memory_space<hbm>>
        tpu.enqueue_dma source(%dma_start3A_150 : memref<128xi32, #tpu.memory_space<hbm>>) target(%arg13 : memref<128xi32, #tpu.memory_space<vmem>>) target_semaphore(%arg20 : memref<!tpu.dma_semaphore, #tpu.memory_space<semaphore_mem>>)
      } else {
      }
      %add3A_130 = arith.constant 1 : i32
      %add3A_131 = arith.addi %add3A_120, %add3A_130 : i32
      %lt3A_132 = arith.constant 80 : i32
      %lt3A_133 = arith.cmpi slt, %add3A_131, %lt3A_132 : i32
      %convert_element_type3A_134 = arith.extui %lt3A_133 : i1 to i32
      %cond3A_135 = arith.constant 0 : i32
      %cond3A_136 = arith.cmpi ne, %convert_element_type3A_134, %cond3A_135 : i32
      scf.if %cond3A_136 {
        %add3A_141 = arith.constant 1 : i32
        %add3A_142 = arith.addi %add3A_120, %add3A_141 : i32
        %mul3A_143 = arith.constant 10240 : i32
        %mul3A_144 = arith.muli %add3A, %mul3A_143 : i32
        %mul3A_145 = arith.constant 128 : i32
        %mul3A_146 = arith.muli %add3A_142, %mul3A_145 : i32
        %add3A_147 = arith.addi %mul3A_144, %mul3A_146 : i32
        %multiple_of3A_148 = tpu.assume_multiple %add3A_147, 8 : i32
        %dma_wait3A_149 = tpu.memref_slice %arg3[%multiple_of3A_148] : memref<327680xi32, #tpu.memory_space<hbm>> -> memref<128xi32, #tpu.memory_space<hbm>>
        %dma_wait3A_150 = tpu.memref_slice %arg3[%multiple_of3A_148] : memref<327680xi32, #tpu.memory_space<hbm>> -> memref<128xi32, #tpu.memory_space<hbm>>
        tpu.wait_dma2 semaphore(%arg18 : memref<!tpu.dma_semaphore, #tpu.memory_space<semaphore_mem>>) src(%dma_wait3A_150 : memref<128xi32, #tpu.memory_space<hbm>>) dst(%arg7 : memref<128xi32, #tpu.memory_space<vmem>>)
        %dma_wait3A_151 = tpu.memref_slice %arg4[%multiple_of3A_148] : memref<327680xi32, #tpu.memory_space<hbm>> -> memref<128xi32, #tpu.memory_space<hbm>>
        %dma_wait3A_152 = tpu.memref_slice %arg4[%multiple_of3A_148] : memref<327680xi32, #tpu.memory_space<hbm>> -> memref<128xi32, #tpu.memory_space<hbm>>
        tpu.wait_dma2 semaphore(%arg18 : memref<!tpu.dma_semaphore, #tpu.memory_space<semaphore_mem>>) src(%dma_wait3A_152 : memref<128xi32, #tpu.memory_space<hbm>>) dst(%arg11 : memref<128xi32, #tpu.memory_space<vmem>>)
        %dma_start3A_153 = arith.constant 0 : i32
        %dma_start3A_154 = arith.constant 0 : i32
        %dma_start3A_155 = tpu.memref_slice %arg2[%dma_start3A_153, %dma_start3A_154] : memref<10240x128xf32, #tpu.memory_space<hbm>> -> memref<10240x128xf32, #tpu.memory_space<hbm>>
        tpu.enqueue_indirect_dma source(%dma_start3A_155 : memref<10240x128xf32, #tpu.memory_space<hbm>>) target(%arg15 : memref<128x128xf32, #tpu.memory_space<vmem>>) offsets(%arg7 : memref<128xi32, #tpu.memory_space<vmem>>) semaphore(%arg22 : memref<!tpu.dma_semaphore, #tpu.memory_space<semaphore_mem>>)
      } else {
      }
      %dma_wait3A_137 = arith.constant 0 : i32
      %dma_wait3A_138 = arith.constant 0 : i32
      %dma_wait3A_139 = tpu.memref_slice %arg2[%dma_wait3A_137, %dma_wait3A_138] : memref<10240x128xf32, #tpu.memory_space<hbm>> -> memref<10240x128xf32, #tpu.memory_space<hbm>>
      tpu.wait_indirect_dma semaphore(%arg23 : memref<!tpu.dma_semaphore, #tpu.memory_space<semaphore_mem>>) src(%dma_wait3A_139 : memref<10240x128xf32, #tpu.memory_space<hbm>>) dst(%arg16 : memref<128x128xf32, #tpu.memory_space<vmem>>)
      "tpu.region"() ({
        %run_scoped3A = tpu.sem_alloc : memref<!tpu.dma_semaphore, #tpu.memory_space<semaphore_mem>>
        %dma_start3A_141 = arith.constant 0 : i32
        %dma_start3A_142 = arith.constant 0 : i32
        %dma_start3A_143 = tpu.memref_slice %arg17[%dma_start3A_141, %dma_start3A_142] : memref<10240x128xf32, #tpu.memory_space<vmem_shared>> -> memref<10240x128xf32, #tpu.memory_space<vmem_shared>>
        tpu.enqueue_indirect_dma source(%arg16 : memref<128x128xf32, #tpu.memory_space<vmem>>) target(%dma_start3A_143 : memref<10240x128xf32, #tpu.memory_space<vmem_shared>>) offsets(%arg14 : memref<128xi32, #tpu.memory_space<vmem>>) semaphore(%run_scoped3A : memref<!tpu.dma_semaphore, #tpu.memory_space<semaphore_mem>>) {add = true}
        %dma_wait3A_144 = arith.constant 0 : i32
        %dma_wait3A_145 = arith.constant 0 : i32
        %dma_wait3A_146 = tpu.memref_slice %arg17[%dma_wait3A_144, %dma_wait3A_145] : memref<10240x128xf32, #tpu.memory_space<vmem_shared>> -> memref<10240x128xf32, #tpu.memory_space<vmem_shared>>
        tpu.wait_indirect_dma semaphore(%run_scoped3A : memref<!tpu.dma_semaphore, #tpu.memory_space<semaphore_mem>>) src(%arg16 : memref<128x128xf32, #tpu.memory_space<vmem>>) dst(%dma_wait3A_146 : memref<10240x128xf32, #tpu.memory_space<vmem_shared>>)
        tpu.yield
      }) : () -> ()
      %scan3A_140 = arith.constant 0 : i32
      scf.yield %scan3A_140 : i32
    }
    %scan3A_45 = arith.constant 20 : i32
    %barrier3A_46 = arith.constant 0 : index
    tpu.barrier barrier_id(%barrier3A_46)
    %mul3A_47 = arith.constant 640 : i32
    %mul3A_48 = arith.muli %arg1, %mul3A_47 : i32
    %multiple_of3A_49 = tpu.assume_multiple %mul3A_48, 8 : i32
    "tpu.region"() ({
      %run_scoped3A = tpu.sem_alloc : memref<!tpu.dma_semaphore, #tpu.memory_space<semaphore_mem>>
      %dma_start3A_50 = arith.constant 0 : i32
      %dma_start3A_51 = tpu.memref_slice %arg6[%arg0, %multiple_of3A_49, %dma_start3A_50] : memref<2x10240x128xf32, #tpu.memory_space<hbm>> -> memref<1x640x128xf32, #tpu.memory_space<hbm>>
      %dma_start3A_52 = tpu.memref_squeeze %dma_start3A_51 : memref<1x640x128xf32, #tpu.memory_space<hbm>> -> memref<640x128xf32, #tpu.memory_space<hbm>>
      %dma_start3A_53 = arith.constant 0 : i32
      %dma_start3A_54 = tpu.memref_slice %arg17[%multiple_of3A_49, %dma_start3A_53] : memref<10240x128xf32, #tpu.memory_space<vmem_shared>> -> memref<640x128xf32, #tpu.memory_space<vmem_shared>>
      tpu.enqueue_dma source(%dma_start3A_54 : memref<640x128xf32, #tpu.memory_space<vmem_shared>>) target(%dma_start3A_52 : memref<640x128xf32, #tpu.memory_space<hbm>>) target_semaphore(%run_scoped3A : memref<!tpu.dma_semaphore, #tpu.memory_space<semaphore_mem>>)
      %dma_wait3A_55 = arith.constant 0 : i32
      %dma_wait3A_56 = tpu.memref_slice %arg6[%arg0, %multiple_of3A_49, %dma_wait3A_55] : memref<2x10240x128xf32, #tpu.memory_space<hbm>> -> memref<1x640x128xf32, #tpu.memory_space<hbm>>
      %dma_wait3A_57 = tpu.memref_squeeze %dma_wait3A_56 : memref<1x640x128xf32, #tpu.memory_space<hbm>> -> memref<640x128xf32, #tpu.memory_space<hbm>>
      %dma_wait3A_58 = arith.constant 0 : i32
      %dma_wait3A_59 = tpu.memref_slice %arg17[%multiple_of3A_49, %dma_wait3A_58] : memref<10240x128xf32, #tpu.memory_space<vmem_shared>> -> memref<640x128xf32, #tpu.memory_space<vmem_shared>>
      tpu.wait_dma2 semaphore(%run_scoped3A : memref<!tpu.dma_semaphore, #tpu.memory_space<semaphore_mem>>) src(%dma_wait3A_59 : memref<640x128xf32, #tpu.memory_space<vmem_shared>>) dst(%dma_wait3A_57 : memref<640x128xf32, #tpu.memory_space<hbm>>)
      tpu.yield
    }) : () -> ()
    return
  }
}

#map = affine_map<(d0, d1) -> (0, 0)>
#map1 = affine_map<(d0, d1) -> (0)>
#map2 = affine_map<(d0, d1) -> (0, 0, 0)>
module attributes {stable_mosaic.version = 14 : i64} {
  func.func @_sc_prop_body(%arg0: i32, %arg1: i32, %arg2: memref<10240x128xf32, #tpu.memory_space<hbm>>, %arg3: memref<327680xi32, #tpu.memory_space<hbm>>, %arg4: memref<327680xi32, #tpu.memory_space<hbm>>, %arg5: memref<640x128xf32, #tpu.memory_space<hbm>>, %arg6: memref<2x10240x128xf32, #tpu.memory_space<hbm>>, %arg7: memref<128xi32, #tpu.memory_space<vmem>>, %arg8: memref<128xi32, #tpu.memory_space<vmem>>, %arg9: memref<128xi32, #tpu.memory_space<vmem>>, %arg10: memref<128xi32, #tpu.memory_space<vmem>>, %arg11: memref<128xi32, #tpu.memory_space<vmem>>, %arg12: memref<128xi32, #tpu.memory_space<vmem>>, %arg13: memref<128xi32, #tpu.memory_space<vmem>>, %arg14: memref<128xi32, #tpu.memory_space<vmem>>, %arg15: memref<128x128xf32, #tpu.memory_space<vmem>>, %arg16: memref<128x128xf32, #tpu.memory_space<vmem>>, %arg17: memref<10240x128xf32, #tpu.memory_space<vmem_shared>>, %arg18: memref<!tpu.dma_semaphore, #tpu.memory_space<semaphore_mem>>, %arg19: memref<!tpu.dma_semaphore, #tpu.memory_space<semaphore_mem>>, %arg20: memref<!tpu.dma_semaphore, #tpu.memory_space<semaphore_mem>>, %arg21: memref<!tpu.dma_semaphore, #tpu.memory_space<semaphore_mem>>, %arg22: memref<!tpu.dma_semaphore, #tpu.memory_space<semaphore_mem>>, %arg23: memref<!tpu.dma_semaphore, #tpu.memory_space<semaphore_mem>>) attributes {dimension_semantics = [#tpu.dimension_semantics<core_parallel>, #tpu.dimension_semantics<subcore_parallel>], iteration_bounds = array<i64: 2, 16>, scalar_prefetch = 0 : i64, scratch_operands = 17 : i64, tpu.core_type = #tpu.core_type<sc_vector_subcore>, window_params = [{transform_indices = #map}, {transform_indices = #map1}, {transform_indices = #map1}, {transform_indices = #map}, {transform_indices = #map2}]} {
    %mul3A = arith.constant 16 : i32
    %mul3A_0 = arith.muli %arg0, %mul3A : i32
    %add3A = arith.addi %mul3A_0, %arg1 : i32
    %mul3A_1 = arith.constant 640 : i32
    %mul3A_2 = arith.muli %arg1, %mul3A_1 : i32
    %multiple_of3A = tpu.assume_multiple %mul3A_2, 8 : i32
    "tpu.region"() ({
      %run_scoped3A = tpu.sem_alloc : memref<!tpu.dma_semaphore, #tpu.memory_space<semaphore_mem>>
      %dma_start3A_50 = arith.constant 0 : i32
      %dma_start3A_51 = tpu.memref_slice %arg17[%multiple_of3A, %dma_start3A_50] : memref<10240x128xf32, #tpu.memory_space<vmem_shared>> -> memref<640x128xf32, #tpu.memory_space<vmem_shared>>
      tpu.enqueue_dma source(%arg5 : memref<640x128xf32, #tpu.memory_space<hbm>>) target(%dma_start3A_51 : memref<640x128xf32, #tpu.memory_space<vmem_shared>>) target_semaphore(%run_scoped3A : memref<!tpu.dma_semaphore, #tpu.memory_space<semaphore_mem>>)
      %dma_wait3A_52 = arith.constant 0 : i32
      %dma_wait3A_53 = tpu.memref_slice %arg17[%multiple_of3A, %dma_wait3A_52] : memref<10240x128xf32, #tpu.memory_space<vmem_shared>> -> memref<640x128xf32, #tpu.memory_space<vmem_shared>>
      tpu.wait_dma2 semaphore(%run_scoped3A : memref<!tpu.dma_semaphore, #tpu.memory_space<semaphore_mem>>) src(%arg5 : memref<640x128xf32, #tpu.memory_space<hbm>>) dst(%dma_wait3A_53 : memref<640x128xf32, #tpu.memory_space<vmem_shared>>)
      tpu.yield
    }) : () -> ()
    %barrier3A = arith.constant 0 : index
    tpu.barrier barrier_id(%barrier3A)
    %mul3A_3 = arith.constant 10240 : i32
    %mul3A_4 = arith.muli %add3A, %mul3A_3 : i32
    %add3A_5 = arith.constant 0 : i32
    %add3A_6 = arith.addi %mul3A_4, %add3A_5 : i32
    %multiple_of3A_7 = tpu.assume_multiple %add3A_6, 8 : i32
    %dma_start3A = tpu.memref_slice %arg3[%multiple_of3A_7] : memref<327680xi32, #tpu.memory_space<hbm>> -> memref<128xi32, #tpu.memory_space<hbm>>
    %dma_start3A_8 = tpu.memref_slice %arg3[%multiple_of3A_7] : memref<327680xi32, #tpu.memory_space<hbm>> -> memref<128xi32, #tpu.memory_space<hbm>>
    tpu.enqueue_dma source(%dma_start3A_8 : memref<128xi32, #tpu.memory_space<hbm>>) target(%arg7 : memref<128xi32, #tpu.memory_space<vmem>>) target_semaphore(%arg18 : memref<!tpu.dma_semaphore, #tpu.memory_space<semaphore_mem>>)
    %dma_start3A_9 = tpu.memref_slice %arg4[%multiple_of3A_7] : memref<327680xi32, #tpu.memory_space<hbm>> -> memref<128xi32, #tpu.memory_space<hbm>>
    %dma_start3A_10 = tpu.memref_slice %arg4[%multiple_of3A_7] : memref<327680xi32, #tpu.memory_space<hbm>> -> memref<128xi32, #tpu.memory_space<hbm>>
    tpu.enqueue_dma source(%dma_start3A_10 : memref<128xi32, #tpu.memory_space<hbm>>) target(%arg11 : memref<128xi32, #tpu.memory_space<vmem>>) target_semaphore(%arg18 : memref<!tpu.dma_semaphore, #tpu.memory_space<semaphore_mem>>)
    %mul3A_11 = arith.constant 10240 : i32
    %mul3A_12 = arith.muli %add3A, %mul3A_11 : i32
    %add3A_13 = arith.constant 128 : i32
    %add3A_14 = arith.addi %mul3A_12, %add3A_13 : i32
    %multiple_of3A_15 = tpu.assume_multiple %add3A_14, 8 : i32
    %dma_start3A_16 = tpu.memref_slice %arg3[%multiple_of3A_15] : memref<327680xi32, #tpu.memory_space<hbm>> -> memref<128xi32, #tpu.memory_space<hbm>>
    %dma_start3A_17 = tpu.memref_slice %arg3[%multiple_of3A_15] : memref<327680xi32, #tpu.memory_space<hbm>> -> memref<128xi32, #tpu.memory_space<hbm>>
    tpu.enqueue_dma source(%dma_start3A_17 : memref<128xi32, #tpu.memory_space<hbm>>) target(%arg8 : memref<128xi32, #tpu.memory_space<vmem>>) target_semaphore(%arg19 : memref<!tpu.dma_semaphore, #tpu.memory_space<semaphore_mem>>)
    %dma_start3A_18 = tpu.memref_slice %arg4[%multiple_of3A_15] : memref<327680xi32, #tpu.memory_space<hbm>> -> memref<128xi32, #tpu.memory_space<hbm>>
    %dma_start3A_19 = tpu.memref_slice %arg4[%multiple_of3A_15] : memref<327680xi32, #tpu.memory_space<hbm>> -> memref<128xi32, #tpu.memory_space<hbm>>
    tpu.enqueue_dma source(%dma_start3A_19 : memref<128xi32, #tpu.memory_space<hbm>>) target(%arg12 : memref<128xi32, #tpu.memory_space<vmem>>) target_semaphore(%arg19 : memref<!tpu.dma_semaphore, #tpu.memory_space<semaphore_mem>>)
    %mul3A_20 = arith.constant 10240 : i32
    %mul3A_21 = arith.muli %add3A, %mul3A_20 : i32
    %add3A_22 = arith.constant 256 : i32
    %add3A_23 = arith.addi %mul3A_21, %add3A_22 : i32
    %multiple_of3A_24 = tpu.assume_multiple %add3A_23, 8 : i32
    %dma_start3A_25 = tpu.memref_slice %arg3[%multiple_of3A_24] : memref<327680xi32, #tpu.memory_space<hbm>> -> memref<128xi32, #tpu.memory_space<hbm>>
    %dma_start3A_26 = tpu.memref_slice %arg3[%multiple_of3A_24] : memref<327680xi32, #tpu.memory_space<hbm>> -> memref<128xi32, #tpu.memory_space<hbm>>
    tpu.enqueue_dma source(%dma_start3A_26 : memref<128xi32, #tpu.memory_space<hbm>>) target(%arg9 : memref<128xi32, #tpu.memory_space<vmem>>) target_semaphore(%arg20 : memref<!tpu.dma_semaphore, #tpu.memory_space<semaphore_mem>>)
    %dma_start3A_27 = tpu.memref_slice %arg4[%multiple_of3A_24] : memref<327680xi32, #tpu.memory_space<hbm>> -> memref<128xi32, #tpu.memory_space<hbm>>
    %dma_start3A_28 = tpu.memref_slice %arg4[%multiple_of3A_24] : memref<327680xi32, #tpu.memory_space<hbm>> -> memref<128xi32, #tpu.memory_space<hbm>>
    tpu.enqueue_dma source(%dma_start3A_28 : memref<128xi32, #tpu.memory_space<hbm>>) target(%arg13 : memref<128xi32, #tpu.memory_space<vmem>>) target_semaphore(%arg20 : memref<!tpu.dma_semaphore, #tpu.memory_space<semaphore_mem>>)
    %mul3A_29 = arith.constant 10240 : i32
    %mul3A_30 = arith.muli %add3A, %mul3A_29 : i32
    %add3A_31 = arith.constant 0 : i32
    %add3A_32 = arith.addi %mul3A_30, %add3A_31 : i32
    %multiple_of3A_33 = tpu.assume_multiple %add3A_32, 8 : i32
    %dma_wait3A = tpu.memref_slice %arg3[%multiple_of3A_33] : memref<327680xi32, #tpu.memory_space<hbm>> -> memref<128xi32, #tpu.memory_space<hbm>>
    %dma_wait3A_34 = tpu.memref_slice %arg3[%multiple_of3A_33] : memref<327680xi32, #tpu.memory_space<hbm>> -> memref<128xi32, #tpu.memory_space<hbm>>
    tpu.wait_dma2 semaphore(%arg18 : memref<!tpu.dma_semaphore, #tpu.memory_space<semaphore_mem>>) src(%dma_wait3A_34 : memref<128xi32, #tpu.memory_space<hbm>>) dst(%arg7 : memref<128xi32, #tpu.memory_space<vmem>>)
    %dma_wait3A_35 = tpu.memref_slice %arg4[%multiple_of3A_33] : memref<327680xi32, #tpu.memory_space<hbm>> -> memref<128xi32, #tpu.memory_space<hbm>>
    %dma_wait3A_36 = tpu.memref_slice %arg4[%multiple_of3A_33] : memref<327680xi32, #tpu.memory_space<hbm>> -> memref<128xi32, #tpu.memory_space<hbm>>
    tpu.wait_dma2 semaphore(%arg18 : memref<!tpu.dma_semaphore, #tpu.memory_space<semaphore_mem>>) src(%dma_wait3A_36 : memref<128xi32, #tpu.memory_space<hbm>>) dst(%arg11 : memref<128xi32, #tpu.memory_space<vmem>>)
    %dma_start3A_37 = arith.constant 0 : i32
    %dma_start3A_38 = arith.constant 0 : i32
    %dma_start3A_39 = tpu.memref_slice %arg2[%dma_start3A_37, %dma_start3A_38] : memref<10240x128xf32, #tpu.memory_space<hbm>> -> memref<10240x128xf32, #tpu.memory_space<hbm>>
    tpu.enqueue_indirect_dma source(%dma_start3A_39 : memref<10240x128xf32, #tpu.memory_space<hbm>>) target(%arg15 : memref<128x128xf32, #tpu.memory_space<vmem>>) offsets(%arg7 : memref<128xi32, #tpu.memory_space<vmem>>) semaphore(%arg22 : memref<!tpu.dma_semaphore, #tpu.memory_space<semaphore_mem>>)
    %scan3A = arith.constant 0 : i32
    %scan3A_40 = arith.constant 0 : i32
    %scan3A_41 = arith.constant 20 : i32
    %scan3A_42 = arith.addi %scan3A_40, %scan3A_41 : i32
    %scan3A_43 = arith.constant 1 : i32
    %scan3A_44 = scf.for %scan3A_50 = %scan3A_40 to %scan3A_42 step %scan3A_43 iter_args(%scan3A_51 = %scan3A) -> (i32)  : i32 {
      %mul3A_52 = arith.constant 4 : i32
      %mul3A_53 = arith.muli %mul3A_52, %scan3A_50 : i32
      %add3A_54 = arith.constant 0 : i32
      %add3A_55 = arith.addi %mul3A_53, %add3A_54 : i32
      %add3A_56 = arith.constant 4 : i32
      %add3A_57 = arith.addi %add3A_55, %add3A_56 : i32
      %sub3A = arith.constant 1 : i32
      %sub3A_58 = arith.subi %add3A_57, %sub3A : i32
      %lt3A = arith.constant 80 : i32
      %lt3A_59 = arith.cmpi slt, %sub3A_58, %lt3A : i32
      %convert_element_type3A = arith.extui %lt3A_59 : i1 to i32
      %cond3A = arith.constant 0 : i32
      %cond3A_60 = arith.cmpi ne, %convert_element_type3A, %cond3A : i32
      scf.if %cond3A_60 {
        %mul3A_141 = arith.constant 10240 : i32
        %mul3A_142 = arith.muli %add3A, %mul3A_141 : i32
        %mul3A_143 = arith.constant 128 : i32
        %mul3A_144 = arith.muli %sub3A_58, %mul3A_143 : i32
        %add3A_145 = arith.addi %mul3A_142, %mul3A_144 : i32
        %multiple_of3A_146 = tpu.assume_multiple %add3A_145, 8 : i32
        %dma_start3A_147 = tpu.memref_slice %arg3[%multiple_of3A_146] : memref<327680xi32, #tpu.memory_space<hbm>> -> memref<128xi32, #tpu.memory_space<hbm>>
        %dma_start3A_148 = tpu.memref_slice %arg3[%multiple_of3A_146] : memref<327680xi32, #tpu.memory_space<hbm>> -> memref<128xi32, #tpu.memory_space<hbm>>
        tpu.enqueue_dma source(%dma_start3A_148 : memref<128xi32, #tpu.memory_space<hbm>>) target(%arg10 : memref<128xi32, #tpu.memory_space<vmem>>) target_semaphore(%arg21 : memref<!tpu.dma_semaphore, #tpu.memory_space<semaphore_mem>>)
        %dma_start3A_149 = tpu.memref_slice %arg4[%multiple_of3A_146] : memref<327680xi32, #tpu.memory_space<hbm>> -> memref<128xi32, #tpu.memory_space<hbm>>
        %dma_start3A_150 = tpu.memref_slice %arg4[%multiple_of3A_146] : memref<327680xi32, #tpu.memory_space<hbm>> -> memref<128xi32, #tpu.memory_space<hbm>>
        tpu.enqueue_dma source(%dma_start3A_150 : memref<128xi32, #tpu.memory_space<hbm>>) target(%arg14 : memref<128xi32, #tpu.memory_space<vmem>>) target_semaphore(%arg21 : memref<!tpu.dma_semaphore, #tpu.memory_space<semaphore_mem>>)
      } else {
      }
      %add3A_61 = arith.constant 1 : i32
      %add3A_62 = arith.addi %add3A_55, %add3A_61 : i32
      %lt3A_63 = arith.constant 80 : i32
      %lt3A_64 = arith.cmpi slt, %add3A_62, %lt3A_63 : i32
      %convert_element_type3A_65 = arith.extui %lt3A_64 : i1 to i32
      %cond3A_66 = arith.constant 0 : i32
      %cond3A_67 = arith.cmpi ne, %convert_element_type3A_65, %cond3A_66 : i32
      scf.if %cond3A_67 {
        %add3A_141 = arith.constant 1 : i32
        %add3A_142 = arith.addi %add3A_55, %add3A_141 : i32
        %mul3A_143 = arith.constant 10240 : i32
        %mul3A_144 = arith.muli %add3A, %mul3A_143 : i32
        %mul3A_145 = arith.constant 128 : i32
        %mul3A_146 = arith.muli %add3A_142, %mul3A_145 : i32
        %add3A_147 = arith.addi %mul3A_144, %mul3A_146 : i32
        %multiple_of3A_148 = tpu.assume_multiple %add3A_147, 8 : i32
        %dma_wait3A_149 = tpu.memref_slice %arg3[%multiple_of3A_148] : memref<327680xi32, #tpu.memory_space<hbm>> -> memref<128xi32, #tpu.memory_space<hbm>>
        %dma_wait3A_150 = tpu.memref_slice %arg3[%multiple_of3A_148] : memref<327680xi32, #tpu.memory_space<hbm>> -> memref<128xi32, #tpu.memory_space<hbm>>
        tpu.wait_dma2 semaphore(%arg19 : memref<!tpu.dma_semaphore, #tpu.memory_space<semaphore_mem>>) src(%dma_wait3A_150 : memref<128xi32, #tpu.memory_space<hbm>>) dst(%arg8 : memref<128xi32, #tpu.memory_space<vmem>>)
        %dma_wait3A_151 = tpu.memref_slice %arg4[%multiple_of3A_148] : memref<327680xi32, #tpu.memory_space<hbm>> -> memref<128xi32, #tpu.memory_space<hbm>>
        %dma_wait3A_152 = tpu.memref_slice %arg4[%multiple_of3A_148] : memref<327680xi32, #tpu.memory_space<hbm>> -> memref<128xi32, #tpu.memory_space<hbm>>
        tpu.wait_dma2 semaphore(%arg19 : memref<!tpu.dma_semaphore, #tpu.memory_space<semaphore_mem>>) src(%dma_wait3A_152 : memref<128xi32, #tpu.memory_space<hbm>>) dst(%arg12 : memref<128xi32, #tpu.memory_space<vmem>>)
        %dma_start3A_153 = arith.constant 0 : i32
        %dma_start3A_154 = arith.constant 0 : i32
        %dma_start3A_155 = tpu.memref_slice %arg2[%dma_start3A_153, %dma_start3A_154] : memref<10240x128xf32, #tpu.memory_space<hbm>> -> memref<10240x128xf32, #tpu.memory_space<hbm>>
        tpu.enqueue_indirect_dma source(%dma_start3A_155 : memref<10240x128xf32, #tpu.memory_space<hbm>>) target(%arg16 : memref<128x128xf32, #tpu.memory_space<vmem>>) offsets(%arg8 : memref<128xi32, #tpu.memory_space<vmem>>) semaphore(%arg23 : memref<!tpu.dma_semaphore, #tpu.memory_space<semaphore_mem>>)
      } else {
      }
      %dma_wait3A_68 = arith.constant 0 : i32
      %dma_wait3A_69 = arith.constant 0 : i32
      %dma_wait3A_70 = tpu.memref_slice %arg2[%dma_wait3A_68, %dma_wait3A_69] : memref<10240x128xf32, #tpu.memory_space<hbm>> -> memref<10240x128xf32, #tpu.memory_space<hbm>>
      tpu.wait_indirect_dma semaphore(%arg22 : memref<!tpu.dma_semaphore, #tpu.memory_space<semaphore_mem>>) src(%dma_wait3A_70 : memref<10240x128xf32, #tpu.memory_space<hbm>>) dst(%arg15 : memref<128x128xf32, #tpu.memory_space<vmem>>)
      "tpu.region"() ({
        %run_scoped3A = tpu.sem_alloc : memref<!tpu.dma_semaphore, #tpu.memory_space<semaphore_mem>>
        %dma_start3A_141 = arith.constant 0 : i32
        %dma_start3A_142 = arith.constant 0 : i32
        %dma_start3A_143 = tpu.memref_slice %arg17[%dma_start3A_141, %dma_start3A_142] : memref<10240x128xf32, #tpu.memory_space<vmem_shared>> -> memref<10240x128xf32, #tpu.memory_space<vmem_shared>>
        tpu.enqueue_indirect_dma source(%arg15 : memref<128x128xf32, #tpu.memory_space<vmem>>) target(%dma_start3A_143 : memref<10240x128xf32, #tpu.memory_space<vmem_shared>>) offsets(%arg11 : memref<128xi32, #tpu.memory_space<vmem>>) semaphore(%run_scoped3A : memref<!tpu.dma_semaphore, #tpu.memory_space<semaphore_mem>>) {add = true}
        %dma_wait3A_144 = arith.constant 0 : i32
        %dma_wait3A_145 = arith.constant 0 : i32
        %dma_wait3A_146 = tpu.memref_slice %arg17[%dma_wait3A_144, %dma_wait3A_145] : memref<10240x128xf32, #tpu.memory_space<vmem_shared>> -> memref<10240x128xf32, #tpu.memory_space<vmem_shared>>
        tpu.wait_indirect_dma semaphore(%run_scoped3A : memref<!tpu.dma_semaphore, #tpu.memory_space<semaphore_mem>>) src(%arg15 : memref<128x128xf32, #tpu.memory_space<vmem>>) dst(%dma_wait3A_146 : memref<10240x128xf32, #tpu.memory_space<vmem_shared>>)
        tpu.yield
      }) : () -> ()
      %mul3A_71 = arith.constant 4 : i32
      %mul3A_72 = arith.muli %mul3A_71, %scan3A_50 : i32
      %add3A_73 = arith.constant 1 : i32
      %add3A_74 = arith.addi %mul3A_72, %add3A_73 : i32
      %add3A_75 = arith.constant 4 : i32
      %add3A_76 = arith.addi %add3A_74, %add3A_75 : i32
      %sub3A_77 = arith.constant 1 : i32
      %sub3A_78 = arith.subi %add3A_76, %sub3A_77 : i32
      %lt3A_79 = arith.constant 80 : i32
      %lt3A_80 = arith.cmpi slt, %sub3A_78, %lt3A_79 : i32
      %convert_element_type3A_81 = arith.extui %lt3A_80 : i1 to i32
      %cond3A_82 = arith.constant 0 : i32
      %cond3A_83 = arith.cmpi ne, %convert_element_type3A_81, %cond3A_82 : i32
      scf.if %cond3A_83 {
        %mul3A_141 = arith.constant 10240 : i32
        %mul3A_142 = arith.muli %add3A, %mul3A_141 : i32
        %mul3A_143 = arith.constant 128 : i32
        %mul3A_144 = arith.muli %sub3A_78, %mul3A_143 : i32
        %add3A_145 = arith.addi %mul3A_142, %mul3A_144 : i32
        %multiple_of3A_146 = tpu.assume_multiple %add3A_145, 8 : i32
        %dma_start3A_147 = tpu.memref_slice %arg3[%multiple_of3A_146] : memref<327680xi32, #tpu.memory_space<hbm>> -> memref<128xi32, #tpu.memory_space<hbm>>
        %dma_start3A_148 = tpu.memref_slice %arg3[%multiple_of3A_146] : memref<327680xi32, #tpu.memory_space<hbm>> -> memref<128xi32, #tpu.memory_space<hbm>>
        tpu.enqueue_dma source(%dma_start3A_148 : memref<128xi32, #tpu.memory_space<hbm>>) target(%arg7 : memref<128xi32, #tpu.memory_space<vmem>>) target_semaphore(%arg18 : memref<!tpu.dma_semaphore, #tpu.memory_space<semaphore_mem>>)
        %dma_start3A_149 = tpu.memref_slice %arg4[%multiple_of3A_146] : memref<327680xi32, #tpu.memory_space<hbm>> -> memref<128xi32, #tpu.memory_space<hbm>>
        %dma_start3A_150 = tpu.memref_slice %arg4[%multiple_of3A_146] : memref<327680xi32, #tpu.memory_space<hbm>> -> memref<128xi32, #tpu.memory_space<hbm>>
        tpu.enqueue_dma source(%dma_start3A_150 : memref<128xi32, #tpu.memory_space<hbm>>) target(%arg11 : memref<128xi32, #tpu.memory_space<vmem>>) target_semaphore(%arg18 : memref<!tpu.dma_semaphore, #tpu.memory_space<semaphore_mem>>)
      } else {
      }
      %add3A_84 = arith.constant 1 : i32
      %add3A_85 = arith.addi %add3A_74, %add3A_84 : i32
      %lt3A_86 = arith.constant 80 : i32
      %lt3A_87 = arith.cmpi slt, %add3A_85, %lt3A_86 : i32
      %convert_element_type3A_88 = arith.extui %lt3A_87 : i1 to i32
      %cond3A_89 = arith.constant 0 : i32
      %cond3A_90 = arith.cmpi ne, %convert_element_type3A_88, %cond3A_89 : i32
      scf.if %cond3A_90 {
        %add3A_141 = arith.constant 1 : i32
        %add3A_142 = arith.addi %add3A_74, %add3A_141 : i32
        %mul3A_143 = arith.constant 10240 : i32
        %mul3A_144 = arith.muli %add3A, %mul3A_143 : i32
        %mul3A_145 = arith.constant 128 : i32
        %mul3A_146 = arith.muli %add3A_142, %mul3A_145 : i32
        %add3A_147 = arith.addi %mul3A_144, %mul3A_146 : i32
        %multiple_of3A_148 = tpu.assume_multiple %add3A_147, 8 : i32
        %dma_wait3A_149 = tpu.memref_slice %arg3[%multiple_of3A_148] : memref<327680xi32, #tpu.memory_space<hbm>> -> memref<128xi32, #tpu.memory_space<hbm>>
        %dma_wait3A_150 = tpu.memref_slice %arg3[%multiple_of3A_148] : memref<327680xi32, #tpu.memory_space<hbm>> -> memref<128xi32, #tpu.memory_space<hbm>>
        tpu.wait_dma2 semaphore(%arg20 : memref<!tpu.dma_semaphore, #tpu.memory_space<semaphore_mem>>) src(%dma_wait3A_150 : memref<128xi32, #tpu.memory_space<hbm>>) dst(%arg9 : memref<128xi32, #tpu.memory_space<vmem>>)
        %dma_wait3A_151 = tpu.memref_slice %arg4[%multiple_of3A_148] : memref<327680xi32, #tpu.memory_space<hbm>> -> memref<128xi32, #tpu.memory_space<hbm>>
        %dma_wait3A_152 = tpu.memref_slice %arg4[%multiple_of3A_148] : memref<327680xi32, #tpu.memory_space<hbm>> -> memref<128xi32, #tpu.memory_space<hbm>>
        tpu.wait_dma2 semaphore(%arg20 : memref<!tpu.dma_semaphore, #tpu.memory_space<semaphore_mem>>) src(%dma_wait3A_152 : memref<128xi32, #tpu.memory_space<hbm>>) dst(%arg13 : memref<128xi32, #tpu.memory_space<vmem>>)
        %dma_start3A_153 = arith.constant 0 : i32
        %dma_start3A_154 = arith.constant 0 : i32
        %dma_start3A_155 = tpu.memref_slice %arg2[%dma_start3A_153, %dma_start3A_154] : memref<10240x128xf32, #tpu.memory_space<hbm>> -> memref<10240x128xf32, #tpu.memory_space<hbm>>
        tpu.enqueue_indirect_dma source(%dma_start3A_155 : memref<10240x128xf32, #tpu.memory_space<hbm>>) target(%arg15 : memref<128x128xf32, #tpu.memory_space<vmem>>) offsets(%arg9 : memref<128xi32, #tpu.memory_space<vmem>>) semaphore(%arg22 : memref<!tpu.dma_semaphore, #tpu.memory_space<semaphore_mem>>)
      } else {
      }
      %dma_wait3A_91 = arith.constant 0 : i32
      %dma_wait3A_92 = arith.constant 0 : i32
      %dma_wait3A_93 = tpu.memref_slice %arg2[%dma_wait3A_91, %dma_wait3A_92] : memref<10240x128xf32, #tpu.memory_space<hbm>> -> memref<10240x128xf32, #tpu.memory_space<hbm>>
      tpu.wait_indirect_dma semaphore(%arg23 : memref<!tpu.dma_semaphore, #tpu.memory_space<semaphore_mem>>) src(%dma_wait3A_93 : memref<10240x128xf32, #tpu.memory_space<hbm>>) dst(%arg16 : memref<128x128xf32, #tpu.memory_space<vmem>>)
      "tpu.region"() ({
        %run_scoped3A = tpu.sem_alloc : memref<!tpu.dma_semaphore, #tpu.memory_space<semaphore_mem>>
        %dma_start3A_141 = arith.constant 0 : i32
        %dma_start3A_142 = arith.constant 0 : i32
        %dma_start3A_143 = tpu.memref_slice %arg17[%dma_start3A_141, %dma_start3A_142] : memref<10240x128xf32, #tpu.memory_space<vmem_shared>> -> memref<10240x128xf32, #tpu.memory_space<vmem_shared>>
        tpu.enqueue_indirect_dma source(%arg16 : memref<128x128xf32, #tpu.memory_space<vmem>>) target(%dma_start3A_143 : memref<10240x128xf32, #tpu.memory_space<vmem_shared>>) offsets(%arg12 : memref<128xi32, #tpu.memory_space<vmem>>) semaphore(%run_scoped3A : memref<!tpu.dma_semaphore, #tpu.memory_space<semaphore_mem>>) {add = true}
        %dma_wait3A_144 = arith.constant 0 : i32
        %dma_wait3A_145 = arith.constant 0 : i32
        %dma_wait3A_146 = tpu.memref_slice %arg17[%dma_wait3A_144, %dma_wait3A_145] : memref<10240x128xf32, #tpu.memory_space<vmem_shared>> -> memref<10240x128xf32, #tpu.memory_space<vmem_shared>>
        tpu.wait_indirect_dma semaphore(%run_scoped3A : memref<!tpu.dma_semaphore, #tpu.memory_space<semaphore_mem>>) src(%arg16 : memref<128x128xf32, #tpu.memory_space<vmem>>) dst(%dma_wait3A_146 : memref<10240x128xf32, #tpu.memory_space<vmem_shared>>)
        tpu.yield
      }) : () -> ()
      %mul3A_94 = arith.constant 4 : i32
      %mul3A_95 = arith.muli %mul3A_94, %scan3A_50 : i32
      %add3A_96 = arith.constant 2 : i32
      %add3A_97 = arith.addi %mul3A_95, %add3A_96 : i32
      %add3A_98 = arith.constant 4 : i32
      %add3A_99 = arith.addi %add3A_97, %add3A_98 : i32
      %sub3A_100 = arith.constant 1 : i32
      %sub3A_101 = arith.subi %add3A_99, %sub3A_100 : i32
      %lt3A_102 = arith.constant 80 : i32
      %lt3A_103 = arith.cmpi slt, %sub3A_101, %lt3A_102 : i32
      %convert_element_type3A_104 = arith.extui %lt3A_103 : i1 to i32
      %cond3A_105 = arith.constant 0 : i32
      %cond3A_106 = arith.cmpi ne, %convert_element_type3A_104, %cond3A_105 : i32
      scf.if %cond3A_106 {
        %mul3A_141 = arith.constant 10240 : i32
        %mul3A_142 = arith.muli %add3A, %mul3A_141 : i32
        %mul3A_143 = arith.constant 128 : i32
        %mul3A_144 = arith.muli %sub3A_101, %mul3A_143 : i32
        %add3A_145 = arith.addi %mul3A_142, %mul3A_144 : i32
        %multiple_of3A_146 = tpu.assume_multiple %add3A_145, 8 : i32
        %dma_start3A_147 = tpu.memref_slice %arg3[%multiple_of3A_146] : memref<327680xi32, #tpu.memory_space<hbm>> -> memref<128xi32, #tpu.memory_space<hbm>>
        %dma_start3A_148 = tpu.memref_slice %arg3[%multiple_of3A_146] : memref<327680xi32, #tpu.memory_space<hbm>> -> memref<128xi32, #tpu.memory_space<hbm>>
        tpu.enqueue_dma source(%dma_start3A_148 : memref<128xi32, #tpu.memory_space<hbm>>) target(%arg8 : memref<128xi32, #tpu.memory_space<vmem>>) target_semaphore(%arg19 : memref<!tpu.dma_semaphore, #tpu.memory_space<semaphore_mem>>)
        %dma_start3A_149 = tpu.memref_slice %arg4[%multiple_of3A_146] : memref<327680xi32, #tpu.memory_space<hbm>> -> memref<128xi32, #tpu.memory_space<hbm>>
        %dma_start3A_150 = tpu.memref_slice %arg4[%multiple_of3A_146] : memref<327680xi32, #tpu.memory_space<hbm>> -> memref<128xi32, #tpu.memory_space<hbm>>
        tpu.enqueue_dma source(%dma_start3A_150 : memref<128xi32, #tpu.memory_space<hbm>>) target(%arg12 : memref<128xi32, #tpu.memory_space<vmem>>) target_semaphore(%arg19 : memref<!tpu.dma_semaphore, #tpu.memory_space<semaphore_mem>>)
      } else {
      }
      %add3A_107 = arith.constant 1 : i32
      %add3A_108 = arith.addi %add3A_97, %add3A_107 : i32
      %lt3A_109 = arith.constant 80 : i32
      %lt3A_110 = arith.cmpi slt, %add3A_108, %lt3A_109 : i32
      %convert_element_type3A_111 = arith.extui %lt3A_110 : i1 to i32
      %cond3A_112 = arith.constant 0 : i32
      %cond3A_113 = arith.cmpi ne, %convert_element_type3A_111, %cond3A_112 : i32
      scf.if %cond3A_113 {
        %add3A_141 = arith.constant 1 : i32
        %add3A_142 = arith.addi %add3A_97, %add3A_141 : i32
        %mul3A_143 = arith.constant 10240 : i32
        %mul3A_144 = arith.muli %add3A, %mul3A_143 : i32
        %mul3A_145 = arith.constant 128 : i32
        %mul3A_146 = arith.muli %add3A_142, %mul3A_145 : i32
        %add3A_147 = arith.addi %mul3A_144, %mul3A_146 : i32
        %multiple_of3A_148 = tpu.assume_multiple %add3A_147, 8 : i32
        %dma_wait3A_149 = tpu.memref_slice %arg3[%multiple_of3A_148] : memref<327680xi32, #tpu.memory_space<hbm>> -> memref<128xi32, #tpu.memory_space<hbm>>
        %dma_wait3A_150 = tpu.memref_slice %arg3[%multiple_of3A_148] : memref<327680xi32, #tpu.memory_space<hbm>> -> memref<128xi32, #tpu.memory_space<hbm>>
        tpu.wait_dma2 semaphore(%arg21 : memref<!tpu.dma_semaphore, #tpu.memory_space<semaphore_mem>>) src(%dma_wait3A_150 : memref<128xi32, #tpu.memory_space<hbm>>) dst(%arg10 : memref<128xi32, #tpu.memory_space<vmem>>)
        %dma_wait3A_151 = tpu.memref_slice %arg4[%multiple_of3A_148] : memref<327680xi32, #tpu.memory_space<hbm>> -> memref<128xi32, #tpu.memory_space<hbm>>
        %dma_wait3A_152 = tpu.memref_slice %arg4[%multiple_of3A_148] : memref<327680xi32, #tpu.memory_space<hbm>> -> memref<128xi32, #tpu.memory_space<hbm>>
        tpu.wait_dma2 semaphore(%arg21 : memref<!tpu.dma_semaphore, #tpu.memory_space<semaphore_mem>>) src(%dma_wait3A_152 : memref<128xi32, #tpu.memory_space<hbm>>) dst(%arg14 : memref<128xi32, #tpu.memory_space<vmem>>)
        %dma_start3A_153 = arith.constant 0 : i32
        %dma_start3A_154 = arith.constant 0 : i32
        %dma_start3A_155 = tpu.memref_slice %arg2[%dma_start3A_153, %dma_start3A_154] : memref<10240x128xf32, #tpu.memory_space<hbm>> -> memref<10240x128xf32, #tpu.memory_space<hbm>>
        tpu.enqueue_indirect_dma source(%dma_start3A_155 : memref<10240x128xf32, #tpu.memory_space<hbm>>) target(%arg16 : memref<128x128xf32, #tpu.memory_space<vmem>>) offsets(%arg10 : memref<128xi32, #tpu.memory_space<vmem>>) semaphore(%arg23 : memref<!tpu.dma_semaphore, #tpu.memory_space<semaphore_mem>>)
      } else {
      }
      %dma_wait3A_114 = arith.constant 0 : i32
      %dma_wait3A_115 = arith.constant 0 : i32
      %dma_wait3A_116 = tpu.memref_slice %arg2[%dma_wait3A_114, %dma_wait3A_115] : memref<10240x128xf32, #tpu.memory_space<hbm>> -> memref<10240x128xf32, #tpu.memory_space<hbm>>
      tpu.wait_indirect_dma semaphore(%arg22 : memref<!tpu.dma_semaphore, #tpu.memory_space<semaphore_mem>>) src(%dma_wait3A_116 : memref<10240x128xf32, #tpu.memory_space<hbm>>) dst(%arg15 : memref<128x128xf32, #tpu.memory_space<vmem>>)
      "tpu.region"() ({
        %run_scoped3A = tpu.sem_alloc : memref<!tpu.dma_semaphore, #tpu.memory_space<semaphore_mem>>
        %dma_start3A_141 = arith.constant 0 : i32
        %dma_start3A_142 = arith.constant 0 : i32
        %dma_start3A_143 = tpu.memref_slice %arg17[%dma_start3A_141, %dma_start3A_142] : memref<10240x128xf32, #tpu.memory_space<vmem_shared>> -> memref<10240x128xf32, #tpu.memory_space<vmem_shared>>
        tpu.enqueue_indirect_dma source(%arg15 : memref<128x128xf32, #tpu.memory_space<vmem>>) target(%dma_start3A_143 : memref<10240x128xf32, #tpu.memory_space<vmem_shared>>) offsets(%arg13 : memref<128xi32, #tpu.memory_space<vmem>>) semaphore(%run_scoped3A : memref<!tpu.dma_semaphore, #tpu.memory_space<semaphore_mem>>) {add = true}
        %dma_wait3A_144 = arith.constant 0 : i32
        %dma_wait3A_145 = arith.constant 0 : i32
        %dma_wait3A_146 = tpu.memref_slice %arg17[%dma_wait3A_144, %dma_wait3A_145] : memref<10240x128xf32, #tpu.memory_space<vmem_shared>> -> memref<10240x128xf32, #tpu.memory_space<vmem_shared>>
        tpu.wait_indirect_dma semaphore(%run_scoped3A : memref<!tpu.dma_semaphore, #tpu.memory_space<semaphore_mem>>) src(%arg15 : memref<128x128xf32, #tpu.memory_space<vmem>>) dst(%dma_wait3A_146 : memref<10240x128xf32, #tpu.memory_space<vmem_shared>>)
        tpu.yield
      }) : () -> ()
      %mul3A_117 = arith.constant 4 : i32
      %mul3A_118 = arith.muli %mul3A_117, %scan3A_50 : i32
      %add3A_119 = arith.constant 3 : i32
      %add3A_120 = arith.addi %mul3A_118, %add3A_119 : i32
      %add3A_121 = arith.constant 4 : i32
      %add3A_122 = arith.addi %add3A_120, %add3A_121 : i32
      %sub3A_123 = arith.constant 1 : i32
      %sub3A_124 = arith.subi %add3A_122, %sub3A_123 : i32
      %lt3A_125 = arith.constant 80 : i32
      %lt3A_126 = arith.cmpi slt, %sub3A_124, %lt3A_125 : i32
      %convert_element_type3A_127 = arith.extui %lt3A_126 : i1 to i32
      %cond3A_128 = arith.constant 0 : i32
      %cond3A_129 = arith.cmpi ne, %convert_element_type3A_127, %cond3A_128 : i32
      scf.if %cond3A_129 {
        %mul3A_141 = arith.constant 10240 : i32
        %mul3A_142 = arith.muli %add3A, %mul3A_141 : i32
        %mul3A_143 = arith.constant 128 : i32
        %mul3A_144 = arith.muli %sub3A_124, %mul3A_143 : i32
        %add3A_145 = arith.addi %mul3A_142, %mul3A_144 : i32
        %multiple_of3A_146 = tpu.assume_multiple %add3A_145, 8 : i32
        %dma_start3A_147 = tpu.memref_slice %arg3[%multiple_of3A_146] : memref<327680xi32, #tpu.memory_space<hbm>> -> memref<128xi32, #tpu.memory_space<hbm>>
        %dma_start3A_148 = tpu.memref_slice %arg3[%multiple_of3A_146] : memref<327680xi32, #tpu.memory_space<hbm>> -> memref<128xi32, #tpu.memory_space<hbm>>
        tpu.enqueue_dma source(%dma_start3A_148 : memref<128xi32, #tpu.memory_space<hbm>>) target(%arg9 : memref<128xi32, #tpu.memory_space<vmem>>) target_semaphore(%arg20 : memref<!tpu.dma_semaphore, #tpu.memory_space<semaphore_mem>>)
        %dma_start3A_149 = tpu.memref_slice %arg4[%multiple_of3A_146] : memref<327680xi32, #tpu.memory_space<hbm>> -> memref<128xi32, #tpu.memory_space<hbm>>
        %dma_start3A_150 = tpu.memref_slice %arg4[%multiple_of3A_146] : memref<327680xi32, #tpu.memory_space<hbm>> -> memref<128xi32, #tpu.memory_space<hbm>>
        tpu.enqueue_dma source(%dma_start3A_150 : memref<128xi32, #tpu.memory_space<hbm>>) target(%arg13 : memref<128xi32, #tpu.memory_space<vmem>>) target_semaphore(%arg20 : memref<!tpu.dma_semaphore, #tpu.memory_space<semaphore_mem>>)
      } else {
      }
      %add3A_130 = arith.constant 1 : i32
      %add3A_131 = arith.addi %add3A_120, %add3A_130 : i32
      %lt3A_132 = arith.constant 80 : i32
      %lt3A_133 = arith.cmpi slt, %add3A_131, %lt3A_132 : i32
      %convert_element_type3A_134 = arith.extui %lt3A_133 : i1 to i32
      %cond3A_135 = arith.constant 0 : i32
      %cond3A_136 = arith.cmpi ne, %convert_element_type3A_134, %cond3A_135 : i32
      scf.if %cond3A_136 {
        %add3A_141 = arith.constant 1 : i32
        %add3A_142 = arith.addi %add3A_120, %add3A_141 : i32
        %mul3A_143 = arith.constant 10240 : i32
        %mul3A_144 = arith.muli %add3A, %mul3A_143 : i32
        %mul3A_145 = arith.constant 128 : i32
        %mul3A_146 = arith.muli %add3A_142, %mul3A_145 : i32
        %add3A_147 = arith.addi %mul3A_144, %mul3A_146 : i32
        %multiple_of3A_148 = tpu.assume_multiple %add3A_147, 8 : i32
        %dma_wait3A_149 = tpu.memref_slice %arg3[%multiple_of3A_148] : memref<327680xi32, #tpu.memory_space<hbm>> -> memref<128xi32, #tpu.memory_space<hbm>>
        %dma_wait3A_150 = tpu.memref_slice %arg3[%multiple_of3A_148] : memref<327680xi32, #tpu.memory_space<hbm>> -> memref<128xi32, #tpu.memory_space<hbm>>
        tpu.wait_dma2 semaphore(%arg18 : memref<!tpu.dma_semaphore, #tpu.memory_space<semaphore_mem>>) src(%dma_wait3A_150 : memref<128xi32, #tpu.memory_space<hbm>>) dst(%arg7 : memref<128xi32, #tpu.memory_space<vmem>>)
        %dma_wait3A_151 = tpu.memref_slice %arg4[%multiple_of3A_148] : memref<327680xi32, #tpu.memory_space<hbm>> -> memref<128xi32, #tpu.memory_space<hbm>>
        %dma_wait3A_152 = tpu.memref_slice %arg4[%multiple_of3A_148] : memref<327680xi32, #tpu.memory_space<hbm>> -> memref<128xi32, #tpu.memory_space<hbm>>
        tpu.wait_dma2 semaphore(%arg18 : memref<!tpu.dma_semaphore, #tpu.memory_space<semaphore_mem>>) src(%dma_wait3A_152 : memref<128xi32, #tpu.memory_space<hbm>>) dst(%arg11 : memref<128xi32, #tpu.memory_space<vmem>>)
        %dma_start3A_153 = arith.constant 0 : i32
        %dma_start3A_154 = arith.constant 0 : i32
        %dma_start3A_155 = tpu.memref_slice %arg2[%dma_start3A_153, %dma_start3A_154] : memref<10240x128xf32, #tpu.memory_space<hbm>> -> memref<10240x128xf32, #tpu.memory_space<hbm>>
        tpu.enqueue_indirect_dma source(%dma_start3A_155 : memref<10240x128xf32, #tpu.memory_space<hbm>>) target(%arg15 : memref<128x128xf32, #tpu.memory_space<vmem>>) offsets(%arg7 : memref<128xi32, #tpu.memory_space<vmem>>) semaphore(%arg22 : memref<!tpu.dma_semaphore, #tpu.memory_space<semaphore_mem>>)
      } else {
      }
      %dma_wait3A_137 = arith.constant 0 : i32
      %dma_wait3A_138 = arith.constant 0 : i32
      %dma_wait3A_139 = tpu.memref_slice %arg2[%dma_wait3A_137, %dma_wait3A_138] : memref<10240x128xf32, #tpu.memory_space<hbm>> -> memref<10240x128xf32, #tpu.memory_space<hbm>>
      tpu.wait_indirect_dma semaphore(%arg23 : memref<!tpu.dma_semaphore, #tpu.memory_space<semaphore_mem>>) src(%dma_wait3A_139 : memref<10240x128xf32, #tpu.memory_space<hbm>>) dst(%arg16 : memref<128x128xf32, #tpu.memory_space<vmem>>)
      "tpu.region"() ({
        %run_scoped3A = tpu.sem_alloc : memref<!tpu.dma_semaphore, #tpu.memory_space<semaphore_mem>>
        %dma_start3A_141 = arith.constant 0 : i32
        %dma_start3A_142 = arith.constant 0 : i32
        %dma_start3A_143 = tpu.memref_slice %arg17[%dma_start3A_141, %dma_start3A_142] : memref<10240x128xf32, #tpu.memory_space<vmem_shared>> -> memref<10240x128xf32, #tpu.memory_space<vmem_shared>>
        tpu.enqueue_indirect_dma source(%arg16 : memref<128x128xf32, #tpu.memory_space<vmem>>) target(%dma_start3A_143 : memref<10240x128xf32, #tpu.memory_space<vmem_shared>>) offsets(%arg14 : memref<128xi32, #tpu.memory_space<vmem>>) semaphore(%run_scoped3A : memref<!tpu.dma_semaphore, #tpu.memory_space<semaphore_mem>>) {add = true}
        %dma_wait3A_144 = arith.constant 0 : i32
        %dma_wait3A_145 = arith.constant 0 : i32
        %dma_wait3A_146 = tpu.memref_slice %arg17[%dma_wait3A_144, %dma_wait3A_145] : memref<10240x128xf32, #tpu.memory_space<vmem_shared>> -> memref<10240x128xf32, #tpu.memory_space<vmem_shared>>
        tpu.wait_indirect_dma semaphore(%run_scoped3A : memref<!tpu.dma_semaphore, #tpu.memory_space<semaphore_mem>>) src(%arg16 : memref<128x128xf32, #tpu.memory_space<vmem>>) dst(%dma_wait3A_146 : memref<10240x128xf32, #tpu.memory_space<vmem_shared>>)
        tpu.yield
      }) : () -> ()
      %scan3A_140 = arith.constant 0 : i32
      scf.yield %scan3A_140 : i32
    }
    %scan3A_45 = arith.constant 20 : i32
    %barrier3A_46 = arith.constant 0 : index
    tpu.barrier barrier_id(%barrier3A_46)
    %mul3A_47 = arith.constant 640 : i32
    %mul3A_48 = arith.muli %arg1, %mul3A_47 : i32
    %multiple_of3A_49 = tpu.assume_multiple %mul3A_48, 8 : i32
    "tpu.region"() ({
      %run_scoped3A = tpu.sem_alloc : memref<!tpu.dma_semaphore, #tpu.memory_space<semaphore_mem>>
      %dma_start3A_50 = arith.constant 0 : i32
      %dma_start3A_51 = tpu.memref_slice %arg6[%arg0, %multiple_of3A_49, %dma_start3A_50] : memref<2x10240x128xf32, #tpu.memory_space<hbm>> -> memref<1x640x128xf32, #tpu.memory_space<hbm>>
      %dma_start3A_52 = tpu.memref_squeeze %dma_start3A_51 : memref<1x640x128xf32, #tpu.memory_space<hbm>> -> memref<640x128xf32, #tpu.memory_space<hbm>>
      %dma_start3A_53 = arith.constant 0 : i32
      %dma_start3A_54 = tpu.memref_slice %arg17[%multiple_of3A_49, %dma_start3A_53] : memref<10240x128xf32, #tpu.memory_space<vmem_shared>> -> memref<640x128xf32, #tpu.memory_space<vmem_shared>>
      tpu.enqueue_dma source(%dma_start3A_54 : memref<640x128xf32, #tpu.memory_space<vmem_shared>>) target(%dma_start3A_52 : memref<640x128xf32, #tpu.memory_space<hbm>>) target_semaphore(%run_scoped3A : memref<!tpu.dma_semaphore, #tpu.memory_space<semaphore_mem>>)
      %dma_wait3A_55 = arith.constant 0 : i32
      %dma_wait3A_56 = tpu.memref_slice %arg6[%arg0, %multiple_of3A_49, %dma_wait3A_55] : memref<2x10240x128xf32, #tpu.memory_space<hbm>> -> memref<1x640x128xf32, #tpu.memory_space<hbm>>
      %dma_wait3A_57 = tpu.memref_squeeze %dma_wait3A_56 : memref<1x640x128xf32, #tpu.memory_space<hbm>> -> memref<640x128xf32, #tpu.memory_space<hbm>>
      %dma_wait3A_58 = arith.constant 0 : i32
      %dma_wait3A_59 = tpu.memref_slice %arg17[%multiple_of3A_49, %dma_wait3A_58] : memref<10240x128xf32, #tpu.memory_space<vmem_shared>> -> memref<640x128xf32, #tpu.memory_space<vmem_shared>>
      tpu.wait_dma2 semaphore(%run_scoped3A : memref<!tpu.dma_semaphore, #tpu.memory_space<semaphore_mem>>) src(%dma_wait3A_59 : memref<640x128xf32, #tpu.memory_space<vmem_shared>>) dst(%dma_wait3A_57 : memref<640x128xf32, #tpu.memory_space<hbm>>)
      tpu.yield
    }) : () -> ()
    return
  }
}

module attributes {stable_mosaic.version = 14 : i64} {
  func.func @_tca_body(%arg0: i32, %arg1: memref<2048x128xf32, #tpu.memory_space<vmem>>, %arg2: memref<128x128xf32, #tpu.memory_space<vmem>>, %arg3: memref<1x128xf32, #tpu.memory_space<vmem>>, %arg4: memref<2048x128xf32, #tpu.memory_space<vmem>>) attributes {dimension_semantics = [#tpu.dimension_semantics<arbitrary>], iteration_bounds = array<i64: 5>, scalar_prefetch = 0 : i64, scratch_operands = 0 : i64, tpu.core_type = #tpu.core_type<tc>, window_params = [{transform_indices = @transform_0, window_bounds = array<i64: 2048, 128>}, {pipeline_mode = #tpu.pipeline_mode<synchronous>, transform_indices = @transform_1, window_bounds = array<i64: 128, 128>}, {pipeline_mode = #tpu.pipeline_mode<synchronous>, transform_indices = @transform_2, window_bounds = array<i64: 1, 128>}, {transform_indices = @transform_3, window_bounds = array<i64: 2048, 128>}]} {
    %get3A = arith.constant 0 : index
    %get3A_0 = arith.constant 0 : index
    %get3A_1 = vector.load %arg1[%get3A, %get3A_0] : memref<2048x128xf32, #tpu.memory_space<vmem>>, vector<2048x128xf32>
    %get3A_2 = arith.constant 0 : index
    %get3A_3 = arith.constant 0 : index
    %get3A_4 = vector.load %arg2[%get3A_2, %get3A_3] : memref<128x128xf32, #tpu.memory_space<vmem>>, vector<128x128xf32>
    %dot_general3A = arith.constant dense<0.000000e+00> : vector<2048x128xf32>
    %dot_general3A_5 = tpu.matmul %get3A_1, %get3A_4, %dot_general3A {dimension_numbers = #tpu.dot_dimension_numbers<[1], [0], [0], [1], [0, 0, 1, 1], [], []>, precision = #tpu.contract_precision<fp32>, transpose_lhs_hint = false} : vector<2048x128xf32>, vector<128x128xf32>, vector<2048x128xf32> -> vector<2048x128xf32>
    %get3A_6 = arith.constant 0 : index
    %get3A_7 = arith.constant 0 : index
    %get3A_8 = vector.load %arg3[%get3A_6, %get3A_7] : memref<1x128xf32, #tpu.memory_space<vmem>>, vector<1x128xf32>
    %add3A = vector.broadcast %get3A_8 : vector<1x128xf32> to vector<2048x128xf32>
    %add3A_9 = arith.addf %dot_general3A_5, %add3A : vector<2048x128xf32>
    %swap3A = arith.constant 0 : index
    %swap3A_10 = arith.constant 0 : index
    %swap3A_11 = vector.load %arg4[%swap3A, %swap3A_10] : memref<2048x128xf32, #tpu.memory_space<vmem>>, vector<2048x128xf32>
    tpu.vector_store %arg4[%swap3A, %swap3A_10], %add3A_9 {strides = array<i32>} : memref<2048x128xf32, #tpu.memory_space<vmem>>, vector<2048x128xf32>,
    return
  }
  func.func @transform_0(%arg0: i32) -> (i32, i32) {
    %c0_i32 = arith.constant 0 : i32
    %c0_i32_0 = arith.constant 0 : i32
    return %arg0, %c0_i32 : i32, i32
  }
  func.func @transform_1(%arg0: i32) -> (i32, i32) {
    %c0_i32 = arith.constant 0 : i32
    %c0_i32_0 = arith.constant 0 : i32
    %c0_i32_1 = arith.constant 0 : i32
    return %c0_i32, %c0_i32_0 : i32, i32
  }
  func.func @transform_2(%arg0: i32) -> (i32, i32) {
    %c0_i32 = arith.constant 0 : i32
    %c0_i32_0 = arith.constant 0 : i32
    %c0_i32_1 = arith.constant 0 : i32
    return %c0_i32, %c0_i32_0 : i32, i32
  }
  func.func @transform_3(%arg0: i32) -> (i32, i32) {
    %c0_i32 = arith.constant 0 : i32
    %c0_i32_0 = arith.constant 0 : i32
    return %arg0, %c0_i32 : i32, i32
  }
}

module attributes {stable_mosaic.version = 14 : i64} {
  func.func @_tcb_body(%arg0: i32, %arg1: memref<2x2048x16xf32, #tpu.memory_space<vmem>>, %arg2: memref<2048x128xf32, #tpu.memory_space<vmem>>, %arg3: memref<128x128xf32, #tpu.memory_space<vmem>>, %arg4: memref<2048x1xf32, #tpu.memory_space<vmem>>, %arg5: memref<2048x128xf32, #tpu.memory_space<vmem>>) attributes {dimension_semantics = [#tpu.dimension_semantics<arbitrary>], iteration_bounds = array<i64: 5>, scalar_prefetch = 0 : i64, scratch_operands = 0 : i64, tpu.core_type = #tpu.core_type<tc>, window_params = [{transform_indices = @transform_0, window_bounds = array<i64: 2, 2048, 16>}, {transform_indices = @transform_1, window_bounds = array<i64: 2048, 128>}, {pipeline_mode = #tpu.pipeline_mode<synchronous>, transform_indices = @transform_2, window_bounds = array<i64: 128, 128>}, {transform_indices = @transform_3, window_bounds = array<i64: 2048, 1>}, {transform_indices = @transform_4, window_bounds = array<i64: 2048, 128>}]} {
    %get3A = arith.constant 0 : index
    %get3A_0 = arith.constant 0 : index
    %get3A_1 = arith.constant 0 : index
    %get3A_2 = vector.load %arg1[%get3A, %get3A_0, %get3A_1] : memref<2x2048x16xf32, #tpu.memory_space<vmem>>, vector<1x2048x1xf32>
    %get3A_3 = vector.shape_cast %get3A_2 : vector<1x2048x1xf32> to vector<2048x1xf32>
    %add3A = arith.constant 1.000000e+00 : f32
    %add3A_4 = vector.broadcast %add3A : f32 to vector<2048x1xf32>
    %add3A_5 = arith.addf %add3A_4, %get3A_3 : vector<2048x1xf32>
    %get3A_6 = arith.constant 1 : index
    %get3A_7 = arith.constant 0 : index
    %get3A_8 = arith.constant 0 : index
    %get3A_9 = vector.load %arg1[%get3A_6, %get3A_7, %get3A_8] : memref<2x2048x16xf32, #tpu.memory_space<vmem>>, vector<1x2048x1xf32>
    %get3A_10 = vector.shape_cast %get3A_9 : vector<1x2048x1xf32> to vector<2048x1xf32>
    %add3A_11 = arith.addf %add3A_5, %get3A_10 : vector<2048x1xf32>
    %rsqrt3A = math.rsqrt %add3A_11 : vector<2048x1xf32>
    %swap3A = arith.constant 0 : index
    %swap3A_12 = arith.constant 0 : index
    %swap3A_13 = vector.load %arg4[%swap3A, %swap3A_12] : memref<2048x1xf32, #tpu.memory_space<vmem>>, vector<2048x1xf32>
    tpu.vector_store %arg4[%swap3A, %swap3A_12], %rsqrt3A {strides = array<i32>} : memref<2048x1xf32, #tpu.memory_space<vmem>>, vector<2048x1xf32>,
    %get3A_14 = arith.constant 0 : index
    %get3A_15 = arith.constant 0 : index
    %get3A_16 = vector.load %arg2[%get3A_14, %get3A_15] : memref<2048x128xf32, #tpu.memory_space<vmem>>, vector<2048x128xf32>
    %get3A_17 = arith.constant 0 : index
    %get3A_18 = arith.constant 0 : index
    %get3A_19 = vector.load %arg3[%get3A_17, %get3A_18] : memref<128x128xf32, #tpu.memory_space<vmem>>, vector<128x128xf32>
    %dot_general3A = arith.constant dense<0.000000e+00> : vector<2048x128xf32>
    %dot_general3A_20 = tpu.matmul %get3A_16, %get3A_19, %dot_general3A {dimension_numbers = #tpu.dot_dimension_numbers<[1], [0], [0], [1], [0, 0, 1, 1], [], []>, precision = #tpu.contract_precision<fp32>, transpose_lhs_hint = false} : vector<2048x128xf32>, vector<128x128xf32>, vector<2048x128xf32> -> vector<2048x128xf32>
    %mul3A = vector.broadcast %rsqrt3A : vector<2048x1xf32> to vector<2048x128xf32>
    %mul3A_21 = arith.mulf %mul3A, %dot_general3A_20 : vector<2048x128xf32>
    %swap3A_22 = arith.constant 0 : index
    %swap3A_23 = arith.constant 0 : index
    %swap3A_24 = vector.load %arg5[%swap3A_22, %swap3A_23] : memref<2048x128xf32, #tpu.memory_space<vmem>>, vector<2048x128xf32>
    tpu.vector_store %arg5[%swap3A_22, %swap3A_23], %mul3A_21 {strides = array<i32>} : memref<2048x128xf32, #tpu.memory_space<vmem>>, vector<2048x128xf32>,
    return
  }
  func.func @transform_0(%arg0: i32) -> (i32, i32, i32) {
    %c0_i32 = arith.constant 0 : i32
    %c0_i32_0 = arith.constant 0 : i32
    %c0_i32_1 = arith.constant 0 : i32
    return %c0_i32, %arg0, %c0_i32_0 : i32, i32, i32
  }
  func.func @transform_1(%arg0: i32) -> (i32, i32) {
    %c0_i32 = arith.constant 0 : i32
    %c0_i32_0 = arith.constant 0 : i32
    return %arg0, %c0_i32 : i32, i32
  }
  func.func @transform_2(%arg0: i32) -> (i32, i32) {
    %c0_i32 = arith.constant 0 : i32
    %c0_i32_0 = arith.constant 0 : i32
    %c0_i32_1 = arith.constant 0 : i32
    return %c0_i32, %c0_i32_0 : i32, i32
  }
  func.func @transform_3(%arg0: i32) -> (i32, i32) {
    %c0_i32 = arith.constant 0 : i32
    %c0_i32_0 = arith.constant 0 : i32
    return %arg0, %c0_i32 : i32, i32
  }
  func.func @transform_4(%arg0: i32) -> (i32, i32) {
    %c0_i32 = arith.constant 0 : i32
    %c0_i32_0 = arith.constant 0 : i32
    return %arg0, %c0_i32 : i32, i32
  }
}

module attributes {stable_mosaic.version = 14 : i64} {
  func.func @_tcmid_body(%arg0: i32, %arg1: memref<2x2048x128xf32, #tpu.memory_space<vmem>>, %arg2: memref<2048x128xf32, #tpu.memory_space<vmem>>, %arg3: memref<2048x128xf32, #tpu.memory_space<vmem>>, %arg4: memref<2048x1xf32, #tpu.memory_space<vmem>>, %arg5: memref<1x128xf32, #tpu.memory_space<vmem>>, %arg6: memref<1x2xf32, #tpu.memory_space<vmem>>, %arg7: memref<128x128xf32, #tpu.memory_space<vmem>>, %arg8: memref<2048x128xf32, #tpu.memory_space<vmem>>, %arg9: memref<2048x128xf32, #tpu.memory_space<vmem>>) attributes {dimension_semantics = [#tpu.dimension_semantics<arbitrary>], iteration_bounds = array<i64: 5>, scalar_prefetch = 0 : i64, scratch_operands = 0 : i64, tpu.core_type = #tpu.core_type<tc>, window_params = [{transform_indices = @transform_0, window_bounds = array<i64: 2, 2048, 128>}, {transform_indices = @transform_1, window_bounds = array<i64: 2048, 128>}, {transform_indices = @transform_2, window_bounds = array<i64: 2048, 128>}, {transform_indices = @transform_3, window_bounds = array<i64: 2048, 1>}, {pipeline_mode = #tpu.pipeline_mode<synchronous>, transform_indices = @transform_4, window_bounds = array<i64: 1, 128>}, {pipeline_mode = #tpu.pipeline_mode<synchronous>, transform_indices = @transform_5, window_bounds = array<i64: 1, 2>}, {pipeline_mode = #tpu.pipeline_mode<synchronous>, transform_indices = @transform_6, window_bounds = array<i64: 128, 128>}, {transform_indices = @transform_7, window_bounds = array<i64: 2048, 128>}, {transform_indices = @transform_8, window_bounds = array<i64: 2048, 128>}]} {
    %get3A = arith.constant 0 : index
    %get3A_0 = arith.constant 0 : index
    %get3A_1 = vector.load %arg4[%get3A, %get3A_0] : memref<2048x1xf32, #tpu.memory_space<vmem>>, vector<2048x1xf32>
    %get3A_2 = arith.constant 0 : index
    %get3A_3 = arith.constant 0 : index
    %get3A_4 = arith.constant 0 : index
    %get3A_5 = vector.load %arg1[%get3A_2, %get3A_3, %get3A_4] : memref<2x2048x128xf32, #tpu.memory_space<vmem>>, vector<1x2048x128xf32>
    %get3A_6 = vector.shape_cast %get3A_5 : vector<1x2048x128xf32> to vector<2048x128xf32>
    %get3A_7 = arith.constant 1 : index
    %get3A_8 = arith.constant 0 : index
    %get3A_9 = arith.constant 0 : index
    %get3A_10 = vector.load %arg1[%get3A_7, %get3A_8, %get3A_9] : memref<2x2048x128xf32, #tpu.memory_space<vmem>>, vector<1x2048x128xf32>
    %get3A_11 = vector.shape_cast %get3A_10 : vector<1x2048x128xf32> to vector<2048x128xf32>
    %add3A = arith.addf %get3A_6, %get3A_11 : vector<2048x128xf32>
    %get3A_12 = arith.constant 0 : index
    %get3A_13 = arith.constant 0 : index
    %get3A_14 = vector.load %arg2[%get3A_12, %get3A_13] : memref<2048x128xf32, #tpu.memory_space<vmem>>, vector<2048x128xf32>
    %add3A_15 = arith.addf %add3A, %get3A_14 : vector<2048x128xf32>
    %mul3A = vector.broadcast %get3A_1 : vector<2048x1xf32> to vector<2048x128xf32>
    %mul3A_16 = arith.mulf %mul3A, %add3A_15 : vector<2048x128xf32>
    %get3A_17 = arith.constant 0 : index
    %get3A_18 = arith.constant 0 : index
    %get3A_19 = vector.load %arg5[%get3A_17, %get3A_18] : memref<1x128xf32, #tpu.memory_space<vmem>>, vector<1x128xf32>
    %add3A_20 = vector.broadcast %get3A_19 : vector<1x128xf32> to vector<2048x128xf32>
    %add3A_21 = arith.addf %mul3A_16, %add3A_20 : vector<2048x128xf32>
    %tanh3A = math.tanh %add3A_21 : vector<2048x128xf32>
    %get3A_22 = arith.constant 0 : index
    %get3A_23 = arith.constant 1 : index
    %get3A_24 = vector.load %arg6[%get3A_22, %get3A_23] : memref<1x2xf32, #tpu.memory_space<vmem>>, vector<1x1xf32>
    %get3A_25 = vector.extract %get3A_24[0, 0] : f32 from vector<1x1xf32>
    %get3A_26 = arith.constant 0 : index
    %get3A_27 = arith.constant 0 : index
    %get3A_28 = vector.load %arg3[%get3A_26, %get3A_27] : memref<2048x128xf32, #tpu.memory_space<vmem>>, vector<2048x128xf32>
    %mul3A_29 = vector.broadcast %get3A_25 : f32 to vector<2048x128xf32>
    %mul3A_30 = arith.mulf %mul3A_29, %get3A_28 : vector<2048x128xf32>
    %get3A_31 = arith.constant 0 : index
    %get3A_32 = arith.constant 0 : index
    %get3A_33 = vector.load %arg6[%get3A_31, %get3A_32] : memref<1x2xf32, #tpu.memory_space<vmem>>, vector<1x1xf32>
    %get3A_34 = vector.extract %get3A_33[0, 0] : f32 from vector<1x1xf32>
    %mul3A_35 = vector.broadcast %get3A_34 : f32 to vector<2048x128xf32>
    %mul3A_36 = arith.mulf %mul3A_35, %tanh3A : vector<2048x128xf32>
    %add3A_37 = arith.addf %mul3A_30, %mul3A_36 : vector<2048x128xf32>
    %swap3A = arith.constant 0 : index
    %swap3A_38 = arith.constant 0 : index
    %swap3A_39 = vector.load %arg8[%swap3A, %swap3A_38] : memref<2048x128xf32, #tpu.memory_space<vmem>>, vector<2048x128xf32>
    tpu.vector_store %arg8[%swap3A, %swap3A_38], %add3A_37 {strides = array<i32>} : memref<2048x128xf32, #tpu.memory_space<vmem>>, vector<2048x128xf32>,
    %get3A_40 = arith.constant 0 : index
    %get3A_41 = arith.constant 0 : index
    %get3A_42 = vector.load %arg7[%get3A_40, %get3A_41] : memref<128x128xf32, #tpu.memory_space<vmem>>, vector<128x128xf32>
    %dot_general3A = arith.constant dense<0.000000e+00> : vector<2048x128xf32>
    %dot_general3A_43 = tpu.matmul %add3A_37, %get3A_42, %dot_general3A {dimension_numbers = #tpu.dot_dimension_numbers<[1], [0], [0], [1], [0, 0, 1, 1], [], []>, precision = #tpu.contract_precision<fp32>, transpose_lhs_hint = false} : vector<2048x128xf32>, vector<128x128xf32>, vector<2048x128xf32> -> vector<2048x128xf32>
    %mul3A_44 = vector.broadcast %get3A_1 : vector<2048x1xf32> to vector<2048x128xf32>
    %mul3A_45 = arith.mulf %mul3A_44, %dot_general3A_43 : vector<2048x128xf32>
    %swap3A_46 = arith.constant 0 : index
    %swap3A_47 = arith.constant 0 : index
    %swap3A_48 = vector.load %arg9[%swap3A_46, %swap3A_47] : memref<2048x128xf32, #tpu.memory_space<vmem>>, vector<2048x128xf32>
    tpu.vector_store %arg9[%swap3A_46, %swap3A_47], %mul3A_45 {strides = array<i32>} : memref<2048x128xf32, #tpu.memory_space<vmem>>, vector<2048x128xf32>,
    return
  }
  func.func @transform_0(%arg0: i32) -> (i32, i32, i32) {
    %c0_i32 = arith.constant 0 : i32
    %c0_i32_0 = arith.constant 0 : i32
    %c0_i32_1 = arith.constant 0 : i32
    return %c0_i32, %arg0, %c0_i32_0 : i32, i32, i32
  }
  func.func @transform_1(%arg0: i32) -> (i32, i32) {
    %c0_i32 = arith.constant 0 : i32
    %c0_i32_0 = arith.constant 0 : i32
    return %arg0, %c0_i32 : i32, i32
  }
  func.func @transform_2(%arg0: i32) -> (i32, i32) {
    %c0_i32 = arith.constant 0 : i32
    %c0_i32_0 = arith.constant 0 : i32
    return %arg0, %c0_i32 : i32, i32
  }
  func.func @transform_3(%arg0: i32) -> (i32, i32) {
    %c0_i32 = arith.constant 0 : i32
    %c0_i32_0 = arith.constant 0 : i32
    return %arg0, %c0_i32 : i32, i32
  }
  func.func @transform_4(%arg0: i32) -> (i32, i32) {
    %c0_i32 = arith.constant 0 : i32
    %c0_i32_0 = arith.constant 0 : i32
    %c0_i32_1 = arith.constant 0 : i32
    return %c0_i32, %c0_i32_0 : i32, i32
  }
  func.func @transform_5(%arg0: i32) -> (i32, i32) {
    %c0_i32 = arith.constant 0 : i32
    %c0_i32_0 = arith.constant 0 : i32
    %c0_i32_1 = arith.constant 0 : i32
    return %c0_i32, %c0_i32_0 : i32, i32
  }
  func.func @transform_6(%arg0: i32) -> (i32, i32) {
    %c0_i32 = arith.constant 0 : i32
    %c0_i32_0 = arith.constant 0 : i32
    %c0_i32_1 = arith.constant 0 : i32
    return %c0_i32, %c0_i32_0 : i32, i32
  }
  func.func @transform_7(%arg0: i32) -> (i32, i32) {
    %c0_i32 = arith.constant 0 : i32
    %c0_i32_0 = arith.constant 0 : i32
    return %arg0, %c0_i32 : i32, i32
  }
  func.func @transform_8(%arg0: i32) -> (i32, i32) {
    %c0_i32 = arith.constant 0 : i32
    %c0_i32_0 = arith.constant 0 : i32
    return %arg0, %c0_i32 : i32, i32
  }
}

module attributes {stable_mosaic.version = 14 : i64} {
  func.func @_tcfin_body(%arg0: i32, %arg1: memref<2x2048x128xf32, #tpu.memory_space<vmem>>, %arg2: memref<2048x128xf32, #tpu.memory_space<vmem>>, %arg3: memref<2048x128xf32, #tpu.memory_space<vmem>>, %arg4: memref<2048x1xf32, #tpu.memory_space<vmem>>, %arg5: memref<1x128xf32, #tpu.memory_space<vmem>>, %arg6: memref<1x2xf32, #tpu.memory_space<vmem>>, %arg7: memref<128x40xf32, #tpu.memory_space<vmem>>, %arg8: memref<1x40xf32, #tpu.memory_space<vmem>>, %arg9: memref<2048x40xf32, #tpu.memory_space<vmem>>) attributes {dimension_semantics = [#tpu.dimension_semantics<arbitrary>], iteration_bounds = array<i64: 5>, scalar_prefetch = 0 : i64, scratch_operands = 0 : i64, tpu.core_type = #tpu.core_type<tc>, window_params = [{transform_indices = @transform_0, window_bounds = array<i64: 2, 2048, 128>}, {transform_indices = @transform_1, window_bounds = array<i64: 2048, 128>}, {transform_indices = @transform_2, window_bounds = array<i64: 2048, 128>}, {transform_indices = @transform_3, window_bounds = array<i64: 2048, 1>}, {pipeline_mode = #tpu.pipeline_mode<synchronous>, transform_indices = @transform_4, window_bounds = array<i64: 1, 128>}, {pipeline_mode = #tpu.pipeline_mode<synchronous>, transform_indices = @transform_5, window_bounds = array<i64: 1, 2>}, {pipeline_mode = #tpu.pipeline_mode<synchronous>, transform_indices = @transform_6, window_bounds = array<i64: 128, 40>}, {pipeline_mode = #tpu.pipeline_mode<synchronous>, transform_indices = @transform_7, window_bounds = array<i64: 1, 40>}, {transform_indices = @transform_8, window_bounds = array<i64: 2048, 40>}]} {
    %get3A = arith.constant 0 : index
    %get3A_0 = arith.constant 0 : index
    %get3A_1 = vector.load %arg4[%get3A, %get3A_0] : memref<2048x1xf32, #tpu.memory_space<vmem>>, vector<2048x1xf32>
    %get3A_2 = arith.constant 0 : index
    %get3A_3 = arith.constant 0 : index
    %get3A_4 = arith.constant 0 : index
    %get3A_5 = vector.load %arg1[%get3A_2, %get3A_3, %get3A_4] : memref<2x2048x128xf32, #tpu.memory_space<vmem>>, vector<1x2048x128xf32>
    %get3A_6 = vector.shape_cast %get3A_5 : vector<1x2048x128xf32> to vector<2048x128xf32>
    %get3A_7 = arith.constant 1 : index
    %get3A_8 = arith.constant 0 : index
    %get3A_9 = arith.constant 0 : index
    %get3A_10 = vector.load %arg1[%get3A_7, %get3A_8, %get3A_9] : memref<2x2048x128xf32, #tpu.memory_space<vmem>>, vector<1x2048x128xf32>
    %get3A_11 = vector.shape_cast %get3A_10 : vector<1x2048x128xf32> to vector<2048x128xf32>
    %add3A = arith.addf %get3A_6, %get3A_11 : vector<2048x128xf32>
    %get3A_12 = arith.constant 0 : index
    %get3A_13 = arith.constant 0 : index
    %get3A_14 = vector.load %arg2[%get3A_12, %get3A_13] : memref<2048x128xf32, #tpu.memory_space<vmem>>, vector<2048x128xf32>
    %add3A_15 = arith.addf %add3A, %get3A_14 : vector<2048x128xf32>
    %mul3A = vector.broadcast %get3A_1 : vector<2048x1xf32> to vector<2048x128xf32>
    %mul3A_16 = arith.mulf %mul3A, %add3A_15 : vector<2048x128xf32>
    %get3A_17 = arith.constant 0 : index
    %get3A_18 = arith.constant 0 : index
    %get3A_19 = vector.load %arg5[%get3A_17, %get3A_18] : memref<1x128xf32, #tpu.memory_space<vmem>>, vector<1x128xf32>
    %add3A_20 = vector.broadcast %get3A_19 : vector<1x128xf32> to vector<2048x128xf32>
    %add3A_21 = arith.addf %mul3A_16, %add3A_20 : vector<2048x128xf32>
    %tanh3A = math.tanh %add3A_21 : vector<2048x128xf32>
    %get3A_22 = arith.constant 0 : index
    %get3A_23 = arith.constant 1 : index
    %get3A_24 = vector.load %arg6[%get3A_22, %get3A_23] : memref<1x2xf32, #tpu.memory_space<vmem>>, vector<1x1xf32>
    %get3A_25 = vector.extract %get3A_24[0, 0] : f32 from vector<1x1xf32>
    %get3A_26 = arith.constant 0 : index
    %get3A_27 = arith.constant 0 : index
    %get3A_28 = vector.load %arg3[%get3A_26, %get3A_27] : memref<2048x128xf32, #tpu.memory_space<vmem>>, vector<2048x128xf32>
    %mul3A_29 = vector.broadcast %get3A_25 : f32 to vector<2048x128xf32>
    %mul3A_30 = arith.mulf %mul3A_29, %get3A_28 : vector<2048x128xf32>
    %get3A_31 = arith.constant 0 : index
    %get3A_32 = arith.constant 0 : index
    %get3A_33 = vector.load %arg6[%get3A_31, %get3A_32] : memref<1x2xf32, #tpu.memory_space<vmem>>, vector<1x1xf32>
    %get3A_34 = vector.extract %get3A_33[0, 0] : f32 from vector<1x1xf32>
    %mul3A_35 = vector.broadcast %get3A_34 : f32 to vector<2048x128xf32>
    %mul3A_36 = arith.mulf %mul3A_35, %tanh3A : vector<2048x128xf32>
    %add3A_37 = arith.addf %mul3A_30, %mul3A_36 : vector<2048x128xf32>
    %get3A_38 = arith.constant 0 : index
    %get3A_39 = arith.constant 0 : index
    %get3A_40 = vector.load %arg7[%get3A_38, %get3A_39] : memref<128x40xf32, #tpu.memory_space<vmem>>, vector<128x40xf32>
    %dot_general3A = arith.constant dense<0.000000e+00> : vector<2048x40xf32>
    %dot_general3A_41 = tpu.matmul %add3A_37, %get3A_40, %dot_general3A {dimension_numbers = #tpu.dot_dimension_numbers<[1], [0], [0], [1], [0, 0, 1, 1], [], []>, precision = #tpu.contract_precision<fp32>, transpose_lhs_hint = false} : vector<2048x128xf32>, vector<128x40xf32>, vector<2048x40xf32> -> vector<2048x40xf32>
    %get3A_42 = arith.constant 0 : index
    %get3A_43 = arith.constant 0 : index
    %get3A_44 = vector.load %arg8[%get3A_42, %get3A_43] : memref<1x40xf32, #tpu.memory_space<vmem>>, vector<1x40xf32>
    %add3A_45 = vector.broadcast %get3A_44 : vector<1x40xf32> to vector<2048x40xf32>
    %add3A_46 = arith.addf %dot_general3A_41, %add3A_45 : vector<2048x40xf32>
    %reduce_max3A = arith.constant dense<0xFF800000> : vector<2048xf32>
    %reduce_max3A_47 = vector.multi_reduction <maximumf>, %add3A_46, %reduce_max3A [1] : vector<2048x40xf32> to vector<2048xf32>
    %broadcast_in_dim3A = vector.shape_cast %reduce_max3A_47 : vector<2048xf32> to vector<2048x1xf32>
    %sub3A = vector.broadcast %broadcast_in_dim3A : vector<2048x1xf32> to vector<2048x40xf32>
    %sub3A_48 = arith.subf %add3A_46, %sub3A : vector<2048x40xf32>
    %exp3A = math.exp %sub3A_48 : vector<2048x40xf32>
    %reduce_sum3A = arith.constant dense<0.000000e+00> : vector<2048xf32>
    %reduce_sum3A_49 = vector.multi_reduction <add>, %exp3A, %reduce_sum3A [1] : vector<2048x40xf32> to vector<2048xf32>
    %broadcast_in_dim3A_50 = vector.shape_cast %reduce_sum3A_49 : vector<2048xf32> to vector<2048x1xf32>
    %log3A = math.log %broadcast_in_dim3A_50 : vector<2048x1xf32>
    %add3A_51 = arith.addf %broadcast_in_dim3A, %log3A : vector<2048x1xf32>
    %sub3A_52 = vector.broadcast %add3A_51 : vector<2048x1xf32> to vector<2048x40xf32>
    %sub3A_53 = arith.subf %add3A_46, %sub3A_52 : vector<2048x40xf32>
    %swap3A = arith.constant 0 : index
    %swap3A_54 = arith.constant 0 : index
    %swap3A_55 = vector.load %arg9[%swap3A, %swap3A_54] : memref<2048x40xf32, #tpu.memory_space<vmem>>, vector<2048x40xf32>
    tpu.vector_store %arg9[%swap3A, %swap3A_54], %sub3A_53 {strides = array<i32>} : memref<2048x40xf32, #tpu.memory_space<vmem>>, vector<2048x40xf32>,
    return
  }
  func.func @transform_0(%arg0: i32) -> (i32, i32, i32) {
    %c0_i32 = arith.constant 0 : i32
    %c0_i32_0 = arith.constant 0 : i32
    %c0_i32_1 = arith.constant 0 : i32
    return %c0_i32, %arg0, %c0_i32_0 : i32, i32, i32
  }
  func.func @transform_1(%arg0: i32) -> (i32, i32) {
    %c0_i32 = arith.constant 0 : i32
    %c0_i32_0 = arith.constant 0 : i32
    return %arg0, %c0_i32 : i32, i32
  }
  func.func @transform_2(%arg0: i32) -> (i32, i32) {
    %c0_i32 = arith.constant 0 : i32
    %c0_i32_0 = arith.constant 0 : i32
    return %arg0, %c0_i32 : i32, i32
  }
  func.func @transform_3(%arg0: i32) -> (i32, i32) {
    %c0_i32 = arith.constant 0 : i32
    %c0_i32_0 = arith.constant 0 : i32
    return %arg0, %c0_i32 : i32, i32
  }
  func.func @transform_4(%arg0: i32) -> (i32, i32) {
    %c0_i32 = arith.constant 0 : i32
    %c0_i32_0 = arith.constant 0 : i32
    %c0_i32_1 = arith.constant 0 : i32
    return %c0_i32, %c0_i32_0 : i32, i32
  }
  func.func @transform_5(%arg0: i32) -> (i32, i32) {
    %c0_i32 = arith.constant 0 : i32
    %c0_i32_0 = arith.constant 0 : i32
    %c0_i32_1 = arith.constant 0 : i32
    return %c0_i32, %c0_i32_0 : i32, i32
  }
  func.func @transform_6(%arg0: i32) -> (i32, i32) {
    %c0_i32 = arith.constant 0 : i32
    %c0_i32_0 = arith.constant 0 : i32
    %c0_i32_1 = arith.constant 0 : i32
    return %c0_i32, %c0_i32_0 : i32, i32
  }
  func.func @transform_7(%arg0: i32) -> (i32, i32) {
    %c0_i32 = arith.constant 0 : i32
    %c0_i32_0 = arith.constant 0 : i32
    %c0_i32_1 = arith.constant 0 : i32
    return %c0_i32, %c0_i32_0 : i32, i32
  }
  func.func @transform_8(%arg0: i32) -> (i32, i32) {
    %c0_i32 = arith.constant 0 : i32
    %c0_i32_0 = arith.constant 0 : i32
    return %arg0, %c0_i32 : i32, i32
  }
}

</mosaic_0001>

<sc_bundles>
// kernel: kernel.13.cloned.1.call-start
scs
__scs_entry_jumppad:
0x0: {  	(pc) =	sbr.rel $0x88, $3  }
0x1: {  	(tag) =	ssettag $0x0;
	lr =	simm.s32 $0x1  }
0x2: {  	[smem:$0x3F97] =	sst lr;
	_ =	strace $0xD0000000  }
0x3: {  	_ = 	snop  }
0x4: {  	_ = 	snop  }
0x5: {  	_ = 	snop  }
0x6: {  	_ = 	snop  }
0x7: {  	_ = 	snop  }
__scs_overlays_trampoline_lowered:
0x8: {  	[smem:$0x3FA6] =	sst s0  }
0x9: {  	[smem:$0x3FA7] =	sst s1  }
0xa: {  	[smem:$0x3FA8] =	sst s2  }
0xb: {  	[smem:$0x3FA9] =	sst s3  }
0xc: {  	[smem:$0x3FAA] =	sst s4  }
0xd: {  	[smem:$0x3FAB] =	sst s5  }
0xe: {  	[smem:$0x3FAC] =	sst s6  }
0xf: {  	[smem:$0x3FAD] =	sst s7  }
0x10: {  	[smem:$0x3FAE] =	sst s8  }
0x11: {  	[smem:$0x3FAF] =	sst s9;
	s0 =	simm.s32 @!p0 $0x0  }
0x12: {  	s1 =	sld [smem:$0x3F95];
	s0 =	simm.s32 @p0 $0x1  }
0x13: {  	[smem:$0x3FB0] =	sst s0;
	s0 =	simm.s32 @!p1 $0x0  }
0x14: {  	s2 =	sld [smem:$0x3F94];
	s0 =	simm.s32 @p1 $0x1  }
0x15: {  	[smem:$0x3FB1] =	sst s0;
	s0 =	simm.s32 @!p2 $0x0  }
0x16: {  	s3 =	sld [smem:$0x3FDB];
	s0 =	simm.s32 @p2 $0x1  }
0x17: {  	s4 =	simm.s32 $0x1BF5;
	[smem:$0x3FB3] =	sst s0  }
0x18: {  	s0 =	sld [smem:$0x3F96];
	_ =	swait.ge [sflag:s4], $0x0  }
0x19: {  	s7 =	sld [smem:$0x3F97]  }
0x1a: {  	s8 =	sadd.s32 $0xFFFFE003, lr  }
0x1b: {  	s9 =	sadd.s32 $0xFFFFFEF7, lr;
	s5 =	simm.s32 $0xFFFFFFFF;
	p2 =	slt.u32 s8, $0xFFFFF086  }
0x1c: {  	p1 =	slt.u32 s9, $0xF7A;
	s5 =	simm.s32 @!p2 $0x0  }
0x1d: {  	s5 =	simm.s32 @p1 $0x1;
	p0 =	seq.s32 s7, s2  }
0x1e: {  	s7 =	smul.u32 @!p0 $0xF7A, s2;
	p2 =	seq.s32 @!p0 s5, $0x0  }
0x1f: {  	s9 =	smul.u32 $0xF7A, s1;
	s8 =	simm.s32 @!p0 $0x1BF5;
	p2 =	por !p2, p0  }
0x20: {  	[sflag:s8] =	ssyncset.s32 @!p0 $0xFFFFF086;
	s6 =	sadd.s32 @!p0 s3, s7;
	s7 =	simm.s32 @!p0 $0x108  }
0x21: {  	s3 =	sadd.s32 s3, s9;
	s6 =	sadd.s32 @!p0 $0x88, s6;
	s7 =	simm.s32 @p2 $0x1082  }
0x22: {  	[simem:s7], [sflag:s8] =	dma.local @!p0 [hbm:s6], $0xF7A  }
0x23: {  	s9 =	sor.u32 $0xD0000000, s2;
	s6 =	simm.s32 $0x108;
	_ =	swait.ge @!p0 [sflag:s8], $0x0  }
0x24: {  	s3 =	sadd.s32 $0x88, s3;
	s6 =	simm.s32 @!p1 $0x1082;
	[sflag:s4] =	ssyncset.s32 $0xFFFFF086  }
0x25: {  	[simem:s6], [sflag:s4] =	dma.local [hbm:s3], $0xF7A  }
0x26: {  	[smem:$0x3F97] =	sst s1;
	(tag) =	ssettag s2;
	_ =	strace s9  }
0x27: {  	s1 =	sld [smem:$0x3FA7]  }
0x28: {  	s2 =	sld [smem:$0x3FA8]  }
0x29: {  	s4 =	sld [smem:$0x3FAA]  }
0x2a: {  	p0 =	seq.s32 s5, $0x0;
	s5 =	sld [smem:$0x3FAB]  }
0x2b: {  	s6 =	sld [smem:$0x3FAC]  }
0x2c: {  	s7 =	sld [smem:$0x3FAD]  }
0x2d: {  	s3 =	simm.s32 $0x108;
	s8 =	sld [smem:$0x3FAE]  }
0x2e: {  	s3 =	simm.s32 @!p0 $0x1082;
	s9 =	sld [smem:$0x3FAF]  }
0x2f: {  	lr =	sadd.s32 s0, s3;
	s0 =	sld [smem:$0x3FA6]  }
0x30: {  	s3 =	sld [smem:$0x3FA9]  }
0x31: {  	[smem:$0x3FB2] =	sst s10  }
0x32: {  	s10 =	sld [smem:$0x3FB0];
	_ =	sdelay $0x3  }
0x33: {  	p0 =	seq.s32 s10, $0x1;
	s10 =	sld [smem:$0x3FB2];
	_ =	sdelay $0x3  }
0x34: {  	[smem:$0x3FB2] =	sst s10  }
0x35: {  	s10 =	sld [smem:$0x3FB1];
	_ =	sdelay $0x3  }
0x36: {  	p1 =	seq.s32 s10, $0x1;
	s10 =	sld [smem:$0x3FB2];
	_ =	sdelay $0x3  }
0x37: {  	[smem:$0x3FB2] =	sst s10  }
0x38: {  	s10 =	sld [smem:$0x3FB3]  }
0x39: {  	_ = 	snop;
	(pc) =	sbr.ind lr, $3  }
0x3a: {  	_ = 	snop  }
0x3b: {  	_ = 	snop  }
0x3c: {  	p2 =	seq.s32 s10, $0x1;
	s10 =	sld [smem:$0x3FB2]  }
0x3d: {  	_ =	shalt  }
0x3e: {  	_ =	shalt  }
0x3f: {  	_ =	shalt  }
0x40: {  	_ =	shalt  }
0x41: {  	_ =	shalt  }
0x42: {  	_ =	shalt  }
0x43: {  	_ =	shalt  }
0x44: {  	_ =	shalt  }
0x45: {  	_ =	shalt  }
0x46: {  	_ =	shalt  }
0x47: {  	_ =	shalt  }
0x48: {  	_ =	shalt  }
0x49: {  	_ =	shalt  }
0x4a: {  	_ =	shalt  }
0x4b: {  	_ =	shalt  }
0x4c: {  	_ =	shalt  }
0x4d: {  	_ =	shalt  }
0x4e: {  	_ =	shalt  }
0x4f: {  	_ =	shalt  }
0x50: {  	_ =	shalt  }
0x51: {  	_ =	shalt  }
0x52: {  	_ =	shalt  }
0x53: {  	_ =	shalt  }
0x54: {  	_ =	shalt  }
0x55: {  	_ =	shalt  }
0x56: {  	_ =	shalt  }
0x57: {  	_ =	shalt  }
0x58: {  	_ =	shalt  }
0x59: {  	_ =	shalt  }
0x5a: {  	_ =	shalt  }
0x5b: {  	_ =	shalt  }
0x5c: {  	_ =	shalt  }
0x5d: {  	_ =	shalt  }
0x5e: {  	_ =	shalt  }
0x5f: {  	_ =	shalt  }
0x60: {  	_ =	shalt  }
0x61: {  	_ =	shalt  }
0x62: {  	_ =	shalt  }
0x63: {  	_ =	shalt  }
0x64: {  	_ =	shalt  }
0x65: {  	_ =	shalt  }
0x66: {  	_ =	shalt  }
0x67: {  	_ =	shalt  }
0x68: {  	_ =	shalt  }
0x69: {  	_ =	shalt  }
0x6a: {  	_ =	shalt  }
0x6b: {  	_ =	shalt  }
0x6c: {  	_ =	shalt  }
0x6d: {  	_ =	shalt  }
0x6e: {  	_ =	shalt  }
0x6f: {  	_ =	shalt  }
0x70: {  	_ =	shalt  }
0x71: {  	_ =	shalt  }
0x72: {  	_ =	shalt  }
0x73: {  	_ =	shalt  }
0x74: {  	_ =	shalt  }
0x75: {  	_ =	shalt  }
0x76: {  	_ =	shalt  }
0x77: {  	_ =	shalt  }
0x78: {  	_ =	shalt  }
0x79: {  	_ =	shalt  }
0x7a: {  	_ =	shalt  }
0x7b: {  	_ =	shalt  }
0x7c: {  	_ =	shalt  }
0x7d: {  	_ =	shalt  }
0x7e: {  	_ =	shalt  }
0x7f: {  	_ =	shalt  }
0x80: {  	_ =	shalt  }
0x81: {  	_ =	shalt  }
0x82: {  	_ =	shalt  }
0x83: {  	_ =	shalt  }
0x84: {  	_ =	shalt  }
0x85: {  	_ =	shalt  }
0x86: {  	_ =	shalt  }
0x87: {  	_ =	shalt  }
.Lfunc_end0:
.L_simem_size_0:
called_computation_lowered:
.L_overlay_start_0:
0x88: {  	s2 =	sld [smem:$0x3FD9]  }
0x89: {  	s3 =	sld [smem:$0x3FFE];
	_ =	sdelay $0x1  }
0x8a: {  	s1 =	srdreg.scid  }
0x8b: {  	s0 =	sand.u32 $0x1, s1  }
0x8c: {  	s17 =	sshll.u32 s0, $0xA;
	s2 =	sadd.s32 s3, s2  }
0x8d: {  	s2 =	sadd.s32 s2, s17  }
0x8e: {  	[smem:$0x3FBE] =	sst s2  }
0x8f: {  	_ = 	snop  }
0x90: {  	s2 =	sld [smem:$0x3FD0];
	(tm) =	ssettm $0x1  }
0x91: {  	s18 =	sld [smem:$0x3FFB];
	_ =	sdelay $0x3  }
0x92: {  	_ =	strace s18  }
0x93: {  	s3 =	sld [smem:$0x3FFC];
	_ =	sdelay $0x3  }
0x94: {  	_ =	strace s3  }
0x95: {  	s3 =	sld [smem:$0x3FFD];
	_ =	sdelay $0x3  }
0x96: {  	_ =	strace s3  }
0x97: {  	_ =	strace $0x8FFFFFFF  }
0x98: {  	s19 =	sld [smem:$0x3FDB];
	_ =	sdelay $0x1  }
0x99: {  	s4 =	simm.s32 $_scs_section_size  }
0x9a: {  	s5 =	simm.s32 $_size__tile_overlayer_lowered;
	s6 =	simm.s32 $_tile_overlayer_lowered  }
0x9b: {  	s22 =	simm.s32 $0x1BFF;
	s21 =	sshll.u32 s6, $0x1;
	s3 =	sadd.s32 s4, s19  }
0x9c: {  	s7 =	simm.s32 $0x0;
	s20 =	sshll.u32 s5, $0x1;
	s5 =	sadd.s32 s21, s3  }
0x9d: {  	[timem:s7], [sflag:s22] =	dma.local [hbm:s5], s20  }
0x9e: {  	_ =	swait.ge [sflag:s22], s20  }
0x9f: {  	s4 =	ssub.s32 $0x0, s20;
	[sflag:s22] =	ssyncset.done $0x0  }
0xa0: {  	[sflag:s22] =	ssyncadd.s32 s4;
	_ =	sdelay $0x1  }
0xa1: {  	s23 =	simm.s32 $0x1B8B  }
0xa2: {  	_ =	swait.ge [sflag:s23], $0x1  }
0xa3: {  	[sflag:s23] =	ssyncset.done $0x0  }
0xa4: {  	s25 =	simm.s32 $0x1B8E;
	s24 =	sld [smem:$0x3FFE];
	[sflag:s23] =	ssyncadd.s32 $0xFFFFFFFF  }
0xa5: {  	s26 =	simm.s32 $execute0_lowered;
	[smem:$0x3FD2] =	sst s25  }
0xa6: {  	s5 =	sshll.u32 s26, $0x1;
	_ =	strace $0x80000046;
	[dreg:$0x1] =	wrdreg $0xFFFFFFFF  }
0xa7: {  	s28 =	simm.s32 $_size_execute0_lowered;
	s3 =	sadd.s32 s3, s5;
	[dreg:$0x0] =	wrdreg $0x0  }
0xa8: {  	s5 =	sshll.u32 s28, $0x1;
	[dreg:$0x2] =	wrdreg s3  }
0xa9: {  	[dreg:$0x3] =	wrdreg s5  }
0xaa: {  	[dreg:$0x4] =	wrdreg $0xC0  }
0xab: {  	_ =	task [dreg:s7], $0x5FFFF  }
0xac: {  	[dreg:$0x1] =	wrdreg $0xFFFFFFFF  }
0xad: {  	[dreg:$0x0] =	wrdreg $0x60  }
0xae: {  	[dreg:$0x2] =	wrdreg s2  }
0xaf: {  	[dreg:$0x3] =	wrdreg s24  }
0xb0: {  	[dreg:$0x4] =	wrdreg $0x42000  }
0xb1: {  	[dreg:$0x5] =	wrdreg $0x9  }
0xb2: {  	_ =	task.clear_ibuf [dreg:s7], $0x6FFFF;
	_ =	strace $0x90000046  }
0xb3: {  	s29 =	simm.s32 $0x9;
	_ =	strace $0x80000048  }
0xb4: {  	_ =	swait.ge [sflag:s29], $0x1  }
0xb5: {  	[sflag:s29] =	ssyncadd.s32 $0xFFFFFFFF  }
0xb6: {  	_ =	strace $0x90000048  }
0xb7: {  	_ =	sfence  }
0xb8: {  	s30 =	sld [smem:$0x0];
	_ =	sdelay $0x2  }
0xb9: {  	s31 =	sshll.u32 s1, $0xD;
	s1 =	sshrl.u32 s1, $0x2  }
0xba: {  	s3 =	sand.u32 $0x4000, s31;
	s1 =	sadd.s32 s1, s30  }
0xbb: {  	s0 =	sor.u32 s3, s0;
	s1 =	sshll.u32 s1, $0x11  }
0xbc: {  	s0 =	sor.u32 s1, s0  }
0xbd: {  	s0 =	sadd.s32 $0x8F2B, s0  }
0xbe: {  	[sflag:s0] =	ssyncadd.remote.s32 $0x1  }
0xbf: {  	_ =	sfence.sel $0xFFFF  }
0xc0: {  	[dreg:$0x0] =	wrdreg $0xFFFFFFFF;
	(pc) =	sbr.abs _section_cstart, $3  }
0xc1: {  	[dreg:$0x1] =	wrdreg $0xFFFFFFFF  }
0xc2: {  	_ =	task.clear_ibuf [dreg:s7], $0x2FFFF;
	_ =	strace $0x9FFFFFFF  }
0xc3: {  	(tm) =	ssettm $0x7FFFFFFF  }
tec
execute0_lowered:
.L_overlay_start_1:
0x0: {  	(tag) =	ssettag $0x1  }
0x1: {  	s0 =	rddreg [dreg:$0x0]  }
0x2: {  	s6 =	rddreg [dreg:$0x1]  }
0x3: {  	s1 =	rddreg [dreg:$0x2];
	s2 =	srdreg.scid;
	s3 =	simm.s32 $0x0  }
0x4: {  	s21 =	stileid.u32;
	s19 =	simm.s32 $0x4000;
	s20 =	simm.s32 $0x4080  }
0x5: {  	s28 =	simm.s32 $0x4;
	s29 =	simm.s32 $0x0;
	s8 =	smul.u32 $0x14000, s21  }
0x6: {  	s7 =	sand.u32 $0x1, s2;
	[smem:$0x7FF] =	sst s3;
	s10 =	smul.u32 $0x50000, s21  }
0x7: {  	s4 =	sadd.s32 $0x7400, s6;
	s12 =	smul.u32 $0x2800, s21;
	s31 =	sshll.u32 s21, $0x6  }
0x8: {  	s5 =	smul.u32 $0x140000, s7;
	_ =	strace $0x80000047;
	[dreg:$0x4] =	wrdreg s4  }
0x9: {  	s9 =	sshll.u32 s7, $0x4;
	s22 =	ssub.s32 $0x2, s7;
	s23 =	smul.u32 $0x28000, s7  }
0xa: {  	s17 =	sor.u32 $0x1C05, s31;
	s9 =	sor.u32 s21, s9;
	s24 =	sshrl.u32 s22, $0x1  }
0xb: {  	s25 =	sshrl.u32 s10, $0x2;
	s21 =	simm.s32 $0x4100;
	s8 =	sadd.s32 s8, s5  }
0xc: {  	s5 =	sadd.s32 $0x4C00, s6;
	s9 =	smul.u32 $0x2800, s9;
	s13 =	ssub.s32 s22, s24  }
0xd: {  	s18 =	sadd.s32 s25, s1;
	s14 =	sadd.s32 s12, s23;
	s22 =	simm.s32 $0x4180  }
0xe: {  	s23 =	simm.s32 $0x1;
	s24 =	simm.s32 $0x80;
	s25 =	simm.s32 $0x2  }
0xf: {  	s8 =	sshrl.u32 s8, $0x3;
	s12 =	sor.u32 $0x300, s14;
	s10 =	smax.u32 s13, $0x1  }
0x10: {  	s26 =	sor.u32 $0x280, s14;
	s15 =	sor.u32 $0x200, s14;
	s16 =	sor.u32 $0x180, s14  }
0x11: {  	s18 =	sshrl.u32 s18, $0x3;
	s11 =	sadd.s32 s8, s6;
	s9 =	sshrl.u32 s9, $0x3  }
0x12: {  	s12 =	sshrl.u32 s12, $0x3;
	s13 =	sshrl.u32 s26, $0x3;
	s15 =	sshrl.u32 s15, $0x3  }
0x13: {  	s30 =	sshrl.u32 s16, $0x3;
	s16 =	simm.s32 $0x5;
	s26 =	simm.s32 $0x3  }
0x14: {  	s6 =	sadd.s32 s0, s9;
	s9 =	sadd.s32 $0x7C00, s11;
	s12 =	sadd.s32 s12, s0  }
0x15: {  	s13 =	sadd.s32 s13, s0;
	s14 =	sadd.s32 s15, s0;
	s15 =	sadd.s32 s30, s0  }
0x16: {  	s7 =	sadd.s32 $0x10, s6;
	s8 =	sadd.s32 $0x20, s6;
	s11 =	sadd.s32 $0x4F0, s6  }
.LBB2_1:
0x17: {  	s0 =	rddreg [dreg:$0x4]  }
0x18: {  	[tilespmem:s3], [sflag:$0x5] =	stream.linear.gather [hbm4b:s0+s3], $0x4000, $0x38;
	[tilespmem:$0x6A00] =	vst v63  }
0x19: {  	_ =	swait.ge [sflag:s16], $0x4000  }
0x1a: {  	[sflag:s16] =	ssyncset.done $0x0  }
0x1b: {  	[sflag:s16] =	ssyncadd.s32 $0xFFFFC000  }
0x1c: {  	[spmem:s18], [sflag:s17] =	dma.local [hbm:s5], $0x2800  }
0x1d: {  	_ =	swait.ge [sflag:s16], $0x2800  }
0x1e: {  	[sflag:s16] =	ssyncset.done $0x0  }
0x1f: {  	[sflag:s16] =	ssyncadd.s32 $0xFFFFD800  }
0x20: {  	[bflag:$0x0] =	sbarrier.arrive $0xFFFF  }
0x21: {  	[tilespmem:s19], [sflag:$0x1] =	stream.linear.gather [hbm4b:s6+s3], $0x80, $0x38;
	[tilespmem:$0x6A00] =	vst v63  }
0x22: {  	_ = 	snop  }
0x23: {  	[tilespmem:s20], [sflag:$0x2] =	stream.linear.gather [hbm4b:s7+s3], $0x80, $0x38;
	[tilespmem:$0x6A00] =	vst v63  }
0x24: {  	_ = 	snop  }
0x25: {  	[tilespmem:s21], [sflag:$0x3] =	stream.linear.gather [hbm4b:s8+s3], $0x80, $0x38;
	[tilespmem:$0x6A00] =	vst v63  }
0x26: {  	s2 =	sadd.s32 $0x0, s15  }
0x27: {  	[tilespmem:s22], [sflag:$0x4] =	stream.linear.gather [hbm4b:s2+s3], $0x80, $0x38;
	[tilespmem:$0x6A00] =	vst v63  }
0x28: {  	_ =	swait.ge [sflag:s23], $0x80  }
0x29: {  	[sflag:s23] =	ssyncset.done $0x0  }
0x2a: {  	[sflag:s23] =	ssyncadd.s32 $0xFFFFFF80  }
0x2b: {  	[spmem:s1] =	stream.indirect.scatter.add.f32 [tilespmem:s3], [sflag:$0x5], $0x10, s19, s24, $0xb8;
	[tilespmem:$0x6A00] =	vst v63  }
0x2c: {  	_ =	swait.ge [sflag:s16], $0x800  }
0x2d: {  	[sflag:s16] =	ssyncset.done $0x0  }
0x2e: {  	s4 =	sadd.s32 $0x0, s14;
	[sflag:s16] =	ssyncadd.s32 $0xFFFFF800  }
0x2f: {  	[tilespmem:s19], [sflag:$0x1] =	stream.linear.gather [hbm4b:s4+s3], $0x80, $0x38;
	[tilespmem:$0x6A00] =	vst v63  }
0x30: {  	_ =	swait.ge [sflag:s25], $0x80  }
0x31: {  	[sflag:s25] =	ssyncset.done $0x0  }
0x32: {  	[sflag:s25] =	ssyncadd.s32 $0xFFFFFF80  }
0x33: {  	[spmem:s1] =	stream.indirect.scatter.add.f32 [tilespmem:s3], [sflag:$0x5], $0x10, s20, s24, $0xb8;
	[tilespmem:$0x6A00] =	vst v63  }
0x34: {  	_ =	swait.ge [sflag:s16], $0x800  }
0x35: {  	[sflag:s16] =	ssyncset.done $0x0  }
0x36: {  	s2 =	sadd.s32 $0x0, s13;
	[sflag:s16] =	ssyncadd.s32 $0xFFFFF800  }
0x37: {  	[tilespmem:s20], [sflag:$0x2] =	stream.linear.gather [hbm4b:s2+s3], $0x80, $0x38;
	[tilespmem:$0x6A00] =	vst v63  }
0x38: {  	_ =	swait.ge [sflag:s26], $0x80  }
0x39: {  	[sflag:s26] =	ssyncset.done $0x0  }
0x3a: {  	[sflag:s26] =	ssyncadd.s32 $0xFFFFFF80  }
0x3b: {  	[spmem:s1] =	stream.indirect.scatter.add.f32 [tilespmem:s3], [sflag:$0x5], $0x10, s21, s24, $0xb8;
	[tilespmem:$0x6A00] =	vst v63  }
0x3c: {  	_ =	swait.ge [sflag:s16], $0x800  }
0x3d: {  	[sflag:s16] =	ssyncset.done $0x0  }
0x3e: {  	s4 =	sadd.s32 $0x0, s12;
	[sflag:s16] =	ssyncadd.s32 $0xFFFFF800  }
0x3f: {  	[tilespmem:s21], [sflag:$0x3] =	stream.linear.gather [hbm4b:s4+s3], $0x80, $0x38;
	[tilespmem:$0x6A00] =	vst v63  }
0x40: {  	_ =	swait.ge [sflag:s28], $0x80  }
0x41: {  	[sflag:s28] =	ssyncset.done $0x0  }
0x42: {  	[sflag:s28] =	ssyncadd.s32 $0xFFFFFF80  }
0x43: {  	[spmem:s1] =	stream.indirect.scatter.add.f32 [tilespmem:s3], [sflag:$0x5], $0x10, s22, s24, $0xb8;
	[tilespmem:$0x6A00] =	vst v63  }
0x44: {  	_ =	swait.ge [sflag:s16], $0x800  }
0x45: {  	s30 =	simm.s32 $0x40;
	s31 =	simm.s32 $0x80;
	[sflag:s16] =	ssyncset.done $0x0  }
.LBB2_2:
0x46: {  	s2 =	sadd.s32 s30, s15  }
0x47: {  	[sflag:s16] =	ssyncadd.s32 $0xFFFFF800;
	s4 =	smov.u32 s31;
	s0 =	sadd.s32 $0x40, s31  }
0x48: {  	[tilespmem:s22], [sflag:$0x4] =	stream.linear.gather [hbm4b:s2+s3], $0x80, $0x38;
	[tilespmem:$0x6A00] =	vst v63  }
0x49: {  	p0 =	sne.s32 s31, $0x480;
	_ =	swait.ge [sflag:s23], $0x80  }
0x4a: {  	[sflag:s23] =	ssyncset.done $0x0  }
0x4b: {  	[sflag:s23] =	ssyncadd.s32 $0xFFFFFF80  }
0x4c: {  	[spmem:s1] =	stream.indirect.scatter.add.f32 [tilespmem:s3], [sflag:$0x5], $0x10, s19, s24, $0xb8;
	[tilespmem:$0x6A00] =	vst v63  }
0x4d: {  	_ =	swait.ge [sflag:s16], $0x800  }
0x4e: {  	[sflag:s16] =	ssyncset.done $0x0  }
0x4f: {  	s2 =	sadd.s32 s30, s14;
	[sflag:s16] =	ssyncadd.s32 $0xFFFFF800  }
0x50: {  	[tilespmem:s19], [sflag:$0x1] =	stream.linear.gather [hbm4b:s2+s3], $0x80, $0x38;
	[tilespmem:$0x6A00] =	vst v63  }
0x51: {  	_ =	swait.ge [sflag:s25], $0x80  }
0x52: {  	[sflag:s25] =	ssyncset.done $0x0  }
0x53: {  	[sflag:s25] =	ssyncadd.s32 $0xFFFFFF80  }
0x54: {  	[spmem:s1] =	stream.indirect.scatter.add.f32 [tilespmem:s3], [sflag:$0x5], $0x10, s20, s24, $0xb8;
	[tilespmem:$0x6A00] =	vst v63  }
0x55: {  	_ =	swait.ge [sflag:s16], $0x800  }
0x56: {  	[sflag:s16] =	ssyncset.done $0x0  }
0x57: {  	s2 =	sadd.s32 s30, s13;
	[sflag:s16] =	ssyncadd.s32 $0xFFFFF800  }
0x58: {  	[tilespmem:s20], [sflag:$0x2] =	stream.linear.gather [hbm4b:s2+s3], $0x80, $0x38;
	[tilespmem:$0x6A00] =	vst v63  }
0x59: {  	_ =	swait.ge [sflag:s26], $0x80  }
0x5a: {  	[sflag:s26] =	ssyncset.done $0x0  }
0x5b: {  	[sflag:s26] =	ssyncadd.s32 $0xFFFFFF80  }
0x5c: {  	[spmem:s1] =	stream.indirect.scatter.add.f32 [tilespmem:s3], [sflag:$0x5], $0x10, s21, s24, $0xb8;
	[tilespmem:$0x6A00] =	vst v63  }
0x5d: {  	_ =	swait.ge [sflag:s16], $0x800  }
0x5e: {  	[sflag:s16] =	ssyncset.done $0x0  }
0x5f: {  	s2 =	sadd.s32 s30, s12;
	s30 =	smov.u32 s4;
	[sflag:s16] =	ssyncadd.s32 $0xFFFFF800  }
0x60: {  	[tilespmem:s21], [sflag:$0x3] =	stream.linear.gather [hbm4b:s2+s3], $0x80, $0x38;
	[tilespmem:$0x6A00] =	vst v63  }
0x61: {  	_ =	swait.ge [sflag:s28], $0x80  }
.Ltmp0:
0x62: {  	[sflag:s28] =	ssyncset.done $0x0;
	(pc) =	sbr.rel @p0 .LBB2_2-.Ltmp0, $4  }
0x63: {  	[sflag:s28] =	ssyncadd.s32 $0xFFFFFF80  }
0x64: {  	[spmem:s1] =	stream.indirect.scatter.add.f32 [tilespmem:s3], [sflag:$0x5], $0x10, s22, s24, $0xb8;
	[tilespmem:$0x6A00] =	vst v63  }
0x65: {  	_ =	swait.ge [sflag:s16], $0x800  }
0x66: {  	s31 =	smov.u32 s0;
	[sflag:s16] =	ssyncset.done $0x0  }
0x67: {  	s0 =	sadd.s32 s30, s15;
	[sflag:s16] =	ssyncadd.s32 $0xFFFFF800  }
0x68: {  	[tilespmem:s22], [sflag:$0x4] =	stream.linear.gather [hbm4b:s0+s3], $0x80, $0x38;
	[tilespmem:$0x6A00] =	vst v63  }
0x69: {  	_ =	swait.ge [sflag:s23], $0x80  }
0x6a: {  	[sflag:s23] =	ssyncset.done $0x0  }
0x6b: {  	[sflag:s23] =	ssyncadd.s32 $0xFFFFFF80  }
0x6c: {  	[spmem:s1] =	stream.indirect.scatter.add.f32 [tilespmem:s3], [sflag:$0x5], $0x10, s19, s24, $0xb8;
	[tilespmem:$0x6A00] =	vst v63  }
0x6d: {  	_ =	swait.ge [sflag:s16], $0x800  }
0x6e: {  	[sflag:s16] =	ssyncset.done $0x0  }
0x6f: {  	s2 =	sadd.s32 s30, s14;
	[sflag:s16] =	ssyncadd.s32 $0xFFFFF800  }
0x70: {  	[tilespmem:s19], [sflag:$0x1] =	stream.linear.gather [hbm4b:s2+s3], $0x80, $0x38;
	[tilespmem:$0x6A00] =	vst v63  }
0x71: {  	_ =	swait.ge [sflag:s25], $0x80  }
0x72: {  	[sflag:s25] =	ssyncset.done $0x0  }
0x73: {  	[sflag:s25] =	ssyncadd.s32 $0xFFFFFF80  }
0x74: {  	[spmem:s1] =	stream.indirect.scatter.add.f32 [tilespmem:s3], [sflag:$0x5], $0x10, s20, s24, $0xb8;
	[tilespmem:$0x6A00] =	vst v63  }
0x75: {  	_ =	swait.ge [sflag:s16], $0x800  }
0x76: {  	[sflag:s16] =	ssyncset.done $0x0  }
0x77: {  	s4 =	sadd.s32 s30, s13;
	[sflag:s16] =	ssyncadd.s32 $0xFFFFF800  }
0x78: {  	[tilespmem:s20], [sflag:$0x2] =	stream.linear.gather [hbm4b:s4+s3], $0x80, $0x38;
	[tilespmem:$0x6A00] =	vst v63  }
0x79: {  	_ =	swait.ge [sflag:s26], $0x80  }
0x7a: {  	[sflag:s26] =	ssyncset.done $0x0  }
0x7b: {  	[sflag:s26] =	ssyncadd.s32 $0xFFFFFF80  }
0x7c: {  	[spmem:s1] =	stream.indirect.scatter.add.f32 [tilespmem:s3], [sflag:$0x5], $0x10, s21, s24, $0xb8;
	[tilespmem:$0x6A00] =	vst v63  }
0x7d: {  	_ =	swait.ge [sflag:s16], $0x800  }
0x7e: {  	[sflag:s16] =	ssyncset.done $0x0  }
0x7f: {  	s31 =	sadd.s32 s30, s12;
	[sflag:s16] =	ssyncadd.s32 $0xFFFFF800  }
0x80: {  	[tilespmem:s21], [sflag:$0x3] =	stream.linear.gather [hbm4b:s31+s3], $0x80, $0x38;
	[tilespmem:$0x6A00] =	vst v63  }
0x81: {  	_ =	swait.ge [sflag:s28], $0x80  }
0x82: {  	[sflag:s28] =	ssyncset.done $0x0  }
0x83: {  	[sflag:s28] =	ssyncadd.s32 $0xFFFFFF80  }
0x84: {  	[spmem:s1] =	stream.indirect.scatter.add.f32 [tilespmem:s3], [sflag:$0x5], $0x10, s22, s24, $0xb8;
	[tilespmem:$0x6A00] =	vst v63  }
0x85: {  	_ =	swait.ge [sflag:s16], $0x800  }
0x86: {  	[sflag:s16] =	ssyncset.done $0x0  }
0x87: {  	[sflag:s16] =	ssyncadd.s32 $0xFFFFF800  }
0x88: {  	[tilespmem:s22], [sflag:$0x4] =	stream.linear.gather [hbm4b:s11+s3], $0x80, $0x38;
	[tilespmem:$0x6A00] =	vst v63  }
0x89: {  	_ =	swait.ge [sflag:s23], $0x80  }
0x8a: {  	[sflag:s23] =	ssyncset.done $0x0  }
0x8b: {  	[sflag:s23] =	ssyncadd.s32 $0xFFFFFF80  }
0x8c: {  	[spmem:s1] =	stream.indirect.scatter.add.f32 [tilespmem:s3], [sflag:$0x5], $0x10, s19, s24, $0xb8;
	[tilespmem:$0x6A00] =	vst v63  }
0x8d: {  	_ =	swait.ge [sflag:s16], $0x800  }
0x8e: {  	[sflag:s16] =	ssyncset.done $0x0  }
0x8f: {  	[sflag:s16] =	ssyncadd.s32 $0xFFFFF800  }
0x90: {  	_ =	swait.ge [sflag:s25], $0x80  }
0x91: {  	[sflag:s25] =	ssyncset.done $0x0  }
0x92: {  	[sflag:s25] =	ssyncadd.s32 $0xFFFFFF80  }
0x93: {  	[spmem:s1] =	stream.indirect.scatter.add.f32 [tilespmem:s3], [sflag:$0x5], $0x10, s20, s24, $0xb8;
	[tilespmem:$0x6A00] =	vst v63  }
0x94: {  	_ =	swait.ge [sflag:s16], $0x800  }
0x95: {  	[sflag:s16] =	ssyncset.done $0x0  }
0x96: {  	[sflag:s16] =	ssyncadd.s32 $0xFFFFF800  }
0x97: {  	_ =	swait.ge [sflag:s26], $0x80  }
0x98: {  	[sflag:s26] =	ssyncset.done $0x0  }
0x99: {  	[sflag:s26] =	ssyncadd.s32 $0xFFFFFF80  }
0x9a: {  	[spmem:s1] =	stream.indirect.scatter.add.f32 [tilespmem:s3], [sflag:$0x5], $0x10, s21, s24, $0xb8;
	[tilespmem:$0x6A00] =	vst v63  }
0x9b: {  	_ =	swait.ge [sflag:s16], $0x800  }
0x9c: {  	[sflag:s16] =	ssyncset.done $0x0  }
0x9d: {  	[sflag:s16] =	ssyncadd.s32 $0xFFFFF800  }
0x9e: {  	_ =	swait.ge [sflag:s28], $0x80  }
0x9f: {  	[sflag:s28] =	ssyncset.done $0x0  }
0xa0: {  	[sflag:s28] =	ssyncadd.s32 $0xFFFFFF80  }
0xa1: {  	[spmem:s1] =	stream.indirect.scatter.add.f32 [tilespmem:s3], [sflag:$0x5], $0x10, s22, s24, $0xb8;
	[tilespmem:$0x6A00] =	vst v63  }
0xa2: {  	_ =	swait.ge [sflag:s16], $0x800  }
0xa3: {  	s29 =	sadd.s32 $0x1, s29;
	[sflag:s16] =	ssyncset.done $0x0  }
0xa4: {  	p0 =	sne.s32 s29, s10;
	[sflag:s16] =	ssyncadd.s32 $0xFFFFF800  }
.Ltmp1:
0xa5: {  	[bflag:$0x0] =	sbarrier.arrive $0xFFFF;
	(pc) =	sbr.rel @p0 .LBB2_1-.Ltmp1, $4  }
0xa6: {  	[hbm:s9], [sflag:s17] =	dma.local [spmem:s18], $0x2800  }
0xa7: {  	_ =	swait.ge [sflag:s16], $0x2800  }
0xa8: {  	[sflag:s16] =	ssyncset.done $0x0  }
0xa9: {  	[sflag:s16] =	ssyncadd.s32 $0xFFFFD800  }
0xaa: {  	_ =	sfence.sel $0x180000  }
0xab: {  	[bflag:$0x0] =	sbarrier.arrive $0xFFFF  }
0xac: {  	_ =	strace $0x90000047  }
0xad: {  	s0 =	stileid.u32;
	[bflag:$0x2] =	sbarrier.arrive $0xFFFF  }
0xae: {  	p0 =	sne.s32 s0, $0x0;
	s0 =	rddreg [dreg:$0x3]  }
0xaf: {  	s0 =	sadd.s32 @!p0 $0x100000, s0  }
0xb0: {  	[sflag:s0] =	ssyncadd.tile.s32 @!p0 $0x1;
	_ =	shalt  }
.Lfunc_end2:
_tile_overlayer_lowered:
.L_overlay_start_2:
0xb1: {  	(tag) =	ssettag $0x2  }
0xb2: {  	s0 =	rddreg [dreg:$0x0];
	s2 =	stileid.u32  }
0xb3: {  	s1 =	rddreg [dreg:$0x1];
	p0 =	sne.s32 s2, $0x0  }
0xb4: {  	s3 =	rddreg [dreg:$0x2];
	[bflag:$0x3] =	sbarrier.arrive $0xFFFF;
	s2 =	simm.s32 @!p0 $0x1C05  }
0xb5: {  	[timem:s3], [sflag:s2] =	dma.local @!p0 [hbm:s0], s1  }
0xb6: {  	s0 =	simm.s32 @!p0 $0x5  }
0xb7: {  	_ =	swait.ge @!p0 [sflag:s0], s1  }
0xb8: {  	s1 =	ssub.s32 @!p0 $0x0, s1;
	[sflag:s0] =	ssyncset.done @!p0 $0x0  }
0xb9: {  	[sflag:s0] =	ssyncadd.s32 @!p0 s1  }
0xba: {  	[bflag:$0x3] =	sbarrier.arrive $0xFFFF  }
0xbb: {  	_ =	shalt  }

// kernel: kernel.16.cloned.1.call-start
scs
__scs_entry_jumppad:
0x0: {  	(pc) =	sbr.rel $0x88, $3  }
0x1: {  	(tag) =	ssettag $0x0;
	lr =	simm.s32 $0x1  }
0x2: {  	[smem:$0x3F97] =	sst lr;
	_ =	strace $0xD0000000  }
0x3: {  	_ = 	snop  }
0x4: {  	_ = 	snop  }
0x5: {  	_ = 	snop  }
0x6: {  	_ = 	snop  }
0x7: {  	_ = 	snop  }
__scs_overlays_trampoline_lowered:
0x8: {  	[smem:$0x3FA6] =	sst s0  }
0x9: {  	[smem:$0x3FA7] =	sst s1  }
0xa: {  	[smem:$0x3FA8] =	sst s2  }
0xb: {  	[smem:$0x3FA9] =	sst s3  }
0xc: {  	[smem:$0x3FAA] =	sst s4  }
0xd: {  	[smem:$0x3FAB] =	sst s5  }
0xe: {  	[smem:$0x3FAC] =	sst s6  }
0xf: {  	[smem:$0x3FAD] =	sst s7  }
0x10: {  	[smem:$0x3FAE] =	sst s8  }
0x11: {  	[smem:$0x3FAF] =	sst s9;
	s0 =	simm.s32 @!p0 $0x0  }
0x12: {  	s1 =	sld [smem:$0x3F95];
	s0 =	simm.s32 @p0 $0x1  }
0x13: {  	[smem:$0x3FB0] =	sst s0;
	s0 =	simm.s32 @!p1 $0x0  }
0x14: {  	s2 =	sld [smem:$0x3F94];
	s0 =	simm.s32 @p1 $0x1  }
0x15: {  	[smem:$0x3FB1] =	sst s0;
	s0 =	simm.s32 @!p2 $0x0  }
0x16: {  	s3 =	sld [smem:$0x3FDB];
	s0 =	simm.s32 @p2 $0x1  }
0x17: {  	s4 =	simm.s32 $0x1BF5;
	[smem:$0x3FB3] =	sst s0  }
0x18: {  	s0 =	sld [smem:$0x3F96];
	_ =	swait.ge [sflag:s4], $0x0  }
0x19: {  	s7 =	sld [smem:$0x3F97]  }
0x1a: {  	s8 =	sadd.s32 $0xFFFFE003, lr  }
0x1b: {  	s9 =	sadd.s32 $0xFFFFFEF7, lr;
	s5 =	simm.s32 $0xFFFFFFFF;
	p2 =	slt.u32 s8, $0xFFFFF086  }
0x1c: {  	p1 =	slt.u32 s9, $0xF7A;
	s5 =	simm.s32 @!p2 $0x0  }
0x1d: {  	s5 =	simm.s32 @p1 $0x1;
	p0 =	seq.s32 s7, s2  }
0x1e: {  	s7 =	smul.u32 @!p0 $0xF7A, s2;
	p2 =	seq.s32 @!p0 s5, $0x0  }
0x1f: {  	s9 =	smul.u32 $0xF7A, s1;
	s8 =	simm.s32 @!p0 $0x1BF5;
	p2 =	por !p2, p0  }
0x20: {  	[sflag:s8] =	ssyncset.s32 @!p0 $0xFFFFF086;
	s6 =	sadd.s32 @!p0 s3, s7;
	s7 =	simm.s32 @!p0 $0x108  }
0x21: {  	s3 =	sadd.s32 s3, s9;
	s6 =	sadd.s32 @!p0 $0x88, s6;
	s7 =	simm.s32 @p2 $0x1082  }
0x22: {  	[simem:s7], [sflag:s8] =	dma.local @!p0 [hbm:s6], $0xF7A  }
0x23: {  	s9 =	sor.u32 $0xD0000000, s2;
	s6 =	simm.s32 $0x108;
	_ =	swait.ge @!p0 [sflag:s8], $0x0  }
0x24: {  	s3 =	sadd.s32 $0x88, s3;
	s6 =	simm.s32 @!p1 $0x1082;
	[sflag:s4] =	ssyncset.s32 $0xFFFFF086  }
0x25: {  	[simem:s6], [sflag:s4] =	dma.local [hbm:s3], $0xF7A  }
0x26: {  	[smem:$0x3F97] =	sst s1;
	(tag) =	ssettag s2;
	_ =	strace s9  }
0x27: {  	s1 =	sld [smem:$0x3FA7]  }
0x28: {  	s2 =	sld [smem:$0x3FA8]  }
0x29: {  	s4 =	sld [smem:$0x3FAA]  }
0x2a: {  	p0 =	seq.s32 s5, $0x0;
	s5 =	sld [smem:$0x3FAB]  }
0x2b: {  	s6 =	sld [smem:$0x3FAC]  }
0x2c: {  	s7 =	sld [smem:$0x3FAD]  }
0x2d: {  	s3 =	simm.s32 $0x108;
	s8 =	sld [smem:$0x3FAE]  }
0x2e: {  	s3 =	simm.s32 @!p0 $0x1082;
	s9 =	sld [smem:$0x3FAF]  }
0x2f: {  	lr =	sadd.s32 s0, s3;
	s0 =	sld [smem:$0x3FA6]  }
0x30: {  	s3 =	sld [smem:$0x3FA9]  }
0x31: {  	[smem:$0x3FB2] =	sst s10  }
0x32: {  	s10 =	sld [smem:$0x3FB0];
	_ =	sdelay $0x3  }
0x33: {  	p0 =	seq.s32 s10, $0x1;
	s10 =	sld [smem:$0x3FB2];
	_ =	sdelay $0x3  }
0x34: {  	[smem:$0x3FB2] =	sst s10  }
0x35: {  	s10 =	sld [smem:$0x3FB1];
	_ =	sdelay $0x3  }
0x36: {  	p1 =	seq.s32 s10, $0x1;
	s10 =	sld [smem:$0x3FB2];
	_ =	sdelay $0x3  }
0x37: {  	[smem:$0x3FB2] =	sst s10  }
0x38: {  	s10 =	sld [smem:$0x3FB3]  }
0x39: {  	_ = 	snop;
	(pc) =	sbr.ind lr, $3  }
0x3a: {  	_ = 	snop  }
0x3b: {  	_ = 	snop  }
0x3c: {  	p2 =	seq.s32 s10, $0x1;
	s10 =	sld [smem:$0x3FB2]  }
0x3d: {  	_ =	shalt  }
0x3e: {  	_ =	shalt  }
0x3f: {  	_ =	shalt  }
0x40: {  	_ =	shalt  }
0x41: {  	_ =	shalt  }
0x42: {  	_ =	shalt  }
0x43: {  	_ =	shalt  }
0x44: {  	_ =	shalt  }
0x45: {  	_ =	shalt  }
0x46: {  	_ =	shalt  }
0x47: {  	_ =	shalt  }
0x48: {  	_ =	shalt  }
0x49: {  	_ =	shalt  }
0x4a: {  	_ =	shalt  }
0x4b: {  	_ =	shalt  }
0x4c: {  	_ =	shalt  }
0x4d: {  	_ =	shalt  }
0x4e: {  	_ =	shalt  }
0x4f: {  	_ =	shalt  }
0x50: {  	_ =	shalt  }
0x51: {  	_ =	shalt  }
0x52: {  	_ =	shalt  }
0x53: {  	_ =	shalt  }
0x54: {  	_ =	shalt  }
0x55: {  	_ =	shalt  }
0x56: {  	_ =	shalt  }
0x57: {  	_ =	shalt  }
0x58: {  	_ =	shalt  }
0x59: {  	_ =	shalt  }
0x5a: {  	_ =	shalt  }
0x5b: {  	_ =	shalt  }
0x5c: {  	_ =	shalt  }
0x5d: {  	_ =	shalt  }
0x5e: {  	_ =	shalt  }
0x5f: {  	_ =	shalt  }
0x60: {  	_ =	shalt  }
0x61: {  	_ =	shalt  }
0x62: {  	_ =	shalt  }
0x63: {  	_ =	shalt  }
0x64: {  	_ =	shalt  }
0x65: {  	_ =	shalt  }
0x66: {  	_ =	shalt  }
0x67: {  	_ =	shalt  }
0x68: {  	_ =	shalt  }
0x69: {  	_ =	shalt  }
0x6a: {  	_ =	shalt  }
0x6b: {  	_ =	shalt  }
0x6c: {  	_ =	shalt  }
0x6d: {  	_ =	shalt  }
0x6e: {  	_ =	shalt  }
0x6f: {  	_ =	shalt  }
0x70: {  	_ =	shalt  }
0x71: {  	_ =	shalt  }
0x72: {  	_ =	shalt  }
0x73: {  	_ =	shalt  }
0x74: {  	_ =	shalt  }
0x75: {  	_ =	shalt  }
0x76: {  	_ =	shalt  }
0x77: {  	_ =	shalt  }
0x78: {  	_ =	shalt  }
0x79: {  	_ =	shalt  }
0x7a: {  	_ =	shalt  }
0x7b: {  	_ =	shalt  }
0x7c: {  	_ =	shalt  }
0x7d: {  	_ =	shalt  }
0x7e: {  	_ =	shalt  }
0x7f: {  	_ =	shalt  }
0x80: {  	_ =	shalt  }
0x81: {  	_ =	shalt  }
0x82: {  	_ =	shalt  }
0x83: {  	_ =	shalt  }
0x84: {  	_ =	shalt  }
0x85: {  	_ =	shalt  }
0x86: {  	_ =	shalt  }
0x87: {  	_ =	shalt  }
.Lfunc_end0:
.L_simem_size_0:
called_computation.1_lowered:
.L_overlay_start_0:
0x88: {  	s2 =	sld [smem:$0x3FD9]  }
0x89: {  	s3 =	sld [smem:$0x3FFE];
	_ =	sdelay $0x1  }
0x8a: {  	s1 =	srdreg.scid  }
0x8b: {  	s0 =	sand.u32 $0x1, s1  }
0x8c: {  	s17 =	sshll.u32 s0, $0xA;
	s2 =	sadd.s32 s3, s2  }
0x8d: {  	s2 =	sadd.s32 s2, s17  }
0x8e: {  	[smem:$0x3FBE] =	sst s2  }
0x8f: {  	_ = 	snop  }
0x90: {  	s2 =	sld [smem:$0x3FD0];
	(tm) =	ssettm $0x1  }
0x91: {  	s18 =	sld [smem:$0x3FFB];
	_ =	sdelay $0x3  }
0x92: {  	_ =	strace s18  }
0x93: {  	s3 =	sld [smem:$0x3FFC];
	_ =	sdelay $0x3  }
0x94: {  	_ =	strace s3  }
0x95: {  	s3 =	sld [smem:$0x3FFD];
	_ =	sdelay $0x3  }
0x96: {  	_ =	strace s3  }
0x97: {  	_ =	strace $0x8FFFFFFF  }
0x98: {  	s19 =	sld [smem:$0x3FDB];
	_ =	sdelay $0x1  }
0x99: {  	s4 =	simm.s32 $_scs_section_size  }
0x9a: {  	s5 =	simm.s32 $_size__tile_overlayer_lowered;
	s6 =	simm.s32 $_tile_overlayer_lowered  }
0x9b: {  	s22 =	simm.s32 $0x1BFF;
	s21 =	sshll.u32 s6, $0x1;
	s3 =	sadd.s32 s4, s19  }
0x9c: {  	s7 =	simm.s32 $0x0;
	s20 =	sshll.u32 s5, $0x1;
	s5 =	sadd.s32 s21, s3  }
0x9d: {  	[timem:s7], [sflag:s22] =	dma.local [hbm:s5], s20  }
0x9e: {  	_ =	swait.ge [sflag:s22], s20  }
0x9f: {  	s4 =	ssub.s32 $0x0, s20;
	[sflag:s22] =	ssyncset.done $0x0  }
0xa0: {  	[sflag:s22] =	ssyncadd.s32 s4;
	_ =	sdelay $0x1  }
0xa1: {  	s23 =	simm.s32 $0x1B8B  }
0xa2: {  	_ =	swait.ge [sflag:s23], $0x1  }
0xa3: {  	[sflag:s23] =	ssyncset.done $0x0  }
0xa4: {  	s25 =	simm.s32 $0x1B8E;
	s24 =	sld [smem:$0x3FFE];
	[sflag:s23] =	ssyncadd.s32 $0xFFFFFFFF  }
0xa5: {  	s26 =	simm.s32 $execute0_lowered;
	[smem:$0x3FD2] =	sst s25  }
0xa6: {  	s5 =	sshll.u32 s26, $0x1;
	_ =	strace $0x80000049;
	[dreg:$0x1] =	wrdreg $0xFFFFFFFF  }
0xa7: {  	s28 =	simm.s32 $_size_execute0_lowered;
	s3 =	sadd.s32 s3, s5;
	[dreg:$0x0] =	wrdreg $0x0  }
0xa8: {  	s5 =	sshll.u32 s28, $0x1;
	[dreg:$0x2] =	wrdreg s3  }
0xa9: {  	[dreg:$0x3] =	wrdreg s5  }
0xaa: {  	[dreg:$0x4] =	wrdreg $0xC0  }
0xab: {  	_ =	task [dreg:s7], $0x5FFFF  }
0xac: {  	[dreg:$0x1] =	wrdreg $0xFFFFFFFF  }
0xad: {  	[dreg:$0x0] =	wrdreg $0x60  }
0xae: {  	[dreg:$0x2] =	wrdreg s24  }
0xaf: {  	[dreg:$0x3] =	wrdreg s2  }
0xb0: {  	[dreg:$0x4] =	wrdreg $0x84000  }
0xb1: {  	[dreg:$0x5] =	wrdreg $0x9  }
0xb2: {  	_ =	task.clear_ibuf [dreg:s7], $0x6FFFF;
	_ =	strace $0x90000049  }
0xb3: {  	s29 =	simm.s32 $0x9;
	_ =	strace $0x8000004B  }
0xb4: {  	_ =	swait.ge [sflag:s29], $0x1  }
0xb5: {  	[sflag:s29] =	ssyncadd.s32 $0xFFFFFFFF  }
0xb6: {  	_ =	strace $0x9000004B  }
0xb7: {  	_ =	sfence  }
0xb8: {  	s30 =	sld [smem:$0x0];
	_ =	sdelay $0x2  }
0xb9: {  	s31 =	sshll.u32 s1, $0xD;
	s1 =	sshrl.u32 s1, $0x2  }
0xba: {  	s3 =	sand.u32 $0x4000, s31;
	s1 =	sadd.s32 s1, s30  }
0xbb: {  	s0 =	sor.u32 s3, s0;
	s1 =	sshll.u32 s1, $0x11  }
0xbc: {  	s0 =	sor.u32 s1, s0  }
0xbd: {  	s0 =	sadd.s32 $0x8F2B, s0  }
0xbe: {  	[sflag:s0] =	ssyncadd.remote.s32 $0x1  }
0xbf: {  	_ =	sfence.sel $0xFFFF  }
0xc0: {  	[dreg:$0x0] =	wrdreg $0xFFFFFFFF;
	(pc) =	sbr.abs _section_cstart, $3  }
0xc1: {  	[dreg:$0x1] =	wrdreg $0xFFFFFFFF  }
0xc2: {  	_ =	task.clear_ibuf [dreg:s7], $0x2FFFF;
	_ =	strace $0x9FFFFFFF  }
0xc3: {  	(tm) =	ssettm $0x7FFFFFFF  }
tec
execute0_lowered:
.L_overlay_start_1:
0x0: {  	(tag) =	ssettag $0x1  }
0x1: {  	s0 =	rddreg [dreg:$0x0]  }
0x2: {  	s2 =	rddreg [dreg:$0x1]  }
0x3: {  	s1 =	rddreg [dreg:$0x2]  }
0x4: {  	s3 =	srdreg.scid;
	s12 =	stileid.u32  }
0x5: {  	s28 =	simm.s32 $0x4400;
	s29 =	simm.s32 $0x5;
	s30 =	simm.s32 $0x3  }
0x6: {  	s31 =	simm.s32 $0x6;
	s5 =	sand.u32 $0x1, s3;
	s3 =	simm.s32 $0x0  }
0x7: {  	s7 =	smul.u32 $0x14000, s12;
	s4 =	sadd.s32 $0x4C00, s0;
	s8 =	sadd.s32 $0x57C00, s0  }
0x8: {  	s17 =	sadd.s32 $0x54C00, s0;
	s10 =	smul.u32 $0x50000, s12;
	s21 =	sshll.u32 s12, $0x6  }
0x9: {  	s6 =	smul.u32 $0x140000, s5;
	[smem:$0x7FF] =	sst s3;
	s18 =	sshll.u32 s5, $0x4  }
0xa: {  	s9 =	ssub.s32 $0x2, s5;
	s5 =	smul.u32 $0x28000, s5;
	_ =	strace $0x8000004A  }
0xb: {  	[dreg:$0xc] =	wrdreg s17;
	s19 =	sshrl.u32 s9, $0x1;
	s20 =	sshrl.u32 s10, $0x2  }
0xc: {  	s6 =	sadd.s32 s7, s6;
	s7 =	sor.u32 s12, s18;
	s12 =	smul.u32 $0x2800, s12  }
0xd: {  	s22 =	sadd.s32 s20, s1;
	s6 =	sshrl.u32 s6, $0x3;
	s7 =	smul.u32 $0x2800, s7  }
0xe: {  	[dreg:$0xd] =	wrdreg s22;
	s0 =	sadd.s32 s6, s0;
	s6 =	ssub.s32 s9, s19  }
0xf: {  	s5 =	sadd.s32 s12, s5;
	s11 =	sshrl.u32 s7, $0x3;
	s7 =	sor.u32 $0x1C07, s21  }
0x10: {  	s13 =	sor.u32 $0x300, s5;
	s17 =	sor.u32 $0x280, s5;
	s20 =	sor.u32 $0x200, s5  }
0x11: {  	s5 =	sor.u32 $0x180, s5;
	s0 =	sadd.s32 $0x61C00, s0;
	s23 =	sadd.s32 s8, s11  }
0x12: {  	s24 =	sadd.s32 s2, s11;
	s25 =	sor.u32 $0x10, s11;
	[dreg:$0x14] =	wrdreg s0  }
0x13: {  	s12 =	sor.u32 $0x20, s11;
	s15 =	sshrl.u32 s13, $0x3;
	[dreg:$0xe] =	wrdreg s23  }
0x14: {  	s18 =	sshrl.u32 s17, $0x3;
	[dreg:$0xf] =	wrdreg s24;
	s26 =	sadd.s32 s8, s25  }
0x15: {  	s22 =	sshrl.u32 s20, $0x3;
	s9 =	sadd.s32 s2, s25;
	[dreg:$0x10] =	wrdreg s26  }
0x16: {  	s5 =	sshrl.u32 s5, $0x3;
	s14 =	sadd.s32 s8, s12;
	[dreg:$0x11] =	wrdreg s9  }
0x17: {  	s17 =	simm.s32 $0x200;
	s10 =	sadd.s32 s2, s12;
	[dreg:$0x12] =	wrdreg s14  }
0x18: {  	s20 =	simm.s32 $0x100;
	s16 =	sadd.s32 s15, s2;
	[dreg:$0x13] =	wrdreg s10  }
0x19: {  	s0 =	simm.s32 $0x4;
	s19 =	sadd.s32 s18, s2;
	[dreg:$0x4] =	wrdreg s16  }
0x1a: {  	s21 =	sadd.s32 s18, s8;
	s23 =	sadd.s32 s22, s2;
	[dreg:$0x6] =	wrdreg s19  }
0x1b: {  	s24 =	sadd.s32 s22, s8;
	s25 =	sadd.s32 s5, s2;
	[dreg:$0x7] =	wrdreg s21  }
0x1c: {  	s18 =	simm.s32 $0x80;
	s22 =	simm.s32 $0x1;
	[dreg:$0x8] =	wrdreg s23  }
0x1d: {  	s2 =	simm.s32 $0x0;
	s9 =	sadd.s32 s15, s8;
	[dreg:$0x9] =	wrdreg s24  }
0x1e: {  	s15 =	smax.u32 s6, $0x1;
	[dreg:$0xa] =	wrdreg s25;
	s26 =	sadd.s32 s5, s8  }
0x1f: {  	s16 =	simm.s32 $0x7;
	s19 =	simm.s32 $0x280;
	s21 =	simm.s32 $0x300  }
0x20: {  	s23 =	simm.s32 $0x400;
	s24 =	simm.s32 $0x180;
	[dreg:$0x5] =	wrdreg s9  }
0x21: {  	s25 =	simm.s32 $0x380;
	[dreg:$0xb] =	wrdreg s26;
	s26 =	simm.s32 $0x2  }
.LBB2_1:
0x22: {  	s5 =	rddreg [dreg:$0xd]  }
0x23: {  	s6 =	rddreg [dreg:$0xc];
	s5 =	sshrl.u32 s5, $0x3  }
0x24: {  	[spmem:s5], [sflag:s7] =	dma.local [hbm:s6], $0x2800  }
0x25: {  	_ =	swait.ge [sflag:s16], $0x2800  }
0x26: {  	[sflag:s16] =	ssyncset.done $0x0  }
0x27: {  	[sflag:s16] =	ssyncadd.s32 $0xFFFFD800  }
0x28: {  	[bflag:$0x0] =	sbarrier.arrive $0xFFFF  }
0x29: {  	s14 =	rddreg [dreg:$0xe]  }
0x2a: {  	[tilespmem:s3], [sflag:$0x1] =	stream.linear.gather [hbm4b:s14+s3], $0x80, $0x38;
	[tilespmem:$0x1C400] =	vst v63  }
0x2b: {  	s8 =	rddreg [dreg:$0xf]  }
0x2c: {  	[tilespmem:s17], [sflag:$0x1] =	stream.linear.gather [hbm4b:s8+s3], $0x80, $0x38;
	[tilespmem:$0x1C400] =	vst v63  }
0x2d: {  	s9 =	rddreg [dreg:$0x10]  }
0x2e: {  	[tilespmem:s18], [sflag:$0x2] =	stream.linear.gather [hbm4b:s9+s3], $0x80, $0x38;
	[tilespmem:$0x1C400] =	vst v63  }
0x2f: {  	s10 =	rddreg [dreg:$0x11]  }
0x30: {  	[tilespmem:s19], [sflag:$0x2] =	stream.linear.gather [hbm4b:s10+s3], $0x80, $0x38;
	[tilespmem:$0x1C400] =	vst v63  }
0x31: {  	s11 =	rddreg [dreg:$0x12]  }
0x32: {  	[tilespmem:s20], [sflag:$0x3] =	stream.linear.gather [hbm4b:s11+s3], $0x80, $0x38;
	[tilespmem:$0x1C400] =	vst v63  }
0x33: {  	s12 =	rddreg [dreg:$0x13]  }
0x34: {  	[tilespmem:s21], [sflag:$0x3] =	stream.linear.gather [hbm4b:s12+s3], $0x80, $0x38;
	[tilespmem:$0x1C400] =	vst v63  }
0x35: {  	_ =	swait.ge [sflag:s22], $0x80  }
0x36: {  	[sflag:s22] =	ssyncset.done $0x0  }
0x37: {  	[sflag:s22] =	ssyncadd.s32 $0xFFFFFF80  }
0x38: {  	_ =	swait.ge [sflag:s22], $0x80  }
0x39: {  	[sflag:s22] =	ssyncset.done $0x0  }
0x3a: {  	s13 =	rddreg [dreg:$0xb];
	[sflag:s22] =	ssyncadd.s32 $0xFFFFFF80  }
0x3b: {  	[tilespmem:s23], [sflag:$0x5] =	stream.indirect.gather [hbm4b:s4+s18], $0x80, s3, s18, $0xb8;
	[tilespmem:$0x1C400] =	vst v63  }
0x3c: {  	s8 =	rddreg [dreg:$0xa];
	s6 =	sadd.s32 $0x0, s13  }
0x3d: {  	[tilespmem:s24], [sflag:$0x4] =	stream.linear.gather [hbm4b:s6+s3], $0x80, $0x38;
	[tilespmem:$0x1C400] =	vst v63  }
0x3e: {  	s14 =	sadd.s32 $0x0, s8  }
0x3f: {  	[tilespmem:s25], [sflag:$0x4] =	stream.linear.gather [hbm4b:s14+s3], $0x80, $0x38;
	[tilespmem:$0x1C400] =	vst v63  }
0x40: {  	_ =	swait.ge [sflag:s26], $0x80  }
0x41: {  	[sflag:s26] =	ssyncset.done $0x0  }
0x42: {  	[sflag:s26] =	ssyncadd.s32 $0xFFFFFF80  }
0x43: {  	_ =	swait.ge [sflag:s26], $0x80  }
0x44: {  	[sflag:s26] =	ssyncset.done $0x0  }
0x45: {  	[sflag:s26] =	ssyncadd.s32 $0xFFFFFF80  }
0x46: {  	[tilespmem:s28], [sflag:$0x6] =	stream.indirect.gather [hbm4b:s4+s18], $0x80, s18, s18, $0xb8;
	[tilespmem:$0x1C400] =	vst v63  }
0x47: {  	_ =	swait.ge [sflag:s29], $0x4000  }
0x48: {  	[sflag:s29] =	ssyncset.done $0x0  }
0x49: {  	[sflag:s29] =	ssyncadd.s32 $0xFFFFC000  }
0x4a: {  	[spmem:s1] =	stream.indirect.scatter.add.f32 [tilespmem:s23], [sflag:$0x7], $0x80, s17, s18, $0xb8;
	[tilespmem:$0x1C400] =	vst v63  }
0x4b: {  	p0 =	por $0x0, $0x0;
	_ =	swait.ge [sflag:s16], $0x4000  }
0x4c: {  	s9 =	simm.s32 @!p0 $0x0;
	s6 =	rddreg [dreg:$0x9];
	[sflag:s16] =	ssyncset.done $0x0  }
0x4d: {  	s8 =	rddreg [dreg:$0x8];
	[sflag:s16] =	ssyncadd.s32 $0xFFFFC000;
	s6 =	sadd.s32 @!p0 $0x0, s6  }
0x4e: {  	[tilespmem:s9], [sflag:$0x1] =	stream.linear.gather @!p0 [hbm4b:s6+s9], $0x80, $0x38;
	[tilespmem:$0x1C400] =	vst v63  }
0x4f: {  	s6 =	sadd.s32 @!p0 $0x0, s8;
	s8 =	simm.s32 @!p0 $0x200  }
0x50: {  	[tilespmem:s8], [sflag:$0x1] =	stream.linear.gather @!p0 [hbm4b:s6+s9], $0x80, $0x38;
	[tilespmem:$0x1C400] =	vst v63  }
0x51: {  	_ =	swait.ge [sflag:s30], $0x80  }
0x52: {  	[sflag:s30] =	ssyncset.done $0x0  }
0x53: {  	[sflag:s30] =	ssyncadd.s32 $0xFFFFFF80  }
0x54: {  	_ =	swait.ge [sflag:s30], $0x80  }
0x55: {  	[sflag:s30] =	ssyncset.done $0x0  }
0x56: {  	[sflag:s30] =	ssyncadd.s32 $0xFFFFFF80  }
0x57: {  	[tilespmem:s23], [sflag:$0x5] =	stream.indirect.gather [hbm4b:s4+s18], $0x80, s20, s18, $0xb8;
	[tilespmem:$0x1C400] =	vst v63  }
0x58: {  	_ =	swait.ge [sflag:s31], $0x4000  }
0x59: {  	[sflag:s31] =	ssyncset.done $0x0  }
0x5a: {  	[sflag:s31] =	ssyncadd.s32 $0xFFFFC000  }
0x5b: {  	[spmem:s1] =	stream.indirect.scatter.add.f32 [tilespmem:s28], [sflag:$0x7], $0x80, s19, s18, $0xb8;
	[tilespmem:$0x1C400] =	vst v63  }
0x5c: {  	_ =	swait.ge [sflag:s16], $0x4000  }
0x5d: {  	s10 =	simm.s32 @!p0 $0x80;
	s6 =	rddreg [dreg:$0x7];
	[sflag:s16] =	ssyncset.done $0x0  }
0x5e: {  	s8 =	rddreg [dreg:$0x6];
	[sflag:s16] =	ssyncadd.s32 $0xFFFFC000;
	s6 =	sadd.s32 @!p0 $0x0, s6  }
0x5f: {  	[tilespmem:s10], [sflag:$0x2] =	stream.linear.gather @!p0 [hbm4b:s6+s9], $0x80, $0x38;
	[tilespmem:$0x1C400] =	vst v63  }
0x60: {  	s6 =	sadd.s32 @!p0 $0x0, s8;
	s8 =	simm.s32 @!p0 $0x280  }
0x61: {  	[tilespmem:s8], [sflag:$0x2] =	stream.linear.gather @!p0 [hbm4b:s6+s9], $0x80, $0x38;
	[tilespmem:$0x1C400] =	vst v63  }
0x62: {  	_ =	swait.ge [sflag:s0], $0x80  }
0x63: {  	[sflag:s0] =	ssyncset.done $0x0  }
0x64: {  	[sflag:s0] =	ssyncadd.s32 $0xFFFFFF80  }
0x65: {  	_ =	swait.ge [sflag:s0], $0x80  }
0x66: {  	[sflag:s0] =	ssyncset.done $0x0  }
0x67: {  	[sflag:s0] =	ssyncadd.s32 $0xFFFFFF80  }
0x68: {  	[tilespmem:s28], [sflag:$0x6] =	stream.indirect.gather [hbm4b:s4+s18], $0x80, s24, s18, $0xb8;
	[tilespmem:$0x1C400] =	vst v63  }
0x69: {  	_ =	swait.ge [sflag:s29], $0x4000  }
0x6a: {  	[sflag:s29] =	ssyncset.done $0x0  }
0x6b: {  	[sflag:s29] =	ssyncadd.s32 $0xFFFFC000  }
0x6c: {  	[spmem:s1] =	stream.indirect.scatter.add.f32 [tilespmem:s23], [sflag:$0x7], $0x80, s21, s18, $0xb8;
	[tilespmem:$0x1C400] =	vst v63  }
0x6d: {  	_ =	swait.ge [sflag:s16], $0x4000  }
0x6e: {  	s11 =	simm.s32 @!p0 $0x100;
	s6 =	rddreg [dreg:$0x5];
	[sflag:s16] =	ssyncset.done $0x0  }
0x6f: {  	s8 =	rddreg [dreg:$0x4];
	[sflag:s16] =	ssyncadd.s32 $0xFFFFC000;
	s6 =	sadd.s32 @!p0 $0x0, s6  }
0x70: {  	[tilespmem:s11], [sflag:$0x3] =	stream.linear.gather @!p0 [hbm4b:s6+s9], $0x80, $0x38;
	[tilespmem:$0x1C400] =	vst v63  }
0x71: {  	s6 =	sadd.s32 @!p0 $0x0, s8;
	s8 =	simm.s32 @!p0 $0x300  }
0x72: {  	[tilespmem:s8], [sflag:$0x3] =	stream.linear.gather @!p0 [hbm4b:s6+s9], $0x80, $0x38;
	[tilespmem:$0x1C400] =	vst v63  }
0x73: {  	s6 =	simm.s32 @!p0 $0x1  }
0x74: {  	_ =	swait.ge @!p0 [sflag:s6], $0x80  }
0x75: {  	[sflag:s6] =	ssyncset.done @!p0 $0x0  }
0x76: {  	[sflag:s6] =	ssyncadd.s32 @!p0 $0xFFFFFF80  }
0x77: {  	_ =	swait.ge @!p0 [sflag:s6], $0x80  }
0x78: {  	[sflag:s6] =	ssyncset.done @!p0 $0x0  }
0x79: {  	[sflag:s6] =	ssyncadd.s32 @!p0 $0xFFFFFF80;
	s6 =	simm.s32 @!p0 $0x400  }
0x7a: {  	[tilespmem:s6], [sflag:$0x5] =	stream.indirect.gather @!p0 [hbm4b:s4+s10], $0x80, s9, s10, $0xb8;
	[tilespmem:$0x1C400] =	vst v63  }
0x7b: {  	_ =	swait.ge [sflag:s31], $0x4000  }
0x7c: {  	[sflag:s31] =	ssyncset.done $0x0  }
0x7d: {  	[sflag:s31] =	ssyncadd.s32 $0xFFFFC000  }
0x7e: {  	[spmem:s1] =	stream.indirect.scatter.add.f32 [tilespmem:s28], [sflag:$0x7], $0x80, s25, s18, $0xb8;
	[tilespmem:$0x1C400] =	vst v63  }
0x7f: {  	s8 =	simm.s32 $0x80;
	_ =	swait.ge [sflag:s16], $0x4000  }
0x80: {  	s6 =	simm.s32 $0x40;
	s10 =	rddreg [dreg:$0xb];
	[sflag:s16] =	ssyncset.done $0x0  }
.LBB2_2:
0x81: {  	[sflag:s16] =	ssyncadd.s32 $0xFFFFC000;
	s11 =	rddreg [dreg:$0xa];
	s10 =	sadd.s32 s6, s10  }
0x82: {  	[tilespmem:s24], [sflag:$0x4] =	stream.linear.gather [hbm4b:s10+s3], $0x80, $0x38;
	[tilespmem:$0x1C400] =	vst v63  }
0x83: {  	s14 =	sadd.s32 s6, s11  }
0x84: {  	[tilespmem:s25], [sflag:$0x4] =	stream.linear.gather [hbm4b:s14+s3], $0x80, $0x38;
	[tilespmem:$0x1C400] =	vst v63  }
0x85: {  	_ =	swait.ge [sflag:s26], $0x80  }
0x86: {  	[sflag:s26] =	ssyncset.done $0x0  }
0x87: {  	[sflag:s26] =	ssyncadd.s32 $0xFFFFFF80  }
0x88: {  	_ =	swait.ge [sflag:s26], $0x80  }
0x89: {  	[sflag:s26] =	ssyncset.done $0x0  }
0x8a: {  	[sflag:s26] =	ssyncadd.s32 $0xFFFFFF80  }
0x8b: {  	[tilespmem:s28], [sflag:$0x6] =	stream.indirect.gather [hbm4b:s4+s18], $0x80, s18, s18, $0xb8;
	[tilespmem:$0x1C400] =	vst v63  }
0x8c: {  	_ =	swait.ge [sflag:s29], $0x4000  }
0x8d: {  	[sflag:s29] =	ssyncset.done $0x0  }
0x8e: {  	[sflag:s29] =	ssyncadd.s32 $0xFFFFC000  }
0x8f: {  	[spmem:s1] =	stream.indirect.scatter.add.f32 [tilespmem:s23], [sflag:$0x7], $0x80, s17, s18, $0xb8;
	[tilespmem:$0x1C400] =	vst v63  }
0x90: {  	_ =	swait.ge [sflag:s16], $0x4000  }
0x91: {  	s10 =	rddreg [dreg:$0x9]  }
0x92: {  	p1 =	seq.s32 s6, $0x4C0;
	[sflag:s16] =	ssyncset.done $0x0;
	s11 =	rddreg [dreg:$0x8]  }
0x93: {  	[sflag:s16] =	ssyncadd.s32 $0xFFFFC000;
	s12 =	sadd.s32 @!p1 s6, s10;
	s10 =	simm.s32 @!p1 $0x0  }
0x94: {  	[tilespmem:s10], [sflag:$0x1] =	stream.linear.gather @!p1 [hbm4b:s12+s10], $0x80, $0x38;
	[tilespmem:$0x1C400] =	vst v63  }
0x95: {  	s11 =	sadd.s32 @!p1 s6, s11;
	s12 =	simm.s32 @!p1 $0x200  }
0x96: {  	[tilespmem:s12], [sflag:$0x1] =	stream.linear.gather @!p1 [hbm4b:s11+s10], $0x80, $0x38;
	[tilespmem:$0x1C400] =	vst v63  }
0x97: {  	_ =	swait.ge [sflag:s30], $0x80  }
0x98: {  	[sflag:s30] =	ssyncset.done $0x0  }
0x99: {  	[sflag:s30] =	ssyncadd.s32 $0xFFFFFF80  }
0x9a: {  	_ =	swait.ge [sflag:s30], $0x80  }
0x9b: {  	[sflag:s30] =	ssyncset.done $0x0  }
0x9c: {  	[sflag:s30] =	ssyncadd.s32 $0xFFFFFF80  }
0x9d: {  	[tilespmem:s23], [sflag:$0x5] =	stream.indirect.gather [hbm4b:s4+s18], $0x80, s20, s18, $0xb8;
	[tilespmem:$0x1C400] =	vst v63  }
0x9e: {  	_ =	swait.ge [sflag:s31], $0x4000  }
0x9f: {  	[sflag:s31] =	ssyncset.done $0x0  }
0xa0: {  	[sflag:s31] =	ssyncadd.s32 $0xFFFFC000  }
0xa1: {  	[spmem:s1] =	stream.indirect.scatter.add.f32 [tilespmem:s28], [sflag:$0x7], $0x80, s19, s18, $0xb8;
	[tilespmem:$0x1C400] =	vst v63  }
0xa2: {  	_ =	swait.ge [sflag:s16], $0x4000  }
0xa3: {  	s11 =	rddreg [dreg:$0x7]  }
0xa4: {  	[sflag:s16] =	ssyncset.done $0x0;
	s12 =	rddreg [dreg:$0x6]  }
0xa5: {  	[sflag:s16] =	ssyncadd.s32 $0xFFFFC000;
	s13 =	sadd.s32 @!p1 s6, s11;
	s11 =	simm.s32 @!p1 $0x80  }
0xa6: {  	[tilespmem:s11], [sflag:$0x2] =	stream.linear.gather @!p1 [hbm4b:s13+s10], $0x80, $0x38;
	[tilespmem:$0x1C400] =	vst v63  }
0xa7: {  	s12 =	sadd.s32 @!p1 s6, s12;
	s13 =	simm.s32 @!p1 $0x280  }
0xa8: {  	[tilespmem:s13], [sflag:$0x2] =	stream.linear.gather @!p1 [hbm4b:s12+s10], $0x80, $0x38;
	[tilespmem:$0x1C400] =	vst v63  }
0xa9: {  	_ =	swait.ge [sflag:s0], $0x80  }
0xaa: {  	[sflag:s0] =	ssyncset.done $0x0  }
0xab: {  	[sflag:s0] =	ssyncadd.s32 $0xFFFFFF80  }
0xac: {  	_ =	swait.ge [sflag:s0], $0x80  }
0xad: {  	[sflag:s0] =	ssyncset.done $0x0  }
0xae: {  	[sflag:s0] =	ssyncadd.s32 $0xFFFFFF80  }
0xaf: {  	[tilespmem:s28], [sflag:$0x6] =	stream.indirect.gather [hbm4b:s4+s18], $0x80, s24, s18, $0xb8;
	[tilespmem:$0x1C400] =	vst v63  }
0xb0: {  	_ =	swait.ge [sflag:s29], $0x4000  }
0xb1: {  	[sflag:s29] =	ssyncset.done $0x0  }
0xb2: {  	[sflag:s29] =	ssyncadd.s32 $0xFFFFC000  }
0xb3: {  	[spmem:s1] =	stream.indirect.scatter.add.f32 [tilespmem:s23], [sflag:$0x7], $0x80, s21, s18, $0xb8;
	[tilespmem:$0x1C400] =	vst v63  }
0xb4: {  	_ =	swait.ge [sflag:s16], $0x4000  }
0xb5: {  	s14 =	simm.s32 @!p1 $0x100;
	s12 =	rddreg [dreg:$0x5];
	[sflag:s16] =	ssyncset.done $0x0  }
0xb6: {  	s13 =	rddreg [dreg:$0x4];
	[sflag:s16] =	ssyncadd.s32 $0xFFFFC000;
	s12 =	sadd.s32 @!p1 s6, s12  }
0xb7: {  	[tilespmem:s14], [sflag:$0x3] =	stream.linear.gather @!p1 [hbm4b:s12+s10], $0x80, $0x38;
	[tilespmem:$0x1C400] =	vst v63  }
0xb8: {  	s6 =	sadd.s32 @!p1 s6, s13;
	s13 =	simm.s32 @!p1 $0x1;
	s12 =	simm.s32 @!p1 $0x300  }
0xb9: {  	[tilespmem:s12], [sflag:$0x3] =	stream.linear.gather @!p1 [hbm4b:s6+s10], $0x80, $0x38;
	[tilespmem:$0x1C400] =	vst v63  }
0xba: {  	_ =	swait.ge @!p1 [sflag:s13], $0x80  }
0xbb: {  	[sflag:s13] =	ssyncset.done @!p1 $0x0  }
0xbc: {  	[sflag:s13] =	ssyncadd.s32 @!p1 $0xFFFFFF80  }
0xbd: {  	_ =	swait.ge @!p1 [sflag:s13], $0x80  }
0xbe: {  	s9 =	smov.u32 s8;
	s8 =	sadd.s32 $0x40, s8;
	[sflag:s13] =	ssyncset.done @!p1 $0x0  }
0xbf: {  	s6 =	smov.u32 s9;
	s9 =	simm.s32 @!p1 $0x400;
	[sflag:s13] =	ssyncadd.s32 @!p1 $0xFFFFFF80  }
0xc0: {  	[tilespmem:s9], [sflag:$0x5] =	stream.indirect.gather @!p1 [hbm4b:s4+s11], $0x80, s10, s11, $0xb8;
	[tilespmem:$0x1C400] =	vst v63  }
0xc1: {  	p0 =	sne.s32 s8, $0x500;
	_ =	swait.ge [sflag:s31], $0x4000  }
.Ltmp0:
0xc2: {  	[sflag:s31] =	ssyncset.done $0x0;
	(pc) =	sbr.rel @p0 .LBB2_2-.Ltmp0, $4  }
0xc3: {  	[sflag:s31] =	ssyncadd.s32 $0xFFFFC000  }
0xc4: {  	[spmem:s1] =	stream.indirect.scatter.add.f32 [tilespmem:s28], [sflag:$0x7], $0x80, s25, s18, $0xb8;
	[tilespmem:$0x1C400] =	vst v63  }
0xc5: {  	_ =	swait.ge [sflag:s16], $0x4000  }
0xc6: {  	s10 =	rddreg [dreg:$0xb];
	[sflag:s16] =	ssyncset.done $0x0  }
0xc7: {  	s8 =	rddreg [dreg:$0xa];
	[sflag:s16] =	ssyncadd.s32 $0xFFFFC000;
	s9 =	sadd.s32 s6, s10  }
0xc8: {  	[tilespmem:s24], [sflag:$0x4] =	stream.linear.gather [hbm4b:s9+s3], $0x80, $0x38;
	[tilespmem:$0x1C400] =	vst v63  }
0xc9: {  	s8 =	sadd.s32 s6, s8  }
0xca: {  	[tilespmem:s25], [sflag:$0x4] =	stream.linear.gather [hbm4b:s8+s3], $0x80, $0x38;
	[tilespmem:$0x1C400] =	vst v63  }
0xcb: {  	_ =	swait.ge [sflag:s26], $0x80  }
0xcc: {  	[sflag:s26] =	ssyncset.done $0x0  }
0xcd: {  	[sflag:s26] =	ssyncadd.s32 $0xFFFFFF80  }
0xce: {  	_ =	swait.ge [sflag:s26], $0x80  }
0xcf: {  	[sflag:s26] =	ssyncset.done $0x0  }
0xd0: {  	[sflag:s26] =	ssyncadd.s32 $0xFFFFFF80  }
0xd1: {  	[tilespmem:s28], [sflag:$0x6] =	stream.indirect.gather [hbm4b:s4+s18], $0x80, s18, s18, $0xb8;
	[tilespmem:$0x1C400] =	vst v63  }
0xd2: {  	_ =	swait.ge [sflag:s29], $0x4000  }
0xd3: {  	[sflag:s29] =	ssyncset.done $0x0  }
0xd4: {  	[sflag:s29] =	ssyncadd.s32 $0xFFFFC000  }
0xd5: {  	[spmem:s1] =	stream.indirect.scatter.add.f32 [tilespmem:s23], [sflag:$0x7], $0x80, s17, s18, $0xb8;
	[tilespmem:$0x1C400] =	vst v63  }
0xd6: {  	p0 =	seq.s32 s6, $0x4C0;
	_ =	swait.ge [sflag:s16], $0x4000  }
0xd7: {  	s10 =	simm.s32 @!p0 $0x0;
	s8 =	rddreg [dreg:$0x9];
	[sflag:s16] =	ssyncset.done $0x0  }
0xd8: {  	s9 =	rddreg [dreg:$0x8];
	[sflag:s16] =	ssyncadd.s32 $0xFFFFC000;
	s8 =	sadd.s32 @!p0 s6, s8  }
0xd9: {  	[tilespmem:s10], [sflag:$0x1] =	stream.linear.gather @!p0 [hbm4b:s8+s10], $0x80, $0x38;
	[tilespmem:$0x1C400] =	vst v63  }
0xda: {  	s8 =	sadd.s32 @!p0 s6, s9;
	s9 =	simm.s32 @!p0 $0x200  }
0xdb: {  	[tilespmem:s9], [sflag:$0x1] =	stream.linear.gather @!p0 [hbm4b:s8+s10], $0x80, $0x38;
	[tilespmem:$0x1C400] =	vst v63  }
0xdc: {  	_ =	swait.ge [sflag:s30], $0x80  }
0xdd: {  	[sflag:s30] =	ssyncset.done $0x0  }
0xde: {  	[sflag:s30] =	ssyncadd.s32 $0xFFFFFF80  }
0xdf: {  	_ =	swait.ge [sflag:s30], $0x80  }
0xe0: {  	[sflag:s30] =	ssyncset.done $0x0  }
0xe1: {  	[sflag:s30] =	ssyncadd.s32 $0xFFFFFF80  }
0xe2: {  	[tilespmem:s23], [sflag:$0x5] =	stream.indirect.gather [hbm4b:s4+s18], $0x80, s20, s18, $0xb8;
	[tilespmem:$0x1C400] =	vst v63  }
0xe3: {  	_ =	swait.ge [sflag:s31], $0x4000  }
0xe4: {  	[sflag:s31] =	ssyncset.done $0x0  }
0xe5: {  	[sflag:s31] =	ssyncadd.s32 $0xFFFFC000  }
0xe6: {  	[spmem:s1] =	stream.indirect.scatter.add.f32 [tilespmem:s28], [sflag:$0x7], $0x80, s19, s18, $0xb8;
	[tilespmem:$0x1C400] =	vst v63  }
0xe7: {  	_ =	swait.ge [sflag:s16], $0x4000  }
0xe8: {  	s11 =	simm.s32 @!p0 $0x80;
	s8 =	rddreg [dreg:$0x7];
	[sflag:s16] =	ssyncset.done $0x0  }
0xe9: {  	s9 =	rddreg [dreg:$0x6];
	[sflag:s16] =	ssyncadd.s32 $0xFFFFC000;
	s8 =	sadd.s32 @!p0 s6, s8  }
0xea: {  	[tilespmem:s11], [sflag:$0x2] =	stream.linear.gather @!p0 [hbm4b:s8+s10], $0x80, $0x38;
	[tilespmem:$0x1C400] =	vst v63  }
0xeb: {  	s8 =	sadd.s32 @!p0 s6, s9;
	s9 =	simm.s32 @!p0 $0x280  }
0xec: {  	[tilespmem:s9], [sflag:$0x2] =	stream.linear.gather @!p0 [hbm4b:s8+s10], $0x80, $0x38;
	[tilespmem:$0x1C400] =	vst v63  }
0xed: {  	_ =	swait.ge [sflag:s0], $0x80  }
0xee: {  	[sflag:s0] =	ssyncset.done $0x0  }
0xef: {  	[sflag:s0] =	ssyncadd.s32 $0xFFFFFF80  }
0xf0: {  	_ =	swait.ge [sflag:s0], $0x80  }
0xf1: {  	[sflag:s0] =	ssyncset.done $0x0  }
0xf2: {  	[sflag:s0] =	ssyncadd.s32 $0xFFFFFF80  }
0xf3: {  	[tilespmem:s28], [sflag:$0x6] =	stream.indirect.gather [hbm4b:s4+s18], $0x80, s24, s18, $0xb8;
	[tilespmem:$0x1C400] =	vst v63  }
0xf4: {  	_ =	swait.ge [sflag:s29], $0x4000  }
0xf5: {  	[sflag:s29] =	ssyncset.done $0x0  }
0xf6: {  	[sflag:s29] =	ssyncadd.s32 $0xFFFFC000  }
0xf7: {  	[spmem:s1] =	stream.indirect.scatter.add.f32 [tilespmem:s23], [sflag:$0x7], $0x80, s21, s18, $0xb8;
	[tilespmem:$0x1C400] =	vst v63  }
0xf8: {  	_ =	swait.ge [sflag:s16], $0x4000  }
0xf9: {  	s12 =	simm.s32 @!p0 $0x100;
	s8 =	rddreg [dreg:$0x5];
	[sflag:s16] =	ssyncset.done $0x0  }
0xfa: {  	s9 =	rddreg [dreg:$0x4];
	[sflag:s16] =	ssyncadd.s32 $0xFFFFC000;
	s8 =	sadd.s32 @!p0 s6, s8  }
0xfb: {  	[tilespmem:s12], [sflag:$0x3] =	stream.linear.gather @!p0 [hbm4b:s8+s10], $0x80, $0x38;
	[tilespmem:$0x1C400] =	vst v63  }
0xfc: {  	s6 =	sadd.s32 @!p0 s6, s9;
	s8 =	simm.s32 @!p0 $0x300  }
0xfd: {  	[tilespmem:s8], [sflag:$0x3] =	stream.linear.gather @!p0 [hbm4b:s6+s10], $0x80, $0x38;
	[tilespmem:$0x1C400] =	vst v63  }
0xfe: {  	s6 =	simm.s32 @!p0 $0x1  }
0xff: {  	_ =	swait.ge @!p0 [sflag:s6], $0x80  }
0x100: {  	[sflag:s6] =	ssyncset.done @!p0 $0x0  }
0x101: {  	[sflag:s6] =	ssyncadd.s32 @!p0 $0xFFFFFF80  }
0x102: {  	_ =	swait.ge @!p0 [sflag:s6], $0x80  }
0x103: {  	[sflag:s6] =	ssyncset.done @!p0 $0x0  }
0x104: {  	[sflag:s6] =	ssyncadd.s32 @!p0 $0xFFFFFF80;
	s6 =	simm.s32 @!p0 $0x400  }
0x105: {  	[tilespmem:s6], [sflag:$0x5] =	stream.indirect.gather @!p0 [hbm4b:s4+s11], $0x80, s10, s11, $0xb8;
	[tilespmem:$0x1C400] =	vst v63  }
0x106: {  	_ =	swait.ge [sflag:s31], $0x4000  }
0x107: {  	[sflag:s31] =	ssyncset.done $0x0  }
0x108: {  	[sflag:s31] =	ssyncadd.s32 $0xFFFFC000  }
0x109: {  	[spmem:s1] =	stream.indirect.scatter.add.f32 [tilespmem:s28], [sflag:$0x7], $0x80, s25, s18, $0xb8;
	[tilespmem:$0x1C400] =	vst v63  }
0x10a: {  	_ =	swait.ge [sflag:s16], $0x4000  }
0x10b: {  	[sflag:s16] =	ssyncset.done $0x0  }
0x10c: {  	s2 =	sadd.s32 $0x1, s2;
	[sflag:s16] =	ssyncadd.s32 $0xFFFFC000  }
0x10d: {  	p0 =	sne.s32 s2, s15;
	[bflag:$0x0] =	sbarrier.arrive $0xFFFF  }
.Ltmp1:
0x10e: {  	s14 =	rddreg [dreg:$0x14];
	(pc) =	sbr.rel @p0 .LBB2_1-.Ltmp1, $4  }
0x10f: {  	[hbm:s14], [sflag:s7] =	dma.local [spmem:s5], $0x2800  }
0x110: {  	_ =	swait.ge [sflag:s16], $0x2800  }
0x111: {  	[sflag:s16] =	ssyncset.done $0x0  }
0x112: {  	[sflag:s16] =	ssyncadd.s32 $0xFFFFD800  }
0x113: {  	_ =	sfence.sel $0x180000  }
0x114: {  	[bflag:$0x0] =	sbarrier.arrive $0xFFFF  }
0x115: {  	_ =	strace $0x9000004A  }
0x116: {  	s0 =	stileid.u32;
	[bflag:$0x2] =	sbarrier.arrive $0xFFFF  }
0x117: {  	p0 =	sne.s32 s0, $0x0;
	s0 =	rddreg [dreg:$0x3]  }
0x118: {  	s0 =	sadd.s32 @!p0 $0x100000, s0  }
0x119: {  	[sflag:s0] =	ssyncadd.tile.s32 @!p0 $0x1;
	_ =	shalt  }
.Lfunc_end2:
_tile_overlayer_lowered:
.L_overlay_start_2:
0x11a: {  	(tag) =	ssettag $0x2  }
0x11b: {  	s0 =	rddreg [dreg:$0x0];
	s2 =	stileid.u32  }
0x11c: {  	s1 =	rddreg [dreg:$0x1];
	p0 =	sne.s32 s2, $0x0  }
0x11d: {  	s3 =	rddreg [dreg:$0x2];
	[bflag:$0x3] =	sbarrier.arrive $0xFFFF;
	s2 =	simm.s32 @!p0 $0x1C07  }
0x11e: {  	[timem:s3], [sflag:s2] =	dma.local @!p0 [hbm:s0], s1  }
0x11f: {  	s0 =	simm.s32 @!p0 $0x7  }
0x120: {  	_ =	swait.ge @!p0 [sflag:s0], s1  }
0x121: {  	s1 =	ssub.s32 @!p0 $0x0, s1;
	[sflag:s0] =	ssyncset.done @!p0 $0x0  }
0x122: {  	[sflag:s0] =	ssyncadd.s32 @!p0 s1  }
0x123: {  	[bflag:$0x3] =	sbarrier.arrive $0xFFFF  }
0x124: {  	_ =	shalt  }

// kernel: kernel.19.cloned.1.call-start
scs
__scs_entry_jumppad:
0x0: {  	(pc) =	sbr.rel $0x88, $3  }
0x1: {  	(tag) =	ssettag $0x0;
	lr =	simm.s32 $0x1  }
0x2: {  	[smem:$0x3F97] =	sst lr;
	_ =	strace $0xD0000000  }
0x3: {  	_ = 	snop  }
0x4: {  	_ = 	snop  }
0x5: {  	_ = 	snop  }
0x6: {  	_ = 	snop  }
0x7: {  	_ = 	snop  }
__scs_overlays_trampoline_lowered:
0x8: {  	[smem:$0x3FA6] =	sst s0  }
0x9: {  	[smem:$0x3FA7] =	sst s1  }
0xa: {  	[smem:$0x3FA8] =	sst s2  }
0xb: {  	[smem:$0x3FA9] =	sst s3  }
0xc: {  	[smem:$0x3FAA] =	sst s4  }
0xd: {  	[smem:$0x3FAB] =	sst s5  }
0xe: {  	[smem:$0x3FAC] =	sst s6  }
0xf: {  	[smem:$0x3FAD] =	sst s7  }
0x10: {  	[smem:$0x3FAE] =	sst s8  }
0x11: {  	[smem:$0x3FAF] =	sst s9;
	s0 =	simm.s32 @!p0 $0x0  }
0x12: {  	s1 =	sld [smem:$0x3F95];
	s0 =	simm.s32 @p0 $0x1  }
0x13: {  	[smem:$0x3FB0] =	sst s0;
	s0 =	simm.s32 @!p1 $0x0  }
0x14: {  	s2 =	sld [smem:$0x3F94];
	s0 =	simm.s32 @p1 $0x1  }
0x15: {  	[smem:$0x3FB1] =	sst s0;
	s0 =	simm.s32 @!p2 $0x0  }
0x16: {  	s3 =	sld [smem:$0x3FDB];
	s0 =	simm.s32 @p2 $0x1  }
0x17: {  	s4 =	simm.s32 $0x1BF5;
	[smem:$0x3FB3] =	sst s0  }
0x18: {  	s0 =	sld [smem:$0x3F96];
	_ =	swait.ge [sflag:s4], $0x0  }
0x19: {  	s7 =	sld [smem:$0x3F97]  }
0x1a: {  	s8 =	sadd.s32 $0xFFFFE003, lr  }
0x1b: {  	s9 =	sadd.s32 $0xFFFFFEF7, lr;
	s5 =	simm.s32 $0xFFFFFFFF;
	p2 =	slt.u32 s8, $0xFFFFF086  }
0x1c: {  	p1 =	slt.u32 s9, $0xF7A;
	s5 =	simm.s32 @!p2 $0x0  }
0x1d: {  	s5 =	simm.s32 @p1 $0x1;
	p0 =	seq.s32 s7, s2  }
0x1e: {  	s7 =	smul.u32 @!p0 $0xF7A, s2;
	p2 =	seq.s32 @!p0 s5, $0x0  }
0x1f: {  	s9 =	smul.u32 $0xF7A, s1;
	s8 =	simm.s32 @!p0 $0x1BF5;
	p2 =	por !p2, p0  }
0x20: {  	[sflag:s8] =	ssyncset.s32 @!p0 $0xFFFFF086;
	s6 =	sadd.s32 @!p0 s3, s7;
	s7 =	simm.s32 @!p0 $0x108  }
0x21: {  	s3 =	sadd.s32 s3, s9;
	s6 =	sadd.s32 @!p0 $0x88, s6;
	s7 =	simm.s32 @p2 $0x1082  }
0x22: {  	[simem:s7], [sflag:s8] =	dma.local @!p0 [hbm:s6], $0xF7A  }
0x23: {  	s9 =	sor.u32 $0xD0000000, s2;
	s6 =	simm.s32 $0x108;
	_ =	swait.ge @!p0 [sflag:s8], $0x0  }
0x24: {  	s3 =	sadd.s32 $0x88, s3;
	s6 =	simm.s32 @!p1 $0x1082;
	[sflag:s4] =	ssyncset.s32 $0xFFFFF086  }
0x25: {  	[simem:s6], [sflag:s4] =	dma.local [hbm:s3], $0xF7A  }
0x26: {  	[smem:$0x3F97] =	sst s1;
	(tag) =	ssettag s2;
	_ =	strace s9  }
0x27: {  	s1 =	sld [smem:$0x3FA7]  }
0x28: {  	s2 =	sld [smem:$0x3FA8]  }
0x29: {  	s4 =	sld [smem:$0x3FAA]  }
0x2a: {  	p0 =	seq.s32 s5, $0x0;
	s5 =	sld [smem:$0x3FAB]  }
0x2b: {  	s6 =	sld [smem:$0x3FAC]  }
0x2c: {  	s7 =	sld [smem:$0x3FAD]  }
0x2d: {  	s3 =	simm.s32 $0x108;
	s8 =	sld [smem:$0x3FAE]  }
0x2e: {  	s3 =	simm.s32 @!p0 $0x1082;
	s9 =	sld [smem:$0x3FAF]  }
0x2f: {  	lr =	sadd.s32 s0, s3;
	s0 =	sld [smem:$0x3FA6]  }
0x30: {  	s3 =	sld [smem:$0x3FA9]  }
0x31: {  	[smem:$0x3FB2] =	sst s10  }
0x32: {  	s10 =	sld [smem:$0x3FB0];
	_ =	sdelay $0x3  }
0x33: {  	p0 =	seq.s32 s10, $0x1;
	s10 =	sld [smem:$0x3FB2];
	_ =	sdelay $0x3  }
0x34: {  	[smem:$0x3FB2] =	sst s10  }
0x35: {  	s10 =	sld [smem:$0x3FB1];
	_ =	sdelay $0x3  }
0x36: {  	p1 =	seq.s32 s10, $0x1;
	s10 =	sld [smem:$0x3FB2];
	_ =	sdelay $0x3  }
0x37: {  	[smem:$0x3FB2] =	sst s10  }
0x38: {  	s10 =	sld [smem:$0x3FB3]  }
0x39: {  	_ = 	snop;
	(pc) =	sbr.ind lr, $3  }
0x3a: {  	_ = 	snop  }
0x3b: {  	_ = 	snop  }
0x3c: {  	p2 =	seq.s32 s10, $0x1;
	s10 =	sld [smem:$0x3FB2]  }
0x3d: {  	_ =	shalt  }
0x3e: {  	_ =	shalt  }
0x3f: {  	_ =	shalt  }
0x40: {  	_ =	shalt  }
0x41: {  	_ =	shalt  }
0x42: {  	_ =	shalt  }
0x43: {  	_ =	shalt  }
0x44: {  	_ =	shalt  }
0x45: {  	_ =	shalt  }
0x46: {  	_ =	shalt  }
0x47: {  	_ =	shalt  }
0x48: {  	_ =	shalt  }
0x49: {  	_ =	shalt  }
0x4a: {  	_ =	shalt  }
0x4b: {  	_ =	shalt  }
0x4c: {  	_ =	shalt  }
0x4d: {  	_ =	shalt  }
0x4e: {  	_ =	shalt  }
0x4f: {  	_ =	shalt  }
0x50: {  	_ =	shalt  }
0x51: {  	_ =	shalt  }
0x52: {  	_ =	shalt  }
0x53: {  	_ =	shalt  }
0x54: {  	_ =	shalt  }
0x55: {  	_ =	shalt  }
0x56: {  	_ =	shalt  }
0x57: {  	_ =	shalt  }
0x58: {  	_ =	shalt  }
0x59: {  	_ =	shalt  }
0x5a: {  	_ =	shalt  }
0x5b: {  	_ =	shalt  }
0x5c: {  	_ =	shalt  }
0x5d: {  	_ =	shalt  }
0x5e: {  	_ =	shalt  }
0x5f: {  	_ =	shalt  }
0x60: {  	_ =	shalt  }
0x61: {  	_ =	shalt  }
0x62: {  	_ =	shalt  }
0x63: {  	_ =	shalt  }
0x64: {  	_ =	shalt  }
0x65: {  	_ =	shalt  }
0x66: {  	_ =	shalt  }
0x67: {  	_ =	shalt  }
0x68: {  	_ =	shalt  }
0x69: {  	_ =	shalt  }
0x6a: {  	_ =	shalt  }
0x6b: {  	_ =	shalt  }
0x6c: {  	_ =	shalt  }
0x6d: {  	_ =	shalt  }
0x6e: {  	_ =	shalt  }
0x6f: {  	_ =	shalt  }
0x70: {  	_ =	shalt  }
0x71: {  	_ =	shalt  }
0x72: {  	_ =	shalt  }
0x73: {  	_ =	shalt  }
0x74: {  	_ =	shalt  }
0x75: {  	_ =	shalt  }
0x76: {  	_ =	shalt  }
0x77: {  	_ =	shalt  }
0x78: {  	_ =	shalt  }
0x79: {  	_ =	shalt  }
0x7a: {  	_ =	shalt  }
0x7b: {  	_ =	shalt  }
0x7c: {  	_ =	shalt  }
0x7d: {  	_ =	shalt  }
0x7e: {  	_ =	shalt  }
0x7f: {  	_ =	shalt  }
0x80: {  	_ =	shalt  }
0x81: {  	_ =	shalt  }
0x82: {  	_ =	shalt  }
0x83: {  	_ =	shalt  }
0x84: {  	_ =	shalt  }
0x85: {  	_ =	shalt  }
0x86: {  	_ =	shalt  }
0x87: {  	_ =	shalt  }
.Lfunc_end0:
.L_simem_size_0:
called_computation.2_lowered:
.L_overlay_start_0:
0x88: {  	s2 =	sld [smem:$0x3FD9]  }
0x89: {  	s3 =	sld [smem:$0x3FFE];
	_ =	sdelay $0x1  }
0x8a: {  	s1 =	srdreg.scid  }
0x8b: {  	s0 =	sand.u32 $0x1, s1  }
0x8c: {  	s17 =	sshll.u32 s0, $0xA;
	s2 =	sadd.s32 s3, s2  }
0x8d: {  	s2 =	sadd.s32 s2, s17  }
0x8e: {  	[smem:$0x3FBE] =	sst s2  }
0x8f: {  	_ = 	snop  }
0x90: {  	s2 =	sld [smem:$0x3FD0];
	(tm) =	ssettm $0x1  }
0x91: {  	s18 =	sld [smem:$0x3FFB];
	_ =	sdelay $0x3  }
0x92: {  	_ =	strace s18  }
0x93: {  	s3 =	sld [smem:$0x3FFC];
	_ =	sdelay $0x3  }
0x94: {  	_ =	strace s3  }
0x95: {  	s3 =	sld [smem:$0x3FFD];
	_ =	sdelay $0x3  }
0x96: {  	_ =	strace s3  }
0x97: {  	_ =	strace $0x8FFFFFFF  }
0x98: {  	s19 =	sld [smem:$0x3FDB];
	_ =	sdelay $0x1  }
0x99: {  	s4 =	simm.s32 $_scs_section_size  }
0x9a: {  	s5 =	simm.s32 $_size__tile_overlayer_lowered;
	s6 =	simm.s32 $_tile_overlayer_lowered  }
0x9b: {  	s22 =	simm.s32 $0x1BFF;
	s21 =	sshll.u32 s6, $0x1;
	s3 =	sadd.s32 s4, s19  }
0x9c: {  	s7 =	simm.s32 $0x0;
	s20 =	sshll.u32 s5, $0x1;
	s5 =	sadd.s32 s21, s3  }
0x9d: {  	[timem:s7], [sflag:s22] =	dma.local [hbm:s5], s20  }
0x9e: {  	_ =	swait.ge [sflag:s22], s20  }
0x9f: {  	s4 =	ssub.s32 $0x0, s20;
	[sflag:s22] =	ssyncset.done $0x0  }
0xa0: {  	[sflag:s22] =	ssyncadd.s32 s4;
	_ =	sdelay $0x1  }
0xa1: {  	s23 =	simm.s32 $0x1B8B  }
0xa2: {  	_ =	swait.ge [sflag:s23], $0x1  }
0xa3: {  	[sflag:s23] =	ssyncset.done $0x0  }
0xa4: {  	s25 =	simm.s32 $0x1B8E;
	s24 =	sld [smem:$0x3FFE];
	[sflag:s23] =	ssyncadd.s32 $0xFFFFFFFF  }
0xa5: {  	s26 =	simm.s32 $execute0_lowered;
	[smem:$0x3FD2] =	sst s25  }
0xa6: {  	s5 =	sshll.u32 s26, $0x1;
	_ =	strace $0x8000004C;
	[dreg:$0x1] =	wrdreg $0xFFFFFFFF  }
0xa7: {  	s28 =	simm.s32 $_size_execute0_lowered;
	s3 =	sadd.s32 s3, s5;
	[dreg:$0x0] =	wrdreg $0x0  }
0xa8: {  	s5 =	sshll.u32 s28, $0x1;
	[dreg:$0x2] =	wrdreg s3  }
0xa9: {  	[dreg:$0x3] =	wrdreg s5  }
0xaa: {  	[dreg:$0x4] =	wrdreg $0xC0  }
0xab: {  	_ =	task [dreg:s7], $0x5FFFF  }
0xac: {  	[dreg:$0x1] =	wrdreg $0xFFFFFFFF  }
0xad: {  	[dreg:$0x0] =	wrdreg $0x60  }
0xae: {  	[dreg:$0x2] =	wrdreg s24  }
0xaf: {  	[dreg:$0x3] =	wrdreg s2  }
0xb0: {  	[dreg:$0x4] =	wrdreg $0x84000  }
0xb1: {  	[dreg:$0x5] =	wrdreg $0x9  }
0xb2: {  	_ =	task.clear_ibuf [dreg:s7], $0x6FFFF;
	_ =	strace $0x9000004C  }
0xb3: {  	s29 =	simm.s32 $0x9;
	_ =	strace $0x8000004E  }
0xb4: {  	_ =	swait.ge [sflag:s29], $0x1  }
0xb5: {  	[sflag:s29] =	ssyncadd.s32 $0xFFFFFFFF  }
0xb6: {  	_ =	strace $0x9000004E  }
0xb7: {  	_ =	sfence  }
0xb8: {  	s30 =	sld [smem:$0x0];
	_ =	sdelay $0x2  }
0xb9: {  	s31 =	sshll.u32 s1, $0xD;
	s1 =	sshrl.u32 s1, $0x2  }
0xba: {  	s3 =	sand.u32 $0x4000, s31;
	s1 =	sadd.s32 s1, s30  }
0xbb: {  	s0 =	sor.u32 s3, s0;
	s1 =	sshll.u32 s1, $0x11  }
0xbc: {  	s0 =	sor.u32 s1, s0  }
0xbd: {  	s0 =	sadd.s32 $0x8F2B, s0  }
0xbe: {  	[sflag:s0] =	ssyncadd.remote.s32 $0x1  }
0xbf: {  	_ =	sfence.sel $0xFFFF  }
0xc0: {  	[dreg:$0x0] =	wrdreg $0xFFFFFFFF;
	(pc) =	sbr.abs _section_cstart, $3  }
0xc1: {  	[dreg:$0x1] =	wrdreg $0xFFFFFFFF  }
0xc2: {  	_ =	task.clear_ibuf [dreg:s7], $0x2FFFF;
	_ =	strace $0x9FFFFFFF  }
0xc3: {  	(tm) =	ssettm $0x7FFFFFFF  }
tec
execute0_lowered:
.L_overlay_start_1:
0x0: {  	(tag) =	ssettag $0x1  }
0x1: {  	s0 =	rddreg [dreg:$0x0]  }
0x2: {  	s2 =	rddreg [dreg:$0x1]  }
0x3: {  	s1 =	rddreg [dreg:$0x2]  }
0x4: {  	s3 =	srdreg.scid;
	s12 =	stileid.u32  }
0x5: {  	s28 =	simm.s32 $0x4400;
	s29 =	simm.s32 $0x5;
	s30 =	simm.s32 $0x3  }
0x6: {  	s31 =	simm.s32 $0x6;
	s5 =	sand.u32 $0x1, s3;
	s3 =	simm.s32 $0x0  }
0x7: {  	s7 =	smul.u32 $0x14000, s12;
	s4 =	sadd.s32 $0x4C00, s0;
	s8 =	sadd.s32 $0x57C00, s0  }
0x8: {  	s17 =	sadd.s32 $0x54C00, s0;
	s10 =	smul.u32 $0x50000, s12;
	s21 =	sshll.u32 s12, $0x6  }
0x9: {  	s6 =	smul.u32 $0x140000, s5;
	[smem:$0x7FF] =	sst s3;
	s18 =	sshll.u32 s5, $0x4  }
0xa: {  	s9 =	ssub.s32 $0x2, s5;
	s5 =	smul.u32 $0x28000, s5;
	_ =	strace $0x8000004D  }
0xb: {  	[dreg:$0xc] =	wrdreg s17;
	s19 =	sshrl.u32 s9, $0x1;
	s20 =	sshrl.u32 s10, $0x2  }
0xc: {  	s6 =	sadd.s32 s7, s6;
	s7 =	sor.u32 s12, s18;
	s12 =	smul.u32 $0x2800, s12  }
0xd: {  	s22 =	sadd.s32 s20, s1;
	s6 =	sshrl.u32 s6, $0x3;
	s7 =	smul.u32 $0x2800, s7  }
0xe: {  	[dreg:$0xd] =	wrdreg s22;
	s0 =	sadd.s32 s6, s0;
	s6 =	ssub.s32 s9, s19  }
0xf: {  	s5 =	sadd.s32 s12, s5;
	s11 =	sshrl.u32 s7, $0x3;
	s7 =	sor.u32 $0x1C07, s21  }
0x10: {  	s13 =	sor.u32 $0x300, s5;
	s17 =	sor.u32 $0x280, s5;
	s20 =	sor.u32 $0x200, s5  }
0x11: {  	s5 =	sor.u32 $0x180, s5;
	s0 =	sadd.s32 $0x61C00, s0;
	s23 =	sadd.s32 s8, s11  }
0x12: {  	s24 =	sadd.s32 s2, s11;
	s25 =	sor.u32 $0x10, s11;
	[dreg:$0x14] =	wrdreg s0  }
0x13: {  	s12 =	sor.u32 $0x20, s11;
	s15 =	sshrl.u32 s13, $0x3;
	[dreg:$0xe] =	wrdreg s23  }
0x14: {  	s18 =	sshrl.u32 s17, $0x3;
	[dreg:$0xf] =	wrdreg s24;
	s26 =	sadd.s32 s8, s25  }
0x15: {  	s22 =	sshrl.u32 s20, $0x3;
	s9 =	sadd.s32 s2, s25;
	[dreg:$0x10] =	wrdreg s26  }
0x16: {  	s5 =	sshrl.u32 s5, $0x3;
	s14 =	sadd.s32 s8, s12;
	[dreg:$0x11] =	wrdreg s9  }
0x17: {  	s17 =	simm.s32 $0x200;
	s10 =	sadd.s32 s2, s12;
	[dreg:$0x12] =	wrdreg s14  }
0x18: {  	s20 =	simm.s32 $0x100;
	s16 =	sadd.s32 s15, s2;
	[dreg:$0x13] =	wrdreg s10  }
0x19: {  	s0 =	simm.s32 $0x4;
	s19 =	sadd.s32 s18, s2;
	[dreg:$0x4] =	wrdreg s16  }
0x1a: {  	s21 =	sadd.s32 s18, s8;
	s23 =	sadd.s32 s22, s2;
	[dreg:$0x6] =	wrdreg s19  }
0x1b: {  	s24 =	sadd.s32 s22, s8;
	s25 =	sadd.s32 s5, s2;
	[dreg:$0x7] =	wrdreg s21  }
0x1c: {  	s18 =	simm.s32 $0x80;
	s22 =	simm.s32 $0x1;
	[dreg:$0x8] =	wrdreg s23  }
0x1d: {  	s2 =	simm.s32 $0x0;
	s9 =	sadd.s32 s15, s8;
	[dreg:$0x9] =	wrdreg s24  }
0x1e: {  	s15 =	smax.u32 s6, $0x1;
	[dreg:$0xa] =	wrdreg s25;
	s26 =	sadd.s32 s5, s8  }
0x1f: {  	s16 =	simm.s32 $0x7;
	s19 =	simm.s32 $0x280;
	s21 =	simm.s32 $0x300  }
0x20: {  	s23 =	simm.s32 $0x400;
	s24 =	simm.s32 $0x180;
	[dreg:$0x5] =	wrdreg s9  }
0x21: {  	s25 =	simm.s32 $0x380;
	[dreg:$0xb] =	wrdreg s26;
	s26 =	simm.s32 $0x2  }
.LBB2_1:
0x22: {  	s5 =	rddreg [dreg:$0xd]  }
0x23: {  	s6 =	rddreg [dreg:$0xc];
	s5 =	sshrl.u32 s5, $0x3  }
0x24: {  	[spmem:s5], [sflag:s7] =	dma.local [hbm:s6], $0x2800  }
0x25: {  	_ =	swait.ge [sflag:s16], $0x2800  }
0x26: {  	[sflag:s16] =	ssyncset.done $0x0  }
0x27: {  	[sflag:s16] =	ssyncadd.s32 $0xFFFFD800  }
0x28: {  	[bflag:$0x0] =	sbarrier.arrive $0xFFFF  }
0x29: {  	s14 =	rddreg [dreg:$0xe]  }
0x2a: {  	[tilespmem:s3], [sflag:$0x1] =	stream.linear.gather [hbm4b:s14+s3], $0x80, $0x38;
	[tilespmem:$0x1C400] =	vst v63  }
0x2b: {  	s8 =	rddreg [dreg:$0xf]  }
0x2c: {  	[tilespmem:s17], [sflag:$0x1] =	stream.linear.gather [hbm4b:s8+s3], $0x80, $0x38;
	[tilespmem:$0x1C400] =	vst v63  }
0x2d: {  	s9 =	rddreg [dreg:$0x10]  }
0x2e: {  	[tilespmem:s18], [sflag:$0x2] =	stream.linear.gather [hbm4b:s9+s3], $0x80, $0x38;
	[tilespmem:$0x1C400] =	vst v63  }
0x2f: {  	s10 =	rddreg [dreg:$0x11]  }
0x30: {  	[tilespmem:s19], [sflag:$0x2] =	stream.linear.gather [hbm4b:s10+s3], $0x80, $0x38;
	[tilespmem:$0x1C400] =	vst v63  }
0x31: {  	s11 =	rddreg [dreg:$0x12]  }
0x32: {  	[tilespmem:s20], [sflag:$0x3] =	stream.linear.gather [hbm4b:s11+s3], $0x80, $0x38;
	[tilespmem:$0x1C400] =	vst v63  }
0x33: {  	s12 =	rddreg [dreg:$0x13]  }
0x34: {  	[tilespmem:s21], [sflag:$0x3] =	stream.linear.gather [hbm4b:s12+s3], $0x80, $0x38;
	[tilespmem:$0x1C400] =	vst v63  }
0x35: {  	_ =	swait.ge [sflag:s22], $0x80  }
0x36: {  	[sflag:s22] =	ssyncset.done $0x0  }
0x37: {  	[sflag:s22] =	ssyncadd.s32 $0xFFFFFF80  }
0x38: {  	_ =	swait.ge [sflag:s22], $0x80  }
0x39: {  	[sflag:s22] =	ssyncset.done $0x0  }
0x3a: {  	s13 =	rddreg [dreg:$0xb];
	[sflag:s22] =	ssyncadd.s32 $0xFFFFFF80  }
0x3b: {  	[tilespmem:s23], [sflag:$0x5] =	stream.indirect.gather [hbm4b:s4+s18], $0x80, s3, s18, $0xb8;
	[tilespmem:$0x1C400] =	vst v63  }
0x3c: {  	s8 =	rddreg [dreg:$0xa];
	s6 =	sadd.s32 $0x0, s13  }
0x3d: {  	[tilespmem:s24], [sflag:$0x4] =	stream.linear.gather [hbm4b:s6+s3], $0x80, $0x38;
	[tilespmem:$0x1C400] =	vst v63  }
0x3e: {  	s14 =	sadd.s32 $0x0, s8  }
0x3f: {  	[tilespmem:s25], [sflag:$0x4] =	stream.linear.gather [hbm4b:s14+s3], $0x80, $0x38;
	[tilespmem:$0x1C400] =	vst v63  }
0x40: {  	_ =	swait.ge [sflag:s26], $0x80  }
0x41: {  	[sflag:s26] =	ssyncset.done $0x0  }
0x42: {  	[sflag:s26] =	ssyncadd.s32 $0xFFFFFF80  }
0x43: {  	_ =	swait.ge [sflag:s26], $0x80  }
0x44: {  	[sflag:s26] =	ssyncset.done $0x0  }
0x45: {  	[sflag:s26] =	ssyncadd.s32 $0xFFFFFF80  }
0x46: {  	[tilespmem:s28], [sflag:$0x6] =	stream.indirect.gather [hbm4b:s4+s18], $0x80, s18, s18, $0xb8;
	[tilespmem:$0x1C400] =	vst v63  }
0x47: {  	_ =	swait.ge [sflag:s29], $0x4000  }
0x48: {  	[sflag:s29] =	ssyncset.done $0x0  }
0x49: {  	[sflag:s29] =	ssyncadd.s32 $0xFFFFC000  }
0x4a: {  	[spmem:s1] =	stream.indirect.scatter.add.f32 [tilespmem:s23], [sflag:$0x7], $0x80, s17, s18, $0xb8;
	[tilespmem:$0x1C400] =	vst v63  }
0x4b: {  	p0 =	por $0x0, $0x0;
	_ =	swait.ge [sflag:s16], $0x4000  }
0x4c: {  	s9 =	simm.s32 @!p0 $0x0;
	s6 =	rddreg [dreg:$0x9];
	[sflag:s16] =	ssyncset.done $0x0  }
0x4d: {  	s8 =	rddreg [dreg:$0x8];
	[sflag:s16] =	ssyncadd.s32 $0xFFFFC000;
	s6 =	sadd.s32 @!p0 $0x0, s6  }
0x4e: {  	[tilespmem:s9], [sflag:$0x1] =	stream.linear.gather @!p0 [hbm4b:s6+s9], $0x80, $0x38;
	[tilespmem:$0x1C400] =	vst v63  }
0x4f: {  	s6 =	sadd.s32 @!p0 $0x0, s8;
	s8 =	simm.s32 @!p0 $0x200  }
0x50: {  	[tilespmem:s8], [sflag:$0x1] =	stream.linear.gather @!p0 [hbm4b:s6+s9], $0x80, $0x38;
	[tilespmem:$0x1C400] =	vst v63  }
0x51: {  	_ =	swait.ge [sflag:s30], $0x80  }
0x52: {  	[sflag:s30] =	ssyncset.done $0x0  }
0x53: {  	[sflag:s30] =	ssyncadd.s32 $0xFFFFFF80  }
0x54: {  	_ =	swait.ge [sflag:s30], $0x80  }
0x55: {  	[sflag:s30] =	ssyncset.done $0x0  }
0x56: {  	[sflag:s30] =	ssyncadd.s32 $0xFFFFFF80  }
0x57: {  	[tilespmem:s23], [sflag:$0x5] =	stream.indirect.gather [hbm4b:s4+s18], $0x80, s20, s18, $0xb8;
	[tilespmem:$0x1C400] =	vst v63  }
0x58: {  	_ =	swait.ge [sflag:s31], $0x4000  }
0x59: {  	[sflag:s31] =	ssyncset.done $0x0  }
0x5a: {  	[sflag:s31] =	ssyncadd.s32 $0xFFFFC000  }
0x5b: {  	[spmem:s1] =	stream.indirect.scatter.add.f32 [tilespmem:s28], [sflag:$0x7], $0x80, s19, s18, $0xb8;
	[tilespmem:$0x1C400] =	vst v63  }
0x5c: {  	_ =	swait.ge [sflag:s16], $0x4000  }
0x5d: {  	s10 =	simm.s32 @!p0 $0x80;
	s6 =	rddreg [dreg:$0x7];
	[sflag:s16] =	ssyncset.done $0x0  }
0x5e: {  	s8 =	rddreg [dreg:$0x6];
	[sflag:s16] =	ssyncadd.s32 $0xFFFFC000;
	s6 =	sadd.s32 @!p0 $0x0, s6  }
0x5f: {  	[tilespmem:s10], [sflag:$0x2] =	stream.linear.gather @!p0 [hbm4b:s6+s9], $0x80, $0x38;
	[tilespmem:$0x1C400] =	vst v63  }
0x60: {  	s6 =	sadd.s32 @!p0 $0x0, s8;
	s8 =	simm.s32 @!p0 $0x280  }
0x61: {  	[tilespmem:s8], [sflag:$0x2] =	stream.linear.gather @!p0 [hbm4b:s6+s9], $0x80, $0x38;
	[tilespmem:$0x1C400] =	vst v63  }
0x62: {  	_ =	swait.ge [sflag:s0], $0x80  }
0x63: {  	[sflag:s0] =	ssyncset.done $0x0  }
0x64: {  	[sflag:s0] =	ssyncadd.s32 $0xFFFFFF80  }
0x65: {  	_ =	swait.ge [sflag:s0], $0x80  }
0x66: {  	[sflag:s0] =	ssyncset.done $0x0  }
0x67: {  	[sflag:s0] =	ssyncadd.s32 $0xFFFFFF80  }
0x68: {  	[tilespmem:s28], [sflag:$0x6] =	stream.indirect.gather [hbm4b:s4+s18], $0x80, s24, s18, $0xb8;
	[tilespmem:$0x1C400] =	vst v63  }
0x69: {  	_ =	swait.ge [sflag:s29], $0x4000  }
0x6a: {  	[sflag:s29] =	ssyncset.done $0x0  }
0x6b: {  	[sflag:s29] =	ssyncadd.s32 $0xFFFFC000  }
0x6c: {  	[spmem:s1] =	stream.indirect.scatter.add.f32 [tilespmem:s23], [sflag:$0x7], $0x80, s21, s18, $0xb8;
	[tilespmem:$0x1C400] =	vst v63  }
0x6d: {  	_ =	swait.ge [sflag:s16], $0x4000  }
0x6e: {  	s11 =	simm.s32 @!p0 $0x100;
	s6 =	rddreg [dreg:$0x5];
	[sflag:s16] =	ssyncset.done $0x0  }
0x6f: {  	s8 =	rddreg [dreg:$0x4];
	[sflag:s16] =	ssyncadd.s32 $0xFFFFC000;
	s6 =	sadd.s32 @!p0 $0x0, s6  }
0x70: {  	[tilespmem:s11], [sflag:$0x3] =	stream.linear.gather @!p0 [hbm4b:s6+s9], $0x80, $0x38;
	[tilespmem:$0x1C400] =	vst v63  }
0x71: {  	s6 =	sadd.s32 @!p0 $0x0, s8;
	s8 =	simm.s32 @!p0 $0x300  }
0x72: {  	[tilespmem:s8], [sflag:$0x3] =	stream.linear.gather @!p0 [hbm4b:s6+s9], $0x80, $0x38;
	[tilespmem:$0x1C400] =	vst v63  }
0x73: {  	s6 =	simm.s32 @!p0 $0x1  }
0x74: {  	_ =	swait.ge @!p0 [sflag:s6], $0x80  }
0x75: {  	[sflag:s6] =	ssyncset.done @!p0 $0x0  }
0x76: {  	[sflag:s6] =	ssyncadd.s32 @!p0 $0xFFFFFF80  }
0x77: {  	_ =	swait.ge @!p0 [sflag:s6], $0x80  }
0x78: {  	[sflag:s6] =	ssyncset.done @!p0 $0x0  }
0x79: {  	[sflag:s6] =	ssyncadd.s32 @!p0 $0xFFFFFF80;
	s6 =	simm.s32 @!p0 $0x400  }
0x7a: {  	[tilespmem:s6], [sflag:$0x5] =	stream.indirect.gather @!p0 [hbm4b:s4+s10], $0x80, s9, s10, $0xb8;
	[tilespmem:$0x1C400] =	vst v63  }
0x7b: {  	_ =	swait.ge [sflag:s31], $0x4000  }
0x7c: {  	[sflag:s31] =	ssyncset.done $0x0  }
0x7d: {  	[sflag:s31] =	ssyncadd.s32 $0xFFFFC000  }
0x7e: {  	[spmem:s1] =	stream.indirect.scatter.add.f32 [tilespmem:s28], [sflag:$0x7], $0x80, s25, s18, $0xb8;
	[tilespmem:$0x1C400] =	vst v63  }
0x7f: {  	s8 =	simm.s32 $0x80;
	_ =	swait.ge [sflag:s16], $0x4000  }
0x80: {  	s6 =	simm.s32 $0x40;
	s10 =	rddreg [dreg:$0xb];
	[sflag:s16] =	ssyncset.done $0x0  }
.LBB2_2:
0x81: {  	[sflag:s16] =	ssyncadd.s32 $0xFFFFC000;
	s11 =	rddreg [dreg:$0xa];
	s10 =	sadd.s32 s6, s10  }
0x82: {  	[tilespmem:s24], [sflag:$0x4] =	stream.linear.gather [hbm4b:s10+s3], $0x80, $0x38;
	[tilespmem:$0x1C400] =	vst v63  }
0x83: {  	s14 =	sadd.s32 s6, s11  }
0x84: {  	[tilespmem:s25], [sflag:$0x4] =	stream.linear.gather [hbm4b:s14+s3], $0x80, $0x38;
	[tilespmem:$0x1C400] =	vst v63  }
0x85: {  	_ =	swait.ge [sflag:s26], $0x80  }
0x86: {  	[sflag:s26] =	ssyncset.done $0x0  }
0x87: {  	[sflag:s26] =	ssyncadd.s32 $0xFFFFFF80  }
0x88: {  	_ =	swait.ge [sflag:s26], $0x80  }
0x89: {  	[sflag:s26] =	ssyncset.done $0x0  }
0x8a: {  	[sflag:s26] =	ssyncadd.s32 $0xFFFFFF80  }
0x8b: {  	[tilespmem:s28], [sflag:$0x6] =	stream.indirect.gather [hbm4b:s4+s18], $0x80, s18, s18, $0xb8;
	[tilespmem:$0x1C400] =	vst v63  }
0x8c: {  	_ =	swait.ge [sflag:s29], $0x4000  }
0x8d: {  	[sflag:s29] =	ssyncset.done $0x0  }
0x8e: {  	[sflag:s29] =	ssyncadd.s32 $0xFFFFC000  }
0x8f: {  	[spmem:s1] =	stream.indirect.scatter.add.f32 [tilespmem:s23], [sflag:$0x7], $0x80, s17, s18, $0xb8;
	[tilespmem:$0x1C400] =	vst v63  }
0x90: {  	_ =	swait.ge [sflag:s16], $0x4000  }
0x91: {  	s10 =	rddreg [dreg:$0x9]  }
0x92: {  	p1 =	seq.s32 s6, $0x4C0;
	[sflag:s16] =	ssyncset.done $0x0;
	s11 =	rddreg [dreg:$0x8]  }
0x93: {  	[sflag:s16] =	ssyncadd.s32 $0xFFFFC000;
	s12 =	sadd.s32 @!p1 s6, s10;
	s10 =	simm.s32 @!p1 $0x0  }
0x94: {  	[tilespmem:s10], [sflag:$0x1] =	stream.linear.gather @!p1 [hbm4b:s12+s10], $0x80, $0x38;
	[tilespmem:$0x1C400] =	vst v63  }
0x95: {  	s11 =	sadd.s32 @!p1 s6, s11;
	s12 =	simm.s32 @!p1 $0x200  }
0x96: {  	[tilespmem:s12], [sflag:$0x1] =	stream.linear.gather @!p1 [hbm4b:s11+s10], $0x80, $0x38;
	[tilespmem:$0x1C400] =	vst v63  }
0x97: {  	_ =	swait.ge [sflag:s30], $0x80  }
0x98: {  	[sflag:s30] =	ssyncset.done $0x0  }
0x99: {  	[sflag:s30] =	ssyncadd.s32 $0xFFFFFF80  }
0x9a: {  	_ =	swait.ge [sflag:s30], $0x80  }
0x9b: {  	[sflag:s30] =	ssyncset.done $0x0  }
0x9c: {  	[sflag:s30] =	ssyncadd.s32 $0xFFFFFF80  }
0x9d: {  	[tilespmem:s23], [sflag:$0x5] =	stream.indirect.gather [hbm4b:s4+s18], $0x80, s20, s18, $0xb8;
	[tilespmem:$0x1C400] =	vst v63  }
0x9e: {  	_ =	swait.ge [sflag:s31], $0x4000  }
0x9f: {  	[sflag:s31] =	ssyncset.done $0x0  }
0xa0: {  	[sflag:s31] =	ssyncadd.s32 $0xFFFFC000  }
0xa1: {  	[spmem:s1] =	stream.indirect.scatter.add.f32 [tilespmem:s28], [sflag:$0x7], $0x80, s19, s18, $0xb8;
	[tilespmem:$0x1C400] =	vst v63  }
0xa2: {  	_ =	swait.ge [sflag:s16], $0x4000  }
0xa3: {  	s11 =	rddreg [dreg:$0x7]  }
0xa4: {  	[sflag:s16] =	ssyncset.done $0x0;
	s12 =	rddreg [dreg:$0x6]  }
0xa5: {  	[sflag:s16] =	ssyncadd.s32 $0xFFFFC000;
	s13 =	sadd.s32 @!p1 s6, s11;
	s11 =	simm.s32 @!p1 $0x80  }
0xa6: {  	[tilespmem:s11], [sflag:$0x2] =	stream.linear.gather @!p1 [hbm4b:s13+s10], $0x80, $0x38;
	[tilespmem:$0x1C400] =	vst v63  }
0xa7: {  	s12 =	sadd.s32 @!p1 s6, s12;
	s13 =	simm.s32 @!p1 $0x280  }
0xa8: {  	[tilespmem:s13], [sflag:$0x2] =	stream.linear.gather @!p1 [hbm4b:s12+s10], $0x80, $0x38;
	[tilespmem:$0x1C400] =	vst v63  }
0xa9: {  	_ =	swait.ge [sflag:s0], $0x80  }
0xaa: {  	[sflag:s0] =	ssyncset.done $0x0  }
0xab: {  	[sflag:s0] =	ssyncadd.s32 $0xFFFFFF80  }
0xac: {  	_ =	swait.ge [sflag:s0], $0x80  }
0xad: {  	[sflag:s0] =	ssyncset.done $0x0  }
0xae: {  	[sflag:s0] =	ssyncadd.s32 $0xFFFFFF80  }
0xaf: {  	[tilespmem:s28], [sflag:$0x6] =	stream.indirect.gather [hbm4b:s4+s18], $0x80, s24, s18, $0xb8;
	[tilespmem:$0x1C400] =	vst v63  }
0xb0: {  	_ =	swait.ge [sflag:s29], $0x4000  }
0xb1: {  	[sflag:s29] =	ssyncset.done $0x0  }
0xb2: {  	[sflag:s29] =	ssyncadd.s32 $0xFFFFC000  }
0xb3: {  	[spmem:s1] =	stream.indirect.scatter.add.f32 [tilespmem:s23], [sflag:$0x7], $0x80, s21, s18, $0xb8;
	[tilespmem:$0x1C400] =	vst v63  }
0xb4: {  	_ =	swait.ge [sflag:s16], $0x4000  }
0xb5: {  	s14 =	simm.s32 @!p1 $0x100;
	s12 =	rddreg [dreg:$0x5];
	[sflag:s16] =	ssyncset.done $0x0  }
0xb6: {  	s13 =	rddreg [dreg:$0x4];
	[sflag:s16] =	ssyncadd.s32 $0xFFFFC000;
	s12 =	sadd.s32 @!p1 s6, s12  }
0xb7: {  	[tilespmem:s14], [sflag:$0x3] =	stream.linear.gather @!p1 [hbm4b:s12+s10], $0x80, $0x38;
	[tilespmem:$0x1C400] =	vst v63  }
0xb8: {  	s6 =	sadd.s32 @!p1 s6, s13;
	s13 =	simm.s32 @!p1 $0x1;
	s12 =	simm.s32 @!p1 $0x300  }
0xb9: {  	[tilespmem:s12], [sflag:$0x3] =	stream.linear.gather @!p1 [hbm4b:s6+s10], $0x80, $0x38;
	[tilespmem:$0x1C400] =	vst v63  }
0xba: {  	_ =	swait.ge @!p1 [sflag:s13], $0x80  }
0xbb: {  	[sflag:s13] =	ssyncset.done @!p1 $0x0  }
0xbc: {  	[sflag:s13] =	ssyncadd.s32 @!p1 $0xFFFFFF80  }
0xbd: {  	_ =	swait.ge @!p1 [sflag:s13], $0x80  }
0xbe: {  	s9 =	smov.u32 s8;
	s8 =	sadd.s32 $0x40, s8;
	[sflag:s13] =	ssyncset.done @!p1 $0x0  }
0xbf: {  	s6 =	smov.u32 s9;
	s9 =	simm.s32 @!p1 $0x400;
	[sflag:s13] =	ssyncadd.s32 @!p1 $0xFFFFFF80  }
0xc0: {  	[tilespmem:s9], [sflag:$0x5] =	stream.indirect.gather @!p1 [hbm4b:s4+s11], $0x80, s10, s11, $0xb8;
	[tilespmem:$0x1C400] =	vst v63  }
0xc1: {  	p0 =	sne.s32 s8, $0x500;
	_ =	swait.ge [sflag:s31], $0x4000  }
.Ltmp0:
0xc2: {  	[sflag:s31] =	ssyncset.done $0x0;
	(pc) =	sbr.rel @p0 .LBB2_2-.Ltmp0, $4  }
0xc3: {  	[sflag:s31] =	ssyncadd.s32 $0xFFFFC000  }
0xc4: {  	[spmem:s1] =	stream.indirect.scatter.add.f32 [tilespmem:s28], [sflag:$0x7], $0x80, s25, s18, $0xb8;
	[tilespmem:$0x1C400] =	vst v63  }
0xc5: {  	_ =	swait.ge [sflag:s16], $0x4000  }
0xc6: {  	s10 =	rddreg [dreg:$0xb];
	[sflag:s16] =	ssyncset.done $0x0  }
0xc7: {  	s8 =	rddreg [dreg:$0xa];
	[sflag:s16] =	ssyncadd.s32 $0xFFFFC000;
	s9 =	sadd.s32 s6, s10  }
0xc8: {  	[tilespmem:s24], [sflag:$0x4] =	stream.linear.gather [hbm4b:s9+s3], $0x80, $0x38;
	[tilespmem:$0x1C400] =	vst v63  }
0xc9: {  	s8 =	sadd.s32 s6, s8  }
0xca: {  	[tilespmem:s25], [sflag:$0x4] =	stream.linear.gather [hbm4b:s8+s3], $0x80, $0x38;
	[tilespmem:$0x1C400] =	vst v63  }
0xcb: {  	_ =	swait.ge [sflag:s26], $0x80  }
0xcc: {  	[sflag:s26] =	ssyncset.done $0x0  }
0xcd: {  	[sflag:s26] =	ssyncadd.s32 $0xFFFFFF80  }
0xce: {  	_ =	swait.ge [sflag:s26], $0x80  }
0xcf: {  	[sflag:s26] =	ssyncset.done $0x0  }
0xd0: {  	[sflag:s26] =	ssyncadd.s32 $0xFFFFFF80  }
0xd1: {  	[tilespmem:s28], [sflag:$0x6] =	stream.indirect.gather [hbm4b:s4+s18], $0x80, s18, s18, $0xb8;
	[tilespmem:$0x1C400] =	vst v63  }
0xd2: {  	_ =	swait.ge [sflag:s29], $0x4000  }
0xd3: {  	[sflag:s29] =	ssyncset.done $0x0  }
0xd4: {  	[sflag:s29] =	ssyncadd.s32 $0xFFFFC000  }
0xd5: {  	[spmem:s1] =	stream.indirect.scatter.add.f32 [tilespmem:s23], [sflag:$0x7], $0x80, s17, s18, $0xb8;
	[tilespmem:$0x1C400] =	vst v63  }
0xd6: {  	p0 =	seq.s32 s6, $0x4C0;
	_ =	swait.ge [sflag:s16], $0x4000  }
0xd7: {  	s10 =	simm.s32 @!p0 $0x0;
	s8 =	rddreg [dreg:$0x9];
	[sflag:s16] =	ssyncset.done $0x0  }
0xd8: {  	s9 =	rddreg [dreg:$0x8];
	[sflag:s16] =	ssyncadd.s32 $0xFFFFC000;
	s8 =	sadd.s32 @!p0 s6, s8  }
0xd9: {  	[tilespmem:s10], [sflag:$0x1] =	stream.linear.gather @!p0 [hbm4b:s8+s10], $0x80, $0x38;
	[tilespmem:$0x1C400] =	vst v63  }
0xda: {  	s8 =	sadd.s32 @!p0 s6, s9;
	s9 =	simm.s32 @!p0 $0x200  }
0xdb: {  	[tilespmem:s9], [sflag:$0x1] =	stream.linear.gather @!p0 [hbm4b:s8+s10], $0x80, $0x38;
	[tilespmem:$0x1C400] =	vst v63  }
0xdc: {  	_ =	swait.ge [sflag:s30], $0x80  }
0xdd: {  	[sflag:s30] =	ssyncset.done $0x0  }
0xde: {  	[sflag:s30] =	ssyncadd.s32 $0xFFFFFF80  }
0xdf: {  	_ =	swait.ge [sflag:s30], $0x80  }
0xe0: {  	[sflag:s30] =	ssyncset.done $0x0  }
0xe1: {  	[sflag:s30] =	ssyncadd.s32 $0xFFFFFF80  }
0xe2: {  	[tilespmem:s23], [sflag:$0x5] =	stream.indirect.gather [hbm4b:s4+s18], $0x80, s20, s18, $0xb8;
	[tilespmem:$0x1C400] =	vst v63  }
0xe3: {  	_ =	swait.ge [sflag:s31], $0x4000  }
0xe4: {  	[sflag:s31] =	ssyncset.done $0x0  }
0xe5: {  	[sflag:s31] =	ssyncadd.s32 $0xFFFFC000  }
0xe6: {  	[spmem:s1] =	stream.indirect.scatter.add.f32 [tilespmem:s28], [sflag:$0x7], $0x80, s19, s18, $0xb8;
	[tilespmem:$0x1C400] =	vst v63  }
0xe7: {  	_ =	swait.ge [sflag:s16], $0x4000  }
0xe8: {  	s11 =	simm.s32 @!p0 $0x80;
	s8 =	rddreg [dreg:$0x7];
	[sflag:s16] =	ssyncset.done $0x0  }
0xe9: {  	s9 =	rddreg [dreg:$0x6];
	[sflag:s16] =	ssyncadd.s32 $0xFFFFC000;
	s8 =	sadd.s32 @!p0 s6, s8  }
0xea: {  	[tilespmem:s11], [sflag:$0x2] =	stream.linear.gather @!p0 [hbm4b:s8+s10], $0x80, $0x38;
	[tilespmem:$0x1C400] =	vst v63  }
0xeb: {  	s8 =	sadd.s32 @!p0 s6, s9;
	s9 =	simm.s32 @!p0 $0x280  }
0xec: {  	[tilespmem:s9], [sflag:$0x2] =	stream.linear.gather @!p0 [hbm4b:s8+s10], $0x80, $0x38;
	[tilespmem:$0x1C400] =	vst v63  }
0xed: {  	_ =	swait.ge [sflag:s0], $0x80  }
0xee: {  	[sflag:s0] =	ssyncset.done $0x0  }
0xef: {  	[sflag:s0] =	ssyncadd.s32 $0xFFFFFF80  }
0xf0: {  	_ =	swait.ge [sflag:s0], $0x80  }
0xf1: {  	[sflag:s0] =	ssyncset.done $0x0  }
0xf2: {  	[sflag:s0] =	ssyncadd.s32 $0xFFFFFF80  }
0xf3: {  	[tilespmem:s28], [sflag:$0x6] =	stream.indirect.gather [hbm4b:s4+s18], $0x80, s24, s18, $0xb8;
	[tilespmem:$0x1C400] =	vst v63  }
0xf4: {  	_ =	swait.ge [sflag:s29], $0x4000  }
0xf5: {  	[sflag:s29] =	ssyncset.done $0x0  }
0xf6: {  	[sflag:s29] =	ssyncadd.s32 $0xFFFFC000  }
0xf7: {  	[spmem:s1] =	stream.indirect.scatter.add.f32 [tilespmem:s23], [sflag:$0x7], $0x80, s21, s18, $0xb8;
	[tilespmem:$0x1C400] =	vst v63  }
0xf8: {  	_ =	swait.ge [sflag:s16], $0x4000  }
0xf9: {  	s12 =	simm.s32 @!p0 $0x100;
	s8 =	rddreg [dreg:$0x5];
	[sflag:s16] =	ssyncset.done $0x0  }
0xfa: {  	s9 =	rddreg [dreg:$0x4];
	[sflag:s16] =	ssyncadd.s32 $0xFFFFC000;
	s8 =	sadd.s32 @!p0 s6, s8  }
0xfb: {  	[tilespmem:s12], [sflag:$0x3] =	stream.linear.gather @!p0 [hbm4b:s8+s10], $0x80, $0x38;
	[tilespmem:$0x1C400] =	vst v63  }
0xfc: {  	s6 =	sadd.s32 @!p0 s6, s9;
	s8 =	simm.s32 @!p0 $0x300  }
0xfd: {  	[tilespmem:s8], [sflag:$0x3] =	stream.linear.gather @!p0 [hbm4b:s6+s10], $0x80, $0x38;
	[tilespmem:$0x1C400] =	vst v63  }
0xfe: {  	s6 =	simm.s32 @!p0 $0x1  }
0xff: {  	_ =	swait.ge @!p0 [sflag:s6], $0x80  }
0x100: {  	[sflag:s6] =	ssyncset.done @!p0 $0x0  }
0x101: {  	[sflag:s6] =	ssyncadd.s32 @!p0 $0xFFFFFF80  }
0x102: {  	_ =	swait.ge @!p0 [sflag:s6], $0x80  }
0x103: {  	[sflag:s6] =	ssyncset.done @!p0 $0x0  }
0x104: {  	[sflag:s6] =	ssyncadd.s32 @!p0 $0xFFFFFF80;
	s6 =	simm.s32 @!p0 $0x400  }
0x105: {  	[tilespmem:s6], [sflag:$0x5] =	stream.indirect.gather @!p0 [hbm4b:s4+s11], $0x80, s10, s11, $0xb8;
	[tilespmem:$0x1C400] =	vst v63  }
0x106: {  	_ =	swait.ge [sflag:s31], $0x4000  }
0x107: {  	[sflag:s31] =	ssyncset.done $0x0  }
0x108: {  	[sflag:s31] =	ssyncadd.s32 $0xFFFFC000  }
0x109: {  	[spmem:s1] =	stream.indirect.scatter.add.f32 [tilespmem:s28], [sflag:$0x7], $0x80, s25, s18, $0xb8;
	[tilespmem:$0x1C400] =	vst v63  }
0x10a: {  	_ =	swait.ge [sflag:s16], $0x4000  }
0x10b: {  	[sflag:s16] =	ssyncset.done $0x0  }
0x10c: {  	s2 =	sadd.s32 $0x1, s2;
	[sflag:s16] =	ssyncadd.s32 $0xFFFFC000  }
0x10d: {  	p0 =	sne.s32 s2, s15;
	[bflag:$0x0] =	sbarrier.arrive $0xFFFF  }
.Ltmp1:
0x10e: {  	s14 =	rddreg [dreg:$0x14];
	(pc) =	sbr.rel @p0 .LBB2_1-.Ltmp1, $4  }
0x10f: {  	[hbm:s14], [sflag:s7] =	dma.local [spmem:s5], $0x2800  }
0x110: {  	_ =	swait.ge [sflag:s16], $0x2800  }
0x111: {  	[sflag:s16] =	ssyncset.done $0x0  }
0x112: {  	[sflag:s16] =	ssyncadd.s32 $0xFFFFD800  }
0x113: {  	_ =	sfence.sel $0x180000  }
0x114: {  	[bflag:$0x0] =	sbarrier.arrive $0xFFFF  }
0x115: {  	_ =	strace $0x9000004D  }
0x116: {  	s0 =	stileid.u32;
	[bflag:$0x2] =	sbarrier.arrive $0xFFFF  }
0x117: {  	p0 =	sne.s32 s0, $0x0;
	s0 =	rddreg [dreg:$0x3]  }
0x118: {  	s0 =	sadd.s32 @!p0 $0x100000, s0  }
0x119: {  	[sflag:s0] =	ssyncadd.tile.s32 @!p0 $0x1;
	_ =	shalt  }
.Lfunc_end2:
_tile_overlayer_lowered:
.L_overlay_start_2:
0x11a: {  	(tag) =	ssettag $0x2  }
0x11b: {  	s0 =	rddreg [dreg:$0x0];
	s2 =	stileid.u32  }
0x11c: {  	s1 =	rddreg [dreg:$0x1];
	p0 =	sne.s32 s2, $0x0  }
0x11d: {  	s3 =	rddreg [dreg:$0x2];
	[bflag:$0x3] =	sbarrier.arrive $0xFFFF;
	s2 =	simm.s32 @!p0 $0x1C07  }
0x11e: {  	[timem:s3], [sflag:s2] =	dma.local @!p0 [hbm:s0], s1  }
0x11f: {  	s0 =	simm.s32 @!p0 $0x7  }
0x120: {  	_ =	swait.ge @!p0 [sflag:s0], s1  }
0x121: {  	s1 =	ssub.s32 @!p0 $0x0, s1;
	[sflag:s0] =	ssyncset.done @!p0 $0x0  }
0x122: {  	[sflag:s0] =	ssyncadd.s32 @!p0 s1  }
0x123: {  	[bflag:$0x3] =	sbarrier.arrive $0xFFFF  }
0x124: {  	_ =	shalt  }

// kernel: kernel.22.cloned.1.call-start
scs
__scs_entry_jumppad:
0x0: {  	(pc) =	sbr.rel $0x88, $3  }
0x1: {  	(tag) =	ssettag $0x0;
	lr =	simm.s32 $0x1  }
0x2: {  	[smem:$0x3F97] =	sst lr;
	_ =	strace $0xD0000000  }
0x3: {  	_ = 	snop  }
0x4: {  	_ = 	snop  }
0x5: {  	_ = 	snop  }
0x6: {  	_ = 	snop  }
0x7: {  	_ = 	snop  }
__scs_overlays_trampoline_lowered:
0x8: {  	[smem:$0x3FA6] =	sst s0  }
0x9: {  	[smem:$0x3FA7] =	sst s1  }
0xa: {  	[smem:$0x3FA8] =	sst s2  }
0xb: {  	[smem:$0x3FA9] =	sst s3  }
0xc: {  	[smem:$0x3FAA] =	sst s4  }
0xd: {  	[smem:$0x3FAB] =	sst s5  }
0xe: {  	[smem:$0x3FAC] =	sst s6  }
0xf: {  	[smem:$0x3FAD] =	sst s7  }
0x10: {  	[smem:$0x3FAE] =	sst s8  }
0x11: {  	[smem:$0x3FAF] =	sst s9;
	s0 =	simm.s32 @!p0 $0x0  }
0x12: {  	s1 =	sld [smem:$0x3F95];
	s0 =	simm.s32 @p0 $0x1  }
0x13: {  	[smem:$0x3FB0] =	sst s0;
	s0 =	simm.s32 @!p1 $0x0  }
0x14: {  	s2 =	sld [smem:$0x3F94];
	s0 =	simm.s32 @p1 $0x1  }
0x15: {  	[smem:$0x3FB1] =	sst s0;
	s0 =	simm.s32 @!p2 $0x0  }
0x16: {  	s3 =	sld [smem:$0x3FDB];
	s0 =	simm.s32 @p2 $0x1  }
0x17: {  	s4 =	simm.s32 $0x1BF5;
	[smem:$0x3FB3] =	sst s0  }
0x18: {  	s0 =	sld [smem:$0x3F96];
	_ =	swait.ge [sflag:s4], $0x0  }
0x19: {  	s7 =	sld [smem:$0x3F97]  }
0x1a: {  	s8 =	sadd.s32 $0xFFFFE003, lr  }
0x1b: {  	s9 =	sadd.s32 $0xFFFFFEF7, lr;
	s5 =	simm.s32 $0xFFFFFFFF;
	p2 =	slt.u32 s8, $0xFFFFF086  }
0x1c: {  	p1 =	slt.u32 s9, $0xF7A;
	s5 =	simm.s32 @!p2 $0x0  }
0x1d: {  	s5 =	simm.s32 @p1 $0x1;
	p0 =	seq.s32 s7, s2  }
0x1e: {  	s7 =	smul.u32 @!p0 $0xF7A, s2;
	p2 =	seq.s32 @!p0 s5, $0x0  }
0x1f: {  	s9 =	smul.u32 $0xF7A, s1;
	s8 =	simm.s32 @!p0 $0x1BF5;
	p2 =	por !p2, p0  }
0x20: {  	[sflag:s8] =	ssyncset.s32 @!p0 $0xFFFFF086;
	s6 =	sadd.s32 @!p0 s3, s7;
	s7 =	simm.s32 @!p0 $0x108  }
0x21: {  	s3 =	sadd.s32 s3, s9;
	s6 =	sadd.s32 @!p0 $0x88, s6;
	s7 =	simm.s32 @p2 $0x1082  }
0x22: {  	[simem:s7], [sflag:s8] =	dma.local @!p0 [hbm:s6], $0xF7A  }
0x23: {  	s9 =	sor.u32 $0xD0000000, s2;
	s6 =	simm.s32 $0x108;
	_ =	swait.ge @!p0 [sflag:s8], $0x0  }
0x24: {  	s3 =	sadd.s32 $0x88, s3;
	s6 =	simm.s32 @!p1 $0x1082;
	[sflag:s4] =	ssyncset.s32 $0xFFFFF086  }
0x25: {  	[simem:s6], [sflag:s4] =	dma.local [hbm:s3], $0xF7A  }
0x26: {  	[smem:$0x3F97] =	sst s1;
	(tag) =	ssettag s2;
	_ =	strace s9  }
0x27: {  	s1 =	sld [smem:$0x3FA7]  }
0x28: {  	s2 =	sld [smem:$0x3FA8]  }
0x29: {  	s4 =	sld [smem:$0x3FAA]  }
0x2a: {  	p0 =	seq.s32 s5, $0x0;
	s5 =	sld [smem:$0x3FAB]  }
0x2b: {  	s6 =	sld [smem:$0x3FAC]  }
0x2c: {  	s7 =	sld [smem:$0x3FAD]  }
0x2d: {  	s3 =	simm.s32 $0x108;
	s8 =	sld [smem:$0x3FAE]  }
0x2e: {  	s3 =	simm.s32 @!p0 $0x1082;
	s9 =	sld [smem:$0x3FAF]  }
0x2f: {  	lr =	sadd.s32 s0, s3;
	s0 =	sld [smem:$0x3FA6]  }
0x30: {  	s3 =	sld [smem:$0x3FA9]  }
0x31: {  	[smem:$0x3FB2] =	sst s10  }
0x32: {  	s10 =	sld [smem:$0x3FB0];
	_ =	sdelay $0x3  }
0x33: {  	p0 =	seq.s32 s10, $0x1;
	s10 =	sld [smem:$0x3FB2];
	_ =	sdelay $0x3  }
0x34: {  	[smem:$0x3FB2] =	sst s10  }
0x35: {  	s10 =	sld [smem:$0x3FB1];
	_ =	sdelay $0x3  }
0x36: {  	p1 =	seq.s32 s10, $0x1;
	s10 =	sld [smem:$0x3FB2];
	_ =	sdelay $0x3  }
0x37: {  	[smem:$0x3FB2] =	sst s10  }
0x38: {  	s10 =	sld [smem:$0x3FB3]  }
0x39: {  	_ = 	snop;
	(pc) =	sbr.ind lr, $3  }
0x3a: {  	_ = 	snop  }
0x3b: {  	_ = 	snop  }
0x3c: {  	p2 =	seq.s32 s10, $0x1;
	s10 =	sld [smem:$0x3FB2]  }
0x3d: {  	_ =	shalt  }
0x3e: {  	_ =	shalt  }
0x3f: {  	_ =	shalt  }
0x40: {  	_ =	shalt  }
0x41: {  	_ =	shalt  }
0x42: {  	_ =	shalt  }
0x43: {  	_ =	shalt  }
0x44: {  	_ =	shalt  }
0x45: {  	_ =	shalt  }
0x46: {  	_ =	shalt  }
0x47: {  	_ =	shalt  }
0x48: {  	_ =	shalt  }
0x49: {  	_ =	shalt  }
0x4a: {  	_ =	shalt  }
0x4b: {  	_ =	shalt  }
0x4c: {  	_ =	shalt  }
0x4d: {  	_ =	shalt  }
0x4e: {  	_ =	shalt  }
0x4f: {  	_ =	shalt  }
0x50: {  	_ =	shalt  }
0x51: {  	_ =	shalt  }
0x52: {  	_ =	shalt  }
0x53: {  	_ =	shalt  }
0x54: {  	_ =	shalt  }
0x55: {  	_ =	shalt  }
0x56: {  	_ =	shalt  }
0x57: {  	_ =	shalt  }
0x58: {  	_ =	shalt  }
0x59: {  	_ =	shalt  }
0x5a: {  	_ =	shalt  }
0x5b: {  	_ =	shalt  }
0x5c: {  	_ =	shalt  }
0x5d: {  	_ =	shalt  }
0x5e: {  	_ =	shalt  }
0x5f: {  	_ =	shalt  }
0x60: {  	_ =	shalt  }
0x61: {  	_ =	shalt  }
0x62: {  	_ =	shalt  }
0x63: {  	_ =	shalt  }
0x64: {  	_ =	shalt  }
0x65: {  	_ =	shalt  }
0x66: {  	_ =	shalt  }
0x67: {  	_ =	shalt  }
0x68: {  	_ =	shalt  }
0x69: {  	_ =	shalt  }
0x6a: {  	_ =	shalt  }
0x6b: {  	_ =	shalt  }
0x6c: {  	_ =	shalt  }
0x6d: {  	_ =	shalt  }
0x6e: {  	_ =	shalt  }
0x6f: {  	_ =	shalt  }
0x70: {  	_ =	shalt  }
0x71: {  	_ =	shalt  }
0x72: {  	_ =	shalt  }
0x73: {  	_ =	shalt  }
0x74: {  	_ =	shalt  }
0x75: {  	_ =	shalt  }
0x76: {  	_ =	shalt  }
0x77: {  	_ =	shalt  }
0x78: {  	_ =	shalt  }
0x79: {  	_ =	shalt  }
0x7a: {  	_ =	shalt  }
0x7b: {  	_ =	shalt  }
0x7c: {  	_ =	shalt  }
0x7d: {  	_ =	shalt  }
0x7e: {  	_ =	shalt  }
0x7f: {  	_ =	shalt  }
0x80: {  	_ =	shalt  }
0x81: {  	_ =	shalt  }
0x82: {  	_ =	shalt  }
0x83: {  	_ =	shalt  }
0x84: {  	_ =	shalt  }
0x85: {  	_ =	shalt  }
0x86: {  	_ =	shalt  }
0x87: {  	_ =	shalt  }
.Lfunc_end0:
.L_simem_size_0:
called_computation.3_lowered:
.L_overlay_start_0:
0x88: {  	s2 =	sld [smem:$0x3FD9]  }
0x89: {  	s3 =	sld [smem:$0x3FFE];
	_ =	sdelay $0x1  }
0x8a: {  	s1 =	srdreg.scid  }
0x8b: {  	s0 =	sand.u32 $0x1, s1  }
0x8c: {  	s17 =	sshll.u32 s0, $0xA;
	s2 =	sadd.s32 s3, s2  }
0x8d: {  	s2 =	sadd.s32 s2, s17  }
0x8e: {  	[smem:$0x3FBE] =	sst s2  }
0x8f: {  	_ = 	snop  }
0x90: {  	s2 =	sld [smem:$0x3FD0];
	(tm) =	ssettm $0x1  }
0x91: {  	s18 =	sld [smem:$0x3FFB];
	_ =	sdelay $0x3  }
0x92: {  	_ =	strace s18  }
0x93: {  	s3 =	sld [smem:$0x3FFC];
	_ =	sdelay $0x3  }
0x94: {  	_ =	strace s3  }
0x95: {  	s3 =	sld [smem:$0x3FFD];
	_ =	sdelay $0x3  }
0x96: {  	_ =	strace s3  }
0x97: {  	_ =	strace $0x8FFFFFFF  }
0x98: {  	s19 =	sld [smem:$0x3FDB];
	_ =	sdelay $0x1  }
0x99: {  	s4 =	simm.s32 $_scs_section_size  }
0x9a: {  	s5 =	simm.s32 $_size__tile_overlayer_lowered;
	s6 =	simm.s32 $_tile_overlayer_lowered  }
0x9b: {  	s22 =	simm.s32 $0x1BFF;
	s21 =	sshll.u32 s6, $0x1;
	s3 =	sadd.s32 s4, s19  }
0x9c: {  	s7 =	simm.s32 $0x0;
	s20 =	sshll.u32 s5, $0x1;
	s5 =	sadd.s32 s21, s3  }
0x9d: {  	[timem:s7], [sflag:s22] =	dma.local [hbm:s5], s20  }
0x9e: {  	_ =	swait.ge [sflag:s22], s20  }
0x9f: {  	s4 =	ssub.s32 $0x0, s20;
	[sflag:s22] =	ssyncset.done $0x0  }
0xa0: {  	[sflag:s22] =	ssyncadd.s32 s4;
	_ =	sdelay $0x1  }
0xa1: {  	s23 =	simm.s32 $0x1B8B  }
0xa2: {  	_ =	swait.ge [sflag:s23], $0x1  }
0xa3: {  	[sflag:s23] =	ssyncset.done $0x0  }
0xa4: {  	s25 =	simm.s32 $0x1B8E;
	s24 =	sld [smem:$0x3FFE];
	[sflag:s23] =	ssyncadd.s32 $0xFFFFFFFF  }
0xa5: {  	s26 =	simm.s32 $execute0_lowered;
	[smem:$0x3FD2] =	sst s25  }
0xa6: {  	s5 =	sshll.u32 s26, $0x1;
	_ =	strace $0x8000004F;
	[dreg:$0x1] =	wrdreg $0xFFFFFFFF  }
0xa7: {  	s28 =	simm.s32 $_size_execute0_lowered;
	s3 =	sadd.s32 s3, s5;
	[dreg:$0x0] =	wrdreg $0x0  }
0xa8: {  	s5 =	sshll.u32 s28, $0x1;
	[dreg:$0x2] =	wrdreg s3  }
0xa9: {  	[dreg:$0x3] =	wrdreg s5  }
0xaa: {  	[dreg:$0x4] =	wrdreg $0xC0  }
0xab: {  	_ =	task [dreg:s7], $0x5FFFF  }
0xac: {  	[dreg:$0x1] =	wrdreg $0xFFFFFFFF  }
0xad: {  	[dreg:$0x0] =	wrdreg $0x60  }
0xae: {  	[dreg:$0x2] =	wrdreg s24  }
0xaf: {  	[dreg:$0x3] =	wrdreg s2  }
0xb0: {  	[dreg:$0x4] =	wrdreg $0x84000  }
0xb1: {  	[dreg:$0x5] =	wrdreg $0x9  }
0xb2: {  	_ =	task.clear_ibuf [dreg:s7], $0x6FFFF;
	_ =	strace $0x9000004F  }
0xb3: {  	s29 =	simm.s32 $0x9;
	_ =	strace $0x80000051  }
0xb4: {  	_ =	swait.ge [sflag:s29], $0x1  }
0xb5: {  	[sflag:s29] =	ssyncadd.s32 $0xFFFFFFFF  }
0xb6: {  	_ =	strace $0x90000051  }
0xb7: {  	_ =	sfence  }
0xb8: {  	s30 =	sld [smem:$0x0];
	_ =	sdelay $0x2  }
0xb9: {  	s31 =	sshll.u32 s1, $0xD;
	s1 =	sshrl.u32 s1, $0x2  }
0xba: {  	s3 =	sand.u32 $0x4000, s31;
	s1 =	sadd.s32 s1, s30  }
0xbb: {  	s0 =	sor.u32 s3, s0;
	s1 =	sshll.u32 s1, $0x11  }
0xbc: {  	s0 =	sor.u32 s1, s0  }
0xbd: {  	s0 =	sadd.s32 $0x8F2B, s0  }
0xbe: {  	[sflag:s0] =	ssyncadd.remote.s32 $0x1  }
0xbf: {  	_ =	sfence.sel $0xFFFF  }
0xc0: {  	[dreg:$0x0] =	wrdreg $0xFFFFFFFF;
	(pc) =	sbr.abs _section_cstart, $3  }
0xc1: {  	[dreg:$0x1] =	wrdreg $0xFFFFFFFF  }
0xc2: {  	_ =	task.clear_ibuf [dreg:s7], $0x2FFFF;
	_ =	strace $0x9FFFFFFF  }
0xc3: {  	(tm) =	ssettm $0x7FFFFFFF  }
tec
execute0_lowered:
.L_overlay_start_1:
0x0: {  	(tag) =	ssettag $0x1  }
0x1: {  	s0 =	rddreg [dreg:$0x0]  }
0x2: {  	s2 =	rddreg [dreg:$0x1]  }
0x3: {  	s1 =	rddreg [dreg:$0x2]  }
0x4: {  	s3 =	srdreg.scid;
	s12 =	stileid.u32  }
0x5: {  	s28 =	simm.s32 $0x4400;
	s29 =	simm.s32 $0x5;
	s30 =	simm.s32 $0x3  }
0x6: {  	s31 =	simm.s32 $0x6;
	s5 =	sand.u32 $0x1, s3;
	s3 =	simm.s32 $0x0  }
0x7: {  	s7 =	smul.u32 $0x14000, s12;
	s4 =	sadd.s32 $0x4C00, s0;
	s8 =	sadd.s32 $0x57C00, s0  }
0x8: {  	s17 =	sadd.s32 $0x54C00, s0;
	s10 =	smul.u32 $0x50000, s12;
	s21 =	sshll.u32 s12, $0x6  }
0x9: {  	s6 =	smul.u32 $0x140000, s5;
	[smem:$0x7FF] =	sst s3;
	s18 =	sshll.u32 s5, $0x4  }
0xa: {  	s9 =	ssub.s32 $0x2, s5;
	s5 =	smul.u32 $0x28000, s5;
	_ =	strace $0x80000050  }
0xb: {  	[dreg:$0xc] =	wrdreg s17;
	s19 =	sshrl.u32 s9, $0x1;
	s20 =	sshrl.u32 s10, $0x2  }
0xc: {  	s6 =	sadd.s32 s7, s6;
	s7 =	sor.u32 s12, s18;
	s12 =	smul.u32 $0x2800, s12  }
0xd: {  	s22 =	sadd.s32 s20, s1;
	s6 =	sshrl.u32 s6, $0x3;
	s7 =	smul.u32 $0x2800, s7  }
0xe: {  	[dreg:$0xd] =	wrdreg s22;
	s0 =	sadd.s32 s6, s0;
	s6 =	ssub.s32 s9, s19  }
0xf: {  	s5 =	sadd.s32 s12, s5;
	s11 =	sshrl.u32 s7, $0x3;
	s7 =	sor.u32 $0x1C07, s21  }
0x10: {  	s13 =	sor.u32 $0x300, s5;
	s17 =	sor.u32 $0x280, s5;
	s20 =	sor.u32 $0x200, s5  }
0x11: {  	s5 =	sor.u32 $0x180, s5;
	s0 =	sadd.s32 $0x61C00, s0;
	s23 =	sadd.s32 s8, s11  }
0x12: {  	s24 =	sadd.s32 s2, s11;
	s25 =	sor.u32 $0x10, s11;
	[dreg:$0x14] =	wrdreg s0  }
0x13: {  	s12 =	sor.u32 $0x20, s11;
	s15 =	sshrl.u32 s13, $0x3;
	[dreg:$0xe] =	wrdreg s23  }
0x14: {  	s18 =	sshrl.u32 s17, $0x3;
	[dreg:$0xf] =	wrdreg s24;
	s26 =	sadd.s32 s8, s25  }
0x15: {  	s22 =	sshrl.u32 s20, $0x3;
	s9 =	sadd.s32 s2, s25;
	[dreg:$0x10] =	wrdreg s26  }
0x16: {  	s5 =	sshrl.u32 s5, $0x3;
	s14 =	sadd.s32 s8, s12;
	[dreg:$0x11] =	wrdreg s9  }
0x17: {  	s17 =	simm.s32 $0x200;
	s10 =	sadd.s32 s2, s12;
	[dreg:$0x12] =	wrdreg s14  }
0x18: {  	s20 =	simm.s32 $0x100;
	s16 =	sadd.s32 s15, s2;
	[dreg:$0x13] =	wrdreg s10  }
0x19: {  	s0 =	simm.s32 $0x4;
	s19 =	sadd.s32 s18, s2;
	[dreg:$0x4] =	wrdreg s16  }
0x1a: {  	s21 =	sadd.s32 s18, s8;
	s23 =	sadd.s32 s22, s2;
	[dreg:$0x6] =	wrdreg s19  }
0x1b: {  	s24 =	sadd.s32 s22, s8;
	s25 =	sadd.s32 s5, s2;
	[dreg:$0x7] =	wrdreg s21  }
0x1c: {  	s18 =	simm.s32 $0x80;
	s22 =	simm.s32 $0x1;
	[dreg:$0x8] =	wrdreg s23  }
0x1d: {  	s2 =	simm.s32 $0x0;
	s9 =	sadd.s32 s15, s8;
	[dreg:$0x9] =	wrdreg s24  }
0x1e: {  	s15 =	smax.u32 s6, $0x1;
	[dreg:$0xa] =	wrdreg s25;
	s26 =	sadd.s32 s5, s8  }
0x1f: {  	s16 =	simm.s32 $0x7;
	s19 =	simm.s32 $0x280;
	s21 =	simm.s32 $0x300  }
0x20: {  	s23 =	simm.s32 $0x400;
	s24 =	simm.s32 $0x180;
	[dreg:$0x5] =	wrdreg s9  }
0x21: {  	s25 =	simm.s32 $0x380;
	[dreg:$0xb] =	wrdreg s26;
	s26 =	simm.s32 $0x2  }
.LBB2_1:
0x22: {  	s5 =	rddreg [dreg:$0xd]  }
0x23: {  	s6 =	rddreg [dreg:$0xc];
	s5 =	sshrl.u32 s5, $0x3  }
0x24: {  	[spmem:s5], [sflag:s7] =	dma.local [hbm:s6], $0x2800  }
0x25: {  	_ =	swait.ge [sflag:s16], $0x2800  }
0x26: {  	[sflag:s16] =	ssyncset.done $0x0  }
0x27: {  	[sflag:s16] =	ssyncadd.s32 $0xFFFFD800  }
0x28: {  	[bflag:$0x0] =	sbarrier.arrive $0xFFFF  }
0x29: {  	s14 =	rddreg [dreg:$0xe]  }
0x2a: {  	[tilespmem:s3], [sflag:$0x1] =	stream.linear.gather [hbm4b:s14+s3], $0x80, $0x38;
	[tilespmem:$0x1C400] =	vst v63  }
0x2b: {  	s8 =	rddreg [dreg:$0xf]  }
0x2c: {  	[tilespmem:s17], [sflag:$0x1] =	stream.linear.gather [hbm4b:s8+s3], $0x80, $0x38;
	[tilespmem:$0x1C400] =	vst v63  }
0x2d: {  	s9 =	rddreg [dreg:$0x10]  }
0x2e: {  	[tilespmem:s18], [sflag:$0x2] =	stream.linear.gather [hbm4b:s9+s3], $0x80, $0x38;
	[tilespmem:$0x1C400] =	vst v63  }
0x2f: {  	s10 =	rddreg [dreg:$0x11]  }
0x30: {  	[tilespmem:s19], [sflag:$0x2] =	stream.linear.gather [hbm4b:s10+s3], $0x80, $0x38;
	[tilespmem:$0x1C400] =	vst v63  }
0x31: {  	s11 =	rddreg [dreg:$0x12]  }
0x32: {  	[tilespmem:s20], [sflag:$0x3] =	stream.linear.gather [hbm4b:s11+s3], $0x80, $0x38;
	[tilespmem:$0x1C400] =	vst v63  }
0x33: {  	s12 =	rddreg [dreg:$0x13]  }
0x34: {  	[tilespmem:s21], [sflag:$0x3] =	stream.linear.gather [hbm4b:s12+s3], $0x80, $0x38;
	[tilespmem:$0x1C400] =	vst v63  }
0x35: {  	_ =	swait.ge [sflag:s22], $0x80  }
0x36: {  	[sflag:s22] =	ssyncset.done $0x0  }
0x37: {  	[sflag:s22] =	ssyncadd.s32 $0xFFFFFF80  }
0x38: {  	_ =	swait.ge [sflag:s22], $0x80  }
0x39: {  	[sflag:s22] =	ssyncset.done $0x0  }
0x3a: {  	s13 =	rddreg [dreg:$0xb];
	[sflag:s22] =	ssyncadd.s32 $0xFFFFFF80  }
0x3b: {  	[tilespmem:s23], [sflag:$0x5] =	stream.indirect.gather [hbm4b:s4+s18], $0x80, s3, s18, $0xb8;
	[tilespmem:$0x1C400] =	vst v63  }
0x3c: {  	s8 =	rddreg [dreg:$0xa];
	s6 =	sadd.s32 $0x0, s13  }
0x3d: {  	[tilespmem:s24], [sflag:$0x4] =	stream.linear.gather [hbm4b:s6+s3], $0x80, $0x38;
	[tilespmem:$0x1C400] =	vst v63  }
0x3e: {  	s14 =	sadd.s32 $0x0, s8  }
0x3f: {  	[tilespmem:s25], [sflag:$0x4] =	stream.linear.gather [hbm4b:s14+s3], $0x80, $0x38;
	[tilespmem:$0x1C400] =	vst v63  }
0x40: {  	_ =	swait.ge [sflag:s26], $0x80  }
0x41: {  	[sflag:s26] =	ssyncset.done $0x0  }
0x42: {  	[sflag:s26] =	ssyncadd.s32 $0xFFFFFF80  }
0x43: {  	_ =	swait.ge [sflag:s26], $0x80  }
0x44: {  	[sflag:s26] =	ssyncset.done $0x0  }
0x45: {  	[sflag:s26] =	ssyncadd.s32 $0xFFFFFF80  }
0x46: {  	[tilespmem:s28], [sflag:$0x6] =	stream.indirect.gather [hbm4b:s4+s18], $0x80, s18, s18, $0xb8;
	[tilespmem:$0x1C400] =	vst v63  }
0x47: {  	_ =	swait.ge [sflag:s29], $0x4000  }
0x48: {  	[sflag:s29] =	ssyncset.done $0x0  }
0x49: {  	[sflag:s29] =	ssyncadd.s32 $0xFFFFC000  }
0x4a: {  	[spmem:s1] =	stream.indirect.scatter.add.f32 [tilespmem:s23], [sflag:$0x7], $0x80, s17, s18, $0xb8;
	[tilespmem:$0x1C400] =	vst v63  }
0x4b: {  	p0 =	por $0x0, $0x0;
	_ =	swait.ge [sflag:s16], $0x4000  }
0x4c: {  	s9 =	simm.s32 @!p0 $0x0;
	s6 =	rddreg [dreg:$0x9];
	[sflag:s16] =	ssyncset.done $0x0  }
0x4d: {  	s8 =	rddreg [dreg:$0x8];
	[sflag:s16] =	ssyncadd.s32 $0xFFFFC000;
	s6 =	sadd.s32 @!p0 $0x0, s6  }
0x4e: {  	[tilespmem:s9], [sflag:$0x1] =	stream.linear.gather @!p0 [hbm4b:s6+s9], $0x80, $0x38;
	[tilespmem:$0x1C400] =	vst v63  }
0x4f: {  	s6 =	sadd.s32 @!p0 $0x0, s8;
	s8 =	simm.s32 @!p0 $0x200  }
0x50: {  	[tilespmem:s8], [sflag:$0x1] =	stream.linear.gather @!p0 [hbm4b:s6+s9], $0x80, $0x38;
	[tilespmem:$0x1C400] =	vst v63  }
0x51: {  	_ =	swait.ge [sflag:s30], $0x80  }
0x52: {  	[sflag:s30] =	ssyncset.done $0x0  }
0x53: {  	[sflag:s30] =	ssyncadd.s32 $0xFFFFFF80  }
0x54: {  	_ =	swait.ge [sflag:s30], $0x80  }
0x55: {  	[sflag:s30] =	ssyncset.done $0x0  }
0x56: {  	[sflag:s30] =	ssyncadd.s32 $0xFFFFFF80  }
0x57: {  	[tilespmem:s23], [sflag:$0x5] =	stream.indirect.gather [hbm4b:s4+s18], $0x80, s20, s18, $0xb8;
	[tilespmem:$0x1C400] =	vst v63  }
0x58: {  	_ =	swait.ge [sflag:s31], $0x4000  }
0x59: {  	[sflag:s31] =	ssyncset.done $0x0  }
0x5a: {  	[sflag:s31] =	ssyncadd.s32 $0xFFFFC000  }
0x5b: {  	[spmem:s1] =	stream.indirect.scatter.add.f32 [tilespmem:s28], [sflag:$0x7], $0x80, s19, s18, $0xb8;
	[tilespmem:$0x1C400] =	vst v63  }
0x5c: {  	_ =	swait.ge [sflag:s16], $0x4000  }
0x5d: {  	s10 =	simm.s32 @!p0 $0x80;
	s6 =	rddreg [dreg:$0x7];
	[sflag:s16] =	ssyncset.done $0x0  }
0x5e: {  	s8 =	rddreg [dreg:$0x6];
	[sflag:s16] =	ssyncadd.s32 $0xFFFFC000;
	s6 =	sadd.s32 @!p0 $0x0, s6  }
0x5f: {  	[tilespmem:s10], [sflag:$0x2] =	stream.linear.gather @!p0 [hbm4b:s6+s9], $0x80, $0x38;
	[tilespmem:$0x1C400] =	vst v63  }
0x60: {  	s6 =	sadd.s32 @!p0 $0x0, s8;
	s8 =	simm.s32 @!p0 $0x280  }
0x61: {  	[tilespmem:s8], [sflag:$0x2] =	stream.linear.gather @!p0 [hbm4b:s6+s9], $0x80, $0x38;
	[tilespmem:$0x1C400] =	vst v63  }
0x62: {  	_ =	swait.ge [sflag:s0], $0x80  }
0x63: {  	[sflag:s0] =	ssyncset.done $0x0  }
0x64: {  	[sflag:s0] =	ssyncadd.s32 $0xFFFFFF80  }
0x65: {  	_ =	swait.ge [sflag:s0], $0x80  }
0x66: {  	[sflag:s0] =	ssyncset.done $0x0  }
0x67: {  	[sflag:s0] =	ssyncadd.s32 $0xFFFFFF80  }
0x68: {  	[tilespmem:s28], [sflag:$0x6] =	stream.indirect.gather [hbm4b:s4+s18], $0x80, s24, s18, $0xb8;
	[tilespmem:$0x1C400] =	vst v63  }
0x69: {  	_ =	swait.ge [sflag:s29], $0x4000  }
0x6a: {  	[sflag:s29] =	ssyncset.done $0x0  }
0x6b: {  	[sflag:s29] =	ssyncadd.s32 $0xFFFFC000  }
0x6c: {  	[spmem:s1] =	stream.indirect.scatter.add.f32 [tilespmem:s23], [sflag:$0x7], $0x80, s21, s18, $0xb8;
	[tilespmem:$0x1C400] =	vst v63  }
0x6d: {  	_ =	swait.ge [sflag:s16], $0x4000  }
0x6e: {  	s11 =	simm.s32 @!p0 $0x100;
	s6 =	rddreg [dreg:$0x5];
	[sflag:s16] =	ssyncset.done $0x0  }
0x6f: {  	s8 =	rddreg [dreg:$0x4];
	[sflag:s16] =	ssyncadd.s32 $0xFFFFC000;
	s6 =	sadd.s32 @!p0 $0x0, s6  }
0x70: {  	[tilespmem:s11], [sflag:$0x3] =	stream.linear.gather @!p0 [hbm4b:s6+s9], $0x80, $0x38;
	[tilespmem:$0x1C400] =	vst v63  }
0x71: {  	s6 =	sadd.s32 @!p0 $0x0, s8;
	s8 =	simm.s32 @!p0 $0x300  }
0x72: {  	[tilespmem:s8], [sflag:$0x3] =	stream.linear.gather @!p0 [hbm4b:s6+s9], $0x80, $0x38;
	[tilespmem:$0x1C400] =	vst v63  }
0x73: {  	s6 =	simm.s32 @!p0 $0x1  }
0x74: {  	_ =	swait.ge @!p0 [sflag:s6], $0x80  }
0x75: {  	[sflag:s6] =	ssyncset.done @!p0 $0x0  }
0x76: {  	[sflag:s6] =	ssyncadd.s32 @!p0 $0xFFFFFF80  }
0x77: {  	_ =	swait.ge @!p0 [sflag:s6], $0x80  }
0x78: {  	[sflag:s6] =	ssyncset.done @!p0 $0x0  }
0x79: {  	[sflag:s6] =	ssyncadd.s32 @!p0 $0xFFFFFF80;
	s6 =	simm.s32 @!p0 $0x400  }
0x7a: {  	[tilespmem:s6], [sflag:$0x5] =	stream.indirect.gather @!p0 [hbm4b:s4+s10], $0x80, s9, s10, $0xb8;
	[tilespmem:$0x1C400] =	vst v63  }
0x7b: {  	_ =	swait.ge [sflag:s31], $0x4000  }
0x7c: {  	[sflag:s31] =	ssyncset.done $0x0  }
0x7d: {  	[sflag:s31] =	ssyncadd.s32 $0xFFFFC000  }
0x7e: {  	[spmem:s1] =	stream.indirect.scatter.add.f32 [tilespmem:s28], [sflag:$0x7], $0x80, s25, s18, $0xb8;
	[tilespmem:$0x1C400] =	vst v63  }
0x7f: {  	s8 =	simm.s32 $0x80;
	_ =	swait.ge [sflag:s16], $0x4000  }
0x80: {  	s6 =	simm.s32 $0x40;
	s10 =	rddreg [dreg:$0xb];
	[sflag:s16] =	ssyncset.done $0x0  }
.LBB2_2:
0x81: {  	[sflag:s16] =	ssyncadd.s32 $0xFFFFC000;
	s11 =	rddreg [dreg:$0xa];
	s10 =	sadd.s32 s6, s10  }
0x82: {  	[tilespmem:s24], [sflag:$0x4] =	stream.linear.gather [hbm4b:s10+s3], $0x80, $0x38;
	[tilespmem:$0x1C400] =	vst v63  }
0x83: {  	s14 =	sadd.s32 s6, s11  }
0x84: {  	[tilespmem:s25], [sflag:$0x4] =	stream.linear.gather [hbm4b:s14+s3], $0x80, $0x38;
	[tilespmem:$0x1C400] =	vst v63  }
0x85: {  	_ =	swait.ge [sflag:s26], $0x80  }
0x86: {  	[sflag:s26] =	ssyncset.done $0x0  }
0x87: {  	[sflag:s26] =	ssyncadd.s32 $0xFFFFFF80  }
0x88: {  	_ =	swait.ge [sflag:s26], $0x80  }
0x89: {  	[sflag:s26] =	ssyncset.done $0x0  }
0x8a: {  	[sflag:s26] =	ssyncadd.s32 $0xFFFFFF80  }
0x8b: {  	[tilespmem:s28], [sflag:$0x6] =	stream.indirect.gather [hbm4b:s4+s18], $0x80, s18, s18, $0xb8;
	[tilespmem:$0x1C400] =	vst v63  }
0x8c: {  	_ =	swait.ge [sflag:s29], $0x4000  }
0x8d: {  	[sflag:s29] =	ssyncset.done $0x0  }
0x8e: {  	[sflag:s29] =	ssyncadd.s32 $0xFFFFC000  }
0x8f: {  	[spmem:s1] =	stream.indirect.scatter.add.f32 [tilespmem:s23], [sflag:$0x7], $0x80, s17, s18, $0xb8;
	[tilespmem:$0x1C400] =	vst v63  }
0x90: {  	_ =	swait.ge [sflag:s16], $0x4000  }
0x91: {  	s10 =	rddreg [dreg:$0x9]  }
0x92: {  	p1 =	seq.s32 s6, $0x4C0;
	[sflag:s16] =	ssyncset.done $0x0;
	s11 =	rddreg [dreg:$0x8]  }
0x93: {  	[sflag:s16] =	ssyncadd.s32 $0xFFFFC000;
	s12 =	sadd.s32 @!p1 s6, s10;
	s10 =	simm.s32 @!p1 $0x0  }
0x94: {  	[tilespmem:s10], [sflag:$0x1] =	stream.linear.gather @!p1 [hbm4b:s12+s10], $0x80, $0x38;
	[tilespmem:$0x1C400] =	vst v63  }
0x95: {  	s11 =	sadd.s32 @!p1 s6, s11;
	s12 =	simm.s32 @!p1 $0x200  }
0x96: {  	[tilespmem:s12], [sflag:$0x1] =	stream.linear.gather @!p1 [hbm4b:s11+s10], $0x80, $0x38;
	[tilespmem:$0x1C400] =	vst v63  }
0x97: {  	_ =	swait.ge [sflag:s30], $0x80  }
0x98: {  	[sflag:s30] =	ssyncset.done $0x0  }
0x99: {  	[sflag:s30] =	ssyncadd.s32 $0xFFFFFF80  }
0x9a: {  	_ =	swait.ge [sflag:s30], $0x80  }
0x9b: {  	[sflag:s30] =	ssyncset.done $0x0  }
0x9c: {  	[sflag:s30] =	ssyncadd.s32 $0xFFFFFF80  }
0x9d: {  	[tilespmem:s23], [sflag:$0x5] =	stream.indirect.gather [hbm4b:s4+s18], $0x80, s20, s18, $0xb8;
	[tilespmem:$0x1C400] =	vst v63  }
0x9e: {  	_ =	swait.ge [sflag:s31], $0x4000  }
0x9f: {  	[sflag:s31] =	ssyncset.done $0x0  }
0xa0: {  	[sflag:s31] =	ssyncadd.s32 $0xFFFFC000  }
0xa1: {  	[spmem:s1] =	stream.indirect.scatter.add.f32 [tilespmem:s28], [sflag:$0x7], $0x80, s19, s18, $0xb8;
	[tilespmem:$0x1C400] =	vst v63  }
0xa2: {  	_ =	swait.ge [sflag:s16], $0x4000  }
0xa3: {  	s11 =	rddreg [dreg:$0x7]  }
0xa4: {  	[sflag:s16] =	ssyncset.done $0x0;
	s12 =	rddreg [dreg:$0x6]  }
0xa5: {  	[sflag:s16] =	ssyncadd.s32 $0xFFFFC000;
	s13 =	sadd.s32 @!p1 s6, s11;
	s11 =	simm.s32 @!p1 $0x80  }
0xa6: {  	[tilespmem:s11], [sflag:$0x2] =	stream.linear.gather @!p1 [hbm4b:s13+s10], $0x80, $0x38;
	[tilespmem:$0x1C400] =	vst v63  }
0xa7: {  	s12 =	sadd.s32 @!p1 s6, s12;
	s13 =	simm.s32 @!p1 $0x280  }
0xa8: {  	[tilespmem:s13], [sflag:$0x2] =	stream.linear.gather @!p1 [hbm4b:s12+s10], $0x80, $0x38;
	[tilespmem:$0x1C400] =	vst v63  }
0xa9: {  	_ =	swait.ge [sflag:s0], $0x80  }
0xaa: {  	[sflag:s0] =	ssyncset.done $0x0  }
0xab: {  	[sflag:s0] =	ssyncadd.s32 $0xFFFFFF80  }
0xac: {  	_ =	swait.ge [sflag:s0], $0x80  }
0xad: {  	[sflag:s0] =	ssyncset.done $0x0  }
0xae: {  	[sflag:s0] =	ssyncadd.s32 $0xFFFFFF80  }
0xaf: {  	[tilespmem:s28], [sflag:$0x6] =	stream.indirect.gather [hbm4b:s4+s18], $0x80, s24, s18, $0xb8;
	[tilespmem:$0x1C400] =	vst v63  }
0xb0: {  	_ =	swait.ge [sflag:s29], $0x4000  }
0xb1: {  	[sflag:s29] =	ssyncset.done $0x0  }
0xb2: {  	[sflag:s29] =	ssyncadd.s32 $0xFFFFC000  }
0xb3: {  	[spmem:s1] =	stream.indirect.scatter.add.f32 [tilespmem:s23], [sflag:$0x7], $0x80, s21, s18, $0xb8;
	[tilespmem:$0x1C400] =	vst v63  }
0xb4: {  	_ =	swait.ge [sflag:s16], $0x4000  }
0xb5: {  	s14 =	simm.s32 @!p1 $0x100;
	s12 =	rddreg [dreg:$0x5];
	[sflag:s16] =	ssyncset.done $0x0  }
0xb6: {  	s13 =	rddreg [dreg:$0x4];
	[sflag:s16] =	ssyncadd.s32 $0xFFFFC000;
	s12 =	sadd.s32 @!p1 s6, s12  }
0xb7: {  	[tilespmem:s14], [sflag:$0x3] =	stream.linear.gather @!p1 [hbm4b:s12+s10], $0x80, $0x38;
	[tilespmem:$0x1C400] =	vst v63  }
0xb8: {  	s6 =	sadd.s32 @!p1 s6, s13;
	s13 =	simm.s32 @!p1 $0x1;
	s12 =	simm.s32 @!p1 $0x300  }
0xb9: {  	[tilespmem:s12], [sflag:$0x3] =	stream.linear.gather @!p1 [hbm4b:s6+s10], $0x80, $0x38;
	[tilespmem:$0x1C400] =	vst v63  }
0xba: {  	_ =	swait.ge @!p1 [sflag:s13], $0x80  }
0xbb: {  	[sflag:s13] =	ssyncset.done @!p1 $0x0  }
0xbc: {  	[sflag:s13] =	ssyncadd.s32 @!p1 $0xFFFFFF80  }
0xbd: {  	_ =	swait.ge @!p1 [sflag:s13], $0x80  }
0xbe: {  	s9 =	smov.u32 s8;
	s8 =	sadd.s32 $0x40, s8;
	[sflag:s13] =	ssyncset.done @!p1 $0x0  }
0xbf: {  	s6 =	smov.u32 s9;
	s9 =	simm.s32 @!p1 $0x400;
	[sflag:s13] =	ssyncadd.s32 @!p1 $0xFFFFFF80  }
0xc0: {  	[tilespmem:s9], [sflag:$0x5] =	stream.indirect.gather @!p1 [hbm4b:s4+s11], $0x80, s10, s11, $0xb8;
	[tilespmem:$0x1C400] =	vst v63  }
0xc1: {  	p0 =	sne.s32 s8, $0x500;
	_ =	swait.ge [sflag:s31], $0x4000  }
.Ltmp0:
0xc2: {  	[sflag:s31] =	ssyncset.done $0x0;
	(pc) =	sbr.rel @p0 .LBB2_2-.Ltmp0, $4  }
0xc3: {  	[sflag:s31] =	ssyncadd.s32 $0xFFFFC000  }
0xc4: {  	[spmem:s1] =	stream.indirect.scatter.add.f32 [tilespmem:s28], [sflag:$0x7], $0x80, s25, s18, $0xb8;
	[tilespmem:$0x1C400] =	vst v63  }
0xc5: {  	_ =	swait.ge [sflag:s16], $0x4000  }
0xc6: {  	s10 =	rddreg [dreg:$0xb];
	[sflag:s16] =	ssyncset.done $0x0  }
0xc7: {  	s8 =	rddreg [dreg:$0xa];
	[sflag:s16] =	ssyncadd.s32 $0xFFFFC000;
	s9 =	sadd.s32 s6, s10  }
0xc8: {  	[tilespmem:s24], [sflag:$0x4] =	stream.linear.gather [hbm4b:s9+s3], $0x80, $0x38;
	[tilespmem:$0x1C400] =	vst v63  }
0xc9: {  	s8 =	sadd.s32 s6, s8  }
0xca: {  	[tilespmem:s25], [sflag:$0x4] =	stream.linear.gather [hbm4b:s8+s3], $0x80, $0x38;
	[tilespmem:$0x1C400] =	vst v63  }
0xcb: {  	_ =	swait.ge [sflag:s26], $0x80  }
0xcc: {  	[sflag:s26] =	ssyncset.done $0x0  }
0xcd: {  	[sflag:s26] =	ssyncadd.s32 $0xFFFFFF80  }
0xce: {  	_ =	swait.ge [sflag:s26], $0x80  }
0xcf: {  	[sflag:s26] =	ssyncset.done $0x0  }
0xd0: {  	[sflag:s26] =	ssyncadd.s32 $0xFFFFFF80  }
0xd1: {  	[tilespmem:s28], [sflag:$0x6] =	stream.indirect.gather [hbm4b:s4+s18], $0x80, s18, s18, $0xb8;
	[tilespmem:$0x1C400] =	vst v63  }
0xd2: {  	_ =	swait.ge [sflag:s29], $0x4000  }
0xd3: {  	[sflag:s29] =	ssyncset.done $0x0  }
0xd4: {  	[sflag:s29] =	ssyncadd.s32 $0xFFFFC000  }
0xd5: {  	[spmem:s1] =	stream.indirect.scatter.add.f32 [tilespmem:s23], [sflag:$0x7], $0x80, s17, s18, $0xb8;
	[tilespmem:$0x1C400] =	vst v63  }
0xd6: {  	p0 =	seq.s32 s6, $0x4C0;
	_ =	swait.ge [sflag:s16], $0x4000  }
0xd7: {  	s10 =	simm.s32 @!p0 $0x0;
	s8 =	rddreg [dreg:$0x9];
	[sflag:s16] =	ssyncset.done $0x0  }
0xd8: {  	s9 =	rddreg [dreg:$0x8];
	[sflag:s16] =	ssyncadd.s32 $0xFFFFC000;
	s8 =	sadd.s32 @!p0 s6, s8  }
0xd9: {  	[tilespmem:s10], [sflag:$0x1] =	stream.linear.gather @!p0 [hbm4b:s8+s10], $0x80, $0x38;
	[tilespmem:$0x1C400] =	vst v63  }
0xda: {  	s8 =	sadd.s32 @!p0 s6, s9;
	s9 =	simm.s32 @!p0 $0x200  }
0xdb: {  	[tilespmem:s9], [sflag:$0x1] =	stream.linear.gather @!p0 [hbm4b:s8+s10], $0x80, $0x38;
	[tilespmem:$0x1C400] =	vst v63  }
0xdc: {  	_ =	swait.ge [sflag:s30], $0x80  }
0xdd: {  	[sflag:s30] =	ssyncset.done $0x0  }
0xde: {  	[sflag:s30] =	ssyncadd.s32 $0xFFFFFF80  }
0xdf: {  	_ =	swait.ge [sflag:s30], $0x80  }
0xe0: {  	[sflag:s30] =	ssyncset.done $0x0  }
0xe1: {  	[sflag:s30] =	ssyncadd.s32 $0xFFFFFF80  }
0xe2: {  	[tilespmem:s23], [sflag:$0x5] =	stream.indirect.gather [hbm4b:s4+s18], $0x80, s20, s18, $0xb8;
	[tilespmem:$0x1C400] =	vst v63  }
0xe3: {  	_ =	swait.ge [sflag:s31], $0x4000  }
0xe4: {  	[sflag:s31] =	ssyncset.done $0x0  }
0xe5: {  	[sflag:s31] =	ssyncadd.s32 $0xFFFFC000  }
0xe6: {  	[spmem:s1] =	stream.indirect.scatter.add.f32 [tilespmem:s28], [sflag:$0x7], $0x80, s19, s18, $0xb8;
	[tilespmem:$0x1C400] =	vst v63  }
0xe7: {  	_ =	swait.ge [sflag:s16], $0x4000  }
0xe8: {  	s11 =	simm.s32 @!p0 $0x80;
	s8 =	rddreg [dreg:$0x7];
	[sflag:s16] =	ssyncset.done $0x0  }
0xe9: {  	s9 =	rddreg [dreg:$0x6];
	[sflag:s16] =	ssyncadd.s32 $0xFFFFC000;
	s8 =	sadd.s32 @!p0 s6, s8  }
0xea: {  	[tilespmem:s11], [sflag:$0x2] =	stream.linear.gather @!p0 [hbm4b:s8+s10], $0x80, $0x38;
	[tilespmem:$0x1C400] =	vst v63  }
0xeb: {  	s8 =	sadd.s32 @!p0 s6, s9;
	s9 =	simm.s32 @!p0 $0x280  }
0xec: {  	[tilespmem:s9], [sflag:$0x2] =	stream.linear.gather @!p0 [hbm4b:s8+s10], $0x80, $0x38;
	[tilespmem:$0x1C400] =	vst v63  }
0xed: {  	_ =	swait.ge [sflag:s0], $0x80  }
0xee: {  	[sflag:s0] =	ssyncset.done $0x0  }
0xef: {  	[sflag:s0] =	ssyncadd.s32 $0xFFFFFF80  }
0xf0: {  	_ =	swait.ge [sflag:s0], $0x80  }
0xf1: {  	[sflag:s0] =	ssyncset.done $0x0  }
0xf2: {  	[sflag:s0] =	ssyncadd.s32 $0xFFFFFF80  }
0xf3: {  	[tilespmem:s28], [sflag:$0x6] =	stream.indirect.gather [hbm4b:s4+s18], $0x80, s24, s18, $0xb8;
	[tilespmem:$0x1C400] =	vst v63  }
0xf4: {  	_ =	swait.ge [sflag:s29], $0x4000  }
0xf5: {  	[sflag:s29] =	ssyncset.done $0x0  }
0xf6: {  	[sflag:s29] =	ssyncadd.s32 $0xFFFFC000  }
0xf7: {  	[spmem:s1] =	stream.indirect.scatter.add.f32 [tilespmem:s23], [sflag:$0x7], $0x80, s21, s18, $0xb8;
	[tilespmem:$0x1C400] =	vst v63  }
0xf8: {  	_ =	swait.ge [sflag:s16], $0x4000  }
0xf9: {  	s12 =	simm.s32 @!p0 $0x100;
	s8 =	rddreg [dreg:$0x5];
	[sflag:s16] =	ssyncset.done $0x0  }
0xfa: {  	s9 =	rddreg [dreg:$0x4];
	[sflag:s16] =	ssyncadd.s32 $0xFFFFC000;
	s8 =	sadd.s32 @!p0 s6, s8  }
0xfb: {  	[tilespmem:s12], [sflag:$0x3] =	stream.linear.gather @!p0 [hbm4b:s8+s10], $0x80, $0x38;
	[tilespmem:$0x1C400] =	vst v63  }
0xfc: {  	s6 =	sadd.s32 @!p0 s6, s9;
	s8 =	simm.s32 @!p0 $0x300  }
0xfd: {  	[tilespmem:s8], [sflag:$0x3] =	stream.linear.gather @!p0 [hbm4b:s6+s10], $0x80, $0x38;
	[tilespmem:$0x1C400] =	vst v63  }
0xfe: {  	s6 =	simm.s32 @!p0 $0x1  }
0xff: {  	_ =	swait.ge @!p0 [sflag:s6], $0x80  }
0x100: {  	[sflag:s6] =	ssyncset.done @!p0 $0x0  }
0x101: {  	[sflag:s6] =	ssyncadd.s32 @!p0 $0xFFFFFF80  }
0x102: {  	_ =	swait.ge @!p0 [sflag:s6], $0x80  }
0x103: {  	[sflag:s6] =	ssyncset.done @!p0 $0x0  }
0x104: {  	[sflag:s6] =	ssyncadd.s32 @!p0 $0xFFFFFF80;
	s6 =	simm.s32 @!p0 $0x400  }
0x105: {  	[tilespmem:s6], [sflag:$0x5] =	stream.indirect.gather @!p0 [hbm4b:s4+s11], $0x80, s10, s11, $0xb8;
	[tilespmem:$0x1C400] =	vst v63  }
0x106: {  	_ =	swait.ge [sflag:s31], $0x4000  }
0x107: {  	[sflag:s31] =	ssyncset.done $0x0  }
0x108: {  	[sflag:s31] =	ssyncadd.s32 $0xFFFFC000  }
0x109: {  	[spmem:s1] =	stream.indirect.scatter.add.f32 [tilespmem:s28], [sflag:$0x7], $0x80, s25, s18, $0xb8;
	[tilespmem:$0x1C400] =	vst v63  }
0x10a: {  	_ =	swait.ge [sflag:s16], $0x4000  }
0x10b: {  	[sflag:s16] =	ssyncset.done $0x0  }
0x10c: {  	s2 =	sadd.s32 $0x1, s2;
	[sflag:s16] =	ssyncadd.s32 $0xFFFFC000  }
0x10d: {  	p0 =	sne.s32 s2, s15;
	[bflag:$0x0] =	sbarrier.arrive $0xFFFF  }
.Ltmp1:
0x10e: {  	s14 =	rddreg [dreg:$0x14];
	(pc) =	sbr.rel @p0 .LBB2_1-.Ltmp1, $4  }
0x10f: {  	[hbm:s14], [sflag:s7] =	dma.local [spmem:s5], $0x2800  }
0x110: {  	_ =	swait.ge [sflag:s16], $0x2800  }
0x111: {  	[sflag:s16] =	ssyncset.done $0x0  }
0x112: {  	[sflag:s16] =	ssyncadd.s32 $0xFFFFD800  }
0x113: {  	_ =	sfence.sel $0x180000  }
0x114: {  	[bflag:$0x0] =	sbarrier.arrive $0xFFFF  }
0x115: {  	_ =	strace $0x90000050  }
0x116: {  	s0 =	stileid.u32;
	[bflag:$0x2] =	sbarrier.arrive $0xFFFF  }
0x117: {  	p0 =	sne.s32 s0, $0x0;
	s0 =	rddreg [dreg:$0x3]  }
0x118: {  	s0 =	sadd.s32 @!p0 $0x100000, s0  }
0x119: {  	[sflag:s0] =	ssyncadd.tile.s32 @!p0 $0x1;
	_ =	shalt  }
.Lfunc_end2:
_tile_overlayer_lowered:
.L_overlay_start_2:
0x11a: {  	(tag) =	ssettag $0x2  }
0x11b: {  	s0 =	rddreg [dreg:$0x0];
	s2 =	stileid.u32  }
0x11c: {  	s1 =	rddreg [dreg:$0x1];
	p0 =	sne.s32 s2, $0x0  }
0x11d: {  	s3 =	rddreg [dreg:$0x2];
	[bflag:$0x3] =	sbarrier.arrive $0xFFFF;
	s2 =	simm.s32 @!p0 $0x1C07  }
0x11e: {  	[timem:s3], [sflag:s2] =	dma.local @!p0 [hbm:s0], s1  }
0x11f: {  	s0 =	simm.s32 @!p0 $0x7  }
0x120: {  	_ =	swait.ge @!p0 [sflag:s0], s1  }
0x121: {  	s1 =	ssub.s32 @!p0 $0x0, s1;
	[sflag:s0] =	ssyncset.done @!p0 $0x0  }
0x122: {  	[sflag:s0] =	ssyncadd.s32 @!p0 s1  }
0x123: {  	[bflag:$0x3] =	sbarrier.arrive $0xFFFF  }
0x124: {  	_ =	shalt  }

// kernel: kernel.25.cloned.1.call-start
scs
__scs_entry_jumppad:
0x0: {  	(pc) =	sbr.rel $0x88, $3  }
0x1: {  	(tag) =	ssettag $0x0;
	lr =	simm.s32 $0x1  }
0x2: {  	[smem:$0x3F97] =	sst lr;
	_ =	strace $0xD0000000  }
0x3: {  	_ = 	snop  }
0x4: {  	_ = 	snop  }
0x5: {  	_ = 	snop  }
0x6: {  	_ = 	snop  }
0x7: {  	_ = 	snop  }
__scs_overlays_trampoline_lowered:
0x8: {  	[smem:$0x3FA6] =	sst s0  }
0x9: {  	[smem:$0x3FA7] =	sst s1  }
0xa: {  	[smem:$0x3FA8] =	sst s2  }
0xb: {  	[smem:$0x3FA9] =	sst s3  }
0xc: {  	[smem:$0x3FAA] =	sst s4  }
0xd: {  	[smem:$0x3FAB] =	sst s5  }
0xe: {  	[smem:$0x3FAC] =	sst s6  }
0xf: {  	[smem:$0x3FAD] =	sst s7  }
0x10: {  	[smem:$0x3FAE] =	sst s8  }
0x11: {  	[smem:$0x3FAF] =	sst s9;
	s0 =	simm.s32 @!p0 $0x0  }
0x12: {  	s1 =	sld [smem:$0x3F95];
	s0 =	simm.s32 @p0 $0x1  }
0x13: {  	[smem:$0x3FB0] =	sst s0;
	s0 =	simm.s32 @!p1 $0x0  }
0x14: {  	s2 =	sld [smem:$0x3F94];
	s0 =	simm.s32 @p1 $0x1  }
0x15: {  	[smem:$0x3FB1] =	sst s0;
	s0 =	simm.s32 @!p2 $0x0  }
0x16: {  	s3 =	sld [smem:$0x3FDB];
	s0 =	simm.s32 @p2 $0x1  }
0x17: {  	s4 =	simm.s32 $0x1BF5;
	[smem:$0x3FB3] =	sst s0  }
0x18: {  	s0 =	sld [smem:$0x3F96];
	_ =	swait.ge [sflag:s4], $0x0  }
0x19: {  	s7 =	sld [smem:$0x3F97]  }
0x1a: {  	s8 =	sadd.s32 $0xFFFFE003, lr  }
0x1b: {  	s9 =	sadd.s32 $0xFFFFFEF7, lr;
	s5 =	simm.s32 $0xFFFFFFFF;
	p2 =	slt.u32 s8, $0xFFFFF086  }
0x1c: {  	p1 =	slt.u32 s9, $0xF7A;
	s5 =	simm.s32 @!p2 $0x0  }
0x1d: {  	s5 =	simm.s32 @p1 $0x1;
	p0 =	seq.s32 s7, s2  }
0x1e: {  	s7 =	smul.u32 @!p0 $0xF7A, s2;
	p2 =	seq.s32 @!p0 s5, $0x0  }
0x1f: {  	s9 =	smul.u32 $0xF7A, s1;
	s8 =	simm.s32 @!p0 $0x1BF5;
	p2 =	por !p2, p0  }
0x20: {  	[sflag:s8] =	ssyncset.s32 @!p0 $0xFFFFF086;
	s6 =	sadd.s32 @!p0 s3, s7;
	s7 =	simm.s32 @!p0 $0x108  }
0x21: {  	s3 =	sadd.s32 s3, s9;
	s6 =	sadd.s32 @!p0 $0x88, s6;
	s7 =	simm.s32 @p2 $0x1082  }
0x22: {  	[simem:s7], [sflag:s8] =	dma.local @!p0 [hbm:s6], $0xF7A  }
0x23: {  	s9 =	sor.u32 $0xD0000000, s2;
	s6 =	simm.s32 $0x108;
	_ =	swait.ge @!p0 [sflag:s8], $0x0  }
0x24: {  	s3 =	sadd.s32 $0x88, s3;
	s6 =	simm.s32 @!p1 $0x1082;
	[sflag:s4] =	ssyncset.s32 $0xFFFFF086  }
0x25: {  	[simem:s6], [sflag:s4] =	dma.local [hbm:s3], $0xF7A  }
0x26: {  	[smem:$0x3F97] =	sst s1;
	(tag) =	ssettag s2;
	_ =	strace s9  }
0x27: {  	s1 =	sld [smem:$0x3FA7]  }
0x28: {  	s2 =	sld [smem:$0x3FA8]  }
0x29: {  	s4 =	sld [smem:$0x3FAA]  }
0x2a: {  	p0 =	seq.s32 s5, $0x0;
	s5 =	sld [smem:$0x3FAB]  }
0x2b: {  	s6 =	sld [smem:$0x3FAC]  }
0x2c: {  	s7 =	sld [smem:$0x3FAD]  }
0x2d: {  	s3 =	simm.s32 $0x108;
	s8 =	sld [smem:$0x3FAE]  }
0x2e: {  	s3 =	simm.s32 @!p0 $0x1082;
	s9 =	sld [smem:$0x3FAF]  }
0x2f: {  	lr =	sadd.s32 s0, s3;
	s0 =	sld [smem:$0x3FA6]  }
0x30: {  	s3 =	sld [smem:$0x3FA9]  }
0x31: {  	[smem:$0x3FB2] =	sst s10  }
0x32: {  	s10 =	sld [smem:$0x3FB0];
	_ =	sdelay $0x3  }
0x33: {  	p0 =	seq.s32 s10, $0x1;
	s10 =	sld [smem:$0x3FB2];
	_ =	sdelay $0x3  }
0x34: {  	[smem:$0x3FB2] =	sst s10  }
0x35: {  	s10 =	sld [smem:$0x3FB1];
	_ =	sdelay $0x3  }
0x36: {  	p1 =	seq.s32 s10, $0x1;
	s10 =	sld [smem:$0x3FB2];
	_ =	sdelay $0x3  }
0x37: {  	[smem:$0x3FB2] =	sst s10  }
0x38: {  	s10 =	sld [smem:$0x3FB3]  }
0x39: {  	_ = 	snop;
	(pc) =	sbr.ind lr, $3  }
0x3a: {  	_ = 	snop  }
0x3b: {  	_ = 	snop  }
0x3c: {  	p2 =	seq.s32 s10, $0x1;
	s10 =	sld [smem:$0x3FB2]  }
0x3d: {  	_ =	shalt  }
0x3e: {  	_ =	shalt  }
0x3f: {  	_ =	shalt  }
0x40: {  	_ =	shalt  }
0x41: {  	_ =	shalt  }
0x42: {  	_ =	shalt  }
0x43: {  	_ =	shalt  }
0x44: {  	_ =	shalt  }
0x45: {  	_ =	shalt  }
0x46: {  	_ =	shalt  }
0x47: {  	_ =	shalt  }
0x48: {  	_ =	shalt  }
0x49: {  	_ =	shalt  }
0x4a: {  	_ =	shalt  }
0x4b: {  	_ =	shalt  }
0x4c: {  	_ =	shalt  }
0x4d: {  	_ =	shalt  }
0x4e: {  	_ =	shalt  }
0x4f: {  	_ =	shalt  }
0x50: {  	_ =	shalt  }
0x51: {  	_ =	shalt  }
0x52: {  	_ =	shalt  }
0x53: {  	_ =	shalt  }
0x54: {  	_ =	shalt  }
0x55: {  	_ =	shalt  }
0x56: {  	_ =	shalt  }
0x57: {  	_ =	shalt  }
0x58: {  	_ =	shalt  }
0x59: {  	_ =	shalt  }
0x5a: {  	_ =	shalt  }
0x5b: {  	_ =	shalt  }
0x5c: {  	_ =	shalt  }
0x5d: {  	_ =	shalt  }
0x5e: {  	_ =	shalt  }
0x5f: {  	_ =	shalt  }
0x60: {  	_ =	shalt  }
0x61: {  	_ =	shalt  }
0x62: {  	_ =	shalt  }
0x63: {  	_ =	shalt  }
0x64: {  	_ =	shalt  }
0x65: {  	_ =	shalt  }
0x66: {  	_ =	shalt  }
0x67: {  	_ =	shalt  }
0x68: {  	_ =	shalt  }
0x69: {  	_ =	shalt  }
0x6a: {  	_ =	shalt  }
0x6b: {  	_ =	shalt  }
0x6c: {  	_ =	shalt  }
0x6d: {  	_ =	shalt  }
0x6e: {  	_ =	shalt  }
0x6f: {  	_ =	shalt  }
0x70: {  	_ =	shalt  }
0x71: {  	_ =	shalt  }
0x72: {  	_ =	shalt  }
0x73: {  	_ =	shalt  }
0x74: {  	_ =	shalt  }
0x75: {  	_ =	shalt  }
0x76: {  	_ =	shalt  }
0x77: {  	_ =	shalt  }
0x78: {  	_ =	shalt  }
0x79: {  	_ =	shalt  }
0x7a: {  	_ =	shalt  }
0x7b: {  	_ =	shalt  }
0x7c: {  	_ =	shalt  }
0x7d: {  	_ =	shalt  }
0x7e: {  	_ =	shalt  }
0x7f: {  	_ =	shalt  }
0x80: {  	_ =	shalt  }
0x81: {  	_ =	shalt  }
0x82: {  	_ =	shalt  }
0x83: {  	_ =	shalt  }
0x84: {  	_ =	shalt  }
0x85: {  	_ =	shalt  }
0x86: {  	_ =	shalt  }
0x87: {  	_ =	shalt  }
.Lfunc_end0:
.L_simem_size_0:
called_computation.4_lowered:
.L_overlay_start_0:
0x88: {  	s2 =	sld [smem:$0x3FD9]  }
0x89: {  	s3 =	sld [smem:$0x3FFE];
	_ =	sdelay $0x1  }
0x8a: {  	s1 =	srdreg.scid  }
0x8b: {  	s0 =	sand.u32 $0x1, s1  }
0x8c: {  	s17 =	sshll.u32 s0, $0xA;
	s2 =	sadd.s32 s3, s2  }
0x8d: {  	s2 =	sadd.s32 s2, s17  }
0x8e: {  	[smem:$0x3FBE] =	sst s2  }
0x8f: {  	_ = 	snop  }
0x90: {  	s2 =	sld [smem:$0x3FD0];
	(tm) =	ssettm $0x1  }
0x91: {  	s18 =	sld [smem:$0x3FFB];
	_ =	sdelay $0x3  }
0x92: {  	_ =	strace s18  }
0x93: {  	s3 =	sld [smem:$0x3FFC];
	_ =	sdelay $0x3  }
0x94: {  	_ =	strace s3  }
0x95: {  	s3 =	sld [smem:$0x3FFD];
	_ =	sdelay $0x3  }
0x96: {  	_ =	strace s3  }
0x97: {  	_ =	strace $0x8FFFFFFF  }
0x98: {  	s19 =	sld [smem:$0x3FDB];
	_ =	sdelay $0x1  }
0x99: {  	s4 =	simm.s32 $_scs_section_size  }
0x9a: {  	s5 =	simm.s32 $_size__tile_overlayer_lowered;
	s6 =	simm.s32 $_tile_overlayer_lowered  }
0x9b: {  	s22 =	simm.s32 $0x1BFF;
	s21 =	sshll.u32 s6, $0x1;
	s3 =	sadd.s32 s4, s19  }
0x9c: {  	s7 =	simm.s32 $0x0;
	s20 =	sshll.u32 s5, $0x1;
	s5 =	sadd.s32 s21, s3  }
0x9d: {  	[timem:s7], [sflag:s22] =	dma.local [hbm:s5], s20  }
0x9e: {  	_ =	swait.ge [sflag:s22], s20  }
0x9f: {  	s4 =	ssub.s32 $0x0, s20;
	[sflag:s22] =	ssyncset.done $0x0  }
0xa0: {  	[sflag:s22] =	ssyncadd.s32 s4;
	_ =	sdelay $0x1  }
0xa1: {  	s23 =	simm.s32 $0x1B8B  }
0xa2: {  	_ =	swait.ge [sflag:s23], $0x1  }
0xa3: {  	[sflag:s23] =	ssyncset.done $0x0  }
0xa4: {  	s25 =	simm.s32 $0x1B8E;
	s24 =	sld [smem:$0x3FFE];
	[sflag:s23] =	ssyncadd.s32 $0xFFFFFFFF  }
0xa5: {  	s26 =	simm.s32 $execute0_lowered;
	[smem:$0x3FD2] =	sst s25  }
0xa6: {  	s5 =	sshll.u32 s26, $0x1;
	_ =	strace $0x80000052;
	[dreg:$0x1] =	wrdreg $0xFFFFFFFF  }
0xa7: {  	s28 =	simm.s32 $_size_execute0_lowered;
	s3 =	sadd.s32 s3, s5;
	[dreg:$0x0] =	wrdreg $0x0  }
0xa8: {  	s5 =	sshll.u32 s28, $0x1;
	[dreg:$0x2] =	wrdreg s3  }
0xa9: {  	[dreg:$0x3] =	wrdreg s5  }
0xaa: {  	[dreg:$0x4] =	wrdreg $0xC0  }
0xab: {  	_ =	task [dreg:s7], $0x5FFFF  }
0xac: {  	[dreg:$0x1] =	wrdreg $0xFFFFFFFF  }
0xad: {  	[dreg:$0x0] =	wrdreg $0x60  }
0xae: {  	[dreg:$0x2] =	wrdreg s24  }
0xaf: {  	[dreg:$0x3] =	wrdreg s2  }
0xb0: {  	[dreg:$0x4] =	wrdreg $0x84000  }
0xb1: {  	[dreg:$0x5] =	wrdreg $0x9  }
0xb2: {  	_ =	task.clear_ibuf [dreg:s7], $0x6FFFF;
	_ =	strace $0x90000052  }
0xb3: {  	s29 =	simm.s32 $0x9;
	_ =	strace $0x80000054  }
0xb4: {  	_ =	swait.ge [sflag:s29], $0x1  }
0xb5: {  	[sflag:s29] =	ssyncadd.s32 $0xFFFFFFFF  }
0xb6: {  	_ =	strace $0x90000054  }
0xb7: {  	_ =	sfence  }
0xb8: {  	s30 =	sld [smem:$0x0];
	_ =	sdelay $0x2  }
0xb9: {  	s31 =	sshll.u32 s1, $0xD;
	s1 =	sshrl.u32 s1, $0x2  }
0xba: {  	s3 =	sand.u32 $0x4000, s31;
	s1 =	sadd.s32 s1, s30  }
0xbb: {  	s0 =	sor.u32 s3, s0;
	s1 =	sshll.u32 s1, $0x11  }
0xbc: {  	s0 =	sor.u32 s1, s0  }
0xbd: {  	s0 =	sadd.s32 $0x8F2B, s0  }
0xbe: {  	[sflag:s0] =	ssyncadd.remote.s32 $0x1  }
0xbf: {  	_ =	sfence.sel $0xFFFF  }
0xc0: {  	[dreg:$0x0] =	wrdreg $0xFFFFFFFF;
	(pc) =	sbr.abs _section_cstart, $3  }
0xc1: {  	[dreg:$0x1] =	wrdreg $0xFFFFFFFF  }
0xc2: {  	_ =	task.clear_ibuf [dreg:s7], $0x2FFFF;
	_ =	strace $0x9FFFFFFF  }
0xc3: {  	(tm) =	ssettm $0x7FFFFFFF  }
tec
execute0_lowered:
.L_overlay_start_1:
0x0: {  	(tag) =	ssettag $0x1  }
0x1: {  	s0 =	rddreg [dreg:$0x0]  }
0x2: {  	s2 =	rddreg [dreg:$0x1]  }
0x3: {  	s1 =	rddreg [dreg:$0x2]  }
0x4: {  	s3 =	srdreg.scid;
	s12 =	stileid.u32  }
0x5: {  	s28 =	simm.s32 $0x4400;
	s29 =	simm.s32 $0x5;
	s30 =	simm.s32 $0x3  }
0x6: {  	s31 =	simm.s32 $0x6;
	s5 =	sand.u32 $0x1, s3;
	s3 =	simm.s32 $0x0  }
0x7: {  	s7 =	smul.u32 $0x14000, s12;
	s4 =	sadd.s32 $0x4C00, s0;
	s8 =	sadd.s32 $0x57C00, s0  }
0x8: {  	s17 =	sadd.s32 $0x54C00, s0;
	s10 =	smul.u32 $0x50000, s12;
	s21 =	sshll.u32 s12, $0x6  }
0x9: {  	s6 =	smul.u32 $0x140000, s5;
	[smem:$0x7FF] =	sst s3;
	s18 =	sshll.u32 s5, $0x4  }
0xa: {  	s9 =	ssub.s32 $0x2, s5;
	s5 =	smul.u32 $0x28000, s5;
	_ =	strace $0x80000053  }
0xb: {  	[dreg:$0xc] =	wrdreg s17;
	s19 =	sshrl.u32 s9, $0x1;
	s20 =	sshrl.u32 s10, $0x2  }
0xc: {  	s6 =	sadd.s32 s7, s6;
	s7 =	sor.u32 s12, s18;
	s12 =	smul.u32 $0x2800, s12  }
0xd: {  	s22 =	sadd.s32 s20, s1;
	s6 =	sshrl.u32 s6, $0x3;
	s7 =	smul.u32 $0x2800, s7  }
0xe: {  	[dreg:$0xd] =	wrdreg s22;
	s0 =	sadd.s32 s6, s0;
	s6 =	ssub.s32 s9, s19  }
0xf: {  	s5 =	sadd.s32 s12, s5;
	s11 =	sshrl.u32 s7, $0x3;
	s7 =	sor.u32 $0x1C07, s21  }
0x10: {  	s13 =	sor.u32 $0x300, s5;
	s17 =	sor.u32 $0x280, s5;
	s20 =	sor.u32 $0x200, s5  }
0x11: {  	s5 =	sor.u32 $0x180, s5;
	s0 =	sadd.s32 $0x61C00, s0;
	s23 =	sadd.s32 s8, s11  }
0x12: {  	s24 =	sadd.s32 s2, s11;
	s25 =	sor.u32 $0x10, s11;
	[dreg:$0x14] =	wrdreg s0  }
0x13: {  	s12 =	sor.u32 $0x20, s11;
	s15 =	sshrl.u32 s13, $0x3;
	[dreg:$0xe] =	wrdreg s23  }
0x14: {  	s18 =	sshrl.u32 s17, $0x3;
	[dreg:$0xf] =	wrdreg s24;
	s26 =	sadd.s32 s8, s25  }
0x15: {  	s22 =	sshrl.u32 s20, $0x3;
	s9 =	sadd.s32 s2, s25;
	[dreg:$0x10] =	wrdreg s26  }
0x16: {  	s5 =	sshrl.u32 s5, $0x3;
	s14 =	sadd.s32 s8, s12;
	[dreg:$0x11] =	wrdreg s9  }
0x17: {  	s17 =	simm.s32 $0x200;
	s10 =	sadd.s32 s2, s12;
	[dreg:$0x12] =	wrdreg s14  }
0x18: {  	s20 =	simm.s32 $0x100;
	s16 =	sadd.s32 s15, s2;
	[dreg:$0x13] =	wrdreg s10  }
0x19: {  	s0 =	simm.s32 $0x4;
	s19 =	sadd.s32 s18, s2;
	[dreg:$0x4] =	wrdreg s16  }
0x1a: {  	s21 =	sadd.s32 s18, s8;
	s23 =	sadd.s32 s22, s2;
	[dreg:$0x6] =	wrdreg s19  }
0x1b: {  	s24 =	sadd.s32 s22, s8;
	s25 =	sadd.s32 s5, s2;
	[dreg:$0x7] =	wrdreg s21  }
0x1c: {  	s18 =	simm.s32 $0x80;
	s22 =	simm.s32 $0x1;
	[dreg:$0x8] =	wrdreg s23  }
0x1d: {  	s2 =	simm.s32 $0x0;
	s9 =	sadd.s32 s15, s8;
	[dreg:$0x9] =	wrdreg s24  }
0x1e: {  	s15 =	smax.u32 s6, $0x1;
	[dreg:$0xa] =	wrdreg s25;
	s26 =	sadd.s32 s5, s8  }
0x1f: {  	s16 =	simm.s32 $0x7;
	s19 =	simm.s32 $0x280;
	s21 =	simm.s32 $0x300  }
0x20: {  	s23 =	simm.s32 $0x400;
	s24 =	simm.s32 $0x180;
	[dreg:$0x5] =	wrdreg s9  }
0x21: {  	s25 =	simm.s32 $0x380;
	[dreg:$0xb] =	wrdreg s26;
	s26 =	simm.s32 $0x2  }
.LBB2_1:
0x22: {  	s5 =	rddreg [dreg:$0xd]  }
0x23: {  	s6 =	rddreg [dreg:$0xc];
	s5 =	sshrl.u32 s5, $0x3  }
0x24: {  	[spmem:s5], [sflag:s7] =	dma.local [hbm:s6], $0x2800  }
0x25: {  	_ =	swait.ge [sflag:s16], $0x2800  }
0x26: {  	[sflag:s16] =	ssyncset.done $0x0  }
0x27: {  	[sflag:s16] =	ssyncadd.s32 $0xFFFFD800  }
0x28: {  	[bflag:$0x0] =	sbarrier.arrive $0xFFFF  }
0x29: {  	s14 =	rddreg [dreg:$0xe]  }
0x2a: {  	[tilespmem:s3], [sflag:$0x1] =	stream.linear.gather [hbm4b:s14+s3], $0x80, $0x38;
	[tilespmem:$0x1C400] =	vst v63  }
0x2b: {  	s8 =	rddreg [dreg:$0xf]  }
0x2c: {  	[tilespmem:s17], [sflag:$0x1] =	stream.linear.gather [hbm4b:s8+s3], $0x80, $0x38;
	[tilespmem:$0x1C400] =	vst v63  }
0x2d: {  	s9 =	rddreg [dreg:$0x10]  }
0x2e: {  	[tilespmem:s18], [sflag:$0x2] =	stream.linear.gather [hbm4b:s9+s3], $0x80, $0x38;
	[tilespmem:$0x1C400] =	vst v63  }
0x2f: {  	s10 =	rddreg [dreg:$0x11]  }
0x30: {  	[tilespmem:s19], [sflag:$0x2] =	stream.linear.gather [hbm4b:s10+s3], $0x80, $0x38;
	[tilespmem:$0x1C400] =	vst v63  }
0x31: {  	s11 =	rddreg [dreg:$0x12]  }
0x32: {  	[tilespmem:s20], [sflag:$0x3] =	stream.linear.gather [hbm4b:s11+s3], $0x80, $0x38;
	[tilespmem:$0x1C400] =	vst v63  }
0x33: {  	s12 =	rddreg [dreg:$0x13]  }
0x34: {  	[tilespmem:s21], [sflag:$0x3] =	stream.linear.gather [hbm4b:s12+s3], $0x80, $0x38;
	[tilespmem:$0x1C400] =	vst v63  }
0x35: {  	_ =	swait.ge [sflag:s22], $0x80  }
0x36: {  	[sflag:s22] =	ssyncset.done $0x0  }
0x37: {  	[sflag:s22] =	ssyncadd.s32 $0xFFFFFF80  }
0x38: {  	_ =	swait.ge [sflag:s22], $0x80  }
0x39: {  	[sflag:s22] =	ssyncset.done $0x0  }
0x3a: {  	s13 =	rddreg [dreg:$0xb];
	[sflag:s22] =	ssyncadd.s32 $0xFFFFFF80  }
0x3b: {  	[tilespmem:s23], [sflag:$0x5] =	stream.indirect.gather [hbm4b:s4+s18], $0x80, s3, s18, $0xb8;
	[tilespmem:$0x1C400] =	vst v63  }
0x3c: {  	s8 =	rddreg [dreg:$0xa];
	s6 =	sadd.s32 $0x0, s13  }
0x3d: {  	[tilespmem:s24], [sflag:$0x4] =	stream.linear.gather [hbm4b:s6+s3], $0x80, $0x38;
	[tilespmem:$0x1C400] =	vst v63  }
0x3e: {  	s14 =	sadd.s32 $0x0, s8  }
0x3f: {  	[tilespmem:s25], [sflag:$0x4] =	stream.linear.gather [hbm4b:s14+s3], $0x80, $0x38;
	[tilespmem:$0x1C400] =	vst v63  }
0x40: {  	_ =	swait.ge [sflag:s26], $0x80  }
0x41: {  	[sflag:s26] =	ssyncset.done $0x0  }
0x42: {  	[sflag:s26] =	ssyncadd.s32 $0xFFFFFF80  }
0x43: {  	_ =	swait.ge [sflag:s26], $0x80  }
0x44: {  	[sflag:s26] =	ssyncset.done $0x0  }
0x45: {  	[sflag:s26] =	ssyncadd.s32 $0xFFFFFF80  }
0x46: {  	[tilespmem:s28], [sflag:$0x6] =	stream.indirect.gather [hbm4b:s4+s18], $0x80, s18, s18, $0xb8;
	[tilespmem:$0x1C400] =	vst v63  }
0x47: {  	_ =	swait.ge [sflag:s29], $0x4000  }
0x48: {  	[sflag:s29] =	ssyncset.done $0x0  }
0x49: {  	[sflag:s29] =	ssyncadd.s32 $0xFFFFC000  }
0x4a: {  	[spmem:s1] =	stream.indirect.scatter.add.f32 [tilespmem:s23], [sflag:$0x7], $0x80, s17, s18, $0xb8;
	[tilespmem:$0x1C400] =	vst v63  }
0x4b: {  	p0 =	por $0x0, $0x0;
	_ =	swait.ge [sflag:s16], $0x4000  }
0x4c: {  	s9 =	simm.s32 @!p0 $0x0;
	s6 =	rddreg [dreg:$0x9];
	[sflag:s16] =	ssyncset.done $0x0  }
0x4d: {  	s8 =	rddreg [dreg:$0x8];
	[sflag:s16] =	ssyncadd.s32 $0xFFFFC000;
	s6 =	sadd.s32 @!p0 $0x0, s6  }
0x4e: {  	[tilespmem:s9], [sflag:$0x1] =	stream.linear.gather @!p0 [hbm4b:s6+s9], $0x80, $0x38;
	[tilespmem:$0x1C400] =	vst v63  }
0x4f: {  	s6 =	sadd.s32 @!p0 $0x0, s8;
	s8 =	simm.s32 @!p0 $0x200  }
0x50: {  	[tilespmem:s8], [sflag:$0x1] =	stream.linear.gather @!p0 [hbm4b:s6+s9], $0x80, $0x38;
	[tilespmem:$0x1C400] =	vst v63  }
0x51: {  	_ =	swait.ge [sflag:s30], $0x80  }
0x52: {  	[sflag:s30] =	ssyncset.done $0x0  }
0x53: {  	[sflag:s30] =	ssyncadd.s32 $0xFFFFFF80  }
0x54: {  	_ =	swait.ge [sflag:s30], $0x80  }
0x55: {  	[sflag:s30] =	ssyncset.done $0x0  }
0x56: {  	[sflag:s30] =	ssyncadd.s32 $0xFFFFFF80  }
0x57: {  	[tilespmem:s23], [sflag:$0x5] =	stream.indirect.gather [hbm4b:s4+s18], $0x80, s20, s18, $0xb8;
	[tilespmem:$0x1C400] =	vst v63  }
0x58: {  	_ =	swait.ge [sflag:s31], $0x4000  }
0x59: {  	[sflag:s31] =	ssyncset.done $0x0  }
0x5a: {  	[sflag:s31] =	ssyncadd.s32 $0xFFFFC000  }
0x5b: {  	[spmem:s1] =	stream.indirect.scatter.add.f32 [tilespmem:s28], [sflag:$0x7], $0x80, s19, s18, $0xb8;
	[tilespmem:$0x1C400] =	vst v63  }
0x5c: {  	_ =	swait.ge [sflag:s16], $0x4000  }
0x5d: {  	s10 =	simm.s32 @!p0 $0x80;
	s6 =	rddreg [dreg:$0x7];
	[sflag:s16] =	ssyncset.done $0x0  }
0x5e: {  	s8 =	rddreg [dreg:$0x6];
	[sflag:s16] =	ssyncadd.s32 $0xFFFFC000;
	s6 =	sadd.s32 @!p0 $0x0, s6  }
0x5f: {  	[tilespmem:s10], [sflag:$0x2] =	stream.linear.gather @!p0 [hbm4b:s6+s9], $0x80, $0x38;
	[tilespmem:$0x1C400] =	vst v63  }
0x60: {  	s6 =	sadd.s32 @!p0 $0x0, s8;
	s8 =	simm.s32 @!p0 $0x280  }
0x61: {  	[tilespmem:s8], [sflag:$0x2] =	stream.linear.gather @!p0 [hbm4b:s6+s9], $0x80, $0x38;
	[tilespmem:$0x1C400] =	vst v63  }
0x62: {  	_ =	swait.ge [sflag:s0], $0x80  }
0x63: {  	[sflag:s0] =	ssyncset.done $0x0  }
0x64: {  	[sflag:s0] =	ssyncadd.s32 $0xFFFFFF80  }
0x65: {  	_ =	swait.ge [sflag:s0], $0x80  }
0x66: {  	[sflag:s0] =	ssyncset.done $0x0  }
0x67: {  	[sflag:s0] =	ssyncadd.s32 $0xFFFFFF80  }
0x68: {  	[tilespmem:s28], [sflag:$0x6] =	stream.indirect.gather [hbm4b:s4+s18], $0x80, s24, s18, $0xb8;
	[tilespmem:$0x1C400] =	vst v63  }
0x69: {  	_ =	swait.ge [sflag:s29], $0x4000  }
0x6a: {  	[sflag:s29] =	ssyncset.done $0x0  }
0x6b: {  	[sflag:s29] =	ssyncadd.s32 $0xFFFFC000  }
0x6c: {  	[spmem:s1] =	stream.indirect.scatter.add.f32 [tilespmem:s23], [sflag:$0x7], $0x80, s21, s18, $0xb8;
	[tilespmem:$0x1C400] =	vst v63  }
0x6d: {  	_ =	swait.ge [sflag:s16], $0x4000  }
0x6e: {  	s11 =	simm.s32 @!p0 $0x100;
	s6 =	rddreg [dreg:$0x5];
	[sflag:s16] =	ssyncset.done $0x0  }
0x6f: {  	s8 =	rddreg [dreg:$0x4];
	[sflag:s16] =	ssyncadd.s32 $0xFFFFC000;
	s6 =	sadd.s32 @!p0 $0x0, s6  }
0x70: {  	[tilespmem:s11], [sflag:$0x3] =	stream.linear.gather @!p0 [hbm4b:s6+s9], $0x80, $0x38;
	[tilespmem:$0x1C400] =	vst v63  }
0x71: {  	s6 =	sadd.s32 @!p0 $0x0, s8;
	s8 =	simm.s32 @!p0 $0x300  }
0x72: {  	[tilespmem:s8], [sflag:$0x3] =	stream.linear.gather @!p0 [hbm4b:s6+s9], $0x80, $0x38;
	[tilespmem:$0x1C400] =	vst v63  }
0x73: {  	s6 =	simm.s32 @!p0 $0x1  }
0x74: {  	_ =	swait.ge @!p0 [sflag:s6], $0x80  }
0x75: {  	[sflag:s6] =	ssyncset.done @!p0 $0x0  }
0x76: {  	[sflag:s6] =	ssyncadd.s32 @!p0 $0xFFFFFF80  }
0x77: {  	_ =	swait.ge @!p0 [sflag:s6], $0x80  }
0x78: {  	[sflag:s6] =	ssyncset.done @!p0 $0x0  }
0x79: {  	[sflag:s6] =	ssyncadd.s32 @!p0 $0xFFFFFF80;
	s6 =	simm.s32 @!p0 $0x400  }
0x7a: {  	[tilespmem:s6], [sflag:$0x5] =	stream.indirect.gather @!p0 [hbm4b:s4+s10], $0x80, s9, s10, $0xb8;
	[tilespmem:$0x1C400] =	vst v63  }
0x7b: {  	_ =	swait.ge [sflag:s31], $0x4000  }
0x7c: {  	[sflag:s31] =	ssyncset.done $0x0  }
0x7d: {  	[sflag:s31] =	ssyncadd.s32 $0xFFFFC000  }
0x7e: {  	[spmem:s1] =	stream.indirect.scatter.add.f32 [tilespmem:s28], [sflag:$0x7], $0x80, s25, s18, $0xb8;
	[tilespmem:$0x1C400] =	vst v63  }
0x7f: {  	s8 =	simm.s32 $0x80;
	_ =	swait.ge [sflag:s16], $0x4000  }
0x80: {  	s6 =	simm.s32 $0x40;
	s10 =	rddreg [dreg:$0xb];
	[sflag:s16] =	ssyncset.done $0x0  }
.LBB2_2:
0x81: {  	[sflag:s16] =	ssyncadd.s32 $0xFFFFC000;
	s11 =	rddreg [dreg:$0xa];
	s10 =	sadd.s32 s6, s10  }
0x82: {  	[tilespmem:s24], [sflag:$0x4] =	stream.linear.gather [hbm4b:s10+s3], $0x80, $0x38;
	[tilespmem:$0x1C400] =	vst v63  }
0x83: {  	s14 =	sadd.s32 s6, s11  }
0x84: {  	[tilespmem:s25], [sflag:$0x4] =	stream.linear.gather [hbm4b:s14+s3], $0x80, $0x38;
	[tilespmem:$0x1C400] =	vst v63  }
0x85: {  	_ =	swait.ge [sflag:s26], $0x80  }
0x86: {  	[sflag:s26] =	ssyncset.done $0x0  }
0x87: {  	[sflag:s26] =	ssyncadd.s32 $0xFFFFFF80  }
0x88: {  	_ =	swait.ge [sflag:s26], $0x80  }
0x89: {  	[sflag:s26] =	ssyncset.done $0x0  }
0x8a: {  	[sflag:s26] =	ssyncadd.s32 $0xFFFFFF80  }
0x8b: {  	[tilespmem:s28], [sflag:$0x6] =	stream.indirect.gather [hbm4b:s4+s18], $0x80, s18, s18, $0xb8;
	[tilespmem:$0x1C400] =	vst v63  }
0x8c: {  	_ =	swait.ge [sflag:s29], $0x4000  }
0x8d: {  	[sflag:s29] =	ssyncset.done $0x0  }
0x8e: {  	[sflag:s29] =	ssyncadd.s32 $0xFFFFC000  }
0x8f: {  	[spmem:s1] =	stream.indirect.scatter.add.f32 [tilespmem:s23], [sflag:$0x7], $0x80, s17, s18, $0xb8;
	[tilespmem:$0x1C400] =	vst v63  }
0x90: {  	_ =	swait.ge [sflag:s16], $0x4000  }
0x91: {  	s10 =	rddreg [dreg:$0x9]  }
0x92: {  	p1 =	seq.s32 s6, $0x4C0;
	[sflag:s16] =	ssyncset.done $0x0;
	s11 =	rddreg [dreg:$0x8]  }
0x93: {  	[sflag:s16] =	ssyncadd.s32 $0xFFFFC000;
	s12 =	sadd.s32 @!p1 s6, s10;
	s10 =	simm.s32 @!p1 $0x0  }
0x94: {  	[tilespmem:s10], [sflag:$0x1] =	stream.linear.gather @!p1 [hbm4b:s12+s10], $0x80, $0x38;
	[tilespmem:$0x1C400] =	vst v63  }
0x95: {  	s11 =	sadd.s32 @!p1 s6, s11;
	s12 =	simm.s32 @!p1 $0x200  }
0x96: {  	[tilespmem:s12], [sflag:$0x1] =	stream.linear.gather @!p1 [hbm4b:s11+s10], $0x80, $0x38;
	[tilespmem:$0x1C400] =	vst v63  }
0x97: {  	_ =	swait.ge [sflag:s30], $0x80  }
0x98: {  	[sflag:s30] =	ssyncset.done $0x0  }
0x99: {  	[sflag:s30] =	ssyncadd.s32 $0xFFFFFF80  }
0x9a: {  	_ =	swait.ge [sflag:s30], $0x80  }
0x9b: {  	[sflag:s30] =	ssyncset.done $0x0  }
0x9c: {  	[sflag:s30] =	ssyncadd.s32 $0xFFFFFF80  }
0x9d: {  	[tilespmem:s23], [sflag:$0x5] =	stream.indirect.gather [hbm4b:s4+s18], $0x80, s20, s18, $0xb8;
	[tilespmem:$0x1C400] =	vst v63  }
0x9e: {  	_ =	swait.ge [sflag:s31], $0x4000  }
0x9f: {  	[sflag:s31] =	ssyncset.done $0x0  }
0xa0: {  	[sflag:s31] =	ssyncadd.s32 $0xFFFFC000  }
0xa1: {  	[spmem:s1] =	stream.indirect.scatter.add.f32 [tilespmem:s28], [sflag:$0x7], $0x80, s19, s18, $0xb8;
	[tilespmem:$0x1C400] =	vst v63  }
0xa2: {  	_ =	swait.ge [sflag:s16], $0x4000  }
0xa3: {  	s11 =	rddreg [dreg:$0x7]  }
0xa4: {  	[sflag:s16] =	ssyncset.done $0x0;
	s12 =	rddreg [dreg:$0x6]  }
0xa5: {  	[sflag:s16] =	ssyncadd.s32 $0xFFFFC000;
	s13 =	sadd.s32 @!p1 s6, s11;
	s11 =	simm.s32 @!p1 $0x80  }
0xa6: {  	[tilespmem:s11], [sflag:$0x2] =	stream.linear.gather @!p1 [hbm4b:s13+s10], $0x80, $0x38;
	[tilespmem:$0x1C400] =	vst v63  }
0xa7: {  	s12 =	sadd.s32 @!p1 s6, s12;
	s13 =	simm.s32 @!p1 $0x280  }
0xa8: {  	[tilespmem:s13], [sflag:$0x2] =	stream.linear.gather @!p1 [hbm4b:s12+s10], $0x80, $0x38;
	[tilespmem:$0x1C400] =	vst v63  }
0xa9: {  	_ =	swait.ge [sflag:s0], $0x80  }
0xaa: {  	[sflag:s0] =	ssyncset.done $0x0  }
0xab: {  	[sflag:s0] =	ssyncadd.s32 $0xFFFFFF80  }
0xac: {  	_ =	swait.ge [sflag:s0], $0x80  }
0xad: {  	[sflag:s0] =	ssyncset.done $0x0  }
0xae: {  	[sflag:s0] =	ssyncadd.s32 $0xFFFFFF80  }
0xaf: {  	[tilespmem:s28], [sflag:$0x6] =	stream.indirect.gather [hbm4b:s4+s18], $0x80, s24, s18, $0xb8;
	[tilespmem:$0x1C400] =	vst v63  }
0xb0: {  	_ =	swait.ge [sflag:s29], $0x4000  }
0xb1: {  	[sflag:s29] =	ssyncset.done $0x0  }
0xb2: {  	[sflag:s29] =	ssyncadd.s32 $0xFFFFC000  }
0xb3: {  	[spmem:s1] =	stream.indirect.scatter.add.f32 [tilespmem:s23], [sflag:$0x7], $0x80, s21, s18, $0xb8;
	[tilespmem:$0x1C400] =	vst v63  }
0xb4: {  	_ =	swait.ge [sflag:s16], $0x4000  }
0xb5: {  	s14 =	simm.s32 @!p1 $0x100;
	s12 =	rddreg [dreg:$0x5];
	[sflag:s16] =	ssyncset.done $0x0  }
0xb6: {  	s13 =	rddreg [dreg:$0x4];
	[sflag:s16] =	ssyncadd.s32 $0xFFFFC000;
	s12 =	sadd.s32 @!p1 s6, s12  }
0xb7: {  	[tilespmem:s14], [sflag:$0x3] =	stream.linear.gather @!p1 [hbm4b:s12+s10], $0x80, $0x38;
	[tilespmem:$0x1C400] =	vst v63  }
0xb8: {  	s6 =	sadd.s32 @!p1 s6, s13;
	s13 =	simm.s32 @!p1 $0x1;
	s12 =	simm.s32 @!p1 $0x300  }
0xb9: {  	[tilespmem:s12], [sflag:$0x3] =	stream.linear.gather @!p1 [hbm4b:s6+s10], $0x80, $0x38;
	[tilespmem:$0x1C400] =	vst v63  }
0xba: {  	_ =	swait.ge @!p1 [sflag:s13], $0x80  }
0xbb: {  	[sflag:s13] =	ssyncset.done @!p1 $0x0  }
0xbc: {  	[sflag:s13] =	ssyncadd.s32 @!p1 $0xFFFFFF80  }
0xbd: {  	_ =	swait.ge @!p1 [sflag:s13], $0x80  }
0xbe: {  	s9 =	smov.u32 s8;
	s8 =	sadd.s32 $0x40, s8;
	[sflag:s13] =	ssyncset.done @!p1 $0x0  }
0xbf: {  	s6 =	smov.u32 s9;
	s9 =	simm.s32 @!p1 $0x400;
	[sflag:s13] =	ssyncadd.s32 @!p1 $0xFFFFFF80  }
0xc0: {  	[tilespmem:s9], [sflag:$0x5] =	stream.indirect.gather @!p1 [hbm4b:s4+s11], $0x80, s10, s11, $0xb8;
	[tilespmem:$0x1C400] =	vst v63  }
0xc1: {  	p0 =	sne.s32 s8, $0x500;
	_ =	swait.ge [sflag:s31], $0x4000  }
.Ltmp0:
0xc2: {  	[sflag:s31] =	ssyncset.done $0x0;
	(pc) =	sbr.rel @p0 .LBB2_2-.Ltmp0, $4  }
0xc3: {  	[sflag:s31] =	ssyncadd.s32 $0xFFFFC000  }
0xc4: {  	[spmem:s1] =	stream.indirect.scatter.add.f32 [tilespmem:s28], [sflag:$0x7], $0x80, s25, s18, $0xb8;
	[tilespmem:$0x1C400] =	vst v63  }
0xc5: {  	_ =	swait.ge [sflag:s16], $0x4000  }
0xc6: {  	s10 =	rddreg [dreg:$0xb];
	[sflag:s16] =	ssyncset.done $0x0  }
0xc7: {  	s8 =	rddreg [dreg:$0xa];
	[sflag:s16] =	ssyncadd.s32 $0xFFFFC000;
	s9 =	sadd.s32 s6, s10  }
0xc8: {  	[tilespmem:s24], [sflag:$0x4] =	stream.linear.gather [hbm4b:s9+s3], $0x80, $0x38;
	[tilespmem:$0x1C400] =	vst v63  }
0xc9: {  	s8 =	sadd.s32 s6, s8  }
0xca: {  	[tilespmem:s25], [sflag:$0x4] =	stream.linear.gather [hbm4b:s8+s3], $0x80, $0x38;
	[tilespmem:$0x1C400] =	vst v63  }
0xcb: {  	_ =	swait.ge [sflag:s26], $0x80  }
0xcc: {  	[sflag:s26] =	ssyncset.done $0x0  }
0xcd: {  	[sflag:s26] =	ssyncadd.s32 $0xFFFFFF80  }
0xce: {  	_ =	swait.ge [sflag:s26], $0x80  }
0xcf: {  	[sflag:s26] =	ssyncset.done $0x0  }
0xd0: {  	[sflag:s26] =	ssyncadd.s32 $0xFFFFFF80  }
0xd1: {  	[tilespmem:s28], [sflag:$0x6] =	stream.indirect.gather [hbm4b:s4+s18], $0x80, s18, s18, $0xb8;
	[tilespmem:$0x1C400] =	vst v63  }
0xd2: {  	_ =	swait.ge [sflag:s29], $0x4000  }
0xd3: {  	[sflag:s29] =	ssyncset.done $0x0  }
0xd4: {  	[sflag:s29] =	ssyncadd.s32 $0xFFFFC000  }
0xd5: {  	[spmem:s1] =	stream.indirect.scatter.add.f32 [tilespmem:s23], [sflag:$0x7], $0x80, s17, s18, $0xb8;
	[tilespmem:$0x1C400] =	vst v63  }
0xd6: {  	p0 =	seq.s32 s6, $0x4C0;
	_ =	swait.ge [sflag:s16], $0x4000  }
0xd7: {  	s10 =	simm.s32 @!p0 $0x0;
	s8 =	rddreg [dreg:$0x9];
	[sflag:s16] =	ssyncset.done $0x0  }
0xd8: {  	s9 =	rddreg [dreg:$0x8];
	[sflag:s16] =	ssyncadd.s32 $0xFFFFC000;
	s8 =	sadd.s32 @!p0 s6, s8  }
0xd9: {  	[tilespmem:s10], [sflag:$0x1] =	stream.linear.gather @!p0 [hbm4b:s8+s10], $0x80, $0x38;
	[tilespmem:$0x1C400] =	vst v63  }
0xda: {  	s8 =	sadd.s32 @!p0 s6, s9;
	s9 =	simm.s32 @!p0 $0x200  }
0xdb: {  	[tilespmem:s9], [sflag:$0x1] =	stream.linear.gather @!p0 [hbm4b:s8+s10], $0x80, $0x38;
	[tilespmem:$0x1C400] =	vst v63  }
0xdc: {  	_ =	swait.ge [sflag:s30], $0x80  }
0xdd: {  	[sflag:s30] =	ssyncset.done $0x0  }
0xde: {  	[sflag:s30] =	ssyncadd.s32 $0xFFFFFF80  }
0xdf: {  	_ =	swait.ge [sflag:s30], $0x80  }
0xe0: {  	[sflag:s30] =	ssyncset.done $0x0  }
0xe1: {  	[sflag:s30] =	ssyncadd.s32 $0xFFFFFF80  }
0xe2: {  	[tilespmem:s23], [sflag:$0x5] =	stream.indirect.gather [hbm4b:s4+s18], $0x80, s20, s18, $0xb8;
	[tilespmem:$0x1C400] =	vst v63  }
0xe3: {  	_ =	swait.ge [sflag:s31], $0x4000  }
0xe4: {  	[sflag:s31] =	ssyncset.done $0x0  }
0xe5: {  	[sflag:s31] =	ssyncadd.s32 $0xFFFFC000  }
0xe6: {  	[spmem:s1] =	stream.indirect.scatter.add.f32 [tilespmem:s28], [sflag:$0x7], $0x80, s19, s18, $0xb8;
	[tilespmem:$0x1C400] =	vst v63  }
0xe7: {  	_ =	swait.ge [sflag:s16], $0x4000  }
0xe8: {  	s11 =	simm.s32 @!p0 $0x80;
	s8 =	rddreg [dreg:$0x7];
	[sflag:s16] =	ssyncset.done $0x0  }
0xe9: {  	s9 =	rddreg [dreg:$0x6];
	[sflag:s16] =	ssyncadd.s32 $0xFFFFC000;
	s8 =	sadd.s32 @!p0 s6, s8  }
0xea: {  	[tilespmem:s11], [sflag:$0x2] =	stream.linear.gather @!p0 [hbm4b:s8+s10], $0x80, $0x38;
	[tilespmem:$0x1C400] =	vst v63  }
0xeb: {  	s8 =	sadd.s32 @!p0 s6, s9;
	s9 =	simm.s32 @!p0 $0x280  }
0xec: {  	[tilespmem:s9], [sflag:$0x2] =	stream.linear.gather @!p0 [hbm4b:s8+s10], $0x80, $0x38;
	[tilespmem:$0x1C400] =	vst v63  }
0xed: {  	_ =	swait.ge [sflag:s0], $0x80  }
0xee: {  	[sflag:s0] =	ssyncset.done $0x0  }
0xef: {  	[sflag:s0] =	ssyncadd.s32 $0xFFFFFF80  }
0xf0: {  	_ =	swait.ge [sflag:s0], $0x80  }
0xf1: {  	[sflag:s0] =	ssyncset.done $0x0  }
0xf2: {  	[sflag:s0] =	ssyncadd.s32 $0xFFFFFF80  }
0xf3: {  	[tilespmem:s28], [sflag:$0x6] =	stream.indirect.gather [hbm4b:s4+s18], $0x80, s24, s18, $0xb8;
	[tilespmem:$0x1C400] =	vst v63  }
0xf4: {  	_ =	swait.ge [sflag:s29], $0x4000  }
0xf5: {  	[sflag:s29] =	ssyncset.done $0x0  }
0xf6: {  	[sflag:s29] =	ssyncadd.s32 $0xFFFFC000  }
0xf7: {  	[spmem:s1] =	stream.indirect.scatter.add.f32 [tilespmem:s23], [sflag:$0x7], $0x80, s21, s18, $0xb8;
	[tilespmem:$0x1C400] =	vst v63  }
0xf8: {  	_ =	swait.ge [sflag:s16], $0x4000  }
0xf9: {  	s12 =	simm.s32 @!p0 $0x100;
	s8 =	rddreg [dreg:$0x5];
	[sflag:s16] =	ssyncset.done $0x0  }
0xfa: {  	s9 =	rddreg [dreg:$0x4];
	[sflag:s16] =	ssyncadd.s32 $0xFFFFC000;
	s8 =	sadd.s32 @!p0 s6, s8  }
0xfb: {  	[tilespmem:s12], [sflag:$0x3] =	stream.linear.gather @!p0 [hbm4b:s8+s10], $0x80, $0x38;
	[tilespmem:$0x1C400] =	vst v63  }
0xfc: {  	s6 =	sadd.s32 @!p0 s6, s9;
	s8 =	simm.s32 @!p0 $0x300  }
0xfd: {  	[tilespmem:s8], [sflag:$0x3] =	stream.linear.gather @!p0 [hbm4b:s6+s10], $0x80, $0x38;
	[tilespmem:$0x1C400] =	vst v63  }
0xfe: {  	s6 =	simm.s32 @!p0 $0x1  }
0xff: {  	_ =	swait.ge @!p0 [sflag:s6], $0x80  }
0x100: {  	[sflag:s6] =	ssyncset.done @!p0 $0x0  }
0x101: {  	[sflag:s6] =	ssyncadd.s32 @!p0 $0xFFFFFF80  }
0x102: {  	_ =	swait.ge @!p0 [sflag:s6], $0x80  }
0x103: {  	[sflag:s6] =	ssyncset.done @!p0 $0x0  }
0x104: {  	[sflag:s6] =	ssyncadd.s32 @!p0 $0xFFFFFF80;
	s6 =	simm.s32 @!p0 $0x400  }
0x105: {  	[tilespmem:s6], [sflag:$0x5] =	stream.indirect.gather @!p0 [hbm4b:s4+s11], $0x80, s10, s11, $0xb8;
	[tilespmem:$0x1C400] =	vst v63  }
0x106: {  	_ =	swait.ge [sflag:s31], $0x4000  }
0x107: {  	[sflag:s31] =	ssyncset.done $0x0  }
0x108: {  	[sflag:s31] =	ssyncadd.s32 $0xFFFFC000  }
0x109: {  	[spmem:s1] =	stream.indirect.scatter.add.f32 [tilespmem:s28], [sflag:$0x7], $0x80, s25, s18, $0xb8;
	[tilespmem:$0x1C400] =	vst v63  }
0x10a: {  	_ =	swait.ge [sflag:s16], $0x4000  }
0x10b: {  	[sflag:s16] =	ssyncset.done $0x0  }
0x10c: {  	s2 =	sadd.s32 $0x1, s2;
	[sflag:s16] =	ssyncadd.s32 $0xFFFFC000  }
0x10d: {  	p0 =	sne.s32 s2, s15;
	[bflag:$0x0] =	sbarrier.arrive $0xFFFF  }
.Ltmp1:
0x10e: {  	s14 =	rddreg [dreg:$0x14];
	(pc) =	sbr.rel @p0 .LBB2_1-.Ltmp1, $4  }
0x10f: {  	[hbm:s14], [sflag:s7] =	dma.local [spmem:s5], $0x2800  }
0x110: {  	_ =	swait.ge [sflag:s16], $0x2800  }
0x111: {  	[sflag:s16] =	ssyncset.done $0x0  }
0x112: {  	[sflag:s16] =	ssyncadd.s32 $0xFFFFD800  }
0x113: {  	_ =	sfence.sel $0x180000  }
0x114: {  	[bflag:$0x0] =	sbarrier.arrive $0xFFFF  }
0x115: {  	_ =	strace $0x90000053  }
0x116: {  	s0 =	stileid.u32;
	[bflag:$0x2] =	sbarrier.arrive $0xFFFF  }
0x117: {  	p0 =	sne.s32 s0, $0x0;
	s0 =	rddreg [dreg:$0x3]  }
0x118: {  	s0 =	sadd.s32 @!p0 $0x100000, s0  }
0x119: {  	[sflag:s0] =	ssyncadd.tile.s32 @!p0 $0x1;
	_ =	shalt  }
.Lfunc_end2:
_tile_overlayer_lowered:
.L_overlay_start_2:
0x11a: {  	(tag) =	ssettag $0x2  }
0x11b: {  	s0 =	rddreg [dreg:$0x0];
	s2 =	stileid.u32  }
0x11c: {  	s1 =	rddreg [dreg:$0x1];
	p0 =	sne.s32 s2, $0x0  }
0x11d: {  	s3 =	rddreg [dreg:$0x2];
	[bflag:$0x3] =	sbarrier.arrive $0xFFFF;
	s2 =	simm.s32 @!p0 $0x1C07  }
0x11e: {  	[timem:s3], [sflag:s2] =	dma.local @!p0 [hbm:s0], s1  }
0x11f: {  	s0 =	simm.s32 @!p0 $0x7  }
0x120: {  	_ =	swait.ge @!p0 [sflag:s0], s1  }
0x121: {  	s1 =	ssub.s32 @!p0 $0x0, s1;
	[sflag:s0] =	ssyncset.done @!p0 $0x0  }
0x122: {  	[sflag:s0] =	ssyncadd.s32 @!p0 s1  }
0x123: {  	[bflag:$0x3] =	sbarrier.arrive $0xFFFF  }
0x124: {  	_ =	shalt  }

</sc_bundles>
